<compile_context>
chip_gen: v7x
topology: tpu7x:2x2x1
jax: 0.10.2.dev20260603
libtpu: 0.0.44.dev20260713+nightly
codegen_flags: <defaults>
</compile_context>

<pallas_src>
import functools

import jax
import jax.numpy as jnp
from jax import lax
from jax.experimental import pallas as pl
from jax.experimental.pallas import tpu as pltpu
from jax.experimental.pallas import tpu_sc as plsc

VOCAB = 33
EMBED_DIM = 1280
PADDING_IDX = 1
MASK_IDX = 32
LN_EPS = 1e-5
VPAD = 64

B = 32
S = 1024
G = 32
NCHK = S // G
NW = 32


def _stage_a_body(tokens_ref, table_ref, gamma_ref, beta_ref, nf_ref):
    tok = tokens_ref[...]
    n_nonpad = jnp.sum((tok != PADDING_IDX).astype(jnp.float32), axis=1, keepdims=True)
    n_mask = jnp.sum((tok == MASK_IDX).astype(jnp.float32), axis=1, keepdims=True)
    s = 0.88 * n_nonpad / (n_nonpad - n_mask)

    tab = table_ref[...]
    rid = jax.lax.broadcasted_iota(jnp.int32, (VPAD, EMBED_DIM), 0)
    keep = ((rid != PADDING_IDX) & (rid != MASK_IDX)).astype(jnp.float32)
    tabk = (tab * keep)[None]
    x = tabk * s[:, :, None]
    mean = jnp.mean(x, axis=2, keepdims=True)
    var = jnp.mean((x - mean) * (x - mean), axis=2, keepdims=True)
    inv = jax.lax.rsqrt(var + LN_EPS)
    nf_ref[...] = (x - mean) * inv * gamma_ref[...][None] + beta_ref[...][None]


def _sc_gather(tokens_hbm, nf_hbm, out_hbm, tk_v, idx_v, buf0, buf1,
               gs0, gs1, os0, os1):
    wid = lax.axis_index("s") * 2 + lax.axis_index("c")
    base = wid * S

    pltpu.sync_copy(tokens_hbm.at[pl.ds(base, S)], tk_v)
    off = wid * VPAD
    for c in range(NCHK):
        for k in range(G // 16):
            sl = pl.ds(c * G + k * 16, 16)
            idx_v[c, pl.ds(k * 16, 16)] = tk_v[sl] + off

    bufs = [buf0, buf1]
    gsem = [gs0, gs1]
    osem = [os0, os1]
    g = [None, None]
    sc = [None, None]

    g[0] = pltpu.async_copy(nf_hbm.at[idx_v.at[0]], bufs[0], gsem[0])
    for j in range(NCHK):
        b = j & 1
        if j + 1 < NCHK:
            if j >= 1:
                sc[1 - b].wait()
            g[1 - b] = pltpu.async_copy(
                nf_hbm.at[idx_v.at[j + 1]], bufs[1 - b], gsem[1 - b])
        g[b].wait()
        sc[b] = pltpu.async_copy(
            bufs[b], out_hbm.at[pl.ds(base + j * G, G)], osem[b])
    sc[0].wait()
    sc[1].wait()


def kernel(tokens, chain_ids, embed_table, ln_gamma, ln_beta):
    del chain_ids
    tokens = tokens.astype(jnp.int32)
    table_pad = jnp.zeros((VPAD, EMBED_DIM), jnp.float32).at[:VOCAB].set(embed_table)

    nf = pl.pallas_call(
        _stage_a_body,
        grid=(1,),
        in_specs=[
            pl.BlockSpec((B, S), lambda i: (0, 0)),
            pl.BlockSpec((VPAD, EMBED_DIM), lambda i: (0, 0)),
            pl.BlockSpec((1, EMBED_DIM), lambda i: (0, 0)),
            pl.BlockSpec((1, EMBED_DIM), lambda i: (0, 0)),
        ],
        out_specs=pl.BlockSpec((B, VPAD, EMBED_DIM), lambda i: (0, 0, 0)),
        out_shape=jax.ShapeDtypeStruct((B, VPAD, EMBED_DIM), jnp.float32),
    )(
        tokens,
        table_pad,
        ln_gamma.reshape(1, EMBED_DIM),
        ln_beta.reshape(1, EMBED_DIM),
    )

    mesh = plsc.VectorSubcoreMesh(core_axis_name="c", subcore_axis_name="s")
    sc_call = functools.partial(
        pl.kernel,
        out_type=jax.ShapeDtypeStruct((B * S, EMBED_DIM), jnp.float32),
        mesh=mesh,
        scratch_types=[
            pltpu.VMEM((S,), jnp.int32),
            pltpu.VMEM((NCHK, G), jnp.int32),
            pltpu.VMEM((G, EMBED_DIM), jnp.float32),
            pltpu.VMEM((G, EMBED_DIM), jnp.float32),
            pltpu.SemaphoreType.DMA,
            pltpu.SemaphoreType.DMA,
            pltpu.SemaphoreType.DMA,
            pltpu.SemaphoreType.DMA,
        ],
    )(_sc_gather)
    out = sc_call(tokens.reshape(B * S), nf.reshape(B * VPAD, EMBED_DIM))
    return out.reshape(B, S, EMBED_DIM)

# --- scband reference (transcript-rebuilt; emitter-appended) ---
"""Pipeline reference for scband-esm2-module-9646496547071 (READ-ONLY COPY).

The authoritative reference and input builder live on the scoring server;
editing this copy changes nothing except your own understanding.
"""

import jax, jax.numpy as jnp
import numpy as np

VOCAB = 33
EMBED_DIM = 1280
PADDING_IDX = 1
MASK_IDX = 32
TOKEN_DROPOUT = True
LN_EPS = 1e-5

def setup_inputs(seed: int = 0) -> dict:
    key = jax.random.key(seed)
    k1, k2, k3, k4, k5 = jax.random.split(key, 5)
    tokens = jax.random.randint(k1, (32, 1024), 0, VOCAB, dtype=jnp.int64 if jax.config.jax_enable_x64 else jnp.int32)
    chain_ids = jax.random.randint(k2, (32, 1024), 0, 2, dtype=jnp.int64 if jax.config.jax_enable_x64 else jnp.int32)
    embed_table = jax.random.normal(k3, (VOCAB, EMBED_DIM), dtype=jnp.float32)
    # torch.nn.Embedding zeroes the padding_idx row at init
    embed_table = embed_table.at[PADDING_IDX].set(0.0)
    ln_gamma = jnp.ones((EMBED_DIM,), dtype=jnp.float32)
    ln_beta = jnp.zeros((EMBED_DIM,), dtype=jnp.float32)
    return {"tokens": tokens, "chain_ids": chain_ids, "embed_table": embed_table, "ln_gamma": ln_gamma, "ln_beta": ln_beta}

def reference(tokens, chain_ids, embed_table, ln_gamma, ln_beta):
    # chain_ids is accepted but unused by the original forward
    padding_mask = tokens == PADDING_IDX
    x = jnp.take(embed_table, tokens, axis=0)  # embedding gather
    if TOKEN_DROPOUT:
        x = jnp.where((tokens == MASK_IDX)[..., None], 0.0, x)
        mask_ratio_train = 0.15 * 0.8
        src_lengths = (~padding_mask).sum(-1)
        mask_ratio_observed = (tokens == MASK_IDX).sum(-1).astype(x.dtype) / src_lengths
        x = x * (1 - mask_ratio_train) / (1 - mask_ratio_observed)[:, None, None]
    x = x * (1 - padding_mask[..., None].astype(x.dtype))
    # emb_layer_norm_after (torch LayerNorm, biased variance)
    mean = x.mean(-1, keepdims=True)
    var = x.var(-1, keepdims=True)
    x = (x - mean) / jnp.sqrt(var + LN_EPS) * ln_gamma + ln_beta
    # this is the hidden representation stored for any repr layer index
    return x

if __name__ == "__main__":
    import jax
    _d = setup_inputs()
    print(jax.jit(kernel)(*tuple(_d.values())))

</pallas_src>

<mosaic_0001>
#map = affine_map<(d0, d1) -> (0)>
#map1 = affine_map<(d0, d1) -> (0, 0)>
module attributes {stable_mosaic.version = 14 : i64} {
  func.func @_sc_gather(%arg0: i32, %arg1: i32, %arg2: memref<32768xi32, #tpu.memory_space<hbm>>, %arg3: memref<2048x1280xf32, #tpu.memory_space<hbm>>, %arg4: memref<32768x1280xf32, #tpu.memory_space<hbm>>, %arg5: memref<1024xi32, #tpu.memory_space<vmem>>, %arg6: memref<32x32xi32, #tpu.memory_space<vmem>>, %arg7: memref<32x1280xf32, #tpu.memory_space<vmem>>, %arg8: memref<32x1280xf32, #tpu.memory_space<vmem>>, %arg9: memref<!tpu.dma_semaphore, #tpu.memory_space<semaphore_mem>>, %arg10: memref<!tpu.dma_semaphore, #tpu.memory_space<semaphore_mem>>, %arg11: memref<!tpu.dma_semaphore, #tpu.memory_space<semaphore_mem>>, %arg12: memref<!tpu.dma_semaphore, #tpu.memory_space<semaphore_mem>>) attributes {dimension_semantics = [#tpu.dimension_semantics<core_parallel>, #tpu.dimension_semantics<subcore_parallel>], iteration_bounds = array<i64: 2, 16>, scalar_prefetch = 0 : i64, scratch_operands = 8 : i64, tpu.core_type = #tpu.core_type<sc_vector_subcore>, window_params = [{transform_indices = #map}, {transform_indices = #map1}, {transform_indices = #map1}]} {
    %mul3A = arith.constant 2 : i32
    %mul3A_0 = arith.muli %arg1, %mul3A : i32
    %add3A = arith.addi %mul3A_0, %arg0 : i32
    %mul3A_1 = arith.constant 1024 : i32
    %mul3A_2 = arith.muli %add3A, %mul3A_1 : i32
    "tpu.region"() ({
      %run_scoped3A = tpu.sem_alloc : memref<!tpu.dma_semaphore, #tpu.memory_space<semaphore_mem>>
      %dma_start3A_1473 = tpu.memref_slice %arg2[%mul3A_2] : memref<32768xi32, #tpu.memory_space<hbm>> -> memref<1024xi32, #tpu.memory_space<hbm>>
      %dma_start3A_1474 = tpu.memref_slice %arg2[%mul3A_2] : memref<32768xi32, #tpu.memory_space<hbm>> -> memref<1024xi32, #tpu.memory_space<hbm>>
      tpu.enqueue_dma source(%dma_start3A_1474 : memref<1024xi32, #tpu.memory_space<hbm>>) target(%arg5 : memref<1024xi32, #tpu.memory_space<vmem>>) target_semaphore(%run_scoped3A : memref<!tpu.dma_semaphore, #tpu.memory_space<semaphore_mem>>)
      %dma_wait3A_1475 = tpu.memref_slice %arg2[%mul3A_2] : memref<32768xi32, #tpu.memory_space<hbm>> -> memref<1024xi32, #tpu.memory_space<hbm>>
      %dma_wait3A_1476 = tpu.memref_slice %arg2[%mul3A_2] : memref<32768xi32, #tpu.memory_space<hbm>> -> memref<1024xi32, #tpu.memory_space<hbm>>
      tpu.wait_dma2 semaphore(%run_scoped3A : memref<!tpu.dma_semaphore, #tpu.memory_space<semaphore_mem>>) src(%dma_wait3A_1476 : memref<1024xi32, #tpu.memory_space<hbm>>) dst(%arg5 : memref<1024xi32, #tpu.memory_space<vmem>>)
      tpu.yield
    }) : () -> ()
    %mul3A_3 = arith.constant 64 : i32
    %mul3A_4 = arith.muli %add3A, %mul3A_3 : i32
    %get3A = arith.constant 0 : index
    %get3A_5 = tpu.vector_load %arg5[%get3A] {strides = array<i32>} : memref<1024xi32, #tpu.memory_space<vmem>>, vector<16xi32>,
    %get3A_6 = vector.shape_cast %get3A_5 : vector<16xi32> to vector<16xi32>
    %add3A_7 = vector.broadcast %mul3A_4 : i32 to vector<16xi32>
    %add3A_8 = arith.addi %get3A_6, %add3A_7 : vector<16xi32>
    %swap3A = arith.constant 0 : i32
    %swap3A_9 = arith.index_cast %swap3A : i32 to index
    %swap3A_10 = arith.constant 0 : index
    %swap3A_11 = tpu.vector_load %arg6[%swap3A_9, %swap3A_10] {strides = array<i32>} : memref<32x32xi32, #tpu.memory_space<vmem>>, vector<1x16xi32>,
    %swap3A_12 = vector.shape_cast %swap3A_11 : vector<1x16xi32> to vector<16xi32>
    %swap3A_13 = vector.shape_cast %add3A_8 : vector<16xi32> to vector<1x16xi32>
    tpu.vector_store %arg6[%swap3A_9, %swap3A_10], %swap3A_13 {strides = array<i32>} : memref<32x32xi32, #tpu.memory_space<vmem>>, vector<1x16xi32>,
    %get3A_14 = arith.constant 16 : index
    %get3A_15 = tpu.vector_load %arg5[%get3A_14] {strides = array<i32>} : memref<1024xi32, #tpu.memory_space<vmem>>, vector<16xi32>,
    %get3A_16 = vector.shape_cast %get3A_15 : vector<16xi32> to vector<16xi32>
    %add3A_17 = vector.broadcast %mul3A_4 : i32 to vector<16xi32>
    %add3A_18 = arith.addi %get3A_16, %add3A_17 : vector<16xi32>
    %swap3A_19 = arith.constant 0 : i32
    %swap3A_20 = arith.index_cast %swap3A_19 : i32 to index
    %swap3A_21 = arith.constant 16 : index
    %swap3A_22 = tpu.vector_load %arg6[%swap3A_20, %swap3A_21] {strides = array<i32>} : memref<32x32xi32, #tpu.memory_space<vmem>>, vector<1x16xi32>,
    %swap3A_23 = vector.shape_cast %swap3A_22 : vector<1x16xi32> to vector<16xi32>
    %swap3A_24 = vector.shape_cast %add3A_18 : vector<16xi32> to vector<1x16xi32>
    tpu.vector_store %arg6[%swap3A_20, %swap3A_21], %swap3A_24 {strides = array<i32>} : memref<32x32xi32, #tpu.memory_space<vmem>>, vector<1x16xi32>,
    %get3A_25 = arith.constant 32 : index
    %get3A_26 = tpu.vector_load %arg5[%get3A_25] {strides = array<i32>} : memref<1024xi32, #tpu.memory_space<vmem>>, vector<16xi32>,
    %get3A_27 = vector.shape_cast %get3A_26 : vector<16xi32> to vector<16xi32>
    %add3A_28 = vector.broadcast %mul3A_4 : i32 to vector<16xi32>
    %add3A_29 = arith.addi %get3A_27, %add3A_28 : vector<16xi32>
    %swap3A_30 = arith.constant 1 : i32
    %swap3A_31 = arith.index_cast %swap3A_30 : i32 to index
    %swap3A_32 = arith.constant 0 : index
    %swap3A_33 = tpu.vector_load %arg6[%swap3A_31, %swap3A_32] {strides = array<i32>} : memref<32x32xi32, #tpu.memory_space<vmem>>, vector<1x16xi32>,
    %swap3A_34 = vector.shape_cast %swap3A_33 : vector<1x16xi32> to vector<16xi32>
    %swap3A_35 = vector.shape_cast %add3A_29 : vector<16xi32> to vector<1x16xi32>
    tpu.vector_store %arg6[%swap3A_31, %swap3A_32], %swap3A_35 {strides = array<i32>} : memref<32x32xi32, #tpu.memory_space<vmem>>, vector<1x16xi32>,
    %get3A_36 = arith.constant 48 : index
    %get3A_37 = tpu.vector_load %arg5[%get3A_36] {strides = array<i32>} : memref<1024xi32, #tpu.memory_space<vmem>>, vector<16xi32>,
    %get3A_38 = vector.shape_cast %get3A_37 : vector<16xi32> to vector<16xi32>
    %add3A_39 = vector.broadcast %mul3A_4 : i32 to vector<16xi32>
    %add3A_40 = arith.addi %get3A_38, %add3A_39 : vector<16xi32>
    %swap3A_41 = arith.constant 1 : i32
    %swap3A_42 = arith.index_cast %swap3A_41 : i32 to index
    %swap3A_43 = arith.constant 16 : index
    %swap3A_44 = tpu.vector_load %arg6[%swap3A_42, %swap3A_43] {strides = array<i32>} : memref<32x32xi32, #tpu.memory_space<vmem>>, vector<1x16xi32>,
    %swap3A_45 = vector.shape_cast %swap3A_44 : vector<1x16xi32> to vector<16xi32>
    %swap3A_46 = vector.shape_cast %add3A_40 : vector<16xi32> to vector<1x16xi32>
    tpu.vector_store %arg6[%swap3A_42, %swap3A_43], %swap3A_46 {strides = array<i32>} : memref<32x32xi32, #tpu.memory_space<vmem>>, vector<1x16xi32>,
    %get3A_47 = arith.constant 64 : index
    %get3A_48 = tpu.vector_load %arg5[%get3A_47] {strides = array<i32>} : memref<1024xi32, #tpu.memory_space<vmem>>, vector<16xi32>,
    %get3A_49 = vector.shape_cast %get3A_48 : vector<16xi32> to vector<16xi32>
    %add3A_50 = vector.broadcast %mul3A_4 : i32 to vector<16xi32>
    %add3A_51 = arith.addi %get3A_49, %add3A_50 : vector<16xi32>
    %swap3A_52 = arith.constant 2 : i32
    %swap3A_53 = arith.index_cast %swap3A_52 : i32 to index
    %swap3A_54 = arith.constant 0 : index
    %swap3A_55 = tpu.vector_load %arg6[%swap3A_53, %swap3A_54] {strides = array<i32>} : memref<32x32xi32, #tpu.memory_space<vmem>>, vector<1x16xi32>,
    %swap3A_56 = vector.shape_cast %swap3A_55 : vector<1x16xi32> to vector<16xi32>
    %swap3A_57 = vector.shape_cast %add3A_51 : vector<16xi32> to vector<1x16xi32>
    tpu.vector_store %arg6[%swap3A_53, %swap3A_54], %swap3A_57 {strides = array<i32>} : memref<32x32xi32, #tpu.memory_space<vmem>>, vector<1x16xi32>,
    %get3A_58 = arith.constant 80 : index
    %get3A_59 = tpu.vector_load %arg5[%get3A_58] {strides = array<i32>} : memref<1024xi32, #tpu.memory_space<vmem>>, vector<16xi32>,
    %get3A_60 = vector.shape_cast %get3A_59 : vector<16xi32> to vector<16xi32>
    %add3A_61 = vector.broadcast %mul3A_4 : i32 to vector<16xi32>
    %add3A_62 = arith.addi %get3A_60, %add3A_61 : vector<16xi32>
    %swap3A_63 = arith.constant 2 : i32
    %swap3A_64 = arith.index_cast %swap3A_63 : i32 to index
    %swap3A_65 = arith.constant 16 : index
    %swap3A_66 = tpu.vector_load %arg6[%swap3A_64, %swap3A_65] {strides = array<i32>} : memref<32x32xi32, #tpu.memory_space<vmem>>, vector<1x16xi32>,
    %swap3A_67 = vector.shape_cast %swap3A_66 : vector<1x16xi32> to vector<16xi32>
    %swap3A_68 = vector.shape_cast %add3A_62 : vector<16xi32> to vector<1x16xi32>
    tpu.vector_store %arg6[%swap3A_64, %swap3A_65], %swap3A_68 {strides = array<i32>} : memref<32x32xi32, #tpu.memory_space<vmem>>, vector<1x16xi32>,
    %get3A_69 = arith.constant 96 : index
    %get3A_70 = tpu.vector_load %arg5[%get3A_69] {strides = array<i32>} : memref<1024xi32, #tpu.memory_space<vmem>>, vector<16xi32>,
    %get3A_71 = vector.shape_cast %get3A_70 : vector<16xi32> to vector<16xi32>
    %add3A_72 = vector.broadcast %mul3A_4 : i32 to vector<16xi32>
    %add3A_73 = arith.addi %get3A_71, %add3A_72 : vector<16xi32>
    %swap3A_74 = arith.constant 3 : i32
    %swap3A_75 = arith.index_cast %swap3A_74 : i32 to index
    %swap3A_76 = arith.constant 0 : index
    %swap3A_77 = tpu.vector_load %arg6[%swap3A_75, %swap3A_76] {strides = array<i32>} : memref<32x32xi32, #tpu.memory_space<vmem>>, vector<1x16xi32>,
    %swap3A_78 = vector.shape_cast %swap3A_77 : vector<1x16xi32> to vector<16xi32>
    %swap3A_79 = vector.shape_cast %add3A_73 : vector<16xi32> to vector<1x16xi32>
    tpu.vector_store %arg6[%swap3A_75, %swap3A_76], %swap3A_79 {strides = array<i32>} : memref<32x32xi32, #tpu.memory_space<vmem>>, vector<1x16xi32>,
    %get3A_80 = arith.constant 112 : index
    %get3A_81 = tpu.vector_load %arg5[%get3A_80] {strides = array<i32>} : memref<1024xi32, #tpu.memory_space<vmem>>, vector<16xi32>,
    %get3A_82 = vector.shape_cast %get3A_81 : vector<16xi32> to vector<16xi32>
    %add3A_83 = vector.broadcast %mul3A_4 : i32 to vector<16xi32>
    %add3A_84 = arith.addi %get3A_82, %add3A_83 : vector<16xi32>
    %swap3A_85 = arith.constant 3 : i32
    %swap3A_86 = arith.index_cast %swap3A_85 : i32 to index
    %swap3A_87 = arith.constant 16 : index
    %swap3A_88 = tpu.vector_load %arg6[%swap3A_86, %swap3A_87] {strides = array<i32>} : memref<32x32xi32, #tpu.memory_space<vmem>>, vector<1x16xi32>,
    %swap3A_89 = vector.shape_cast %swap3A_88 : vector<1x16xi32> to vector<16xi32>
    %swap3A_90 = vector.shape_cast %add3A_84 : vector<16xi32> to vector<1x16xi32>
    tpu.vector_store %arg6[%swap3A_86, %swap3A_87], %swap3A_90 {strides = array<i32>} : memref<32x32xi32, #tpu.memory_space<vmem>>, vector<1x16xi32>,
    %get3A_91 = arith.constant 128 : index
    %get3A_92 = tpu.vector_load %arg5[%get3A_91] {strides = array<i32>} : memref<1024xi32, #tpu.memory_space<vmem>>, vector<16xi32>,
    %get3A_93 = vector.shape_cast %get3A_92 : vector<16xi32> to vector<16xi32>
    %add3A_94 = vector.broadcast %mul3A_4 : i32 to vector<16xi32>
    %add3A_95 = arith.addi %get3A_93, %add3A_94 : vector<16xi32>
    %swap3A_96 = arith.constant 4 : i32
    %swap3A_97 = arith.index_cast %swap3A_96 : i32 to index
    %swap3A_98 = arith.constant 0 : index
    %swap3A_99 = tpu.vector_load %arg6[%swap3A_97, %swap3A_98] {strides = array<i32>} : memref<32x32xi32, #tpu.memory_space<vmem>>, vector<1x16xi32>,
    %swap3A_100 = vector.shape_cast %swap3A_99 : vector<1x16xi32> to vector<16xi32>
    %swap3A_101 = vector.shape_cast %add3A_95 : vector<16xi32> to vector<1x16xi32>
    tpu.vector_store %arg6[%swap3A_97, %swap3A_98], %swap3A_101 {strides = array<i32>} : memref<32x32xi32, #tpu.memory_space<vmem>>, vector<1x16xi32>,
    %get3A_102 = arith.constant 144 : index
    %get3A_103 = tpu.vector_load %arg5[%get3A_102] {strides = array<i32>} : memref<1024xi32, #tpu.memory_space<vmem>>, vector<16xi32>,
    %get3A_104 = vector.shape_cast %get3A_103 : vector<16xi32> to vector<16xi32>
    %add3A_105 = vector.broadcast %mul3A_4 : i32 to vector<16xi32>
    %add3A_106 = arith.addi %get3A_104, %add3A_105 : vector<16xi32>
    %swap3A_107 = arith.constant 4 : i32
    %swap3A_108 = arith.index_cast %swap3A_107 : i32 to index
    %swap3A_109 = arith.constant 16 : index
    %swap3A_110 = tpu.vector_load %arg6[%swap3A_108, %swap3A_109] {strides = array<i32>} : memref<32x32xi32, #tpu.memory_space<vmem>>, vector<1x16xi32>,
    %swap3A_111 = vector.shape_cast %swap3A_110 : vector<1x16xi32> to vector<16xi32>
    %swap3A_112 = vector.shape_cast %add3A_106 : vector<16xi32> to vector<1x16xi32>
    tpu.vector_store %arg6[%swap3A_108, %swap3A_109], %swap3A_112 {strides = array<i32>} : memref<32x32xi32, #tpu.memory_space<vmem>>, vector<1x16xi32>,
    %get3A_113 = arith.constant 160 : index
    %get3A_114 = tpu.vector_load %arg5[%get3A_113] {strides = array<i32>} : memref<1024xi32, #tpu.memory_space<vmem>>, vector<16xi32>,
    %get3A_115 = vector.shape_cast %get3A_114 : vector<16xi32> to vector<16xi32>
    %add3A_116 = vector.broadcast %mul3A_4 : i32 to vector<16xi32>
    %add3A_117 = arith.addi %get3A_115, %add3A_116 : vector<16xi32>
    %swap3A_118 = arith.constant 5 : i32
    %swap3A_119 = arith.index_cast %swap3A_118 : i32 to index
    %swap3A_120 = arith.constant 0 : index
    %swap3A_121 = tpu.vector_load %arg6[%swap3A_119, %swap3A_120] {strides = array<i32>} : memref<32x32xi32, #tpu.memory_space<vmem>>, vector<1x16xi32>,
    %swap3A_122 = vector.shape_cast %swap3A_121 : vector<1x16xi32> to vector<16xi32>
    %swap3A_123 = vector.shape_cast %add3A_117 : vector<16xi32> to vector<1x16xi32>
    tpu.vector_store %arg6[%swap3A_119, %swap3A_120], %swap3A_123 {strides = array<i32>} : memref<32x32xi32, #tpu.memory_space<vmem>>, vector<1x16xi32>,
    %get3A_124 = arith.constant 176 : index
    %get3A_125 = tpu.vector_load %arg5[%get3A_124] {strides = array<i32>} : memref<1024xi32, #tpu.memory_space<vmem>>, vector<16xi32>,
    %get3A_126 = vector.shape_cast %get3A_125 : vector<16xi32> to vector<16xi32>
    %add3A_127 = vector.broadcast %mul3A_4 : i32 to vector<16xi32>
    %add3A_128 = arith.addi %get3A_126, %add3A_127 : vector<16xi32>
    %swap3A_129 = arith.constant 5 : i32
    %swap3A_130 = arith.index_cast %swap3A_129 : i32 to index
    %swap3A_131 = arith.constant 16 : index
    %swap3A_132 = tpu.vector_load %arg6[%swap3A_130, %swap3A_131] {strides = array<i32>} : memref<32x32xi32, #tpu.memory_space<vmem>>, vector<1x16xi32>,
    %swap3A_133 = vector.shape_cast %swap3A_132 : vector<1x16xi32> to vector<16xi32>
    %swap3A_134 = vector.shape_cast %add3A_128 : vector<16xi32> to vector<1x16xi32>
    tpu.vector_store %arg6[%swap3A_130, %swap3A_131], %swap3A_134 {strides = array<i32>} : memref<32x32xi32, #tpu.memory_space<vmem>>, vector<1x16xi32>,
    %get3A_135 = arith.constant 192 : index
    %get3A_136 = tpu.vector_load %arg5[%get3A_135] {strides = array<i32>} : memref<1024xi32, #tpu.memory_space<vmem>>, vector<16xi32>,
    %get3A_137 = vector.shape_cast %get3A_136 : vector<16xi32> to vector<16xi32>
    %add3A_138 = vector.broadcast %mul3A_4 : i32 to vector<16xi32>
    %add3A_139 = arith.addi %get3A_137, %add3A_138 : vector<16xi32>
    %swap3A_140 = arith.constant 6 : i32
    %swap3A_141 = arith.index_cast %swap3A_140 : i32 to index
    %swap3A_142 = arith.constant 0 : index
    %swap3A_143 = tpu.vector_load %arg6[%swap3A_141, %swap3A_142] {strides = array<i32>} : memref<32x32xi32, #tpu.memory_space<vmem>>, vector<1x16xi32>,
    %swap3A_144 = vector.shape_cast %swap3A_143 : vector<1x16xi32> to vector<16xi32>
    %swap3A_145 = vector.shape_cast %add3A_139 : vector<16xi32> to vector<1x16xi32>
    tpu.vector_store %arg6[%swap3A_141, %swap3A_142], %swap3A_145 {strides = array<i32>} : memref<32x32xi32, #tpu.memory_space<vmem>>, vector<1x16xi32>,
    %get3A_146 = arith.constant 208 : index
    %get3A_147 = tpu.vector_load %arg5[%get3A_146] {strides = array<i32>} : memref<1024xi32, #tpu.memory_space<vmem>>, vector<16xi32>,
    %get3A_148 = vector.shape_cast %get3A_147 : vector<16xi32> to vector<16xi32>
    %add3A_149 = vector.broadcast %mul3A_4 : i32 to vector<16xi32>
    %add3A_150 = arith.addi %get3A_148, %add3A_149 : vector<16xi32>
    %swap3A_151 = arith.constant 6 : i32
    %swap3A_152 = arith.index_cast %swap3A_151 : i32 to index
    %swap3A_153 = arith.constant 16 : index
    %swap3A_154 = tpu.vector_load %arg6[%swap3A_152, %swap3A_153] {strides = array<i32>} : memref<32x32xi32, #tpu.memory_space<vmem>>, vector<1x16xi32>,
    %swap3A_155 = vector.shape_cast %swap3A_154 : vector<1x16xi32> to vector<16xi32>
    %swap3A_156 = vector.shape_cast %add3A_150 : vector<16xi32> to vector<1x16xi32>
    tpu.vector_store %arg6[%swap3A_152, %swap3A_153], %swap3A_156 {strides = array<i32>} : memref<32x32xi32, #tpu.memory_space<vmem>>, vector<1x16xi32>,
    %get3A_157 = arith.constant 224 : index
    %get3A_158 = tpu.vector_load %arg5[%get3A_157] {strides = array<i32>} : memref<1024xi32, #tpu.memory_space<vmem>>, vector<16xi32>,
    %get3A_159 = vector.shape_cast %get3A_158 : vector<16xi32> to vector<16xi32>
    %add3A_160 = vector.broadcast %mul3A_4 : i32 to vector<16xi32>
    %add3A_161 = arith.addi %get3A_159, %add3A_160 : vector<16xi32>
    %swap3A_162 = arith.constant 7 : i32
    %swap3A_163 = arith.index_cast %swap3A_162 : i32 to index
    %swap3A_164 = arith.constant 0 : index
    %swap3A_165 = tpu.vector_load %arg6[%swap3A_163, %swap3A_164] {strides = array<i32>} : memref<32x32xi32, #tpu.memory_space<vmem>>, vector<1x16xi32>,
    %swap3A_166 = vector.shape_cast %swap3A_165 : vector<1x16xi32> to vector<16xi32>
    %swap3A_167 = vector.shape_cast %add3A_161 : vector<16xi32> to vector<1x16xi32>
    tpu.vector_store %arg6[%swap3A_163, %swap3A_164], %swap3A_167 {strides = array<i32>} : memref<32x32xi32, #tpu.memory_space<vmem>>, vector<1x16xi32>,
    %get3A_168 = arith.constant 240 : index
    %get3A_169 = tpu.vector_load %arg5[%get3A_168] {strides = array<i32>} : memref<1024xi32, #tpu.memory_space<vmem>>, vector<16xi32>,
    %get3A_170 = vector.shape_cast %get3A_169 : vector<16xi32> to vector<16xi32>
    %add3A_171 = vector.broadcast %mul3A_4 : i32 to vector<16xi32>
    %add3A_172 = arith.addi %get3A_170, %add3A_171 : vector<16xi32>
    %swap3A_173 = arith.constant 7 : i32
    %swap3A_174 = arith.index_cast %swap3A_173 : i32 to index
    %swap3A_175 = arith.constant 16 : index
    %swap3A_176 = tpu.vector_load %arg6[%swap3A_174, %swap3A_175] {strides = array<i32>} : memref<32x32xi32, #tpu.memory_space<vmem>>, vector<1x16xi32>,
    %swap3A_177 = vector.shape_cast %swap3A_176 : vector<1x16xi32> to vector<16xi32>
    %swap3A_178 = vector.shape_cast %add3A_172 : vector<16xi32> to vector<1x16xi32>
    tpu.vector_store %arg6[%swap3A_174, %swap3A_175], %swap3A_178 {strides = array<i32>} : memref<32x32xi32, #tpu.memory_space<vmem>>, vector<1x16xi32>,
    %get3A_179 = arith.constant 256 : index
    %get3A_180 = tpu.vector_load %arg5[%get3A_179] {strides = array<i32>} : memref<1024xi32, #tpu.memory_space<vmem>>, vector<16xi32>,
    %get3A_181 = vector.shape_cast %get3A_180 : vector<16xi32> to vector<16xi32>
    %add3A_182 = vector.broadcast %mul3A_4 : i32 to vector<16xi32>
    %add3A_183 = arith.addi %get3A_181, %add3A_182 : vector<16xi32>
    %swap3A_184 = arith.constant 8 : i32
    %swap3A_185 = arith.index_cast %swap3A_184 : i32 to index
    %swap3A_186 = arith.constant 0 : index
    %swap3A_187 = tpu.vector_load %arg6[%swap3A_185, %swap3A_186] {strides = array<i32>} : memref<32x32xi32, #tpu.memory_space<vmem>>, vector<1x16xi32>,
    %swap3A_188 = vector.shape_cast %swap3A_187 : vector<1x16xi32> to vector<16xi32>
    %swap3A_189 = vector.shape_cast %add3A_183 : vector<16xi32> to vector<1x16xi32>
    tpu.vector_store %arg6[%swap3A_185, %swap3A_186], %swap3A_189 {strides = array<i32>} : memref<32x32xi32, #tpu.memory_space<vmem>>, vector<1x16xi32>,
    %get3A_190 = arith.constant 272 : index
    %get3A_191 = tpu.vector_load %arg5[%get3A_190] {strides = array<i32>} : memref<1024xi32, #tpu.memory_space<vmem>>, vector<16xi32>,
    %get3A_192 = vector.shape_cast %get3A_191 : vector<16xi32> to vector<16xi32>
    %add3A_193 = vector.broadcast %mul3A_4 : i32 to vector<16xi32>
    %add3A_194 = arith.addi %get3A_192, %add3A_193 : vector<16xi32>
    %swap3A_195 = arith.constant 8 : i32
    %swap3A_196 = arith.index_cast %swap3A_195 : i32 to index
    %swap3A_197 = arith.constant 16 : index
    %swap3A_198 = tpu.vector_load %arg6[%swap3A_196, %swap3A_197] {strides = array<i32>} : memref<32x32xi32, #tpu.memory_space<vmem>>, vector<1x16xi32>,
    %swap3A_199 = vector.shape_cast %swap3A_198 : vector<1x16xi32> to vector<16xi32>
    %swap3A_200 = vector.shape_cast %add3A_194 : vector<16xi32> to vector<1x16xi32>
    tpu.vector_store %arg6[%swap3A_196, %swap3A_197], %swap3A_200 {strides = array<i32>} : memref<32x32xi32, #tpu.memory_space<vmem>>, vector<1x16xi32>,
    %get3A_201 = arith.constant 288 : index
    %get3A_202 = tpu.vector_load %arg5[%get3A_201] {strides = array<i32>} : memref<1024xi32, #tpu.memory_space<vmem>>, vector<16xi32>,
    %get3A_203 = vector.shape_cast %get3A_202 : vector<16xi32> to vector<16xi32>
    %add3A_204 = vector.broadcast %mul3A_4 : i32 to vector<16xi32>
    %add3A_205 = arith.addi %get3A_203, %add3A_204 : vector<16xi32>
    %swap3A_206 = arith.constant 9 : i32
    %swap3A_207 = arith.index_cast %swap3A_206 : i32 to index
    %swap3A_208 = arith.constant 0 : index
    %swap3A_209 = tpu.vector_load %arg6[%swap3A_207, %swap3A_208] {strides = array<i32>} : memref<32x32xi32, #tpu.memory_space<vmem>>, vector<1x16xi32>,
    %swap3A_210 = vector.shape_cast %swap3A_209 : vector<1x16xi32> to vector<16xi32>
    %swap3A_211 = vector.shape_cast %add3A_205 : vector<16xi32> to vector<1x16xi32>
    tpu.vector_store %arg6[%swap3A_207, %swap3A_208], %swap3A_211 {strides = array<i32>} : memref<32x32xi32, #tpu.memory_space<vmem>>, vector<1x16xi32>,
    %get3A_212 = arith.constant 304 : index
    %get3A_213 = tpu.vector_load %arg5[%get3A_212] {strides = array<i32>} : memref<1024xi32, #tpu.memory_space<vmem>>, vector<16xi32>,
    %get3A_214 = vector.shape_cast %get3A_213 : vector<16xi32> to vector<16xi32>
    %add3A_215 = vector.broadcast %mul3A_4 : i32 to vector<16xi32>
    %add3A_216 = arith.addi %get3A_214, %add3A_215 : vector<16xi32>
    %swap3A_217 = arith.constant 9 : i32
    %swap3A_218 = arith.index_cast %swap3A_217 : i32 to index
    %swap3A_219 = arith.constant 16 : index
    %swap3A_220 = tpu.vector_load %arg6[%swap3A_218, %swap3A_219] {strides = array<i32>} : memref<32x32xi32, #tpu.memory_space<vmem>>, vector<1x16xi32>,
    %swap3A_221 = vector.shape_cast %swap3A_220 : vector<1x16xi32> to vector<16xi32>
    %swap3A_222 = vector.shape_cast %add3A_216 : vector<16xi32> to vector<1x16xi32>
    tpu.vector_store %arg6[%swap3A_218, %swap3A_219], %swap3A_222 {strides = array<i32>} : memref<32x32xi32, #tpu.memory_space<vmem>>, vector<1x16xi32>,
    %get3A_223 = arith.constant 320 : index
    %get3A_224 = tpu.vector_load %arg5[%get3A_223] {strides = array<i32>} : memref<1024xi32, #tpu.memory_space<vmem>>, vector<16xi32>,
    %get3A_225 = vector.shape_cast %get3A_224 : vector<16xi32> to vector<16xi32>
    %add3A_226 = vector.broadcast %mul3A_4 : i32 to vector<16xi32>
    %add3A_227 = arith.addi %get3A_225, %add3A_226 : vector<16xi32>
    %swap3A_228 = arith.constant 10 : i32
    %swap3A_229 = arith.index_cast %swap3A_228 : i32 to index
    %swap3A_230 = arith.constant 0 : index
    %swap3A_231 = tpu.vector_load %arg6[%swap3A_229, %swap3A_230] {strides = array<i32>} : memref<32x32xi32, #tpu.memory_space<vmem>>, vector<1x16xi32>,
    %swap3A_232 = vector.shape_cast %swap3A_231 : vector<1x16xi32> to vector<16xi32>
    %swap3A_233 = vector.shape_cast %add3A_227 : vector<16xi32> to vector<1x16xi32>
    tpu.vector_store %arg6[%swap3A_229, %swap3A_230], %swap3A_233 {strides = array<i32>} : memref<32x32xi32, #tpu.memory_space<vmem>>, vector<1x16xi32>,
    %get3A_234 = arith.constant 336 : index
    %get3A_235 = tpu.vector_load %arg5[%get3A_234] {strides = array<i32>} : memref<1024xi32, #tpu.memory_space<vmem>>, vector<16xi32>,
    %get3A_236 = vector.shape_cast %get3A_235 : vector<16xi32> to vector<16xi32>
    %add3A_237 = vector.broadcast %mul3A_4 : i32 to vector<16xi32>
    %add3A_238 = arith.addi %get3A_236, %add3A_237 : vector<16xi32>
    %swap3A_239 = arith.constant 10 : i32
    %swap3A_240 = arith.index_cast %swap3A_239 : i32 to index
    %swap3A_241 = arith.constant 16 : index
    %swap3A_242 = tpu.vector_load %arg6[%swap3A_240, %swap3A_241] {strides = array<i32>} : memref<32x32xi32, #tpu.memory_space<vmem>>, vector<1x16xi32>,
    %swap3A_243 = vector.shape_cast %swap3A_242 : vector<1x16xi32> to vector<16xi32>
    %swap3A_244 = vector.shape_cast %add3A_238 : vector<16xi32> to vector<1x16xi32>
    tpu.vector_store %arg6[%swap3A_240, %swap3A_241], %swap3A_244 {strides = array<i32>} : memref<32x32xi32, #tpu.memory_space<vmem>>, vector<1x16xi32>,
    %get3A_245 = arith.constant 352 : index
    %get3A_246 = tpu.vector_load %arg5[%get3A_245] {strides = array<i32>} : memref<1024xi32, #tpu.memory_space<vmem>>, vector<16xi32>,
    %get3A_247 = vector.shape_cast %get3A_246 : vector<16xi32> to vector<16xi32>
    %add3A_248 = vector.broadcast %mul3A_4 : i32 to vector<16xi32>
    %add3A_249 = arith.addi %get3A_247, %add3A_248 : vector<16xi32>
    %swap3A_250 = arith.constant 11 : i32
    %swap3A_251 = arith.index_cast %swap3A_250 : i32 to index
    %swap3A_252 = arith.constant 0 : index
    %swap3A_253 = tpu.vector_load %arg6[%swap3A_251, %swap3A_252] {strides = array<i32>} : memref<32x32xi32, #tpu.memory_space<vmem>>, vector<1x16xi32>,
    %swap3A_254 = vector.shape_cast %swap3A_253 : vector<1x16xi32> to vector<16xi32>
    %swap3A_255 = vector.shape_cast %add3A_249 : vector<16xi32> to vector<1x16xi32>
    tpu.vector_store %arg6[%swap3A_251, %swap3A_252], %swap3A_255 {strides = array<i32>} : memref<32x32xi32, #tpu.memory_space<vmem>>, vector<1x16xi32>,
    %get3A_256 = arith.constant 368 : index
    %get3A_257 = tpu.vector_load %arg5[%get3A_256] {strides = array<i32>} : memref<1024xi32, #tpu.memory_space<vmem>>, vector<16xi32>,
    %get3A_258 = vector.shape_cast %get3A_257 : vector<16xi32> to vector<16xi32>
    %add3A_259 = vector.broadcast %mul3A_4 : i32 to vector<16xi32>
    %add3A_260 = arith.addi %get3A_258, %add3A_259 : vector<16xi32>
    %swap3A_261 = arith.constant 11 : i32
    %swap3A_262 = arith.index_cast %swap3A_261 : i32 to index
    %swap3A_263 = arith.constant 16 : index
    %swap3A_264 = tpu.vector_load %arg6[%swap3A_262, %swap3A_263] {strides = array<i32>} : memref<32x32xi32, #tpu.memory_space<vmem>>, vector<1x16xi32>,
    %swap3A_265 = vector.shape_cast %swap3A_264 : vector<1x16xi32> to vector<16xi32>
    %swap3A_266 = vector.shape_cast %add3A_260 : vector<16xi32> to vector<1x16xi32>
    tpu.vector_store %arg6[%swap3A_262, %swap3A_263], %swap3A_266 {strides = array<i32>} : memref<32x32xi32, #tpu.memory_space<vmem>>, vector<1x16xi32>,
    %get3A_267 = arith.constant 384 : index
    %get3A_268 = tpu.vector_load %arg5[%get3A_267] {strides = array<i32>} : memref<1024xi32, #tpu.memory_space<vmem>>, vector<16xi32>,
    %get3A_269 = vector.shape_cast %get3A_268 : vector<16xi32> to vector<16xi32>
    %add3A_270 = vector.broadcast %mul3A_4 : i32 to vector<16xi32>
    %add3A_271 = arith.addi %get3A_269, %add3A_270 : vector<16xi32>
    %swap3A_272 = arith.constant 12 : i32
    %swap3A_273 = arith.index_cast %swap3A_272 : i32 to index
    %swap3A_274 = arith.constant 0 : index
    %swap3A_275 = tpu.vector_load %arg6[%swap3A_273, %swap3A_274] {strides = array<i32>} : memref<32x32xi32, #tpu.memory_space<vmem>>, vector<1x16xi32>,
    %swap3A_276 = vector.shape_cast %swap3A_275 : vector<1x16xi32> to vector<16xi32>
    %swap3A_277 = vector.shape_cast %add3A_271 : vector<16xi32> to vector<1x16xi32>
    tpu.vector_store %arg6[%swap3A_273, %swap3A_274], %swap3A_277 {strides = array<i32>} : memref<32x32xi32, #tpu.memory_space<vmem>>, vector<1x16xi32>,
    %get3A_278 = arith.constant 400 : index
    %get3A_279 = tpu.vector_load %arg5[%get3A_278] {strides = array<i32>} : memref<1024xi32, #tpu.memory_space<vmem>>, vector<16xi32>,
    %get3A_280 = vector.shape_cast %get3A_279 : vector<16xi32> to vector<16xi32>
    %add3A_281 = vector.broadcast %mul3A_4 : i32 to vector<16xi32>
    %add3A_282 = arith.addi %get3A_280, %add3A_281 : vector<16xi32>
    %swap3A_283 = arith.constant 12 : i32
    %swap3A_284 = arith.index_cast %swap3A_283 : i32 to index
    %swap3A_285 = arith.constant 16 : index
    %swap3A_286 = tpu.vector_load %arg6[%swap3A_284, %swap3A_285] {strides = array<i32>} : memref<32x32xi32, #tpu.memory_space<vmem>>, vector<1x16xi32>,
    %swap3A_287 = vector.shape_cast %swap3A_286 : vector<1x16xi32> to vector<16xi32>
    %swap3A_288 = vector.shape_cast %add3A_282 : vector<16xi32> to vector<1x16xi32>
    tpu.vector_store %arg6[%swap3A_284, %swap3A_285], %swap3A_288 {strides = array<i32>} : memref<32x32xi32, #tpu.memory_space<vmem>>, vector<1x16xi32>,
    %get3A_289 = arith.constant 416 : index
    %get3A_290 = tpu.vector_load %arg5[%get3A_289] {strides = array<i32>} : memref<1024xi32, #tpu.memory_space<vmem>>, vector<16xi32>,
    %get3A_291 = vector.shape_cast %get3A_290 : vector<16xi32> to vector<16xi32>
    %add3A_292 = vector.broadcast %mul3A_4 : i32 to vector<16xi32>
    %add3A_293 = arith.addi %get3A_291, %add3A_292 : vector<16xi32>
    %swap3A_294 = arith.constant 13 : i32
    %swap3A_295 = arith.index_cast %swap3A_294 : i32 to index
    %swap3A_296 = arith.constant 0 : index
    %swap3A_297 = tpu.vector_load %arg6[%swap3A_295, %swap3A_296] {strides = array<i32>} : memref<32x32xi32, #tpu.memory_space<vmem>>, vector<1x16xi32>,
    %swap3A_298 = vector.shape_cast %swap3A_297 : vector<1x16xi32> to vector<16xi32>
    %swap3A_299 = vector.shape_cast %add3A_293 : vector<16xi32> to vector<1x16xi32>
    tpu.vector_store %arg6[%swap3A_295, %swap3A_296], %swap3A_299 {strides = array<i32>} : memref<32x32xi32, #tpu.memory_space<vmem>>, vector<1x16xi32>,
    %get3A_300 = arith.constant 432 : index
    %get3A_301 = tpu.vector_load %arg5[%get3A_300] {strides = array<i32>} : memref<1024xi32, #tpu.memory_space<vmem>>, vector<16xi32>,
    %get3A_302 = vector.shape_cast %get3A_301 : vector<16xi32> to vector<16xi32>
    %add3A_303 = vector.broadcast %mul3A_4 : i32 to vector<16xi32>
    %add3A_304 = arith.addi %get3A_302, %add3A_303 : vector<16xi32>
    %swap3A_305 = arith.constant 13 : i32
    %swap3A_306 = arith.index_cast %swap3A_305 : i32 to index
    %swap3A_307 = arith.constant 16 : index
    %swap3A_308 = tpu.vector_load %arg6[%swap3A_306, %swap3A_307] {strides = array<i32>} : memref<32x32xi32, #tpu.memory_space<vmem>>, vector<1x16xi32>,
    %swap3A_309 = vector.shape_cast %swap3A_308 : vector<1x16xi32> to vector<16xi32>
    %swap3A_310 = vector.shape_cast %add3A_304 : vector<16xi32> to vector<1x16xi32>
    tpu.vector_store %arg6[%swap3A_306, %swap3A_307], %swap3A_310 {strides = array<i32>} : memref<32x32xi32, #tpu.memory_space<vmem>>, vector<1x16xi32>,
    %get3A_311 = arith.constant 448 : index
    %get3A_312 = tpu.vector_load %arg5[%get3A_311] {strides = array<i32>} : memref<1024xi32, #tpu.memory_space<vmem>>, vector<16xi32>,
    %get3A_313 = vector.shape_cast %get3A_312 : vector<16xi32> to vector<16xi32>
    %add3A_314 = vector.broadcast %mul3A_4 : i32 to vector<16xi32>
    %add3A_315 = arith.addi %get3A_313, %add3A_314 : vector<16xi32>
    %swap3A_316 = arith.constant 14 : i32
    %swap3A_317 = arith.index_cast %swap3A_316 : i32 to index
    %swap3A_318 = arith.constant 0 : index
    %swap3A_319 = tpu.vector_load %arg6[%swap3A_317, %swap3A_318] {strides = array<i32>} : memref<32x32xi32, #tpu.memory_space<vmem>>, vector<1x16xi32>,
    %swap3A_320 = vector.shape_cast %swap3A_319 : vector<1x16xi32> to vector<16xi32>
    %swap3A_321 = vector.shape_cast %add3A_315 : vector<16xi32> to vector<1x16xi32>
    tpu.vector_store %arg6[%swap3A_317, %swap3A_318], %swap3A_321 {strides = array<i32>} : memref<32x32xi32, #tpu.memory_space<vmem>>, vector<1x16xi32>,
    %get3A_322 = arith.constant 464 : index
    %get3A_323 = tpu.vector_load %arg5[%get3A_322] {strides = array<i32>} : memref<1024xi32, #tpu.memory_space<vmem>>, vector<16xi32>,
    %get3A_324 = vector.shape_cast %get3A_323 : vector<16xi32> to vector<16xi32>
    %add3A_325 = vector.broadcast %mul3A_4 : i32 to vector<16xi32>
    %add3A_326 = arith.addi %get3A_324, %add3A_325 : vector<16xi32>
    %swap3A_327 = arith.constant 14 : i32
    %swap3A_328 = arith.index_cast %swap3A_327 : i32 to index
    %swap3A_329 = arith.constant 16 : index
    %swap3A_330 = tpu.vector_load %arg6[%swap3A_328, %swap3A_329] {strides = array<i32>} : memref<32x32xi32, #tpu.memory_space<vmem>>, vector<1x16xi32>,
    %swap3A_331 = vector.shape_cast %swap3A_330 : vector<1x16xi32> to vector<16xi32>
    %swap3A_332 = vector.shape_cast %add3A_326 : vector<16xi32> to vector<1x16xi32>
    tpu.vector_store %arg6[%swap3A_328, %swap3A_329], %swap3A_332 {strides = array<i32>} : memref<32x32xi32, #tpu.memory_space<vmem>>, vector<1x16xi32>,
    %get3A_333 = arith.constant 480 : index
    %get3A_334 = tpu.vector_load %arg5[%get3A_333] {strides = array<i32>} : memref<1024xi32, #tpu.memory_space<vmem>>, vector<16xi32>,
    %get3A_335 = vector.shape_cast %get3A_334 : vector<16xi32> to vector<16xi32>
    %add3A_336 = vector.broadcast %mul3A_4 : i32 to vector<16xi32>
    %add3A_337 = arith.addi %get3A_335, %add3A_336 : vector<16xi32>
    %swap3A_338 = arith.constant 15 : i32
    %swap3A_339 = arith.index_cast %swap3A_338 : i32 to index
    %swap3A_340 = arith.constant 0 : index
    %swap3A_341 = tpu.vector_load %arg6[%swap3A_339, %swap3A_340] {strides = array<i32>} : memref<32x32xi32, #tpu.memory_space<vmem>>, vector<1x16xi32>,
    %swap3A_342 = vector.shape_cast %swap3A_341 : vector<1x16xi32> to vector<16xi32>
    %swap3A_343 = vector.shape_cast %add3A_337 : vector<16xi32> to vector<1x16xi32>
    tpu.vector_store %arg6[%swap3A_339, %swap3A_340], %swap3A_343 {strides = array<i32>} : memref<32x32xi32, #tpu.memory_space<vmem>>, vector<1x16xi32>,
    %get3A_344 = arith.constant 496 : index
    %get3A_345 = tpu.vector_load %arg5[%get3A_344] {strides = array<i32>} : memref<1024xi32, #tpu.memory_space<vmem>>, vector<16xi32>,
    %get3A_346 = vector.shape_cast %get3A_345 : vector<16xi32> to vector<16xi32>
    %add3A_347 = vector.broadcast %mul3A_4 : i32 to vector<16xi32>
    %add3A_348 = arith.addi %get3A_346, %add3A_347 : vector<16xi32>
    %swap3A_349 = arith.constant 15 : i32
    %swap3A_350 = arith.index_cast %swap3A_349 : i32 to index
    %swap3A_351 = arith.constant 16 : index
    %swap3A_352 = tpu.vector_load %arg6[%swap3A_350, %swap3A_351] {strides = array<i32>} : memref<32x32xi32, #tpu.memory_space<vmem>>, vector<1x16xi32>,
    %swap3A_353 = vector.shape_cast %swap3A_352 : vector<1x16xi32> to vector<16xi32>
    %swap3A_354 = vector.shape_cast %add3A_348 : vector<16xi32> to vector<1x16xi32>
    tpu.vector_store %arg6[%swap3A_350, %swap3A_351], %swap3A_354 {strides = array<i32>} : memref<32x32xi32, #tpu.memory_space<vmem>>, vector<1x16xi32>,
    %get3A_355 = arith.constant 512 : index
    %get3A_356 = tpu.vector_load %arg5[%get3A_355] {strides = array<i32>} : memref<1024xi32, #tpu.memory_space<vmem>>, vector<16xi32>,
    %get3A_357 = vector.shape_cast %get3A_356 : vector<16xi32> to vector<16xi32>
    %add3A_358 = vector.broadcast %mul3A_4 : i32 to vector<16xi32>
    %add3A_359 = arith.addi %get3A_357, %add3A_358 : vector<16xi32>
    %swap3A_360 = arith.constant 16 : i32
    %swap3A_361 = arith.index_cast %swap3A_360 : i32 to index
    %swap3A_362 = arith.constant 0 : index
    %swap3A_363 = tpu.vector_load %arg6[%swap3A_361, %swap3A_362] {strides = array<i32>} : memref<32x32xi32, #tpu.memory_space<vmem>>, vector<1x16xi32>,
    %swap3A_364 = vector.shape_cast %swap3A_363 : vector<1x16xi32> to vector<16xi32>
    %swap3A_365 = vector.shape_cast %add3A_359 : vector<16xi32> to vector<1x16xi32>
    tpu.vector_store %arg6[%swap3A_361, %swap3A_362], %swap3A_365 {strides = array<i32>} : memref<32x32xi32, #tpu.memory_space<vmem>>, vector<1x16xi32>,
    %get3A_366 = arith.constant 528 : index
    %get3A_367 = tpu.vector_load %arg5[%get3A_366] {strides = array<i32>} : memref<1024xi32, #tpu.memory_space<vmem>>, vector<16xi32>,
    %get3A_368 = vector.shape_cast %get3A_367 : vector<16xi32> to vector<16xi32>
    %add3A_369 = vector.broadcast %mul3A_4 : i32 to vector<16xi32>
    %add3A_370 = arith.addi %get3A_368, %add3A_369 : vector<16xi32>
    %swap3A_371 = arith.constant 16 : i32
    %swap3A_372 = arith.index_cast %swap3A_371 : i32 to index
    %swap3A_373 = arith.constant 16 : index
    %swap3A_374 = tpu.vector_load %arg6[%swap3A_372, %swap3A_373] {strides = array<i32>} : memref<32x32xi32, #tpu.memory_space<vmem>>, vector<1x16xi32>,
    %swap3A_375 = vector.shape_cast %swap3A_374 : vector<1x16xi32> to vector<16xi32>
    %swap3A_376 = vector.shape_cast %add3A_370 : vector<16xi32> to vector<1x16xi32>
    tpu.vector_store %arg6[%swap3A_372, %swap3A_373], %swap3A_376 {strides = array<i32>} : memref<32x32xi32, #tpu.memory_space<vmem>>, vector<1x16xi32>,
    %get3A_377 = arith.constant 544 : index
    %get3A_378 = tpu.vector_load %arg5[%get3A_377] {strides = array<i32>} : memref<1024xi32, #tpu.memory_space<vmem>>, vector<16xi32>,
    %get3A_379 = vector.shape_cast %get3A_378 : vector<16xi32> to vector<16xi32>
    %add3A_380 = vector.broadcast %mul3A_4 : i32 to vector<16xi32>
    %add3A_381 = arith.addi %get3A_379, %add3A_380 : vector<16xi32>
    %swap3A_382 = arith.constant 17 : i32
    %swap3A_383 = arith.index_cast %swap3A_382 : i32 to index
    %swap3A_384 = arith.constant 0 : index
    %swap3A_385 = tpu.vector_load %arg6[%swap3A_383, %swap3A_384] {strides = array<i32>} : memref<32x32xi32, #tpu.memory_space<vmem>>, vector<1x16xi32>,
    %swap3A_386 = vector.shape_cast %swap3A_385 : vector<1x16xi32> to vector<16xi32>
    %swap3A_387 = vector.shape_cast %add3A_381 : vector<16xi32> to vector<1x16xi32>
    tpu.vector_store %arg6[%swap3A_383, %swap3A_384], %swap3A_387 {strides = array<i32>} : memref<32x32xi32, #tpu.memory_space<vmem>>, vector<1x16xi32>,
    %get3A_388 = arith.constant 560 : index
    %get3A_389 = tpu.vector_load %arg5[%get3A_388] {strides = array<i32>} : memref<1024xi32, #tpu.memory_space<vmem>>, vector<16xi32>,
    %get3A_390 = vector.shape_cast %get3A_389 : vector<16xi32> to vector<16xi32>
    %add3A_391 = vector.broadcast %mul3A_4 : i32 to vector<16xi32>
    %add3A_392 = arith.addi %get3A_390, %add3A_391 : vector<16xi32>
    %swap3A_393 = arith.constant 17 : i32
    %swap3A_394 = arith.index_cast %swap3A_393 : i32 to index
    %swap3A_395 = arith.constant 16 : index
    %swap3A_396 = tpu.vector_load %arg6[%swap3A_394, %swap3A_395] {strides = array<i32>} : memref<32x32xi32, #tpu.memory_space<vmem>>, vector<1x16xi32>,
    %swap3A_397 = vector.shape_cast %swap3A_396 : vector<1x16xi32> to vector<16xi32>
    %swap3A_398 = vector.shape_cast %add3A_392 : vector<16xi32> to vector<1x16xi32>
    tpu.vector_store %arg6[%swap3A_394, %swap3A_395], %swap3A_398 {strides = array<i32>} : memref<32x32xi32, #tpu.memory_space<vmem>>, vector<1x16xi32>,
    %get3A_399 = arith.constant 576 : index
    %get3A_400 = tpu.vector_load %arg5[%get3A_399] {strides = array<i32>} : memref<1024xi32, #tpu.memory_space<vmem>>, vector<16xi32>,
    %get3A_401 = vector.shape_cast %get3A_400 : vector<16xi32> to vector<16xi32>
    %add3A_402 = vector.broadcast %mul3A_4 : i32 to vector<16xi32>
    %add3A_403 = arith.addi %get3A_401, %add3A_402 : vector<16xi32>
    %swap3A_404 = arith.constant 18 : i32
    %swap3A_405 = arith.index_cast %swap3A_404 : i32 to index
    %swap3A_406 = arith.constant 0 : index
    %swap3A_407 = tpu.vector_load %arg6[%swap3A_405, %swap3A_406] {strides = array<i32>} : memref<32x32xi32, #tpu.memory_space<vmem>>, vector<1x16xi32>,
    %swap3A_408 = vector.shape_cast %swap3A_407 : vector<1x16xi32> to vector<16xi32>
    %swap3A_409 = vector.shape_cast %add3A_403 : vector<16xi32> to vector<1x16xi32>
    tpu.vector_store %arg6[%swap3A_405, %swap3A_406], %swap3A_409 {strides = array<i32>} : memref<32x32xi32, #tpu.memory_space<vmem>>, vector<1x16xi32>,
    %get3A_410 = arith.constant 592 : index
    %get3A_411 = tpu.vector_load %arg5[%get3A_410] {strides = array<i32>} : memref<1024xi32, #tpu.memory_space<vmem>>, vector<16xi32>,
    %get3A_412 = vector.shape_cast %get3A_411 : vector<16xi32> to vector<16xi32>
    %add3A_413 = vector.broadcast %mul3A_4 : i32 to vector<16xi32>
    %add3A_414 = arith.addi %get3A_412, %add3A_413 : vector<16xi32>
    %swap3A_415 = arith.constant 18 : i32
    %swap3A_416 = arith.index_cast %swap3A_415 : i32 to index
    %swap3A_417 = arith.constant 16 : index
    %swap3A_418 = tpu.vector_load %arg6[%swap3A_416, %swap3A_417] {strides = array<i32>} : memref<32x32xi32, #tpu.memory_space<vmem>>, vector<1x16xi32>,
    %swap3A_419 = vector.shape_cast %swap3A_418 : vector<1x16xi32> to vector<16xi32>
    %swap3A_420 = vector.shape_cast %add3A_414 : vector<16xi32> to vector<1x16xi32>
    tpu.vector_store %arg6[%swap3A_416, %swap3A_417], %swap3A_420 {strides = array<i32>} : memref<32x32xi32, #tpu.memory_space<vmem>>, vector<1x16xi32>,
    %get3A_421 = arith.constant 608 : index
    %get3A_422 = tpu.vector_load %arg5[%get3A_421] {strides = array<i32>} : memref<1024xi32, #tpu.memory_space<vmem>>, vector<16xi32>,
    %get3A_423 = vector.shape_cast %get3A_422 : vector<16xi32> to vector<16xi32>
    %add3A_424 = vector.broadcast %mul3A_4 : i32 to vector<16xi32>
    %add3A_425 = arith.addi %get3A_423, %add3A_424 : vector<16xi32>
    %swap3A_426 = arith.constant 19 : i32
    %swap3A_427 = arith.index_cast %swap3A_426 : i32 to index
    %swap3A_428 = arith.constant 0 : index
    %swap3A_429 = tpu.vector_load %arg6[%swap3A_427, %swap3A_428] {strides = array<i32>} : memref<32x32xi32, #tpu.memory_space<vmem>>, vector<1x16xi32>,
    %swap3A_430 = vector.shape_cast %swap3A_429 : vector<1x16xi32> to vector<16xi32>
    %swap3A_431 = vector.shape_cast %add3A_425 : vector<16xi32> to vector<1x16xi32>
    tpu.vector_store %arg6[%swap3A_427, %swap3A_428], %swap3A_431 {strides = array<i32>} : memref<32x32xi32, #tpu.memory_space<vmem>>, vector<1x16xi32>,
    %get3A_432 = arith.constant 624 : index
    %get3A_433 = tpu.vector_load %arg5[%get3A_432] {strides = array<i32>} : memref<1024xi32, #tpu.memory_space<vmem>>, vector<16xi32>,
    %get3A_434 = vector.shape_cast %get3A_433 : vector<16xi32> to vector<16xi32>
    %add3A_435 = vector.broadcast %mul3A_4 : i32 to vector<16xi32>
    %add3A_436 = arith.addi %get3A_434, %add3A_435 : vector<16xi32>
    %swap3A_437 = arith.constant 19 : i32
    %swap3A_438 = arith.index_cast %swap3A_437 : i32 to index
    %swap3A_439 = arith.constant 16 : index
    %swap3A_440 = tpu.vector_load %arg6[%swap3A_438, %swap3A_439] {strides = array<i32>} : memref<32x32xi32, #tpu.memory_space<vmem>>, vector<1x16xi32>,
    %swap3A_441 = vector.shape_cast %swap3A_440 : vector<1x16xi32> to vector<16xi32>
    %swap3A_442 = vector.shape_cast %add3A_436 : vector<16xi32> to vector<1x16xi32>
    tpu.vector_store %arg6[%swap3A_438, %swap3A_439], %swap3A_442 {strides = array<i32>} : memref<32x32xi32, #tpu.memory_space<vmem>>, vector<1x16xi32>,
    %get3A_443 = arith.constant 640 : index
    %get3A_444 = tpu.vector_load %arg5[%get3A_443] {strides = array<i32>} : memref<1024xi32, #tpu.memory_space<vmem>>, vector<16xi32>,
    %get3A_445 = vector.shape_cast %get3A_444 : vector<16xi32> to vector<16xi32>
    %add3A_446 = vector.broadcast %mul3A_4 : i32 to vector<16xi32>
    %add3A_447 = arith.addi %get3A_445, %add3A_446 : vector<16xi32>
    %swap3A_448 = arith.constant 20 : i32
    %swap3A_449 = arith.index_cast %swap3A_448 : i32 to index
    %swap3A_450 = arith.constant 0 : index
    %swap3A_451 = tpu.vector_load %arg6[%swap3A_449, %swap3A_450] {strides = array<i32>} : memref<32x32xi32, #tpu.memory_space<vmem>>, vector<1x16xi32>,
    %swap3A_452 = vector.shape_cast %swap3A_451 : vector<1x16xi32> to vector<16xi32>
    %swap3A_453 = vector.shape_cast %add3A_447 : vector<16xi32> to vector<1x16xi32>
    tpu.vector_store %arg6[%swap3A_449, %swap3A_450], %swap3A_453 {strides = array<i32>} : memref<32x32xi32, #tpu.memory_space<vmem>>, vector<1x16xi32>,
    %get3A_454 = arith.constant 656 : index
    %get3A_455 = tpu.vector_load %arg5[%get3A_454] {strides = array<i32>} : memref<1024xi32, #tpu.memory_space<vmem>>, vector<16xi32>,
    %get3A_456 = vector.shape_cast %get3A_455 : vector<16xi32> to vector<16xi32>
    %add3A_457 = vector.broadcast %mul3A_4 : i32 to vector<16xi32>
    %add3A_458 = arith.addi %get3A_456, %add3A_457 : vector<16xi32>
    %swap3A_459 = arith.constant 20 : i32
    %swap3A_460 = arith.index_cast %swap3A_459 : i32 to index
    %swap3A_461 = arith.constant 16 : index
    %swap3A_462 = tpu.vector_load %arg6[%swap3A_460, %swap3A_461] {strides = array<i32>} : memref<32x32xi32, #tpu.memory_space<vmem>>, vector<1x16xi32>,
    %swap3A_463 = vector.shape_cast %swap3A_462 : vector<1x16xi32> to vector<16xi32>
    %swap3A_464 = vector.shape_cast %add3A_458 : vector<16xi32> to vector<1x16xi32>
    tpu.vector_store %arg6[%swap3A_460, %swap3A_461], %swap3A_464 {strides = array<i32>} : memref<32x32xi32, #tpu.memory_space<vmem>>, vector<1x16xi32>,
    %get3A_465 = arith.constant 672 : index
    %get3A_466 = tpu.vector_load %arg5[%get3A_465] {strides = array<i32>} : memref<1024xi32, #tpu.memory_space<vmem>>, vector<16xi32>,
    %get3A_467 = vector.shape_cast %get3A_466 : vector<16xi32> to vector<16xi32>
    %add3A_468 = vector.broadcast %mul3A_4 : i32 to vector<16xi32>
    %add3A_469 = arith.addi %get3A_467, %add3A_468 : vector<16xi32>
    %swap3A_470 = arith.constant 21 : i32
    %swap3A_471 = arith.index_cast %swap3A_470 : i32 to index
    %swap3A_472 = arith.constant 0 : index
    %swap3A_473 = tpu.vector_load %arg6[%swap3A_471, %swap3A_472] {strides = array<i32>} : memref<32x32xi32, #tpu.memory_space<vmem>>, vector<1x16xi32>,
    %swap3A_474 = vector.shape_cast %swap3A_473 : vector<1x16xi32> to vector<16xi32>
    %swap3A_475 = vector.shape_cast %add3A_469 : vector<16xi32> to vector<1x16xi32>
    tpu.vector_store %arg6[%swap3A_471, %swap3A_472], %swap3A_475 {strides = array<i32>} : memref<32x32xi32, #tpu.memory_space<vmem>>, vector<1x16xi32>,
    %get3A_476 = arith.constant 688 : index
    %get3A_477 = tpu.vector_load %arg5[%get3A_476] {strides = array<i32>} : memref<1024xi32, #tpu.memory_space<vmem>>, vector<16xi32>,
    %get3A_478 = vector.shape_cast %get3A_477 : vector<16xi32> to vector<16xi32>
    %add3A_479 = vector.broadcast %mul3A_4 : i32 to vector<16xi32>
    %add3A_480 = arith.addi %get3A_478, %add3A_479 : vector<16xi32>
    %swap3A_481 = arith.constant 21 : i32
    %swap3A_482 = arith.index_cast %swap3A_481 : i32 to index
    %swap3A_483 = arith.constant 16 : index
    %swap3A_484 = tpu.vector_load %arg6[%swap3A_482, %swap3A_483] {strides = array<i32>} : memref<32x32xi32, #tpu.memory_space<vmem>>, vector<1x16xi32>,
    %swap3A_485 = vector.shape_cast %swap3A_484 : vector<1x16xi32> to vector<16xi32>
    %swap3A_486 = vector.shape_cast %add3A_480 : vector<16xi32> to vector<1x16xi32>
    tpu.vector_store %arg6[%swap3A_482, %swap3A_483], %swap3A_486 {strides = array<i32>} : memref<32x32xi32, #tpu.memory_space<vmem>>, vector<1x16xi32>,
    %get3A_487 = arith.constant 704 : index
    %get3A_488 = tpu.vector_load %arg5[%get3A_487] {strides = array<i32>} : memref<1024xi32, #tpu.memory_space<vmem>>, vector<16xi32>,
    %get3A_489 = vector.shape_cast %get3A_488 : vector<16xi32> to vector<16xi32>
    %add3A_490 = vector.broadcast %mul3A_4 : i32 to vector<16xi32>
    %add3A_491 = arith.addi %get3A_489, %add3A_490 : vector<16xi32>
    %swap3A_492 = arith.constant 22 : i32
    %swap3A_493 = arith.index_cast %swap3A_492 : i32 to index
    %swap3A_494 = arith.constant 0 : index
    %swap3A_495 = tpu.vector_load %arg6[%swap3A_493, %swap3A_494] {strides = array<i32>} : memref<32x32xi32, #tpu.memory_space<vmem>>, vector<1x16xi32>,
    %swap3A_496 = vector.shape_cast %swap3A_495 : vector<1x16xi32> to vector<16xi32>
    %swap3A_497 = vector.shape_cast %add3A_491 : vector<16xi32> to vector<1x16xi32>
    tpu.vector_store %arg6[%swap3A_493, %swap3A_494], %swap3A_497 {strides = array<i32>} : memref<32x32xi32, #tpu.memory_space<vmem>>, vector<1x16xi32>,
    %get3A_498 = arith.constant 720 : index
    %get3A_499 = tpu.vector_load %arg5[%get3A_498] {strides = array<i32>} : memref<1024xi32, #tpu.memory_space<vmem>>, vector<16xi32>,
    %get3A_500 = vector.shape_cast %get3A_499 : vector<16xi32> to vector<16xi32>
    %add3A_501 = vector.broadcast %mul3A_4 : i32 to vector<16xi32>
    %add3A_502 = arith.addi %get3A_500, %add3A_501 : vector<16xi32>
    %swap3A_503 = arith.constant 22 : i32
    %swap3A_504 = arith.index_cast %swap3A_503 : i32 to index
    %swap3A_505 = arith.constant 16 : index
    %swap3A_506 = tpu.vector_load %arg6[%swap3A_504, %swap3A_505] {strides = array<i32>} : memref<32x32xi32, #tpu.memory_space<vmem>>, vector<1x16xi32>,
    %swap3A_507 = vector.shape_cast %swap3A_506 : vector<1x16xi32> to vector<16xi32>
    %swap3A_508 = vector.shape_cast %add3A_502 : vector<16xi32> to vector<1x16xi32>
    tpu.vector_store %arg6[%swap3A_504, %swap3A_505], %swap3A_508 {strides = array<i32>} : memref<32x32xi32, #tpu.memory_space<vmem>>, vector<1x16xi32>,
    %get3A_509 = arith.constant 736 : index
    %get3A_510 = tpu.vector_load %arg5[%get3A_509] {strides = array<i32>} : memref<1024xi32, #tpu.memory_space<vmem>>, vector<16xi32>,
    %get3A_511 = vector.shape_cast %get3A_510 : vector<16xi32> to vector<16xi32>
    %add3A_512 = vector.broadcast %mul3A_4 : i32 to vector<16xi32>
    %add3A_513 = arith.addi %get3A_511, %add3A_512 : vector<16xi32>
    %swap3A_514 = arith.constant 23 : i32
    %swap3A_515 = arith.index_cast %swap3A_514 : i32 to index
    %swap3A_516 = arith.constant 0 : index
    %swap3A_517 = tpu.vector_load %arg6[%swap3A_515, %swap3A_516] {strides = array<i32>} : memref<32x32xi32, #tpu.memory_space<vmem>>, vector<1x16xi32>,
    %swap3A_518 = vector.shape_cast %swap3A_517 : vector<1x16xi32> to vector<16xi32>
    %swap3A_519 = vector.shape_cast %add3A_513 : vector<16xi32> to vector<1x16xi32>
    tpu.vector_store %arg6[%swap3A_515, %swap3A_516], %swap3A_519 {strides = array<i32>} : memref<32x32xi32, #tpu.memory_space<vmem>>, vector<1x16xi32>,
    %get3A_520 = arith.constant 752 : index
    %get3A_521 = tpu.vector_load %arg5[%get3A_520] {strides = array<i32>} : memref<1024xi32, #tpu.memory_space<vmem>>, vector<16xi32>,
    %get3A_522 = vector.shape_cast %get3A_521 : vector<16xi32> to vector<16xi32>
    %add3A_523 = vector.broadcast %mul3A_4 : i32 to vector<16xi32>
    %add3A_524 = arith.addi %get3A_522, %add3A_523 : vector<16xi32>
    %swap3A_525 = arith.constant 23 : i32
    %swap3A_526 = arith.index_cast %swap3A_525 : i32 to index
    %swap3A_527 = arith.constant 16 : index
    %swap3A_528 = tpu.vector_load %arg6[%swap3A_526, %swap3A_527] {strides = array<i32>} : memref<32x32xi32, #tpu.memory_space<vmem>>, vector<1x16xi32>,
    %swap3A_529 = vector.shape_cast %swap3A_528 : vector<1x16xi32> to vector<16xi32>
    %swap3A_530 = vector.shape_cast %add3A_524 : vector<16xi32> to vector<1x16xi32>
    tpu.vector_store %arg6[%swap3A_526, %swap3A_527], %swap3A_530 {strides = array<i32>} : memref<32x32xi32, #tpu.memory_space<vmem>>, vector<1x16xi32>,
    %get3A_531 = arith.constant 768 : index
    %get3A_532 = tpu.vector_load %arg5[%get3A_531] {strides = array<i32>} : memref<1024xi32, #tpu.memory_space<vmem>>, vector<16xi32>,
    %get3A_533 = vector.shape_cast %get3A_532 : vector<16xi32> to vector<16xi32>
    %add3A_534 = vector.broadcast %mul3A_4 : i32 to vector<16xi32>
    %add3A_535 = arith.addi %get3A_533, %add3A_534 : vector<16xi32>
    %swap3A_536 = arith.constant 24 : i32
    %swap3A_537 = arith.index_cast %swap3A_536 : i32 to index
    %swap3A_538 = arith.constant 0 : index
    %swap3A_539 = tpu.vector_load %arg6[%swap3A_537, %swap3A_538] {strides = array<i32>} : memref<32x32xi32, #tpu.memory_space<vmem>>, vector<1x16xi32>,
    %swap3A_540 = vector.shape_cast %swap3A_539 : vector<1x16xi32> to vector<16xi32>
    %swap3A_541 = vector.shape_cast %add3A_535 : vector<16xi32> to vector<1x16xi32>
    tpu.vector_store %arg6[%swap3A_537, %swap3A_538], %swap3A_541 {strides = array<i32>} : memref<32x32xi32, #tpu.memory_space<vmem>>, vector<1x16xi32>,
    %get3A_542 = arith.constant 784 : index
    %get3A_543 = tpu.vector_load %arg5[%get3A_542] {strides = array<i32>} : memref<1024xi32, #tpu.memory_space<vmem>>, vector<16xi32>,
    %get3A_544 = vector.shape_cast %get3A_543 : vector<16xi32> to vector<16xi32>
    %add3A_545 = vector.broadcast %mul3A_4 : i32 to vector<16xi32>
    %add3A_546 = arith.addi %get3A_544, %add3A_545 : vector<16xi32>
    %swap3A_547 = arith.constant 24 : i32
    %swap3A_548 = arith.index_cast %swap3A_547 : i32 to index
    %swap3A_549 = arith.constant 16 : index
    %swap3A_550 = tpu.vector_load %arg6[%swap3A_548, %swap3A_549] {strides = array<i32>} : memref<32x32xi32, #tpu.memory_space<vmem>>, vector<1x16xi32>,
    %swap3A_551 = vector.shape_cast %swap3A_550 : vector<1x16xi32> to vector<16xi32>
    %swap3A_552 = vector.shape_cast %add3A_546 : vector<16xi32> to vector<1x16xi32>
    tpu.vector_store %arg6[%swap3A_548, %swap3A_549], %swap3A_552 {strides = array<i32>} : memref<32x32xi32, #tpu.memory_space<vmem>>, vector<1x16xi32>,
    %get3A_553 = arith.constant 800 : index
    %get3A_554 = tpu.vector_load %arg5[%get3A_553] {strides = array<i32>} : memref<1024xi32, #tpu.memory_space<vmem>>, vector<16xi32>,
    %get3A_555 = vector.shape_cast %get3A_554 : vector<16xi32> to vector<16xi32>
    %add3A_556 = vector.broadcast %mul3A_4 : i32 to vector<16xi32>
    %add3A_557 = arith.addi %get3A_555, %add3A_556 : vector<16xi32>
    %swap3A_558 = arith.constant 25 : i32
    %swap3A_559 = arith.index_cast %swap3A_558 : i32 to index
    %swap3A_560 = arith.constant 0 : index
    %swap3A_561 = tpu.vector_load %arg6[%swap3A_559, %swap3A_560] {strides = array<i32>} : memref<32x32xi32, #tpu.memory_space<vmem>>, vector<1x16xi32>,
    %swap3A_562 = vector.shape_cast %swap3A_561 : vector<1x16xi32> to vector<16xi32>
    %swap3A_563 = vector.shape_cast %add3A_557 : vector<16xi32> to vector<1x16xi32>
    tpu.vector_store %arg6[%swap3A_559, %swap3A_560], %swap3A_563 {strides = array<i32>} : memref<32x32xi32, #tpu.memory_space<vmem>>, vector<1x16xi32>,
    %get3A_564 = arith.constant 816 : index
    %get3A_565 = tpu.vector_load %arg5[%get3A_564] {strides = array<i32>} : memref<1024xi32, #tpu.memory_space<vmem>>, vector<16xi32>,
    %get3A_566 = vector.shape_cast %get3A_565 : vector<16xi32> to vector<16xi32>
    %add3A_567 = vector.broadcast %mul3A_4 : i32 to vector<16xi32>
    %add3A_568 = arith.addi %get3A_566, %add3A_567 : vector<16xi32>
    %swap3A_569 = arith.constant 25 : i32
    %swap3A_570 = arith.index_cast %swap3A_569 : i32 to index
    %swap3A_571 = arith.constant 16 : index
    %swap3A_572 = tpu.vector_load %arg6[%swap3A_570, %swap3A_571] {strides = array<i32>} : memref<32x32xi32, #tpu.memory_space<vmem>>, vector<1x16xi32>,
    %swap3A_573 = vector.shape_cast %swap3A_572 : vector<1x16xi32> to vector<16xi32>
    %swap3A_574 = vector.shape_cast %add3A_568 : vector<16xi32> to vector<1x16xi32>
    tpu.vector_store %arg6[%swap3A_570, %swap3A_571], %swap3A_574 {strides = array<i32>} : memref<32x32xi32, #tpu.memory_space<vmem>>, vector<1x16xi32>,
    %get3A_575 = arith.constant 832 : index
    %get3A_576 = tpu.vector_load %arg5[%get3A_575] {strides = array<i32>} : memref<1024xi32, #tpu.memory_space<vmem>>, vector<16xi32>,
    %get3A_577 = vector.shape_cast %get3A_576 : vector<16xi32> to vector<16xi32>
    %add3A_578 = vector.broadcast %mul3A_4 : i32 to vector<16xi32>
    %add3A_579 = arith.addi %get3A_577, %add3A_578 : vector<16xi32>
    %swap3A_580 = arith.constant 26 : i32
    %swap3A_581 = arith.index_cast %swap3A_580 : i32 to index
    %swap3A_582 = arith.constant 0 : index
    %swap3A_583 = tpu.vector_load %arg6[%swap3A_581, %swap3A_582] {strides = array<i32>} : memref<32x32xi32, #tpu.memory_space<vmem>>, vector<1x16xi32>,
    %swap3A_584 = vector.shape_cast %swap3A_583 : vector<1x16xi32> to vector<16xi32>
    %swap3A_585 = vector.shape_cast %add3A_579 : vector<16xi32> to vector<1x16xi32>
    tpu.vector_store %arg6[%swap3A_581, %swap3A_582], %swap3A_585 {strides = array<i32>} : memref<32x32xi32, #tpu.memory_space<vmem>>, vector<1x16xi32>,
    %get3A_586 = arith.constant 848 : index
    %get3A_587 = tpu.vector_load %arg5[%get3A_586] {strides = array<i32>} : memref<1024xi32, #tpu.memory_space<vmem>>, vector<16xi32>,
    %get3A_588 = vector.shape_cast %get3A_587 : vector<16xi32> to vector<16xi32>
    %add3A_589 = vector.broadcast %mul3A_4 : i32 to vector<16xi32>
    %add3A_590 = arith.addi %get3A_588, %add3A_589 : vector<16xi32>
    %swap3A_591 = arith.constant 26 : i32
    %swap3A_592 = arith.index_cast %swap3A_591 : i32 to index
    %swap3A_593 = arith.constant 16 : index
    %swap3A_594 = tpu.vector_load %arg6[%swap3A_592, %swap3A_593] {strides = array<i32>} : memref<32x32xi32, #tpu.memory_space<vmem>>, vector<1x16xi32>,
    %swap3A_595 = vector.shape_cast %swap3A_594 : vector<1x16xi32> to vector<16xi32>
    %swap3A_596 = vector.shape_cast %add3A_590 : vector<16xi32> to vector<1x16xi32>
    tpu.vector_store %arg6[%swap3A_592, %swap3A_593], %swap3A_596 {strides = array<i32>} : memref<32x32xi32, #tpu.memory_space<vmem>>, vector<1x16xi32>,
    %get3A_597 = arith.constant 864 : index
    %get3A_598 = tpu.vector_load %arg5[%get3A_597] {strides = array<i32>} : memref<1024xi32, #tpu.memory_space<vmem>>, vector<16xi32>,
    %get3A_599 = vector.shape_cast %get3A_598 : vector<16xi32> to vector<16xi32>
    %add3A_600 = vector.broadcast %mul3A_4 : i32 to vector<16xi32>
    %add3A_601 = arith.addi %get3A_599, %add3A_600 : vector<16xi32>
    %swap3A_602 = arith.constant 27 : i32
    %swap3A_603 = arith.index_cast %swap3A_602 : i32 to index
    %swap3A_604 = arith.constant 0 : index
    %swap3A_605 = tpu.vector_load %arg6[%swap3A_603, %swap3A_604] {strides = array<i32>} : memref<32x32xi32, #tpu.memory_space<vmem>>, vector<1x16xi32>,
    %swap3A_606 = vector.shape_cast %swap3A_605 : vector<1x16xi32> to vector<16xi32>
    %swap3A_607 = vector.shape_cast %add3A_601 : vector<16xi32> to vector<1x16xi32>
    tpu.vector_store %arg6[%swap3A_603, %swap3A_604], %swap3A_607 {strides = array<i32>} : memref<32x32xi32, #tpu.memory_space<vmem>>, vector<1x16xi32>,
    %get3A_608 = arith.constant 880 : index
    %get3A_609 = tpu.vector_load %arg5[%get3A_608] {strides = array<i32>} : memref<1024xi32, #tpu.memory_space<vmem>>, vector<16xi32>,
    %get3A_610 = vector.shape_cast %get3A_609 : vector<16xi32> to vector<16xi32>
    %add3A_611 = vector.broadcast %mul3A_4 : i32 to vector<16xi32>
    %add3A_612 = arith.addi %get3A_610, %add3A_611 : vector<16xi32>
    %swap3A_613 = arith.constant 27 : i32
    %swap3A_614 = arith.index_cast %swap3A_613 : i32 to index
    %swap3A_615 = arith.constant 16 : index
    %swap3A_616 = tpu.vector_load %arg6[%swap3A_614, %swap3A_615] {strides = array<i32>} : memref<32x32xi32, #tpu.memory_space<vmem>>, vector<1x16xi32>,
    %swap3A_617 = vector.shape_cast %swap3A_616 : vector<1x16xi32> to vector<16xi32>
    %swap3A_618 = vector.shape_cast %add3A_612 : vector<16xi32> to vector<1x16xi32>
    tpu.vector_store %arg6[%swap3A_614, %swap3A_615], %swap3A_618 {strides = array<i32>} : memref<32x32xi32, #tpu.memory_space<vmem>>, vector<1x16xi32>,
    %get3A_619 = arith.constant 896 : index
    %get3A_620 = tpu.vector_load %arg5[%get3A_619] {strides = array<i32>} : memref<1024xi32, #tpu.memory_space<vmem>>, vector<16xi32>,
    %get3A_621 = vector.shape_cast %get3A_620 : vector<16xi32> to vector<16xi32>
    %add3A_622 = vector.broadcast %mul3A_4 : i32 to vector<16xi32>
    %add3A_623 = arith.addi %get3A_621, %add3A_622 : vector<16xi32>
    %swap3A_624 = arith.constant 28 : i32
    %swap3A_625 = arith.index_cast %swap3A_624 : i32 to index
    %swap3A_626 = arith.constant 0 : index
    %swap3A_627 = tpu.vector_load %arg6[%swap3A_625, %swap3A_626] {strides = array<i32>} : memref<32x32xi32, #tpu.memory_space<vmem>>, vector<1x16xi32>,
    %swap3A_628 = vector.shape_cast %swap3A_627 : vector<1x16xi32> to vector<16xi32>
    %swap3A_629 = vector.shape_cast %add3A_623 : vector<16xi32> to vector<1x16xi32>
    tpu.vector_store %arg6[%swap3A_625, %swap3A_626], %swap3A_629 {strides = array<i32>} : memref<32x32xi32, #tpu.memory_space<vmem>>, vector<1x16xi32>,
    %get3A_630 = arith.constant 912 : index
    %get3A_631 = tpu.vector_load %arg5[%get3A_630] {strides = array<i32>} : memref<1024xi32, #tpu.memory_space<vmem>>, vector<16xi32>,
    %get3A_632 = vector.shape_cast %get3A_631 : vector<16xi32> to vector<16xi32>
    %add3A_633 = vector.broadcast %mul3A_4 : i32 to vector<16xi32>
    %add3A_634 = arith.addi %get3A_632, %add3A_633 : vector<16xi32>
    %swap3A_635 = arith.constant 28 : i32
    %swap3A_636 = arith.index_cast %swap3A_635 : i32 to index
    %swap3A_637 = arith.constant 16 : index
    %swap3A_638 = tpu.vector_load %arg6[%swap3A_636, %swap3A_637] {strides = array<i32>} : memref<32x32xi32, #tpu.memory_space<vmem>>, vector<1x16xi32>,
    %swap3A_639 = vector.shape_cast %swap3A_638 : vector<1x16xi32> to vector<16xi32>
    %swap3A_640 = vector.shape_cast %add3A_634 : vector<16xi32> to vector<1x16xi32>
    tpu.vector_store %arg6[%swap3A_636, %swap3A_637], %swap3A_640 {strides = array<i32>} : memref<32x32xi32, #tpu.memory_space<vmem>>, vector<1x16xi32>,
    %get3A_641 = arith.constant 928 : index
    %get3A_642 = tpu.vector_load %arg5[%get3A_641] {strides = array<i32>} : memref<1024xi32, #tpu.memory_space<vmem>>, vector<16xi32>,
    %get3A_643 = vector.shape_cast %get3A_642 : vector<16xi32> to vector<16xi32>
    %add3A_644 = vector.broadcast %mul3A_4 : i32 to vector<16xi32>
    %add3A_645 = arith.addi %get3A_643, %add3A_644 : vector<16xi32>
    %swap3A_646 = arith.constant 29 : i32
    %swap3A_647 = arith.index_cast %swap3A_646 : i32 to index
    %swap3A_648 = arith.constant 0 : index
    %swap3A_649 = tpu.vector_load %arg6[%swap3A_647, %swap3A_648] {strides = array<i32>} : memref<32x32xi32, #tpu.memory_space<vmem>>, vector<1x16xi32>,
    %swap3A_650 = vector.shape_cast %swap3A_649 : vector<1x16xi32> to vector<16xi32>
    %swap3A_651 = vector.shape_cast %add3A_645 : vector<16xi32> to vector<1x16xi32>
    tpu.vector_store %arg6[%swap3A_647, %swap3A_648], %swap3A_651 {strides = array<i32>} : memref<32x32xi32, #tpu.memory_space<vmem>>, vector<1x16xi32>,
    %get3A_652 = arith.constant 944 : index
    %get3A_653 = tpu.vector_load %arg5[%get3A_652] {strides = array<i32>} : memref<1024xi32, #tpu.memory_space<vmem>>, vector<16xi32>,
    %get3A_654 = vector.shape_cast %get3A_653 : vector<16xi32> to vector<16xi32>
    %add3A_655 = vector.broadcast %mul3A_4 : i32 to vector<16xi32>
    %add3A_656 = arith.addi %get3A_654, %add3A_655 : vector<16xi32>
    %swap3A_657 = arith.constant 29 : i32
    %swap3A_658 = arith.index_cast %swap3A_657 : i32 to index
    %swap3A_659 = arith.constant 16 : index
    %swap3A_660 = tpu.vector_load %arg6[%swap3A_658, %swap3A_659] {strides = array<i32>} : memref<32x32xi32, #tpu.memory_space<vmem>>, vector<1x16xi32>,
    %swap3A_661 = vector.shape_cast %swap3A_660 : vector<1x16xi32> to vector<16xi32>
    %swap3A_662 = vector.shape_cast %add3A_656 : vector<16xi32> to vector<1x16xi32>
    tpu.vector_store %arg6[%swap3A_658, %swap3A_659], %swap3A_662 {strides = array<i32>} : memref<32x32xi32, #tpu.memory_space<vmem>>, vector<1x16xi32>,
    %get3A_663 = arith.constant 960 : index
    %get3A_664 = tpu.vector_load %arg5[%get3A_663] {strides = array<i32>} : memref<1024xi32, #tpu.memory_space<vmem>>, vector<16xi32>,
    %get3A_665 = vector.shape_cast %get3A_664 : vector<16xi32> to vector<16xi32>
    %add3A_666 = vector.broadcast %mul3A_4 : i32 to vector<16xi32>
    %add3A_667 = arith.addi %get3A_665, %add3A_666 : vector<16xi32>
    %swap3A_668 = arith.constant 30 : i32
    %swap3A_669 = arith.index_cast %swap3A_668 : i32 to index
    %swap3A_670 = arith.constant 0 : index
    %swap3A_671 = tpu.vector_load %arg6[%swap3A_669, %swap3A_670] {strides = array<i32>} : memref<32x32xi32, #tpu.memory_space<vmem>>, vector<1x16xi32>,
    %swap3A_672 = vector.shape_cast %swap3A_671 : vector<1x16xi32> to vector<16xi32>
    %swap3A_673 = vector.shape_cast %add3A_667 : vector<16xi32> to vector<1x16xi32>
    tpu.vector_store %arg6[%swap3A_669, %swap3A_670], %swap3A_673 {strides = array<i32>} : memref<32x32xi32, #tpu.memory_space<vmem>>, vector<1x16xi32>,
    %get3A_674 = arith.constant 976 : index
    %get3A_675 = tpu.vector_load %arg5[%get3A_674] {strides = array<i32>} : memref<1024xi32, #tpu.memory_space<vmem>>, vector<16xi32>,
    %get3A_676 = vector.shape_cast %get3A_675 : vector<16xi32> to vector<16xi32>
    %add3A_677 = vector.broadcast %mul3A_4 : i32 to vector<16xi32>
    %add3A_678 = arith.addi %get3A_676, %add3A_677 : vector<16xi32>
    %swap3A_679 = arith.constant 30 : i32
    %swap3A_680 = arith.index_cast %swap3A_679 : i32 to index
    %swap3A_681 = arith.constant 16 : index
    %swap3A_682 = tpu.vector_load %arg6[%swap3A_680, %swap3A_681] {strides = array<i32>} : memref<32x32xi32, #tpu.memory_space<vmem>>, vector<1x16xi32>,
    %swap3A_683 = vector.shape_cast %swap3A_682 : vector<1x16xi32> to vector<16xi32>
    %swap3A_684 = vector.shape_cast %add3A_678 : vector<16xi32> to vector<1x16xi32>
    tpu.vector_store %arg6[%swap3A_680, %swap3A_681], %swap3A_684 {strides = array<i32>} : memref<32x32xi32, #tpu.memory_space<vmem>>, vector<1x16xi32>,
    %get3A_685 = arith.constant 992 : index
    %get3A_686 = tpu.vector_load %arg5[%get3A_685] {strides = array<i32>} : memref<1024xi32, #tpu.memory_space<vmem>>, vector<16xi32>,
    %get3A_687 = vector.shape_cast %get3A_686 : vector<16xi32> to vector<16xi32>
    %add3A_688 = vector.broadcast %mul3A_4 : i32 to vector<16xi32>
    %add3A_689 = arith.addi %get3A_687, %add3A_688 : vector<16xi32>
    %swap3A_690 = arith.constant 31 : i32
    %swap3A_691 = arith.index_cast %swap3A_690 : i32 to index
    %swap3A_692 = arith.constant 0 : index
    %swap3A_693 = tpu.vector_load %arg6[%swap3A_691, %swap3A_692] {strides = array<i32>} : memref<32x32xi32, #tpu.memory_space<vmem>>, vector<1x16xi32>,
    %swap3A_694 = vector.shape_cast %swap3A_693 : vector<1x16xi32> to vector<16xi32>
    %swap3A_695 = vector.shape_cast %add3A_689 : vector<16xi32> to vector<1x16xi32>
    tpu.vector_store %arg6[%swap3A_691, %swap3A_692], %swap3A_695 {strides = array<i32>} : memref<32x32xi32, #tpu.memory_space<vmem>>, vector<1x16xi32>,
    %get3A_696 = arith.constant 1008 : index
    %get3A_697 = tpu.vector_load %arg5[%get3A_696] {strides = array<i32>} : memref<1024xi32, #tpu.memory_space<vmem>>, vector<16xi32>,
    %get3A_698 = vector.shape_cast %get3A_697 : vector<16xi32> to vector<16xi32>
    %add3A_699 = vector.broadcast %mul3A_4 : i32 to vector<16xi32>
    %add3A_700 = arith.addi %get3A_698, %add3A_699 : vector<16xi32>
    %swap3A_701 = arith.constant 31 : i32
    %swap3A_702 = arith.index_cast %swap3A_701 : i32 to index
    %swap3A_703 = arith.constant 16 : index
    %swap3A_704 = tpu.vector_load %arg6[%swap3A_702, %swap3A_703] {strides = array<i32>} : memref<32x32xi32, #tpu.memory_space<vmem>>, vector<1x16xi32>,
    %swap3A_705 = vector.shape_cast %swap3A_704 : vector<1x16xi32> to vector<16xi32>
    %swap3A_706 = vector.shape_cast %add3A_700 : vector<16xi32> to vector<1x16xi32>
    tpu.vector_store %arg6[%swap3A_702, %swap3A_703], %swap3A_706 {strides = array<i32>} : memref<32x32xi32, #tpu.memory_space<vmem>>, vector<1x16xi32>,
    %dma_start3A = arith.constant 0 : i32
    %dma_start3A_707 = arith.constant 0 : i32
    %dma_start3A_708 = tpu.memref_slice %arg6[%dma_start3A, %dma_start3A_707] : memref<32x32xi32, #tpu.memory_space<vmem>> -> memref<1x32xi32, #tpu.memory_space<vmem>>
    %dma_start3A_709 = tpu.memref_squeeze %dma_start3A_708 : memref<1x32xi32, #tpu.memory_space<vmem>> -> memref<32xi32, #tpu.memory_space<vmem>>
    %dma_start3A_710 = arith.constant 0 : i32
    %dma_start3A_711 = arith.constant 0 : i32
    %dma_start3A_712 = tpu.memref_slice %arg3[%dma_start3A_710, %dma_start3A_711] : memref<2048x1280xf32, #tpu.memory_space<hbm>> -> memref<2048x1280xf32, #tpu.memory_space<hbm>>
    tpu.enqueue_indirect_dma source(%dma_start3A_712 : memref<2048x1280xf32, #tpu.memory_space<hbm>>) target(%arg7 : memref<32x1280xf32, #tpu.memory_space<vmem>>) offsets(%dma_start3A_709 : memref<32xi32, #tpu.memory_space<vmem>>) semaphore(%arg9 : memref<!tpu.dma_semaphore, #tpu.memory_space<semaphore_mem>>)
    %dma_start3A_713 = arith.constant 1 : i32
    %dma_start3A_714 = arith.constant 0 : i32
    %dma_start3A_715 = tpu.memref_slice %arg6[%dma_start3A_713, %dma_start3A_714] : memref<32x32xi32, #tpu.memory_space<vmem>> -> memref<1x32xi32, #tpu.memory_space<vmem>>
    %dma_start3A_716 = tpu.memref_squeeze %dma_start3A_715 : memref<1x32xi32, #tpu.memory_space<vmem>> -> memref<32xi32, #tpu.memory_space<vmem>>
    %dma_start3A_717 = arith.constant 0 : i32
    %dma_start3A_718 = arith.constant 0 : i32
    %dma_start3A_719 = tpu.memref_slice %arg3[%dma_start3A_717, %dma_start3A_718] : memref<2048x1280xf32, #tpu.memory_space<hbm>> -> memref<2048x1280xf32, #tpu.memory_space<hbm>>
    tpu.enqueue_indirect_dma source(%dma_start3A_719 : memref<2048x1280xf32, #tpu.memory_space<hbm>>) target(%arg8 : memref<32x1280xf32, #tpu.memory_space<vmem>>) offsets(%dma_start3A_716 : memref<32xi32, #tpu.memory_space<vmem>>) semaphore(%arg10 : memref<!tpu.dma_semaphore, #tpu.memory_space<semaphore_mem>>)
    %dma_wait3A = arith.constant 0 : i32
    %dma_wait3A_720 = arith.constant 0 : i32
    %dma_wait3A_721 = tpu.memref_slice %arg6[%dma_wait3A, %dma_wait3A_720] : memref<32x32xi32, #tpu.memory_space<vmem>> -> memref<1x32xi32, #tpu.memory_space<vmem>>
    %dma_wait3A_722 = tpu.memref_squeeze %dma_wait3A_721 : memref<1x32xi32, #tpu.memory_space<vmem>> -> memref<32xi32, #tpu.memory_space<vmem>>
    %dma_wait3A_723 = arith.constant 0 : i32
    %dma_wait3A_724 = arith.constant 0 : i32
    %dma_wait3A_725 = tpu.memref_slice %arg3[%dma_wait3A_723, %dma_wait3A_724] : memref<2048x1280xf32, #tpu.memory_space<hbm>> -> memref<2048x1280xf32, #tpu.memory_space<hbm>>
    tpu.wait_indirect_dma semaphore(%arg9 : memref<!tpu.dma_semaphore, #tpu.memory_space<semaphore_mem>>) src(%dma_wait3A_725 : memref<2048x1280xf32, #tpu.memory_space<hbm>>) dst(%arg7 : memref<32x1280xf32, #tpu.memory_space<vmem>>)
    %add3A_726 = arith.constant 0 : i32
    %add3A_727 = arith.addi %mul3A_2, %add3A_726 : i32
    %dma_start3A_728 = arith.constant 0 : i32
    %dma_start3A_729 = tpu.memref_slice %arg4[%add3A_727, %dma_start3A_728] : memref<32768x1280xf32, #tpu.memory_space<hbm>> -> memref<32x1280xf32, #tpu.memory_space<hbm>>
    %dma_start3A_730 = arith.constant 0 : i32
    %dma_start3A_731 = tpu.memref_slice %arg4[%add3A_727, %dma_start3A_730] : memref<32768x1280xf32, #tpu.memory_space<hbm>> -> memref<32x1280xf32, #tpu.memory_space<hbm>>
    tpu.enqueue_dma source(%arg7 : memref<32x1280xf32, #tpu.memory_space<vmem>>) target(%dma_start3A_731 : memref<32x1280xf32, #tpu.memory_space<hbm>>) target_semaphore(%arg11 : memref<!tpu.dma_semaphore, #tpu.memory_space<semaphore_mem>>)
    %dma_wait3A_732 = arith.constant 0 : i32
    %dma_wait3A_733 = tpu.memref_slice %arg4[%add3A_727, %dma_wait3A_732] : memref<32768x1280xf32, #tpu.memory_space<hbm>> -> memref<32x1280xf32, #tpu.memory_space<hbm>>
    %dma_wait3A_734 = arith.constant 0 : i32
    %dma_wait3A_735 = tpu.memref_slice %arg4[%add3A_727, %dma_wait3A_734] : memref<32768x1280xf32, #tpu.memory_space<hbm>> -> memref<32x1280xf32, #tpu.memory_space<hbm>>
    tpu.wait_dma2 semaphore(%arg11 : memref<!tpu.dma_semaphore, #tpu.memory_space<semaphore_mem>>) src(%arg7 : memref<32x1280xf32, #tpu.memory_space<vmem>>) dst(%dma_wait3A_735 : memref<32x1280xf32, #tpu.memory_space<hbm>>)
    %dma_start3A_736 = arith.constant 2 : i32
    %dma_start3A_737 = arith.constant 0 : i32
    %dma_start3A_738 = tpu.memref_slice %arg6[%dma_start3A_736, %dma_start3A_737] : memref<32x32xi32, #tpu.memory_space<vmem>> -> memref<1x32xi32, #tpu.memory_space<vmem>>
    %dma_start3A_739 = tpu.memref_squeeze %dma_start3A_738 : memref<1x32xi32, #tpu.memory_space<vmem>> -> memref<32xi32, #tpu.memory_space<vmem>>
    %dma_start3A_740 = arith.constant 0 : i32
    %dma_start3A_741 = arith.constant 0 : i32
    %dma_start3A_742 = tpu.memref_slice %arg3[%dma_start3A_740, %dma_start3A_741] : memref<2048x1280xf32, #tpu.memory_space<hbm>> -> memref<2048x1280xf32, #tpu.memory_space<hbm>>
    tpu.enqueue_indirect_dma source(%dma_start3A_742 : memref<2048x1280xf32, #tpu.memory_space<hbm>>) target(%arg7 : memref<32x1280xf32, #tpu.memory_space<vmem>>) offsets(%dma_start3A_739 : memref<32xi32, #tpu.memory_space<vmem>>) semaphore(%arg9 : memref<!tpu.dma_semaphore, #tpu.memory_space<semaphore_mem>>)
    %dma_wait3A_743 = arith.constant 1 : i32
    %dma_wait3A_744 = arith.constant 0 : i32
    %dma_wait3A_745 = tpu.memref_slice %arg6[%dma_wait3A_743, %dma_wait3A_744] : memref<32x32xi32, #tpu.memory_space<vmem>> -> memref<1x32xi32, #tpu.memory_space<vmem>>
    %dma_wait3A_746 = tpu.memref_squeeze %dma_wait3A_745 : memref<1x32xi32, #tpu.memory_space<vmem>> -> memref<32xi32, #tpu.memory_space<vmem>>
    %dma_wait3A_747 = arith.constant 0 : i32
    %dma_wait3A_748 = arith.constant 0 : i32
    %dma_wait3A_749 = tpu.memref_slice %arg3[%dma_wait3A_747, %dma_wait3A_748] : memref<2048x1280xf32, #tpu.memory_space<hbm>> -> memref<2048x1280xf32, #tpu.memory_space<hbm>>
    tpu.wait_indirect_dma semaphore(%arg10 : memref<!tpu.dma_semaphore, #tpu.memory_space<semaphore_mem>>) src(%dma_wait3A_749 : memref<2048x1280xf32, #tpu.memory_space<hbm>>) dst(%arg8 : memref<32x1280xf32, #tpu.memory_space<vmem>>)
    %add3A_750 = arith.constant 32 : i32
    %add3A_751 = arith.addi %mul3A_2, %add3A_750 : i32
    %dma_start3A_752 = arith.constant 0 : i32
    %dma_start3A_753 = tpu.memref_slice %arg4[%add3A_751, %dma_start3A_752] : memref<32768x1280xf32, #tpu.memory_space<hbm>> -> memref<32x1280xf32, #tpu.memory_space<hbm>>
    %dma_start3A_754 = arith.constant 0 : i32
    %dma_start3A_755 = tpu.memref_slice %arg4[%add3A_751, %dma_start3A_754] : memref<32768x1280xf32, #tpu.memory_space<hbm>> -> memref<32x1280xf32, #tpu.memory_space<hbm>>
    tpu.enqueue_dma source(%arg8 : memref<32x1280xf32, #tpu.memory_space<vmem>>) target(%dma_start3A_755 : memref<32x1280xf32, #tpu.memory_space<hbm>>) target_semaphore(%arg12 : memref<!tpu.dma_semaphore, #tpu.memory_space<semaphore_mem>>)
    %dma_wait3A_756 = arith.constant 0 : i32
    %dma_wait3A_757 = tpu.memref_slice %arg4[%add3A_751, %dma_wait3A_756] : memref<32768x1280xf32, #tpu.memory_space<hbm>> -> memref<32x1280xf32, #tpu.memory_space<hbm>>
    %dma_wait3A_758 = arith.constant 0 : i32
    %dma_wait3A_759 = tpu.memref_slice %arg4[%add3A_751, %dma_wait3A_758] : memref<32768x1280xf32, #tpu.memory_space<hbm>> -> memref<32x1280xf32, #tpu.memory_space<hbm>>
    tpu.wait_dma2 semaphore(%arg12 : memref<!tpu.dma_semaphore, #tpu.memory_space<semaphore_mem>>) src(%arg8 : memref<32x1280xf32, #tpu.memory_space<vmem>>) dst(%dma_wait3A_759 : memref<32x1280xf32, #tpu.memory_space<hbm>>)
    %dma_start3A_760 = arith.constant 3 : i32
    %dma_start3A_761 = arith.constant 0 : i32
    %dma_start3A_762 = tpu.memref_slice %arg6[%dma_start3A_760, %dma_start3A_761] : memref<32x32xi32, #tpu.memory_space<vmem>> -> memref<1x32xi32, #tpu.memory_space<vmem>>
    %dma_start3A_763 = tpu.memref_squeeze %dma_start3A_762 : memref<1x32xi32, #tpu.memory_space<vmem>> -> memref<32xi32, #tpu.memory_space<vmem>>
    %dma_start3A_764 = arith.constant 0 : i32
    %dma_start3A_765 = arith.constant 0 : i32
    %dma_start3A_766 = tpu.memref_slice %arg3[%dma_start3A_764, %dma_start3A_765] : memref<2048x1280xf32, #tpu.memory_space<hbm>> -> memref<2048x1280xf32, #tpu.memory_space<hbm>>
    tpu.enqueue_indirect_dma source(%dma_start3A_766 : memref<2048x1280xf32, #tpu.memory_space<hbm>>) target(%arg8 : memref<32x1280xf32, #tpu.memory_space<vmem>>) offsets(%dma_start3A_763 : memref<32xi32, #tpu.memory_space<vmem>>) semaphore(%arg10 : memref<!tpu.dma_semaphore, #tpu.memory_space<semaphore_mem>>)
    %dma_wait3A_767 = arith.constant 2 : i32
    %dma_wait3A_768 = arith.constant 0 : i32
    %dma_wait3A_769 = tpu.memref_slice %arg6[%dma_wait3A_767, %dma_wait3A_768] : memref<32x32xi32, #tpu.memory_space<vmem>> -> memref<1x32xi32, #tpu.memory_space<vmem>>
    %dma_wait3A_770 = tpu.memref_squeeze %dma_wait3A_769 : memref<1x32xi32, #tpu.memory_space<vmem>> -> memref<32xi32, #tpu.memory_space<vmem>>
    %dma_wait3A_771 = arith.constant 0 : i32
    %dma_wait3A_772 = arith.constant 0 : i32
    %dma_wait3A_773 = tpu.memref_slice %arg3[%dma_wait3A_771, %dma_wait3A_772] : memref<2048x1280xf32, #tpu.memory_space<hbm>> -> memref<2048x1280xf32, #tpu.memory_space<hbm>>
    tpu.wait_indirect_dma semaphore(%arg9 : memref<!tpu.dma_semaphore, #tpu.memory_space<semaphore_mem>>) src(%dma_wait3A_773 : memref<2048x1280xf32, #tpu.memory_space<hbm>>) dst(%arg7 : memref<32x1280xf32, #tpu.memory_space<vmem>>)
    %add3A_774 = arith.constant 64 : i32
    %add3A_775 = arith.addi %mul3A_2, %add3A_774 : i32
    %dma_start3A_776 = arith.constant 0 : i32
    %dma_start3A_777 = tpu.memref_slice %arg4[%add3A_775, %dma_start3A_776] : memref<32768x1280xf32, #tpu.memory_space<hbm>> -> memref<32x1280xf32, #tpu.memory_space<hbm>>
    %dma_start3A_778 = arith.constant 0 : i32
    %dma_start3A_779 = tpu.memref_slice %arg4[%add3A_775, %dma_start3A_778] : memref<32768x1280xf32, #tpu.memory_space<hbm>> -> memref<32x1280xf32, #tpu.memory_space<hbm>>
    tpu.enqueue_dma source(%arg7 : memref<32x1280xf32, #tpu.memory_space<vmem>>) target(%dma_start3A_779 : memref<32x1280xf32, #tpu.memory_space<hbm>>) target_semaphore(%arg11 : memref<!tpu.dma_semaphore, #tpu.memory_space<semaphore_mem>>)
    %dma_wait3A_780 = arith.constant 0 : i32
    %dma_wait3A_781 = tpu.memref_slice %arg4[%add3A_775, %dma_wait3A_780] : memref<32768x1280xf32, #tpu.memory_space<hbm>> -> memref<32x1280xf32, #tpu.memory_space<hbm>>
    %dma_wait3A_782 = arith.constant 0 : i32
    %dma_wait3A_783 = tpu.memref_slice %arg4[%add3A_775, %dma_wait3A_782] : memref<32768x1280xf32, #tpu.memory_space<hbm>> -> memref<32x1280xf32, #tpu.memory_space<hbm>>
    tpu.wait_dma2 semaphore(%arg11 : memref<!tpu.dma_semaphore, #tpu.memory_space<semaphore_mem>>) src(%arg7 : memref<32x1280xf32, #tpu.memory_space<vmem>>) dst(%dma_wait3A_783 : memref<32x1280xf32, #tpu.memory_space<hbm>>)
    %dma_start3A_784 = arith.constant 4 : i32
    %dma_start3A_785 = arith.constant 0 : i32
    %dma_start3A_786 = tpu.memref_slice %arg6[%dma_start3A_784, %dma_start3A_785] : memref<32x32xi32, #tpu.memory_space<vmem>> -> memref<1x32xi32, #tpu.memory_space<vmem>>
    %dma_start3A_787 = tpu.memref_squeeze %dma_start3A_786 : memref<1x32xi32, #tpu.memory_space<vmem>> -> memref<32xi32, #tpu.memory_space<vmem>>
    %dma_start3A_788 = arith.constant 0 : i32
    %dma_start3A_789 = arith.constant 0 : i32
    %dma_start3A_790 = tpu.memref_slice %arg3[%dma_start3A_788, %dma_start3A_789] : memref<2048x1280xf32, #tpu.memory_space<hbm>> -> memref<2048x1280xf32, #tpu.memory_space<hbm>>
    tpu.enqueue_indirect_dma source(%dma_start3A_790 : memref<2048x1280xf32, #tpu.memory_space<hbm>>) target(%arg7 : memref<32x1280xf32, #tpu.memory_space<vmem>>) offsets(%dma_start3A_787 : memref<32xi32, #tpu.memory_space<vmem>>) semaphore(%arg9 : memref<!tpu.dma_semaphore, #tpu.memory_space<semaphore_mem>>)
    %dma_wait3A_791 = arith.constant 3 : i32
    %dma_wait3A_792 = arith.constant 0 : i32
    %dma_wait3A_793 = tpu.memref_slice %arg6[%dma_wait3A_791, %dma_wait3A_792] : memref<32x32xi32, #tpu.memory_space<vmem>> -> memref<1x32xi32, #tpu.memory_space<vmem>>
    %dma_wait3A_794 = tpu.memref_squeeze %dma_wait3A_793 : memref<1x32xi32, #tpu.memory_space<vmem>> -> memref<32xi32, #tpu.memory_space<vmem>>
    %dma_wait3A_795 = arith.constant 0 : i32
    %dma_wait3A_796 = arith.constant 0 : i32
    %dma_wait3A_797 = tpu.memref_slice %arg3[%dma_wait3A_795, %dma_wait3A_796] : memref<2048x1280xf32, #tpu.memory_space<hbm>> -> memref<2048x1280xf32, #tpu.memory_space<hbm>>
    tpu.wait_indirect_dma semaphore(%arg10 : memref<!tpu.dma_semaphore, #tpu.memory_space<semaphore_mem>>) src(%dma_wait3A_797 : memref<2048x1280xf32, #tpu.memory_space<hbm>>) dst(%arg8 : memref<32x1280xf32, #tpu.memory_space<vmem>>)
    %add3A_798 = arith.constant 96 : i32
    %add3A_799 = arith.addi %mul3A_2, %add3A_798 : i32
    %dma_start3A_800 = arith.constant 0 : i32
    %dma_start3A_801 = tpu.memref_slice %arg4[%add3A_799, %dma_start3A_800] : memref<32768x1280xf32, #tpu.memory_space<hbm>> -> memref<32x1280xf32, #tpu.memory_space<hbm>>
    %dma_start3A_802 = arith.constant 0 : i32
    %dma_start3A_803 = tpu.memref_slice %arg4[%add3A_799, %dma_start3A_802] : memref<32768x1280xf32, #tpu.memory_space<hbm>> -> memref<32x1280xf32, #tpu.memory_space<hbm>>
    tpu.enqueue_dma source(%arg8 : memref<32x1280xf32, #tpu.memory_space<vmem>>) target(%dma_start3A_803 : memref<32x1280xf32, #tpu.memory_space<hbm>>) target_semaphore(%arg12 : memref<!tpu.dma_semaphore, #tpu.memory_space<semaphore_mem>>)
    %dma_wait3A_804 = arith.constant 0 : i32
    %dma_wait3A_805 = tpu.memref_slice %arg4[%add3A_799, %dma_wait3A_804] : memref<32768x1280xf32, #tpu.memory_space<hbm>> -> memref<32x1280xf32, #tpu.memory_space<hbm>>
    %dma_wait3A_806 = arith.constant 0 : i32
    %dma_wait3A_807 = tpu.memref_slice %arg4[%add3A_799, %dma_wait3A_806] : memref<32768x1280xf32, #tpu.memory_space<hbm>> -> memref<32x1280xf32, #tpu.memory_space<hbm>>
    tpu.wait_dma2 semaphore(%arg12 : memref<!tpu.dma_semaphore, #tpu.memory_space<semaphore_mem>>) src(%arg8 : memref<32x1280xf32, #tpu.memory_space<vmem>>) dst(%dma_wait3A_807 : memref<32x1280xf32, #tpu.memory_space<hbm>>)
    %dma_start3A_808 = arith.constant 5 : i32
    %dma_start3A_809 = arith.constant 0 : i32
    %dma_start3A_810 = tpu.memref_slice %arg6[%dma_start3A_808, %dma_start3A_809] : memref<32x32xi32, #tpu.memory_space<vmem>> -> memref<1x32xi32, #tpu.memory_space<vmem>>
    %dma_start3A_811 = tpu.memref_squeeze %dma_start3A_810 : memref<1x32xi32, #tpu.memory_space<vmem>> -> memref<32xi32, #tpu.memory_space<vmem>>
    %dma_start3A_812 = arith.constant 0 : i32
    %dma_start3A_813 = arith.constant 0 : i32
    %dma_start3A_814 = tpu.memref_slice %arg3[%dma_start3A_812, %dma_start3A_813] : memref<2048x1280xf32, #tpu.memory_space<hbm>> -> memref<2048x1280xf32, #tpu.memory_space<hbm>>
    tpu.enqueue_indirect_dma source(%dma_start3A_814 : memref<2048x1280xf32, #tpu.memory_space<hbm>>) target(%arg8 : memref<32x1280xf32, #tpu.memory_space<vmem>>) offsets(%dma_start3A_811 : memref<32xi32, #tpu.memory_space<vmem>>) semaphore(%arg10 : memref<!tpu.dma_semaphore, #tpu.memory_space<semaphore_mem>>)
    %dma_wait3A_815 = arith.constant 4 : i32
    %dma_wait3A_816 = arith.constant 0 : i32
    %dma_wait3A_817 = tpu.memref_slice %arg6[%dma_wait3A_815, %dma_wait3A_816] : memref<32x32xi32, #tpu.memory_space<vmem>> -> memref<1x32xi32, #tpu.memory_space<vmem>>
    %dma_wait3A_818 = tpu.memref_squeeze %dma_wait3A_817 : memref<1x32xi32, #tpu.memory_space<vmem>> -> memref<32xi32, #tpu.memory_space<vmem>>
    %dma_wait3A_819 = arith.constant 0 : i32
    %dma_wait3A_820 = arith.constant 0 : i32
    %dma_wait3A_821 = tpu.memref_slice %arg3[%dma_wait3A_819, %dma_wait3A_820] : memref<2048x1280xf32, #tpu.memory_space<hbm>> -> memref<2048x1280xf32, #tpu.memory_space<hbm>>
    tpu.wait_indirect_dma semaphore(%arg9 : memref<!tpu.dma_semaphore, #tpu.memory_space<semaphore_mem>>) src(%dma_wait3A_821 : memref<2048x1280xf32, #tpu.memory_space<hbm>>) dst(%arg7 : memref<32x1280xf32, #tpu.memory_space<vmem>>)
    %add3A_822 = arith.constant 128 : i32
    %add3A_823 = arith.addi %mul3A_2, %add3A_822 : i32
    %dma_start3A_824 = arith.constant 0 : i32
    %dma_start3A_825 = tpu.memref_slice %arg4[%add3A_823, %dma_start3A_824] : memref<32768x1280xf32, #tpu.memory_space<hbm>> -> memref<32x1280xf32, #tpu.memory_space<hbm>>
    %dma_start3A_826 = arith.constant 0 : i32
    %dma_start3A_827 = tpu.memref_slice %arg4[%add3A_823, %dma_start3A_826] : memref<32768x1280xf32, #tpu.memory_space<hbm>> -> memref<32x1280xf32, #tpu.memory_space<hbm>>
    tpu.enqueue_dma source(%arg7 : memref<32x1280xf32, #tpu.memory_space<vmem>>) target(%dma_start3A_827 : memref<32x1280xf32, #tpu.memory_space<hbm>>) target_semaphore(%arg11 : memref<!tpu.dma_semaphore, #tpu.memory_space<semaphore_mem>>)
    %dma_wait3A_828 = arith.constant 0 : i32
    %dma_wait3A_829 = tpu.memref_slice %arg4[%add3A_823, %dma_wait3A_828] : memref<32768x1280xf32, #tpu.memory_space<hbm>> -> memref<32x1280xf32, #tpu.memory_space<hbm>>
    %dma_wait3A_830 = arith.constant 0 : i32
    %dma_wait3A_831 = tpu.memref_slice %arg4[%add3A_823, %dma_wait3A_830] : memref<32768x1280xf32, #tpu.memory_space<hbm>> -> memref<32x1280xf32, #tpu.memory_space<hbm>>
    tpu.wait_dma2 semaphore(%arg11 : memref<!tpu.dma_semaphore, #tpu.memory_space<semaphore_mem>>) src(%arg7 : memref<32x1280xf32, #tpu.memory_space<vmem>>) dst(%dma_wait3A_831 : memref<32x1280xf32, #tpu.memory_space<hbm>>)
    %dma_start3A_832 = arith.constant 6 : i32
    %dma_start3A_833 = arith.constant 0 : i32
    %dma_start3A_834 = tpu.memref_slice %arg6[%dma_start3A_832, %dma_start3A_833] : memref<32x32xi32, #tpu.memory_space<vmem>> -> memref<1x32xi32, #tpu.memory_space<vmem>>
    %dma_start3A_835 = tpu.memref_squeeze %dma_start3A_834 : memref<1x32xi32, #tpu.memory_space<vmem>> -> memref<32xi32, #tpu.memory_space<vmem>>
    %dma_start3A_836 = arith.constant 0 : i32
    %dma_start3A_837 = arith.constant 0 : i32
    %dma_start3A_838 = tpu.memref_slice %arg3[%dma_start3A_836, %dma_start3A_837] : memref<2048x1280xf32, #tpu.memory_space<hbm>> -> memref<2048x1280xf32, #tpu.memory_space<hbm>>
    tpu.enqueue_indirect_dma source(%dma_start3A_838 : memref<2048x1280xf32, #tpu.memory_space<hbm>>) target(%arg7 : memref<32x1280xf32, #tpu.memory_space<vmem>>) offsets(%dma_start3A_835 : memref<32xi32, #tpu.memory_space<vmem>>) semaphore(%arg9 : memref<!tpu.dma_semaphore, #tpu.memory_space<semaphore_mem>>)
    %dma_wait3A_839 = arith.constant 5 : i32
    %dma_wait3A_840 = arith.constant 0 : i32
    %dma_wait3A_841 = tpu.memref_slice %arg6[%dma_wait3A_839, %dma_wait3A_840] : memref<32x32xi32, #tpu.memory_space<vmem>> -> memref<1x32xi32, #tpu.memory_space<vmem>>
    %dma_wait3A_842 = tpu.memref_squeeze %dma_wait3A_841 : memref<1x32xi32, #tpu.memory_space<vmem>> -> memref<32xi32, #tpu.memory_space<vmem>>
    %dma_wait3A_843 = arith.constant 0 : i32
    %dma_wait3A_844 = arith.constant 0 : i32
    %dma_wait3A_845 = tpu.memref_slice %arg3[%dma_wait3A_843, %dma_wait3A_844] : memref<2048x1280xf32, #tpu.memory_space<hbm>> -> memref<2048x1280xf32, #tpu.memory_space<hbm>>
    tpu.wait_indirect_dma semaphore(%arg10 : memref<!tpu.dma_semaphore, #tpu.memory_space<semaphore_mem>>) src(%dma_wait3A_845 : memref<2048x1280xf32, #tpu.memory_space<hbm>>) dst(%arg8 : memref<32x1280xf32, #tpu.memory_space<vmem>>)
    %add3A_846 = arith.constant 160 : i32
    %add3A_847 = arith.addi %mul3A_2, %add3A_846 : i32
    %dma_start3A_848 = arith.constant 0 : i32
    %dma_start3A_849 = tpu.memref_slice %arg4[%add3A_847, %dma_start3A_848] : memref<32768x1280xf32, #tpu.memory_space<hbm>> -> memref<32x1280xf32, #tpu.memory_space<hbm>>
    %dma_start3A_850 = arith.constant 0 : i32
    %dma_start3A_851 = tpu.memref_slice %arg4[%add3A_847, %dma_start3A_850] : memref<32768x1280xf32, #tpu.memory_space<hbm>> -> memref<32x1280xf32, #tpu.memory_space<hbm>>
    tpu.enqueue_dma source(%arg8 : memref<32x1280xf32, #tpu.memory_space<vmem>>) target(%dma_start3A_851 : memref<32x1280xf32, #tpu.memory_space<hbm>>) target_semaphore(%arg12 : memref<!tpu.dma_semaphore, #tpu.memory_space<semaphore_mem>>)
    %dma_wait3A_852 = arith.constant 0 : i32
    %dma_wait3A_853 = tpu.memref_slice %arg4[%add3A_847, %dma_wait3A_852] : memref<32768x1280xf32, #tpu.memory_space<hbm>> -> memref<32x1280xf32, #tpu.memory_space<hbm>>
    %dma_wait3A_854 = arith.constant 0 : i32
    %dma_wait3A_855 = tpu.memref_slice %arg4[%add3A_847, %dma_wait3A_854] : memref<32768x1280xf32, #tpu.memory_space<hbm>> -> memref<32x1280xf32, #tpu.memory_space<hbm>>
    tpu.wait_dma2 semaphore(%arg12 : memref<!tpu.dma_semaphore, #tpu.memory_space<semaphore_mem>>) src(%arg8 : memref<32x1280xf32, #tpu.memory_space<vmem>>) dst(%dma_wait3A_855 : memref<32x1280xf32, #tpu.memory_space<hbm>>)
    %dma_start3A_856 = arith.constant 7 : i32
    %dma_start3A_857 = arith.constant 0 : i32
    %dma_start3A_858 = tpu.memref_slice %arg6[%dma_start3A_856, %dma_start3A_857] : memref<32x32xi32, #tpu.memory_space<vmem>> -> memref<1x32xi32, #tpu.memory_space<vmem>>
    %dma_start3A_859 = tpu.memref_squeeze %dma_start3A_858 : memref<1x32xi32, #tpu.memory_space<vmem>> -> memref<32xi32, #tpu.memory_space<vmem>>
    %dma_start3A_860 = arith.constant 0 : i32
    %dma_start3A_861 = arith.constant 0 : i32
    %dma_start3A_862 = tpu.memref_slice %arg3[%dma_start3A_860, %dma_start3A_861] : memref<2048x1280xf32, #tpu.memory_space<hbm>> -> memref<2048x1280xf32, #tpu.memory_space<hbm>>
    tpu.enqueue_indirect_dma source(%dma_start3A_862 : memref<2048x1280xf32, #tpu.memory_space<hbm>>) target(%arg8 : memref<32x1280xf32, #tpu.memory_space<vmem>>) offsets(%dma_start3A_859 : memref<32xi32, #tpu.memory_space<vmem>>) semaphore(%arg10 : memref<!tpu.dma_semaphore, #tpu.memory_space<semaphore_mem>>)
    %dma_wait3A_863 = arith.constant 6 : i32
    %dma_wait3A_864 = arith.constant 0 : i32
    %dma_wait3A_865 = tpu.memref_slice %arg6[%dma_wait3A_863, %dma_wait3A_864] : memref<32x32xi32, #tpu.memory_space<vmem>> -> memref<1x32xi32, #tpu.memory_space<vmem>>
    %dma_wait3A_866 = tpu.memref_squeeze %dma_wait3A_865 : memref<1x32xi32, #tpu.memory_space<vmem>> -> memref<32xi32, #tpu.memory_space<vmem>>
    %dma_wait3A_867 = arith.constant 0 : i32
    %dma_wait3A_868 = arith.constant 0 : i32
    %dma_wait3A_869 = tpu.memref_slice %arg3[%dma_wait3A_867, %dma_wait3A_868] : memref<2048x1280xf32, #tpu.memory_space<hbm>> -> memref<2048x1280xf32, #tpu.memory_space<hbm>>
    tpu.wait_indirect_dma semaphore(%arg9 : memref<!tpu.dma_semaphore, #tpu.memory_space<semaphore_mem>>) src(%dma_wait3A_869 : memref<2048x1280xf32, #tpu.memory_space<hbm>>) dst(%arg7 : memref<32x1280xf32, #tpu.memory_space<vmem>>)
    %add3A_870 = arith.constant 192 : i32
    %add3A_871 = arith.addi %mul3A_2, %add3A_870 : i32
    %dma_start3A_872 = arith.constant 0 : i32
    %dma_start3A_873 = tpu.memref_slice %arg4[%add3A_871, %dma_start3A_872] : memref<32768x1280xf32, #tpu.memory_space<hbm>> -> memref<32x1280xf32, #tpu.memory_space<hbm>>
    %dma_start3A_874 = arith.constant 0 : i32
    %dma_start3A_875 = tpu.memref_slice %arg4[%add3A_871, %dma_start3A_874] : memref<32768x1280xf32, #tpu.memory_space<hbm>> -> memref<32x1280xf32, #tpu.memory_space<hbm>>
    tpu.enqueue_dma source(%arg7 : memref<32x1280xf32, #tpu.memory_space<vmem>>) target(%dma_start3A_875 : memref<32x1280xf32, #tpu.memory_space<hbm>>) target_semaphore(%arg11 : memref<!tpu.dma_semaphore, #tpu.memory_space<semaphore_mem>>)
    %dma_wait3A_876 = arith.constant 0 : i32
    %dma_wait3A_877 = tpu.memref_slice %arg4[%add3A_871, %dma_wait3A_876] : memref<32768x1280xf32, #tpu.memory_space<hbm>> -> memref<32x1280xf32, #tpu.memory_space<hbm>>
    %dma_wait3A_878 = arith.constant 0 : i32
    %dma_wait3A_879 = tpu.memref_slice %arg4[%add3A_871, %dma_wait3A_878] : memref<32768x1280xf32, #tpu.memory_space<hbm>> -> memref<32x1280xf32, #tpu.memory_space<hbm>>
    tpu.wait_dma2 semaphore(%arg11 : memref<!tpu.dma_semaphore, #tpu.memory_space<semaphore_mem>>) src(%arg7 : memref<32x1280xf32, #tpu.memory_space<vmem>>) dst(%dma_wait3A_879 : memref<32x1280xf32, #tpu.memory_space<hbm>>)
    %dma_start3A_880 = arith.constant 8 : i32
    %dma_start3A_881 = arith.constant 0 : i32
    %dma_start3A_882 = tpu.memref_slice %arg6[%dma_start3A_880, %dma_start3A_881] : memref<32x32xi32, #tpu.memory_space<vmem>> -> memref<1x32xi32, #tpu.memory_space<vmem>>
    %dma_start3A_883 = tpu.memref_squeeze %dma_start3A_882 : memref<1x32xi32, #tpu.memory_space<vmem>> -> memref<32xi32, #tpu.memory_space<vmem>>
    %dma_start3A_884 = arith.constant 0 : i32
    %dma_start3A_885 = arith.constant 0 : i32
    %dma_start3A_886 = tpu.memref_slice %arg3[%dma_start3A_884, %dma_start3A_885] : memref<2048x1280xf32, #tpu.memory_space<hbm>> -> memref<2048x1280xf32, #tpu.memory_space<hbm>>
    tpu.enqueue_indirect_dma source(%dma_start3A_886 : memref<2048x1280xf32, #tpu.memory_space<hbm>>) target(%arg7 : memref<32x1280xf32, #tpu.memory_space<vmem>>) offsets(%dma_start3A_883 : memref<32xi32, #tpu.memory_space<vmem>>) semaphore(%arg9 : memref<!tpu.dma_semaphore, #tpu.memory_space<semaphore_mem>>)
    %dma_wait3A_887 = arith.constant 7 : i32
    %dma_wait3A_888 = arith.constant 0 : i32
    %dma_wait3A_889 = tpu.memref_slice %arg6[%dma_wait3A_887, %dma_wait3A_888] : memref<32x32xi32, #tpu.memory_space<vmem>> -> memref<1x32xi32, #tpu.memory_space<vmem>>
    %dma_wait3A_890 = tpu.memref_squeeze %dma_wait3A_889 : memref<1x32xi32, #tpu.memory_space<vmem>> -> memref<32xi32, #tpu.memory_space<vmem>>
    %dma_wait3A_891 = arith.constant 0 : i32
    %dma_wait3A_892 = arith.constant 0 : i32
    %dma_wait3A_893 = tpu.memref_slice %arg3[%dma_wait3A_891, %dma_wait3A_892] : memref<2048x1280xf32, #tpu.memory_space<hbm>> -> memref<2048x1280xf32, #tpu.memory_space<hbm>>
    tpu.wait_indirect_dma semaphore(%arg10 : memref<!tpu.dma_semaphore, #tpu.memory_space<semaphore_mem>>) src(%dma_wait3A_893 : memref<2048x1280xf32, #tpu.memory_space<hbm>>) dst(%arg8 : memref<32x1280xf32, #tpu.memory_space<vmem>>)
    %add3A_894 = arith.constant 224 : i32
    %add3A_895 = arith.addi %mul3A_2, %add3A_894 : i32
    %dma_start3A_896 = arith.constant 0 : i32
    %dma_start3A_897 = tpu.memref_slice %arg4[%add3A_895, %dma_start3A_896] : memref<32768x1280xf32, #tpu.memory_space<hbm>> -> memref<32x1280xf32, #tpu.memory_space<hbm>>
    %dma_start3A_898 = arith.constant 0 : i32
    %dma_start3A_899 = tpu.memref_slice %arg4[%add3A_895, %dma_start3A_898] : memref<32768x1280xf32, #tpu.memory_space<hbm>> -> memref<32x1280xf32, #tpu.memory_space<hbm>>
    tpu.enqueue_dma source(%arg8 : memref<32x1280xf32, #tpu.memory_space<vmem>>) target(%dma_start3A_899 : memref<32x1280xf32, #tpu.memory_space<hbm>>) target_semaphore(%arg12 : memref<!tpu.dma_semaphore, #tpu.memory_space<semaphore_mem>>)
    %dma_wait3A_900 = arith.constant 0 : i32
    %dma_wait3A_901 = tpu.memref_slice %arg4[%add3A_895, %dma_wait3A_900] : memref<32768x1280xf32, #tpu.memory_space<hbm>> -> memref<32x1280xf32, #tpu.memory_space<hbm>>
    %dma_wait3A_902 = arith.constant 0 : i32
    %dma_wait3A_903 = tpu.memref_slice %arg4[%add3A_895, %dma_wait3A_902] : memref<32768x1280xf32, #tpu.memory_space<hbm>> -> memref<32x1280xf32, #tpu.memory_space<hbm>>
    tpu.wait_dma2 semaphore(%arg12 : memref<!tpu.dma_semaphore, #tpu.memory_space<semaphore_mem>>) src(%arg8 : memref<32x1280xf32, #tpu.memory_space<vmem>>) dst(%dma_wait3A_903 : memref<32x1280xf32, #tpu.memory_space<hbm>>)
    %dma_start3A_904 = arith.constant 9 : i32
    %dma_start3A_905 = arith.constant 0 : i32
    %dma_start3A_906 = tpu.memref_slice %arg6[%dma_start3A_904, %dma_start3A_905] : memref<32x32xi32, #tpu.memory_space<vmem>> -> memref<1x32xi32, #tpu.memory_space<vmem>>
    %dma_start3A_907 = tpu.memref_squeeze %dma_start3A_906 : memref<1x32xi32, #tpu.memory_space<vmem>> -> memref<32xi32, #tpu.memory_space<vmem>>
    %dma_start3A_908 = arith.constant 0 : i32
    %dma_start3A_909 = arith.constant 0 : i32
    %dma_start3A_910 = tpu.memref_slice %arg3[%dma_start3A_908, %dma_start3A_909] : memref<2048x1280xf32, #tpu.memory_space<hbm>> -> memref<2048x1280xf32, #tpu.memory_space<hbm>>
    tpu.enqueue_indirect_dma source(%dma_start3A_910 : memref<2048x1280xf32, #tpu.memory_space<hbm>>) target(%arg8 : memref<32x1280xf32, #tpu.memory_space<vmem>>) offsets(%dma_start3A_907 : memref<32xi32, #tpu.memory_space<vmem>>) semaphore(%arg10 : memref<!tpu.dma_semaphore, #tpu.memory_space<semaphore_mem>>)
    %dma_wait3A_911 = arith.constant 8 : i32
    %dma_wait3A_912 = arith.constant 0 : i32
    %dma_wait3A_913 = tpu.memref_slice %arg6[%dma_wait3A_911, %dma_wait3A_912] : memref<32x32xi32, #tpu.memory_space<vmem>> -> memref<1x32xi32, #tpu.memory_space<vmem>>
    %dma_wait3A_914 = tpu.memref_squeeze %dma_wait3A_913 : memref<1x32xi32, #tpu.memory_space<vmem>> -> memref<32xi32, #tpu.memory_space<vmem>>
    %dma_wait3A_915 = arith.constant 0 : i32
    %dma_wait3A_916 = arith.constant 0 : i32
    %dma_wait3A_917 = tpu.memref_slice %arg3[%dma_wait3A_915, %dma_wait3A_916] : memref<2048x1280xf32, #tpu.memory_space<hbm>> -> memref<2048x1280xf32, #tpu.memory_space<hbm>>
    tpu.wait_indirect_dma semaphore(%arg9 : memref<!tpu.dma_semaphore, #tpu.memory_space<semaphore_mem>>) src(%dma_wait3A_917 : memref<2048x1280xf32, #tpu.memory_space<hbm>>) dst(%arg7 : memref<32x1280xf32, #tpu.memory_space<vmem>>)
    %add3A_918 = arith.constant 256 : i32
    %add3A_919 = arith.addi %mul3A_2, %add3A_918 : i32
    %dma_start3A_920 = arith.constant 0 : i32
    %dma_start3A_921 = tpu.memref_slice %arg4[%add3A_919, %dma_start3A_920] : memref<32768x1280xf32, #tpu.memory_space<hbm>> -> memref<32x1280xf32, #tpu.memory_space<hbm>>
    %dma_start3A_922 = arith.constant 0 : i32
    %dma_start3A_923 = tpu.memref_slice %arg4[%add3A_919, %dma_start3A_922] : memref<32768x1280xf32, #tpu.memory_space<hbm>> -> memref<32x1280xf32, #tpu.memory_space<hbm>>
    tpu.enqueue_dma source(%arg7 : memref<32x1280xf32, #tpu.memory_space<vmem>>) target(%dma_start3A_923 : memref<32x1280xf32, #tpu.memory_space<hbm>>) target_semaphore(%arg11 : memref<!tpu.dma_semaphore, #tpu.memory_space<semaphore_mem>>)
    %dma_wait3A_924 = arith.constant 0 : i32
    %dma_wait3A_925 = tpu.memref_slice %arg4[%add3A_919, %dma_wait3A_924] : memref<32768x1280xf32, #tpu.memory_space<hbm>> -> memref<32x1280xf32, #tpu.memory_space<hbm>>
    %dma_wait3A_926 = arith.constant 0 : i32
    %dma_wait3A_927 = tpu.memref_slice %arg4[%add3A_919, %dma_wait3A_926] : memref<32768x1280xf32, #tpu.memory_space<hbm>> -> memref<32x1280xf32, #tpu.memory_space<hbm>>
    tpu.wait_dma2 semaphore(%arg11 : memref<!tpu.dma_semaphore, #tpu.memory_space<semaphore_mem>>) src(%arg7 : memref<32x1280xf32, #tpu.memory_space<vmem>>) dst(%dma_wait3A_927 : memref<32x1280xf32, #tpu.memory_space<hbm>>)
    %dma_start3A_928 = arith.constant 10 : i32
    %dma_start3A_929 = arith.constant 0 : i32
    %dma_start3A_930 = tpu.memref_slice %arg6[%dma_start3A_928, %dma_start3A_929] : memref<32x32xi32, #tpu.memory_space<vmem>> -> memref<1x32xi32, #tpu.memory_space<vmem>>
    %dma_start3A_931 = tpu.memref_squeeze %dma_start3A_930 : memref<1x32xi32, #tpu.memory_space<vmem>> -> memref<32xi32, #tpu.memory_space<vmem>>
    %dma_start3A_932 = arith.constant 0 : i32
    %dma_start3A_933 = arith.constant 0 : i32
    %dma_start3A_934 = tpu.memref_slice %arg3[%dma_start3A_932, %dma_start3A_933] : memref<2048x1280xf32, #tpu.memory_space<hbm>> -> memref<2048x1280xf32, #tpu.memory_space<hbm>>
    tpu.enqueue_indirect_dma source(%dma_start3A_934 : memref<2048x1280xf32, #tpu.memory_space<hbm>>) target(%arg7 : memref<32x1280xf32, #tpu.memory_space<vmem>>) offsets(%dma_start3A_931 : memref<32xi32, #tpu.memory_space<vmem>>) semaphore(%arg9 : memref<!tpu.dma_semaphore, #tpu.memory_space<semaphore_mem>>)
    %dma_wait3A_935 = arith.constant 9 : i32
    %dma_wait3A_936 = arith.constant 0 : i32
    %dma_wait3A_937 = tpu.memref_slice %arg6[%dma_wait3A_935, %dma_wait3A_936] : memref<32x32xi32, #tpu.memory_space<vmem>> -> memref<1x32xi32, #tpu.memory_space<vmem>>
    %dma_wait3A_938 = tpu.memref_squeeze %dma_wait3A_937 : memref<1x32xi32, #tpu.memory_space<vmem>> -> memref<32xi32, #tpu.memory_space<vmem>>
    %dma_wait3A_939 = arith.constant 0 : i32
    %dma_wait3A_940 = arith.constant 0 : i32
    %dma_wait3A_941 = tpu.memref_slice %arg3[%dma_wait3A_939, %dma_wait3A_940] : memref<2048x1280xf32, #tpu.memory_space<hbm>> -> memref<2048x1280xf32, #tpu.memory_space<hbm>>
    tpu.wait_indirect_dma semaphore(%arg10 : memref<!tpu.dma_semaphore, #tpu.memory_space<semaphore_mem>>) src(%dma_wait3A_941 : memref<2048x1280xf32, #tpu.memory_space<hbm>>) dst(%arg8 : memref<32x1280xf32, #tpu.memory_space<vmem>>)
    %add3A_942 = arith.constant 288 : i32
    %add3A_943 = arith.addi %mul3A_2, %add3A_942 : i32
    %dma_start3A_944 = arith.constant 0 : i32
    %dma_start3A_945 = tpu.memref_slice %arg4[%add3A_943, %dma_start3A_944] : memref<32768x1280xf32, #tpu.memory_space<hbm>> -> memref<32x1280xf32, #tpu.memory_space<hbm>>
    %dma_start3A_946 = arith.constant 0 : i32
    %dma_start3A_947 = tpu.memref_slice %arg4[%add3A_943, %dma_start3A_946] : memref<32768x1280xf32, #tpu.memory_space<hbm>> -> memref<32x1280xf32, #tpu.memory_space<hbm>>
    tpu.enqueue_dma source(%arg8 : memref<32x1280xf32, #tpu.memory_space<vmem>>) target(%dma_start3A_947 : memref<32x1280xf32, #tpu.memory_space<hbm>>) target_semaphore(%arg12 : memref<!tpu.dma_semaphore, #tpu.memory_space<semaphore_mem>>)
    %dma_wait3A_948 = arith.constant 0 : i32
    %dma_wait3A_949 = tpu.memref_slice %arg4[%add3A_943, %dma_wait3A_948] : memref<32768x1280xf32, #tpu.memory_space<hbm>> -> memref<32x1280xf32, #tpu.memory_space<hbm>>
    %dma_wait3A_950 = arith.constant 0 : i32
    %dma_wait3A_951 = tpu.memref_slice %arg4[%add3A_943, %dma_wait3A_950] : memref<32768x1280xf32, #tpu.memory_space<hbm>> -> memref<32x1280xf32, #tpu.memory_space<hbm>>
    tpu.wait_dma2 semaphore(%arg12 : memref<!tpu.dma_semaphore, #tpu.memory_space<semaphore_mem>>) src(%arg8 : memref<32x1280xf32, #tpu.memory_space<vmem>>) dst(%dma_wait3A_951 : memref<32x1280xf32, #tpu.memory_space<hbm>>)
    %dma_start3A_952 = arith.constant 11 : i32
    %dma_start3A_953 = arith.constant 0 : i32
    %dma_start3A_954 = tpu.memref_slice %arg6[%dma_start3A_952, %dma_start3A_953] : memref<32x32xi32, #tpu.memory_space<vmem>> -> memref<1x32xi32, #tpu.memory_space<vmem>>
    %dma_start3A_955 = tpu.memref_squeeze %dma_start3A_954 : memref<1x32xi32, #tpu.memory_space<vmem>> -> memref<32xi32, #tpu.memory_space<vmem>>
    %dma_start3A_956 = arith.constant 0 : i32
    %dma_start3A_957 = arith.constant 0 : i32
    %dma_start3A_958 = tpu.memref_slice %arg3[%dma_start3A_956, %dma_start3A_957] : memref<2048x1280xf32, #tpu.memory_space<hbm>> -> memref<2048x1280xf32, #tpu.memory_space<hbm>>
    tpu.enqueue_indirect_dma source(%dma_start3A_958 : memref<2048x1280xf32, #tpu.memory_space<hbm>>) target(%arg8 : memref<32x1280xf32, #tpu.memory_space<vmem>>) offsets(%dma_start3A_955 : memref<32xi32, #tpu.memory_space<vmem>>) semaphore(%arg10 : memref<!tpu.dma_semaphore, #tpu.memory_space<semaphore_mem>>)
    %dma_wait3A_959 = arith.constant 10 : i32
    %dma_wait3A_960 = arith.constant 0 : i32
    %dma_wait3A_961 = tpu.memref_slice %arg6[%dma_wait3A_959, %dma_wait3A_960] : memref<32x32xi32, #tpu.memory_space<vmem>> -> memref<1x32xi32, #tpu.memory_space<vmem>>
    %dma_wait3A_962 = tpu.memref_squeeze %dma_wait3A_961 : memref<1x32xi32, #tpu.memory_space<vmem>> -> memref<32xi32, #tpu.memory_space<vmem>>
    %dma_wait3A_963 = arith.constant 0 : i32
    %dma_wait3A_964 = arith.constant 0 : i32
    %dma_wait3A_965 = tpu.memref_slice %arg3[%dma_wait3A_963, %dma_wait3A_964] : memref<2048x1280xf32, #tpu.memory_space<hbm>> -> memref<2048x1280xf32, #tpu.memory_space<hbm>>
    tpu.wait_indirect_dma semaphore(%arg9 : memref<!tpu.dma_semaphore, #tpu.memory_space<semaphore_mem>>) src(%dma_wait3A_965 : memref<2048x1280xf32, #tpu.memory_space<hbm>>) dst(%arg7 : memref<32x1280xf32, #tpu.memory_space<vmem>>)
    %add3A_966 = arith.constant 320 : i32
    %add3A_967 = arith.addi %mul3A_2, %add3A_966 : i32
    %dma_start3A_968 = arith.constant 0 : i32
    %dma_start3A_969 = tpu.memref_slice %arg4[%add3A_967, %dma_start3A_968] : memref<32768x1280xf32, #tpu.memory_space<hbm>> -> memref<32x1280xf32, #tpu.memory_space<hbm>>
    %dma_start3A_970 = arith.constant 0 : i32
    %dma_start3A_971 = tpu.memref_slice %arg4[%add3A_967, %dma_start3A_970] : memref<32768x1280xf32, #tpu.memory_space<hbm>> -> memref<32x1280xf32, #tpu.memory_space<hbm>>
    tpu.enqueue_dma source(%arg7 : memref<32x1280xf32, #tpu.memory_space<vmem>>) target(%dma_start3A_971 : memref<32x1280xf32, #tpu.memory_space<hbm>>) target_semaphore(%arg11 : memref<!tpu.dma_semaphore, #tpu.memory_space<semaphore_mem>>)
    %dma_wait3A_972 = arith.constant 0 : i32
    %dma_wait3A_973 = tpu.memref_slice %arg4[%add3A_967, %dma_wait3A_972] : memref<32768x1280xf32, #tpu.memory_space<hbm>> -> memref<32x1280xf32, #tpu.memory_space<hbm>>
    %dma_wait3A_974 = arith.constant 0 : i32
    %dma_wait3A_975 = tpu.memref_slice %arg4[%add3A_967, %dma_wait3A_974] : memref<32768x1280xf32, #tpu.memory_space<hbm>> -> memref<32x1280xf32, #tpu.memory_space<hbm>>
    tpu.wait_dma2 semaphore(%arg11 : memref<!tpu.dma_semaphore, #tpu.memory_space<semaphore_mem>>) src(%arg7 : memref<32x1280xf32, #tpu.memory_space<vmem>>) dst(%dma_wait3A_975 : memref<32x1280xf32, #tpu.memory_space<hbm>>)
    %dma_start3A_976 = arith.constant 12 : i32
    %dma_start3A_977 = arith.constant 0 : i32
    %dma_start3A_978 = tpu.memref_slice %arg6[%dma_start3A_976, %dma_start3A_977] : memref<32x32xi32, #tpu.memory_space<vmem>> -> memref<1x32xi32, #tpu.memory_space<vmem>>
    %dma_start3A_979 = tpu.memref_squeeze %dma_start3A_978 : memref<1x32xi32, #tpu.memory_space<vmem>> -> memref<32xi32, #tpu.memory_space<vmem>>
    %dma_start3A_980 = arith.constant 0 : i32
    %dma_start3A_981 = arith.constant 0 : i32
    %dma_start3A_982 = tpu.memref_slice %arg3[%dma_start3A_980, %dma_start3A_981] : memref<2048x1280xf32, #tpu.memory_space<hbm>> -> memref<2048x1280xf32, #tpu.memory_space<hbm>>
    tpu.enqueue_indirect_dma source(%dma_start3A_982 : memref<2048x1280xf32, #tpu.memory_space<hbm>>) target(%arg7 : memref<32x1280xf32, #tpu.memory_space<vmem>>) offsets(%dma_start3A_979 : memref<32xi32, #tpu.memory_space<vmem>>) semaphore(%arg9 : memref<!tpu.dma_semaphore, #tpu.memory_space<semaphore_mem>>)
    %dma_wait3A_983 = arith.constant 11 : i32
    %dma_wait3A_984 = arith.constant 0 : i32
    %dma_wait3A_985 = tpu.memref_slice %arg6[%dma_wait3A_983, %dma_wait3A_984] : memref<32x32xi32, #tpu.memory_space<vmem>> -> memref<1x32xi32, #tpu.memory_space<vmem>>
    %dma_wait3A_986 = tpu.memref_squeeze %dma_wait3A_985 : memref<1x32xi32, #tpu.memory_space<vmem>> -> memref<32xi32, #tpu.memory_space<vmem>>
    %dma_wait3A_987 = arith.constant 0 : i32
    %dma_wait3A_988 = arith.constant 0 : i32
    %dma_wait3A_989 = tpu.memref_slice %arg3[%dma_wait3A_987, %dma_wait3A_988] : memref<2048x1280xf32, #tpu.memory_space<hbm>> -> memref<2048x1280xf32, #tpu.memory_space<hbm>>
    tpu.wait_indirect_dma semaphore(%arg10 : memref<!tpu.dma_semaphore, #tpu.memory_space<semaphore_mem>>) src(%dma_wait3A_989 : memref<2048x1280xf32, #tpu.memory_space<hbm>>) dst(%arg8 : memref<32x1280xf32, #tpu.memory_space<vmem>>)
    %add3A_990 = arith.constant 352 : i32
    %add3A_991 = arith.addi %mul3A_2, %add3A_990 : i32
    %dma_start3A_992 = arith.constant 0 : i32
    %dma_start3A_993 = tpu.memref_slice %arg4[%add3A_991, %dma_start3A_992] : memref<32768x1280xf32, #tpu.memory_space<hbm>> -> memref<32x1280xf32, #tpu.memory_space<hbm>>
    %dma_start3A_994 = arith.constant 0 : i32
    %dma_start3A_995 = tpu.memref_slice %arg4[%add3A_991, %dma_start3A_994] : memref<32768x1280xf32, #tpu.memory_space<hbm>> -> memref<32x1280xf32, #tpu.memory_space<hbm>>
    tpu.enqueue_dma source(%arg8 : memref<32x1280xf32, #tpu.memory_space<vmem>>) target(%dma_start3A_995 : memref<32x1280xf32, #tpu.memory_space<hbm>>) target_semaphore(%arg12 : memref<!tpu.dma_semaphore, #tpu.memory_space<semaphore_mem>>)
    %dma_wait3A_996 = arith.constant 0 : i32
    %dma_wait3A_997 = tpu.memref_slice %arg4[%add3A_991, %dma_wait3A_996] : memref<32768x1280xf32, #tpu.memory_space<hbm>> -> memref<32x1280xf32, #tpu.memory_space<hbm>>
    %dma_wait3A_998 = arith.constant 0 : i32
    %dma_wait3A_999 = tpu.memref_slice %arg4[%add3A_991, %dma_wait3A_998] : memref<32768x1280xf32, #tpu.memory_space<hbm>> -> memref<32x1280xf32, #tpu.memory_space<hbm>>
    tpu.wait_dma2 semaphore(%arg12 : memref<!tpu.dma_semaphore, #tpu.memory_space<semaphore_mem>>) src(%arg8 : memref<32x1280xf32, #tpu.memory_space<vmem>>) dst(%dma_wait3A_999 : memref<32x1280xf32, #tpu.memory_space<hbm>>)
    %dma_start3A_1000 = arith.constant 13 : i32
    %dma_start3A_1001 = arith.constant 0 : i32
    %dma_start3A_1002 = tpu.memref_slice %arg6[%dma_start3A_1000, %dma_start3A_1001] : memref<32x32xi32, #tpu.memory_space<vmem>> -> memref<1x32xi32, #tpu.memory_space<vmem>>
    %dma_start3A_1003 = tpu.memref_squeeze %dma_start3A_1002 : memref<1x32xi32, #tpu.memory_space<vmem>> -> memref<32xi32, #tpu.memory_space<vmem>>
    %dma_start3A_1004 = arith.constant 0 : i32
    %dma_start3A_1005 = arith.constant 0 : i32
    %dma_start3A_1006 = tpu.memref_slice %arg3[%dma_start3A_1004, %dma_start3A_1005] : memref<2048x1280xf32, #tpu.memory_space<hbm>> -> memref<2048x1280xf32, #tpu.memory_space<hbm>>
    tpu.enqueue_indirect_dma source(%dma_start3A_1006 : memref<2048x1280xf32, #tpu.memory_space<hbm>>) target(%arg8 : memref<32x1280xf32, #tpu.memory_space<vmem>>) offsets(%dma_start3A_1003 : memref<32xi32, #tpu.memory_space<vmem>>) semaphore(%arg10 : memref<!tpu.dma_semaphore, #tpu.memory_space<semaphore_mem>>)
    %dma_wait3A_1007 = arith.constant 12 : i32
    %dma_wait3A_1008 = arith.constant 0 : i32
    %dma_wait3A_1009 = tpu.memref_slice %arg6[%dma_wait3A_1007, %dma_wait3A_1008] : memref<32x32xi32, #tpu.memory_space<vmem>> -> memref<1x32xi32, #tpu.memory_space<vmem>>
    %dma_wait3A_1010 = tpu.memref_squeeze %dma_wait3A_1009 : memref<1x32xi32, #tpu.memory_space<vmem>> -> memref<32xi32, #tpu.memory_space<vmem>>
    %dma_wait3A_1011 = arith.constant 0 : i32
    %dma_wait3A_1012 = arith.constant 0 : i32
    %dma_wait3A_1013 = tpu.memref_slice %arg3[%dma_wait3A_1011, %dma_wait3A_1012] : memref<2048x1280xf32, #tpu.memory_space<hbm>> -> memref<2048x1280xf32, #tpu.memory_space<hbm>>
    tpu.wait_indirect_dma semaphore(%arg9 : memref<!tpu.dma_semaphore, #tpu.memory_space<semaphore_mem>>) src(%dma_wait3A_1013 : memref<2048x1280xf32, #tpu.memory_space<hbm>>) dst(%arg7 : memref<32x1280xf32, #tpu.memory_space<vmem>>)
    %add3A_1014 = arith.constant 384 : i32
    %add3A_1015 = arith.addi %mul3A_2, %add3A_1014 : i32
    %dma_start3A_1016 = arith.constant 0 : i32
    %dma_start3A_1017 = tpu.memref_slice %arg4[%add3A_1015, %dma_start3A_1016] : memref<32768x1280xf32, #tpu.memory_space<hbm>> -> memref<32x1280xf32, #tpu.memory_space<hbm>>
    %dma_start3A_1018 = arith.constant 0 : i32
    %dma_start3A_1019 = tpu.memref_slice %arg4[%add3A_1015, %dma_start3A_1018] : memref<32768x1280xf32, #tpu.memory_space<hbm>> -> memref<32x1280xf32, #tpu.memory_space<hbm>>
    tpu.enqueue_dma source(%arg7 : memref<32x1280xf32, #tpu.memory_space<vmem>>) target(%dma_start3A_1019 : memref<32x1280xf32, #tpu.memory_space<hbm>>) target_semaphore(%arg11 : memref<!tpu.dma_semaphore, #tpu.memory_space<semaphore_mem>>)
    %dma_wait3A_1020 = arith.constant 0 : i32
    %dma_wait3A_1021 = tpu.memref_slice %arg4[%add3A_1015, %dma_wait3A_1020] : memref<32768x1280xf32, #tpu.memory_space<hbm>> -> memref<32x1280xf32, #tpu.memory_space<hbm>>
    %dma_wait3A_1022 = arith.constant 0 : i32
    %dma_wait3A_1023 = tpu.memref_slice %arg4[%add3A_1015, %dma_wait3A_1022] : memref<32768x1280xf32, #tpu.memory_space<hbm>> -> memref<32x1280xf32, #tpu.memory_space<hbm>>
    tpu.wait_dma2 semaphore(%arg11 : memref<!tpu.dma_semaphore, #tpu.memory_space<semaphore_mem>>) src(%arg7 : memref<32x1280xf32, #tpu.memory_space<vmem>>) dst(%dma_wait3A_1023 : memref<32x1280xf32, #tpu.memory_space<hbm>>)
    %dma_start3A_1024 = arith.constant 14 : i32
    %dma_start3A_1025 = arith.constant 0 : i32
    %dma_start3A_1026 = tpu.memref_slice %arg6[%dma_start3A_1024, %dma_start3A_1025] : memref<32x32xi32, #tpu.memory_space<vmem>> -> memref<1x32xi32, #tpu.memory_space<vmem>>
    %dma_start3A_1027 = tpu.memref_squeeze %dma_start3A_1026 : memref<1x32xi32, #tpu.memory_space<vmem>> -> memref<32xi32, #tpu.memory_space<vmem>>
    %dma_start3A_1028 = arith.constant 0 : i32
    %dma_start3A_1029 = arith.constant 0 : i32
    %dma_start3A_1030 = tpu.memref_slice %arg3[%dma_start3A_1028, %dma_start3A_1029] : memref<2048x1280xf32, #tpu.memory_space<hbm>> -> memref<2048x1280xf32, #tpu.memory_space<hbm>>
    tpu.enqueue_indirect_dma source(%dma_start3A_1030 : memref<2048x1280xf32, #tpu.memory_space<hbm>>) target(%arg7 : memref<32x1280xf32, #tpu.memory_space<vmem>>) offsets(%dma_start3A_1027 : memref<32xi32, #tpu.memory_space<vmem>>) semaphore(%arg9 : memref<!tpu.dma_semaphore, #tpu.memory_space<semaphore_mem>>)
    %dma_wait3A_1031 = arith.constant 13 : i32
    %dma_wait3A_1032 = arith.constant 0 : i32
    %dma_wait3A_1033 = tpu.memref_slice %arg6[%dma_wait3A_1031, %dma_wait3A_1032] : memref<32x32xi32, #tpu.memory_space<vmem>> -> memref<1x32xi32, #tpu.memory_space<vmem>>
    %dma_wait3A_1034 = tpu.memref_squeeze %dma_wait3A_1033 : memref<1x32xi32, #tpu.memory_space<vmem>> -> memref<32xi32, #tpu.memory_space<vmem>>
    %dma_wait3A_1035 = arith.constant 0 : i32
    %dma_wait3A_1036 = arith.constant 0 : i32
    %dma_wait3A_1037 = tpu.memref_slice %arg3[%dma_wait3A_1035, %dma_wait3A_1036] : memref<2048x1280xf32, #tpu.memory_space<hbm>> -> memref<2048x1280xf32, #tpu.memory_space<hbm>>
    tpu.wait_indirect_dma semaphore(%arg10 : memref<!tpu.dma_semaphore, #tpu.memory_space<semaphore_mem>>) src(%dma_wait3A_1037 : memref<2048x1280xf32, #tpu.memory_space<hbm>>) dst(%arg8 : memref<32x1280xf32, #tpu.memory_space<vmem>>)
    %add3A_1038 = arith.constant 416 : i32
    %add3A_1039 = arith.addi %mul3A_2, %add3A_1038 : i32
    %dma_start3A_1040 = arith.constant 0 : i32
    %dma_start3A_1041 = tpu.memref_slice %arg4[%add3A_1039, %dma_start3A_1040] : memref<32768x1280xf32, #tpu.memory_space<hbm>> -> memref<32x1280xf32, #tpu.memory_space<hbm>>
    %dma_start3A_1042 = arith.constant 0 : i32
    %dma_start3A_1043 = tpu.memref_slice %arg4[%add3A_1039, %dma_start3A_1042] : memref<32768x1280xf32, #tpu.memory_space<hbm>> -> memref<32x1280xf32, #tpu.memory_space<hbm>>
    tpu.enqueue_dma source(%arg8 : memref<32x1280xf32, #tpu.memory_space<vmem>>) target(%dma_start3A_1043 : memref<32x1280xf32, #tpu.memory_space<hbm>>) target_semaphore(%arg12 : memref<!tpu.dma_semaphore, #tpu.memory_space<semaphore_mem>>)
    %dma_wait3A_1044 = arith.constant 0 : i32
    %dma_wait3A_1045 = tpu.memref_slice %arg4[%add3A_1039, %dma_wait3A_1044] : memref<32768x1280xf32, #tpu.memory_space<hbm>> -> memref<32x1280xf32, #tpu.memory_space<hbm>>
    %dma_wait3A_1046 = arith.constant 0 : i32
    %dma_wait3A_1047 = tpu.memref_slice %arg4[%add3A_1039, %dma_wait3A_1046] : memref<32768x1280xf32, #tpu.memory_space<hbm>> -> memref<32x1280xf32, #tpu.memory_space<hbm>>
    tpu.wait_dma2 semaphore(%arg12 : memref<!tpu.dma_semaphore, #tpu.memory_space<semaphore_mem>>) src(%arg8 : memref<32x1280xf32, #tpu.memory_space<vmem>>) dst(%dma_wait3A_1047 : memref<32x1280xf32, #tpu.memory_space<hbm>>)
    %dma_start3A_1048 = arith.constant 15 : i32
    %dma_start3A_1049 = arith.constant 0 : i32
    %dma_start3A_1050 = tpu.memref_slice %arg6[%dma_start3A_1048, %dma_start3A_1049] : memref<32x32xi32, #tpu.memory_space<vmem>> -> memref<1x32xi32, #tpu.memory_space<vmem>>
    %dma_start3A_1051 = tpu.memref_squeeze %dma_start3A_1050 : memref<1x32xi32, #tpu.memory_space<vmem>> -> memref<32xi32, #tpu.memory_space<vmem>>
    %dma_start3A_1052 = arith.constant 0 : i32
    %dma_start3A_1053 = arith.constant 0 : i32
    %dma_start3A_1054 = tpu.memref_slice %arg3[%dma_start3A_1052, %dma_start3A_1053] : memref<2048x1280xf32, #tpu.memory_space<hbm>> -> memref<2048x1280xf32, #tpu.memory_space<hbm>>
    tpu.enqueue_indirect_dma source(%dma_start3A_1054 : memref<2048x1280xf32, #tpu.memory_space<hbm>>) target(%arg8 : memref<32x1280xf32, #tpu.memory_space<vmem>>) offsets(%dma_start3A_1051 : memref<32xi32, #tpu.memory_space<vmem>>) semaphore(%arg10 : memref<!tpu.dma_semaphore, #tpu.memory_space<semaphore_mem>>)
    %dma_wait3A_1055 = arith.constant 14 : i32
    %dma_wait3A_1056 = arith.constant 0 : i32
    %dma_wait3A_1057 = tpu.memref_slice %arg6[%dma_wait3A_1055, %dma_wait3A_1056] : memref<32x32xi32, #tpu.memory_space<vmem>> -> memref<1x32xi32, #tpu.memory_space<vmem>>
    %dma_wait3A_1058 = tpu.memref_squeeze %dma_wait3A_1057 : memref<1x32xi32, #tpu.memory_space<vmem>> -> memref<32xi32, #tpu.memory_space<vmem>>
    %dma_wait3A_1059 = arith.constant 0 : i32
    %dma_wait3A_1060 = arith.constant 0 : i32
    %dma_wait3A_1061 = tpu.memref_slice %arg3[%dma_wait3A_1059, %dma_wait3A_1060] : memref<2048x1280xf32, #tpu.memory_space<hbm>> -> memref<2048x1280xf32, #tpu.memory_space<hbm>>
    tpu.wait_indirect_dma semaphore(%arg9 : memref<!tpu.dma_semaphore, #tpu.memory_space<semaphore_mem>>) src(%dma_wait3A_1061 : memref<2048x1280xf32, #tpu.memory_space<hbm>>) dst(%arg7 : memref<32x1280xf32, #tpu.memory_space<vmem>>)
    %add3A_1062 = arith.constant 448 : i32
    %add3A_1063 = arith.addi %mul3A_2, %add3A_1062 : i32
    %dma_start3A_1064 = arith.constant 0 : i32
    %dma_start3A_1065 = tpu.memref_slice %arg4[%add3A_1063, %dma_start3A_1064] : memref<32768x1280xf32, #tpu.memory_space<hbm>> -> memref<32x1280xf32, #tpu.memory_space<hbm>>
    %dma_start3A_1066 = arith.constant 0 : i32
    %dma_start3A_1067 = tpu.memref_slice %arg4[%add3A_1063, %dma_start3A_1066] : memref<32768x1280xf32, #tpu.memory_space<hbm>> -> memref<32x1280xf32, #tpu.memory_space<hbm>>
    tpu.enqueue_dma source(%arg7 : memref<32x1280xf32, #tpu.memory_space<vmem>>) target(%dma_start3A_1067 : memref<32x1280xf32, #tpu.memory_space<hbm>>) target_semaphore(%arg11 : memref<!tpu.dma_semaphore, #tpu.memory_space<semaphore_mem>>)
    %dma_wait3A_1068 = arith.constant 0 : i32
    %dma_wait3A_1069 = tpu.memref_slice %arg4[%add3A_1063, %dma_wait3A_1068] : memref<32768x1280xf32, #tpu.memory_space<hbm>> -> memref<32x1280xf32, #tpu.memory_space<hbm>>
    %dma_wait3A_1070 = arith.constant 0 : i32
    %dma_wait3A_1071 = tpu.memref_slice %arg4[%add3A_1063, %dma_wait3A_1070] : memref<32768x1280xf32, #tpu.memory_space<hbm>> -> memref<32x1280xf32, #tpu.memory_space<hbm>>
    tpu.wait_dma2 semaphore(%arg11 : memref<!tpu.dma_semaphore, #tpu.memory_space<semaphore_mem>>) src(%arg7 : memref<32x1280xf32, #tpu.memory_space<vmem>>) dst(%dma_wait3A_1071 : memref<32x1280xf32, #tpu.memory_space<hbm>>)
    %dma_start3A_1072 = arith.constant 16 : i32
    %dma_start3A_1073 = arith.constant 0 : i32
    %dma_start3A_1074 = tpu.memref_slice %arg6[%dma_start3A_1072, %dma_start3A_1073] : memref<32x32xi32, #tpu.memory_space<vmem>> -> memref<1x32xi32, #tpu.memory_space<vmem>>
    %dma_start3A_1075 = tpu.memref_squeeze %dma_start3A_1074 : memref<1x32xi32, #tpu.memory_space<vmem>> -> memref<32xi32, #tpu.memory_space<vmem>>
    %dma_start3A_1076 = arith.constant 0 : i32
    %dma_start3A_1077 = arith.constant 0 : i32
    %dma_start3A_1078 = tpu.memref_slice %arg3[%dma_start3A_1076, %dma_start3A_1077] : memref<2048x1280xf32, #tpu.memory_space<hbm>> -> memref<2048x1280xf32, #tpu.memory_space<hbm>>
    tpu.enqueue_indirect_dma source(%dma_start3A_1078 : memref<2048x1280xf32, #tpu.memory_space<hbm>>) target(%arg7 : memref<32x1280xf32, #tpu.memory_space<vmem>>) offsets(%dma_start3A_1075 : memref<32xi32, #tpu.memory_space<vmem>>) semaphore(%arg9 : memref<!tpu.dma_semaphore, #tpu.memory_space<semaphore_mem>>)
    %dma_wait3A_1079 = arith.constant 15 : i32
    %dma_wait3A_1080 = arith.constant 0 : i32
    %dma_wait3A_1081 = tpu.memref_slice %arg6[%dma_wait3A_1079, %dma_wait3A_1080] : memref<32x32xi32, #tpu.memory_space<vmem>> -> memref<1x32xi32, #tpu.memory_space<vmem>>
    %dma_wait3A_1082 = tpu.memref_squeeze %dma_wait3A_1081 : memref<1x32xi32, #tpu.memory_space<vmem>> -> memref<32xi32, #tpu.memory_space<vmem>>
    %dma_wait3A_1083 = arith.constant 0 : i32
    %dma_wait3A_1084 = arith.constant 0 : i32
    %dma_wait3A_1085 = tpu.memref_slice %arg3[%dma_wait3A_1083, %dma_wait3A_1084] : memref<2048x1280xf32, #tpu.memory_space<hbm>> -> memref<2048x1280xf32, #tpu.memory_space<hbm>>
    tpu.wait_indirect_dma semaphore(%arg10 : memref<!tpu.dma_semaphore, #tpu.memory_space<semaphore_mem>>) src(%dma_wait3A_1085 : memref<2048x1280xf32, #tpu.memory_space<hbm>>) dst(%arg8 : memref<32x1280xf32, #tpu.memory_space<vmem>>)
    %add3A_1086 = arith.constant 480 : i32
    %add3A_1087 = arith.addi %mul3A_2, %add3A_1086 : i32
    %dma_start3A_1088 = arith.constant 0 : i32
    %dma_start3A_1089 = tpu.memref_slice %arg4[%add3A_1087, %dma_start3A_1088] : memref<32768x1280xf32, #tpu.memory_space<hbm>> -> memref<32x1280xf32, #tpu.memory_space<hbm>>
    %dma_start3A_1090 = arith.constant 0 : i32
    %dma_start3A_1091 = tpu.memref_slice %arg4[%add3A_1087, %dma_start3A_1090] : memref<32768x1280xf32, #tpu.memory_space<hbm>> -> memref<32x1280xf32, #tpu.memory_space<hbm>>
    tpu.enqueue_dma source(%arg8 : memref<32x1280xf32, #tpu.memory_space<vmem>>) target(%dma_start3A_1091 : memref<32x1280xf32, #tpu.memory_space<hbm>>) target_semaphore(%arg12 : memref<!tpu.dma_semaphore, #tpu.memory_space<semaphore_mem>>)
    %dma_wait3A_1092 = arith.constant 0 : i32
    %dma_wait3A_1093 = tpu.memref_slice %arg4[%add3A_1087, %dma_wait3A_1092] : memref<32768x1280xf32, #tpu.memory_space<hbm>> -> memref<32x1280xf32, #tpu.memory_space<hbm>>
    %dma_wait3A_1094 = arith.constant 0 : i32
    %dma_wait3A_1095 = tpu.memref_slice %arg4[%add3A_1087, %dma_wait3A_1094] : memref<32768x1280xf32, #tpu.memory_space<hbm>> -> memref<32x1280xf32, #tpu.memory_space<hbm>>
    tpu.wait_dma2 semaphore(%arg12 : memref<!tpu.dma_semaphore, #tpu.memory_space<semaphore_mem>>) src(%arg8 : memref<32x1280xf32, #tpu.memory_space<vmem>>) dst(%dma_wait3A_1095 : memref<32x1280xf32, #tpu.memory_space<hbm>>)
    %dma_start3A_1096 = arith.constant 17 : i32
    %dma_start3A_1097 = arith.constant 0 : i32
    %dma_start3A_1098 = tpu.memref_slice %arg6[%dma_start3A_1096, %dma_start3A_1097] : memref<32x32xi32, #tpu.memory_space<vmem>> -> memref<1x32xi32, #tpu.memory_space<vmem>>
    %dma_start3A_1099 = tpu.memref_squeeze %dma_start3A_1098 : memref<1x32xi32, #tpu.memory_space<vmem>> -> memref<32xi32, #tpu.memory_space<vmem>>
    %dma_start3A_1100 = arith.constant 0 : i32
    %dma_start3A_1101 = arith.constant 0 : i32
    %dma_start3A_1102 = tpu.memref_slice %arg3[%dma_start3A_1100, %dma_start3A_1101] : memref<2048x1280xf32, #tpu.memory_space<hbm>> -> memref<2048x1280xf32, #tpu.memory_space<hbm>>
    tpu.enqueue_indirect_dma source(%dma_start3A_1102 : memref<2048x1280xf32, #tpu.memory_space<hbm>>) target(%arg8 : memref<32x1280xf32, #tpu.memory_space<vmem>>) offsets(%dma_start3A_1099 : memref<32xi32, #tpu.memory_space<vmem>>) semaphore(%arg10 : memref<!tpu.dma_semaphore, #tpu.memory_space<semaphore_mem>>)
    %dma_wait3A_1103 = arith.constant 16 : i32
    %dma_wait3A_1104 = arith.constant 0 : i32
    %dma_wait3A_1105 = tpu.memref_slice %arg6[%dma_wait3A_1103, %dma_wait3A_1104] : memref<32x32xi32, #tpu.memory_space<vmem>> -> memref<1x32xi32, #tpu.memory_space<vmem>>
    %dma_wait3A_1106 = tpu.memref_squeeze %dma_wait3A_1105 : memref<1x32xi32, #tpu.memory_space<vmem>> -> memref<32xi32, #tpu.memory_space<vmem>>
    %dma_wait3A_1107 = arith.constant 0 : i32
    %dma_wait3A_1108 = arith.constant 0 : i32
    %dma_wait3A_1109 = tpu.memref_slice %arg3[%dma_wait3A_1107, %dma_wait3A_1108] : memref<2048x1280xf32, #tpu.memory_space<hbm>> -> memref<2048x1280xf32, #tpu.memory_space<hbm>>
    tpu.wait_indirect_dma semaphore(%arg9 : memref<!tpu.dma_semaphore, #tpu.memory_space<semaphore_mem>>) src(%dma_wait3A_1109 : memref<2048x1280xf32, #tpu.memory_space<hbm>>) dst(%arg7 : memref<32x1280xf32, #tpu.memory_space<vmem>>)
    %add3A_1110 = arith.constant 512 : i32
    %add3A_1111 = arith.addi %mul3A_2, %add3A_1110 : i32
    %dma_start3A_1112 = arith.constant 0 : i32
    %dma_start3A_1113 = tpu.memref_slice %arg4[%add3A_1111, %dma_start3A_1112] : memref<32768x1280xf32, #tpu.memory_space<hbm>> -> memref<32x1280xf32, #tpu.memory_space<hbm>>
    %dma_start3A_1114 = arith.constant 0 : i32
    %dma_start3A_1115 = tpu.memref_slice %arg4[%add3A_1111, %dma_start3A_1114] : memref<32768x1280xf32, #tpu.memory_space<hbm>> -> memref<32x1280xf32, #tpu.memory_space<hbm>>
    tpu.enqueue_dma source(%arg7 : memref<32x1280xf32, #tpu.memory_space<vmem>>) target(%dma_start3A_1115 : memref<32x1280xf32, #tpu.memory_space<hbm>>) target_semaphore(%arg11 : memref<!tpu.dma_semaphore, #tpu.memory_space<semaphore_mem>>)
    %dma_wait3A_1116 = arith.constant 0 : i32
    %dma_wait3A_1117 = tpu.memref_slice %arg4[%add3A_1111, %dma_wait3A_1116] : memref<32768x1280xf32, #tpu.memory_space<hbm>> -> memref<32x1280xf32, #tpu.memory_space<hbm>>
    %dma_wait3A_1118 = arith.constant 0 : i32
    %dma_wait3A_1119 = tpu.memref_slice %arg4[%add3A_1111, %dma_wait3A_1118] : memref<32768x1280xf32, #tpu.memory_space<hbm>> -> memref<32x1280xf32, #tpu.memory_space<hbm>>
    tpu.wait_dma2 semaphore(%arg11 : memref<!tpu.dma_semaphore, #tpu.memory_space<semaphore_mem>>) src(%arg7 : memref<32x1280xf32, #tpu.memory_space<vmem>>) dst(%dma_wait3A_1119 : memref<32x1280xf32, #tpu.memory_space<hbm>>)
    %dma_start3A_1120 = arith.constant 18 : i32
    %dma_start3A_1121 = arith.constant 0 : i32
    %dma_start3A_1122 = tpu.memref_slice %arg6[%dma_start3A_1120, %dma_start3A_1121] : memref<32x32xi32, #tpu.memory_space<vmem>> -> memref<1x32xi32, #tpu.memory_space<vmem>>
    %dma_start3A_1123 = tpu.memref_squeeze %dma_start3A_1122 : memref<1x32xi32, #tpu.memory_space<vmem>> -> memref<32xi32, #tpu.memory_space<vmem>>
    %dma_start3A_1124 = arith.constant 0 : i32
    %dma_start3A_1125 = arith.constant 0 : i32
    %dma_start3A_1126 = tpu.memref_slice %arg3[%dma_start3A_1124, %dma_start3A_1125] : memref<2048x1280xf32, #tpu.memory_space<hbm>> -> memref<2048x1280xf32, #tpu.memory_space<hbm>>
    tpu.enqueue_indirect_dma source(%dma_start3A_1126 : memref<2048x1280xf32, #tpu.memory_space<hbm>>) target(%arg7 : memref<32x1280xf32, #tpu.memory_space<vmem>>) offsets(%dma_start3A_1123 : memref<32xi32, #tpu.memory_space<vmem>>) semaphore(%arg9 : memref<!tpu.dma_semaphore, #tpu.memory_space<semaphore_mem>>)
    %dma_wait3A_1127 = arith.constant 17 : i32
    %dma_wait3A_1128 = arith.constant 0 : i32
    %dma_wait3A_1129 = tpu.memref_slice %arg6[%dma_wait3A_1127, %dma_wait3A_1128] : memref<32x32xi32, #tpu.memory_space<vmem>> -> memref<1x32xi32, #tpu.memory_space<vmem>>
    %dma_wait3A_1130 = tpu.memref_squeeze %dma_wait3A_1129 : memref<1x32xi32, #tpu.memory_space<vmem>> -> memref<32xi32, #tpu.memory_space<vmem>>
    %dma_wait3A_1131 = arith.constant 0 : i32
    %dma_wait3A_1132 = arith.constant 0 : i32
    %dma_wait3A_1133 = tpu.memref_slice %arg3[%dma_wait3A_1131, %dma_wait3A_1132] : memref<2048x1280xf32, #tpu.memory_space<hbm>> -> memref<2048x1280xf32, #tpu.memory_space<hbm>>
    tpu.wait_indirect_dma semaphore(%arg10 : memref<!tpu.dma_semaphore, #tpu.memory_space<semaphore_mem>>) src(%dma_wait3A_1133 : memref<2048x1280xf32, #tpu.memory_space<hbm>>) dst(%arg8 : memref<32x1280xf32, #tpu.memory_space<vmem>>)
    %add3A_1134 = arith.constant 544 : i32
    %add3A_1135 = arith.addi %mul3A_2, %add3A_1134 : i32
    %dma_start3A_1136 = arith.constant 0 : i32
    %dma_start3A_1137 = tpu.memref_slice %arg4[%add3A_1135, %dma_start3A_1136] : memref<32768x1280xf32, #tpu.memory_space<hbm>> -> memref<32x1280xf32, #tpu.memory_space<hbm>>
    %dma_start3A_1138 = arith.constant 0 : i32
    %dma_start3A_1139 = tpu.memref_slice %arg4[%add3A_1135, %dma_start3A_1138] : memref<32768x1280xf32, #tpu.memory_space<hbm>> -> memref<32x1280xf32, #tpu.memory_space<hbm>>
    tpu.enqueue_dma source(%arg8 : memref<32x1280xf32, #tpu.memory_space<vmem>>) target(%dma_start3A_1139 : memref<32x1280xf32, #tpu.memory_space<hbm>>) target_semaphore(%arg12 : memref<!tpu.dma_semaphore, #tpu.memory_space<semaphore_mem>>)
    %dma_wait3A_1140 = arith.constant 0 : i32
    %dma_wait3A_1141 = tpu.memref_slice %arg4[%add3A_1135, %dma_wait3A_1140] : memref<32768x1280xf32, #tpu.memory_space<hbm>> -> memref<32x1280xf32, #tpu.memory_space<hbm>>
    %dma_wait3A_1142 = arith.constant 0 : i32
    %dma_wait3A_1143 = tpu.memref_slice %arg4[%add3A_1135, %dma_wait3A_1142] : memref<32768x1280xf32, #tpu.memory_space<hbm>> -> memref<32x1280xf32, #tpu.memory_space<hbm>>
    tpu.wait_dma2 semaphore(%arg12 : memref<!tpu.dma_semaphore, #tpu.memory_space<semaphore_mem>>) src(%arg8 : memref<32x1280xf32, #tpu.memory_space<vmem>>) dst(%dma_wait3A_1143 : memref<32x1280xf32, #tpu.memory_space<hbm>>)
    %dma_start3A_1144 = arith.constant 19 : i32
    %dma_start3A_1145 = arith.constant 0 : i32
    %dma_start3A_1146 = tpu.memref_slice %arg6[%dma_start3A_1144, %dma_start3A_1145] : memref<32x32xi32, #tpu.memory_space<vmem>> -> memref<1x32xi32, #tpu.memory_space<vmem>>
    %dma_start3A_1147 = tpu.memref_squeeze %dma_start3A_1146 : memref<1x32xi32, #tpu.memory_space<vmem>> -> memref<32xi32, #tpu.memory_space<vmem>>
    %dma_start3A_1148 = arith.constant 0 : i32
    %dma_start3A_1149 = arith.constant 0 : i32
    %dma_start3A_1150 = tpu.memref_slice %arg3[%dma_start3A_1148, %dma_start3A_1149] : memref<2048x1280xf32, #tpu.memory_space<hbm>> -> memref<2048x1280xf32, #tpu.memory_space<hbm>>
    tpu.enqueue_indirect_dma source(%dma_start3A_1150 : memref<2048x1280xf32, #tpu.memory_space<hbm>>) target(%arg8 : memref<32x1280xf32, #tpu.memory_space<vmem>>) offsets(%dma_start3A_1147 : memref<32xi32, #tpu.memory_space<vmem>>) semaphore(%arg10 : memref<!tpu.dma_semaphore, #tpu.memory_space<semaphore_mem>>)
    %dma_wait3A_1151 = arith.constant 18 : i32
    %dma_wait3A_1152 = arith.constant 0 : i32
    %dma_wait3A_1153 = tpu.memref_slice %arg6[%dma_wait3A_1151, %dma_wait3A_1152] : memref<32x32xi32, #tpu.memory_space<vmem>> -> memref<1x32xi32, #tpu.memory_space<vmem>>
    %dma_wait3A_1154 = tpu.memref_squeeze %dma_wait3A_1153 : memref<1x32xi32, #tpu.memory_space<vmem>> -> memref<32xi32, #tpu.memory_space<vmem>>
    %dma_wait3A_1155 = arith.constant 0 : i32
    %dma_wait3A_1156 = arith.constant 0 : i32
    %dma_wait3A_1157 = tpu.memref_slice %arg3[%dma_wait3A_1155, %dma_wait3A_1156] : memref<2048x1280xf32, #tpu.memory_space<hbm>> -> memref<2048x1280xf32, #tpu.memory_space<hbm>>
    tpu.wait_indirect_dma semaphore(%arg9 : memref<!tpu.dma_semaphore, #tpu.memory_space<semaphore_mem>>) src(%dma_wait3A_1157 : memref<2048x1280xf32, #tpu.memory_space<hbm>>) dst(%arg7 : memref<32x1280xf32, #tpu.memory_space<vmem>>)
    %add3A_1158 = arith.constant 576 : i32
    %add3A_1159 = arith.addi %mul3A_2, %add3A_1158 : i32
    %dma_start3A_1160 = arith.constant 0 : i32
    %dma_start3A_1161 = tpu.memref_slice %arg4[%add3A_1159, %dma_start3A_1160] : memref<32768x1280xf32, #tpu.memory_space<hbm>> -> memref<32x1280xf32, #tpu.memory_space<hbm>>
    %dma_start3A_1162 = arith.constant 0 : i32
    %dma_start3A_1163 = tpu.memref_slice %arg4[%add3A_1159, %dma_start3A_1162] : memref<32768x1280xf32, #tpu.memory_space<hbm>> -> memref<32x1280xf32, #tpu.memory_space<hbm>>
    tpu.enqueue_dma source(%arg7 : memref<32x1280xf32, #tpu.memory_space<vmem>>) target(%dma_start3A_1163 : memref<32x1280xf32, #tpu.memory_space<hbm>>) target_semaphore(%arg11 : memref<!tpu.dma_semaphore, #tpu.memory_space<semaphore_mem>>)
    %dma_wait3A_1164 = arith.constant 0 : i32
    %dma_wait3A_1165 = tpu.memref_slice %arg4[%add3A_1159, %dma_wait3A_1164] : memref<32768x1280xf32, #tpu.memory_space<hbm>> -> memref<32x1280xf32, #tpu.memory_space<hbm>>
    %dma_wait3A_1166 = arith.constant 0 : i32
    %dma_wait3A_1167 = tpu.memref_slice %arg4[%add3A_1159, %dma_wait3A_1166] : memref<32768x1280xf32, #tpu.memory_space<hbm>> -> memref<32x1280xf32, #tpu.memory_space<hbm>>
    tpu.wait_dma2 semaphore(%arg11 : memref<!tpu.dma_semaphore, #tpu.memory_space<semaphore_mem>>) src(%arg7 : memref<32x1280xf32, #tpu.memory_space<vmem>>) dst(%dma_wait3A_1167 : memref<32x1280xf32, #tpu.memory_space<hbm>>)
    %dma_start3A_1168 = arith.constant 20 : i32
    %dma_start3A_1169 = arith.constant 0 : i32
    %dma_start3A_1170 = tpu.memref_slice %arg6[%dma_start3A_1168, %dma_start3A_1169] : memref<32x32xi32, #tpu.memory_space<vmem>> -> memref<1x32xi32, #tpu.memory_space<vmem>>
    %dma_start3A_1171 = tpu.memref_squeeze %dma_start3A_1170 : memref<1x32xi32, #tpu.memory_space<vmem>> -> memref<32xi32, #tpu.memory_space<vmem>>
    %dma_start3A_1172 = arith.constant 0 : i32
    %dma_start3A_1173 = arith.constant 0 : i32
    %dma_start3A_1174 = tpu.memref_slice %arg3[%dma_start3A_1172, %dma_start3A_1173] : memref<2048x1280xf32, #tpu.memory_space<hbm>> -> memref<2048x1280xf32, #tpu.memory_space<hbm>>
    tpu.enqueue_indirect_dma source(%dma_start3A_1174 : memref<2048x1280xf32, #tpu.memory_space<hbm>>) target(%arg7 : memref<32x1280xf32, #tpu.memory_space<vmem>>) offsets(%dma_start3A_1171 : memref<32xi32, #tpu.memory_space<vmem>>) semaphore(%arg9 : memref<!tpu.dma_semaphore, #tpu.memory_space<semaphore_mem>>)
    %dma_wait3A_1175 = arith.constant 19 : i32
    %dma_wait3A_1176 = arith.constant 0 : i32
    %dma_wait3A_1177 = tpu.memref_slice %arg6[%dma_wait3A_1175, %dma_wait3A_1176] : memref<32x32xi32, #tpu.memory_space<vmem>> -> memref<1x32xi32, #tpu.memory_space<vmem>>
    %dma_wait3A_1178 = tpu.memref_squeeze %dma_wait3A_1177 : memref<1x32xi32, #tpu.memory_space<vmem>> -> memref<32xi32, #tpu.memory_space<vmem>>
    %dma_wait3A_1179 = arith.constant 0 : i32
    %dma_wait3A_1180 = arith.constant 0 : i32
    %dma_wait3A_1181 = tpu.memref_slice %arg3[%dma_wait3A_1179, %dma_wait3A_1180] : memref<2048x1280xf32, #tpu.memory_space<hbm>> -> memref<2048x1280xf32, #tpu.memory_space<hbm>>
    tpu.wait_indirect_dma semaphore(%arg10 : memref<!tpu.dma_semaphore, #tpu.memory_space<semaphore_mem>>) src(%dma_wait3A_1181 : memref<2048x1280xf32, #tpu.memory_space<hbm>>) dst(%arg8 : memref<32x1280xf32, #tpu.memory_space<vmem>>)
    %add3A_1182 = arith.constant 608 : i32
    %add3A_1183 = arith.addi %mul3A_2, %add3A_1182 : i32
    %dma_start3A_1184 = arith.constant 0 : i32
    %dma_start3A_1185 = tpu.memref_slice %arg4[%add3A_1183, %dma_start3A_1184] : memref<32768x1280xf32, #tpu.memory_space<hbm>> -> memref<32x1280xf32, #tpu.memory_space<hbm>>
    %dma_start3A_1186 = arith.constant 0 : i32
    %dma_start3A_1187 = tpu.memref_slice %arg4[%add3A_1183, %dma_start3A_1186] : memref<32768x1280xf32, #tpu.memory_space<hbm>> -> memref<32x1280xf32, #tpu.memory_space<hbm>>
    tpu.enqueue_dma source(%arg8 : memref<32x1280xf32, #tpu.memory_space<vmem>>) target(%dma_start3A_1187 : memref<32x1280xf32, #tpu.memory_space<hbm>>) target_semaphore(%arg12 : memref<!tpu.dma_semaphore, #tpu.memory_space<semaphore_mem>>)
    %dma_wait3A_1188 = arith.constant 0 : i32
    %dma_wait3A_1189 = tpu.memref_slice %arg4[%add3A_1183, %dma_wait3A_1188] : memref<32768x1280xf32, #tpu.memory_space<hbm>> -> memref<32x1280xf32, #tpu.memory_space<hbm>>
    %dma_wait3A_1190 = arith.constant 0 : i32
    %dma_wait3A_1191 = tpu.memref_slice %arg4[%add3A_1183, %dma_wait3A_1190] : memref<32768x1280xf32, #tpu.memory_space<hbm>> -> memref<32x1280xf32, #tpu.memory_space<hbm>>
    tpu.wait_dma2 semaphore(%arg12 : memref<!tpu.dma_semaphore, #tpu.memory_space<semaphore_mem>>) src(%arg8 : memref<32x1280xf32, #tpu.memory_space<vmem>>) dst(%dma_wait3A_1191 : memref<32x1280xf32, #tpu.memory_space<hbm>>)
    %dma_start3A_1192 = arith.constant 21 : i32
    %dma_start3A_1193 = arith.constant 0 : i32
    %dma_start3A_1194 = tpu.memref_slice %arg6[%dma_start3A_1192, %dma_start3A_1193] : memref<32x32xi32, #tpu.memory_space<vmem>> -> memref<1x32xi32, #tpu.memory_space<vmem>>
    %dma_start3A_1195 = tpu.memref_squeeze %dma_start3A_1194 : memref<1x32xi32, #tpu.memory_space<vmem>> -> memref<32xi32, #tpu.memory_space<vmem>>
    %dma_start3A_1196 = arith.constant 0 : i32
    %dma_start3A_1197 = arith.constant 0 : i32
    %dma_start3A_1198 = tpu.memref_slice %arg3[%dma_start3A_1196, %dma_start3A_1197] : memref<2048x1280xf32, #tpu.memory_space<hbm>> -> memref<2048x1280xf32, #tpu.memory_space<hbm>>
    tpu.enqueue_indirect_dma source(%dma_start3A_1198 : memref<2048x1280xf32, #tpu.memory_space<hbm>>) target(%arg8 : memref<32x1280xf32, #tpu.memory_space<vmem>>) offsets(%dma_start3A_1195 : memref<32xi32, #tpu.memory_space<vmem>>) semaphore(%arg10 : memref<!tpu.dma_semaphore, #tpu.memory_space<semaphore_mem>>)
    %dma_wait3A_1199 = arith.constant 20 : i32
    %dma_wait3A_1200 = arith.constant 0 : i32
    %dma_wait3A_1201 = tpu.memref_slice %arg6[%dma_wait3A_1199, %dma_wait3A_1200] : memref<32x32xi32, #tpu.memory_space<vmem>> -> memref<1x32xi32, #tpu.memory_space<vmem>>
    %dma_wait3A_1202 = tpu.memref_squeeze %dma_wait3A_1201 : memref<1x32xi32, #tpu.memory_space<vmem>> -> memref<32xi32, #tpu.memory_space<vmem>>
    %dma_wait3A_1203 = arith.constant 0 : i32
    %dma_wait3A_1204 = arith.constant 0 : i32
    %dma_wait3A_1205 = tpu.memref_slice %arg3[%dma_wait3A_1203, %dma_wait3A_1204] : memref<2048x1280xf32, #tpu.memory_space<hbm>> -> memref<2048x1280xf32, #tpu.memory_space<hbm>>
    tpu.wait_indirect_dma semaphore(%arg9 : memref<!tpu.dma_semaphore, #tpu.memory_space<semaphore_mem>>) src(%dma_wait3A_1205 : memref<2048x1280xf32, #tpu.memory_space<hbm>>) dst(%arg7 : memref<32x1280xf32, #tpu.memory_space<vmem>>)
    %add3A_1206 = arith.constant 640 : i32
    %add3A_1207 = arith.addi %mul3A_2, %add3A_1206 : i32
    %dma_start3A_1208 = arith.constant 0 : i32
    %dma_start3A_1209 = tpu.memref_slice %arg4[%add3A_1207, %dma_start3A_1208] : memref<32768x1280xf32, #tpu.memory_space<hbm>> -> memref<32x1280xf32, #tpu.memory_space<hbm>>
    %dma_start3A_1210 = arith.constant 0 : i32
    %dma_start3A_1211 = tpu.memref_slice %arg4[%add3A_1207, %dma_start3A_1210] : memref<32768x1280xf32, #tpu.memory_space<hbm>> -> memref<32x1280xf32, #tpu.memory_space<hbm>>
    tpu.enqueue_dma source(%arg7 : memref<32x1280xf32, #tpu.memory_space<vmem>>) target(%dma_start3A_1211 : memref<32x1280xf32, #tpu.memory_space<hbm>>) target_semaphore(%arg11 : memref<!tpu.dma_semaphore, #tpu.memory_space<semaphore_mem>>)
    %dma_wait3A_1212 = arith.constant 0 : i32
    %dma_wait3A_1213 = tpu.memref_slice %arg4[%add3A_1207, %dma_wait3A_1212] : memref<32768x1280xf32, #tpu.memory_space<hbm>> -> memref<32x1280xf32, #tpu.memory_space<hbm>>
    %dma_wait3A_1214 = arith.constant 0 : i32
    %dma_wait3A_1215 = tpu.memref_slice %arg4[%add3A_1207, %dma_wait3A_1214] : memref<32768x1280xf32, #tpu.memory_space<hbm>> -> memref<32x1280xf32, #tpu.memory_space<hbm>>
    tpu.wait_dma2 semaphore(%arg11 : memref<!tpu.dma_semaphore, #tpu.memory_space<semaphore_mem>>) src(%arg7 : memref<32x1280xf32, #tpu.memory_space<vmem>>) dst(%dma_wait3A_1215 : memref<32x1280xf32, #tpu.memory_space<hbm>>)
    %dma_start3A_1216 = arith.constant 22 : i32
    %dma_start3A_1217 = arith.constant 0 : i32
    %dma_start3A_1218 = tpu.memref_slice %arg6[%dma_start3A_1216, %dma_start3A_1217] : memref<32x32xi32, #tpu.memory_space<vmem>> -> memref<1x32xi32, #tpu.memory_space<vmem>>
    %dma_start3A_1219 = tpu.memref_squeeze %dma_start3A_1218 : memref<1x32xi32, #tpu.memory_space<vmem>> -> memref<32xi32, #tpu.memory_space<vmem>>
    %dma_start3A_1220 = arith.constant 0 : i32
    %dma_start3A_1221 = arith.constant 0 : i32
    %dma_start3A_1222 = tpu.memref_slice %arg3[%dma_start3A_1220, %dma_start3A_1221] : memref<2048x1280xf32, #tpu.memory_space<hbm>> -> memref<2048x1280xf32, #tpu.memory_space<hbm>>
    tpu.enqueue_indirect_dma source(%dma_start3A_1222 : memref<2048x1280xf32, #tpu.memory_space<hbm>>) target(%arg7 : memref<32x1280xf32, #tpu.memory_space<vmem>>) offsets(%dma_start3A_1219 : memref<32xi32, #tpu.memory_space<vmem>>) semaphore(%arg9 : memref<!tpu.dma_semaphore, #tpu.memory_space<semaphore_mem>>)
    %dma_wait3A_1223 = arith.constant 21 : i32
    %dma_wait3A_1224 = arith.constant 0 : i32
    %dma_wait3A_1225 = tpu.memref_slice %arg6[%dma_wait3A_1223, %dma_wait3A_1224] : memref<32x32xi32, #tpu.memory_space<vmem>> -> memref<1x32xi32, #tpu.memory_space<vmem>>
    %dma_wait3A_1226 = tpu.memref_squeeze %dma_wait3A_1225 : memref<1x32xi32, #tpu.memory_space<vmem>> -> memref<32xi32, #tpu.memory_space<vmem>>
    %dma_wait3A_1227 = arith.constant 0 : i32
    %dma_wait3A_1228 = arith.constant 0 : i32
    %dma_wait3A_1229 = tpu.memref_slice %arg3[%dma_wait3A_1227, %dma_wait3A_1228] : memref<2048x1280xf32, #tpu.memory_space<hbm>> -> memref<2048x1280xf32, #tpu.memory_space<hbm>>
    tpu.wait_indirect_dma semaphore(%arg10 : memref<!tpu.dma_semaphore, #tpu.memory_space<semaphore_mem>>) src(%dma_wait3A_1229 : memref<2048x1280xf32, #tpu.memory_space<hbm>>) dst(%arg8 : memref<32x1280xf32, #tpu.memory_space<vmem>>)
    %add3A_1230 = arith.constant 672 : i32
    %add3A_1231 = arith.addi %mul3A_2, %add3A_1230 : i32
    %dma_start3A_1232 = arith.constant 0 : i32
    %dma_start3A_1233 = tpu.memref_slice %arg4[%add3A_1231, %dma_start3A_1232] : memref<32768x1280xf32, #tpu.memory_space<hbm>> -> memref<32x1280xf32, #tpu.memory_space<hbm>>
    %dma_start3A_1234 = arith.constant 0 : i32
    %dma_start3A_1235 = tpu.memref_slice %arg4[%add3A_1231, %dma_start3A_1234] : memref<32768x1280xf32, #tpu.memory_space<hbm>> -> memref<32x1280xf32, #tpu.memory_space<hbm>>
    tpu.enqueue_dma source(%arg8 : memref<32x1280xf32, #tpu.memory_space<vmem>>) target(%dma_start3A_1235 : memref<32x1280xf32, #tpu.memory_space<hbm>>) target_semaphore(%arg12 : memref<!tpu.dma_semaphore, #tpu.memory_space<semaphore_mem>>)
    %dma_wait3A_1236 = arith.constant 0 : i32
    %dma_wait3A_1237 = tpu.memref_slice %arg4[%add3A_1231, %dma_wait3A_1236] : memref<32768x1280xf32, #tpu.memory_space<hbm>> -> memref<32x1280xf32, #tpu.memory_space<hbm>>
    %dma_wait3A_1238 = arith.constant 0 : i32
    %dma_wait3A_1239 = tpu.memref_slice %arg4[%add3A_1231, %dma_wait3A_1238] : memref<32768x1280xf32, #tpu.memory_space<hbm>> -> memref<32x1280xf32, #tpu.memory_space<hbm>>
    tpu.wait_dma2 semaphore(%arg12 : memref<!tpu.dma_semaphore, #tpu.memory_space<semaphore_mem>>) src(%arg8 : memref<32x1280xf32, #tpu.memory_space<vmem>>) dst(%dma_wait3A_1239 : memref<32x1280xf32, #tpu.memory_space<hbm>>)
    %dma_start3A_1240 = arith.constant 23 : i32
    %dma_start3A_1241 = arith.constant 0 : i32
    %dma_start3A_1242 = tpu.memref_slice %arg6[%dma_start3A_1240, %dma_start3A_1241] : memref<32x32xi32, #tpu.memory_space<vmem>> -> memref<1x32xi32, #tpu.memory_space<vmem>>
    %dma_start3A_1243 = tpu.memref_squeeze %dma_start3A_1242 : memref<1x32xi32, #tpu.memory_space<vmem>> -> memref<32xi32, #tpu.memory_space<vmem>>
    %dma_start3A_1244 = arith.constant 0 : i32
    %dma_start3A_1245 = arith.constant 0 : i32
    %dma_start3A_1246 = tpu.memref_slice %arg3[%dma_start3A_1244, %dma_start3A_1245] : memref<2048x1280xf32, #tpu.memory_space<hbm>> -> memref<2048x1280xf32, #tpu.memory_space<hbm>>
    tpu.enqueue_indirect_dma source(%dma_start3A_1246 : memref<2048x1280xf32, #tpu.memory_space<hbm>>) target(%arg8 : memref<32x1280xf32, #tpu.memory_space<vmem>>) offsets(%dma_start3A_1243 : memref<32xi32, #tpu.memory_space<vmem>>) semaphore(%arg10 : memref<!tpu.dma_semaphore, #tpu.memory_space<semaphore_mem>>)
    %dma_wait3A_1247 = arith.constant 22 : i32
    %dma_wait3A_1248 = arith.constant 0 : i32
    %dma_wait3A_1249 = tpu.memref_slice %arg6[%dma_wait3A_1247, %dma_wait3A_1248] : memref<32x32xi32, #tpu.memory_space<vmem>> -> memref<1x32xi32, #tpu.memory_space<vmem>>
    %dma_wait3A_1250 = tpu.memref_squeeze %dma_wait3A_1249 : memref<1x32xi32, #tpu.memory_space<vmem>> -> memref<32xi32, #tpu.memory_space<vmem>>
    %dma_wait3A_1251 = arith.constant 0 : i32
    %dma_wait3A_1252 = arith.constant 0 : i32
    %dma_wait3A_1253 = tpu.memref_slice %arg3[%dma_wait3A_1251, %dma_wait3A_1252] : memref<2048x1280xf32, #tpu.memory_space<hbm>> -> memref<2048x1280xf32, #tpu.memory_space<hbm>>
    tpu.wait_indirect_dma semaphore(%arg9 : memref<!tpu.dma_semaphore, #tpu.memory_space<semaphore_mem>>) src(%dma_wait3A_1253 : memref<2048x1280xf32, #tpu.memory_space<hbm>>) dst(%arg7 : memref<32x1280xf32, #tpu.memory_space<vmem>>)
    %add3A_1254 = arith.constant 704 : i32
    %add3A_1255 = arith.addi %mul3A_2, %add3A_1254 : i32
    %dma_start3A_1256 = arith.constant 0 : i32
    %dma_start3A_1257 = tpu.memref_slice %arg4[%add3A_1255, %dma_start3A_1256] : memref<32768x1280xf32, #tpu.memory_space<hbm>> -> memref<32x1280xf32, #tpu.memory_space<hbm>>
    %dma_start3A_1258 = arith.constant 0 : i32
    %dma_start3A_1259 = tpu.memref_slice %arg4[%add3A_1255, %dma_start3A_1258] : memref<32768x1280xf32, #tpu.memory_space<hbm>> -> memref<32x1280xf32, #tpu.memory_space<hbm>>
    tpu.enqueue_dma source(%arg7 : memref<32x1280xf32, #tpu.memory_space<vmem>>) target(%dma_start3A_1259 : memref<32x1280xf32, #tpu.memory_space<hbm>>) target_semaphore(%arg11 : memref<!tpu.dma_semaphore, #tpu.memory_space<semaphore_mem>>)
    %dma_wait3A_1260 = arith.constant 0 : i32
    %dma_wait3A_1261 = tpu.memref_slice %arg4[%add3A_1255, %dma_wait3A_1260] : memref<32768x1280xf32, #tpu.memory_space<hbm>> -> memref<32x1280xf32, #tpu.memory_space<hbm>>
    %dma_wait3A_1262 = arith.constant 0 : i32
    %dma_wait3A_1263 = tpu.memref_slice %arg4[%add3A_1255, %dma_wait3A_1262] : memref<32768x1280xf32, #tpu.memory_space<hbm>> -> memref<32x1280xf32, #tpu.memory_space<hbm>>
    tpu.wait_dma2 semaphore(%arg11 : memref<!tpu.dma_semaphore, #tpu.memory_space<semaphore_mem>>) src(%arg7 : memref<32x1280xf32, #tpu.memory_space<vmem>>) dst(%dma_wait3A_1263 : memref<32x1280xf32, #tpu.memory_space<hbm>>)
    %dma_start3A_1264 = arith.constant 24 : i32
    %dma_start3A_1265 = arith.constant 0 : i32
    %dma_start3A_1266 = tpu.memref_slice %arg6[%dma_start3A_1264, %dma_start3A_1265] : memref<32x32xi32, #tpu.memory_space<vmem>> -> memref<1x32xi32, #tpu.memory_space<vmem>>
    %dma_start3A_1267 = tpu.memref_squeeze %dma_start3A_1266 : memref<1x32xi32, #tpu.memory_space<vmem>> -> memref<32xi32, #tpu.memory_space<vmem>>
    %dma_start3A_1268 = arith.constant 0 : i32
    %dma_start3A_1269 = arith.constant 0 : i32
    %dma_start3A_1270 = tpu.memref_slice %arg3[%dma_start3A_1268, %dma_start3A_1269] : memref<2048x1280xf32, #tpu.memory_space<hbm>> -> memref<2048x1280xf32, #tpu.memory_space<hbm>>
    tpu.enqueue_indirect_dma source(%dma_start3A_1270 : memref<2048x1280xf32, #tpu.memory_space<hbm>>) target(%arg7 : memref<32x1280xf32, #tpu.memory_space<vmem>>) offsets(%dma_start3A_1267 : memref<32xi32, #tpu.memory_space<vmem>>) semaphore(%arg9 : memref<!tpu.dma_semaphore, #tpu.memory_space<semaphore_mem>>)
    %dma_wait3A_1271 = arith.constant 23 : i32
    %dma_wait3A_1272 = arith.constant 0 : i32
    %dma_wait3A_1273 = tpu.memref_slice %arg6[%dma_wait3A_1271, %dma_wait3A_1272] : memref<32x32xi32, #tpu.memory_space<vmem>> -> memref<1x32xi32, #tpu.memory_space<vmem>>
    %dma_wait3A_1274 = tpu.memref_squeeze %dma_wait3A_1273 : memref<1x32xi32, #tpu.memory_space<vmem>> -> memref<32xi32, #tpu.memory_space<vmem>>
    %dma_wait3A_1275 = arith.constant 0 : i32
    %dma_wait3A_1276 = arith.constant 0 : i32
    %dma_wait3A_1277 = tpu.memref_slice %arg3[%dma_wait3A_1275, %dma_wait3A_1276] : memref<2048x1280xf32, #tpu.memory_space<hbm>> -> memref<2048x1280xf32, #tpu.memory_space<hbm>>
    tpu.wait_indirect_dma semaphore(%arg10 : memref<!tpu.dma_semaphore, #tpu.memory_space<semaphore_mem>>) src(%dma_wait3A_1277 : memref<2048x1280xf32, #tpu.memory_space<hbm>>) dst(%arg8 : memref<32x1280xf32, #tpu.memory_space<vmem>>)
    %add3A_1278 = arith.constant 736 : i32
    %add3A_1279 = arith.addi %mul3A_2, %add3A_1278 : i32
    %dma_start3A_1280 = arith.constant 0 : i32
    %dma_start3A_1281 = tpu.memref_slice %arg4[%add3A_1279, %dma_start3A_1280] : memref<32768x1280xf32, #tpu.memory_space<hbm>> -> memref<32x1280xf32, #tpu.memory_space<hbm>>
    %dma_start3A_1282 = arith.constant 0 : i32
    %dma_start3A_1283 = tpu.memref_slice %arg4[%add3A_1279, %dma_start3A_1282] : memref<32768x1280xf32, #tpu.memory_space<hbm>> -> memref<32x1280xf32, #tpu.memory_space<hbm>>
    tpu.enqueue_dma source(%arg8 : memref<32x1280xf32, #tpu.memory_space<vmem>>) target(%dma_start3A_1283 : memref<32x1280xf32, #tpu.memory_space<hbm>>) target_semaphore(%arg12 : memref<!tpu.dma_semaphore, #tpu.memory_space<semaphore_mem>>)
    %dma_wait3A_1284 = arith.constant 0 : i32
    %dma_wait3A_1285 = tpu.memref_slice %arg4[%add3A_1279, %dma_wait3A_1284] : memref<32768x1280xf32, #tpu.memory_space<hbm>> -> memref<32x1280xf32, #tpu.memory_space<hbm>>
    %dma_wait3A_1286 = arith.constant 0 : i32
    %dma_wait3A_1287 = tpu.memref_slice %arg4[%add3A_1279, %dma_wait3A_1286] : memref<32768x1280xf32, #tpu.memory_space<hbm>> -> memref<32x1280xf32, #tpu.memory_space<hbm>>
    tpu.wait_dma2 semaphore(%arg12 : memref<!tpu.dma_semaphore, #tpu.memory_space<semaphore_mem>>) src(%arg8 : memref<32x1280xf32, #tpu.memory_space<vmem>>) dst(%dma_wait3A_1287 : memref<32x1280xf32, #tpu.memory_space<hbm>>)
    %dma_start3A_1288 = arith.constant 25 : i32
    %dma_start3A_1289 = arith.constant 0 : i32
    %dma_start3A_1290 = tpu.memref_slice %arg6[%dma_start3A_1288, %dma_start3A_1289] : memref<32x32xi32, #tpu.memory_space<vmem>> -> memref<1x32xi32, #tpu.memory_space<vmem>>
    %dma_start3A_1291 = tpu.memref_squeeze %dma_start3A_1290 : memref<1x32xi32, #tpu.memory_space<vmem>> -> memref<32xi32, #tpu.memory_space<vmem>>
    %dma_start3A_1292 = arith.constant 0 : i32
    %dma_start3A_1293 = arith.constant 0 : i32
    %dma_start3A_1294 = tpu.memref_slice %arg3[%dma_start3A_1292, %dma_start3A_1293] : memref<2048x1280xf32, #tpu.memory_space<hbm>> -> memref<2048x1280xf32, #tpu.memory_space<hbm>>
    tpu.enqueue_indirect_dma source(%dma_start3A_1294 : memref<2048x1280xf32, #tpu.memory_space<hbm>>) target(%arg8 : memref<32x1280xf32, #tpu.memory_space<vmem>>) offsets(%dma_start3A_1291 : memref<32xi32, #tpu.memory_space<vmem>>) semaphore(%arg10 : memref<!tpu.dma_semaphore, #tpu.memory_space<semaphore_mem>>)
    %dma_wait3A_1295 = arith.constant 24 : i32
    %dma_wait3A_1296 = arith.constant 0 : i32
    %dma_wait3A_1297 = tpu.memref_slice %arg6[%dma_wait3A_1295, %dma_wait3A_1296] : memref<32x32xi32, #tpu.memory_space<vmem>> -> memref<1x32xi32, #tpu.memory_space<vmem>>
    %dma_wait3A_1298 = tpu.memref_squeeze %dma_wait3A_1297 : memref<1x32xi32, #tpu.memory_space<vmem>> -> memref<32xi32, #tpu.memory_space<vmem>>
    %dma_wait3A_1299 = arith.constant 0 : i32
    %dma_wait3A_1300 = arith.constant 0 : i32
    %dma_wait3A_1301 = tpu.memref_slice %arg3[%dma_wait3A_1299, %dma_wait3A_1300] : memref<2048x1280xf32, #tpu.memory_space<hbm>> -> memref<2048x1280xf32, #tpu.memory_space<hbm>>
    tpu.wait_indirect_dma semaphore(%arg9 : memref<!tpu.dma_semaphore, #tpu.memory_space<semaphore_mem>>) src(%dma_wait3A_1301 : memref<2048x1280xf32, #tpu.memory_space<hbm>>) dst(%arg7 : memref<32x1280xf32, #tpu.memory_space<vmem>>)
    %add3A_1302 = arith.constant 768 : i32
    %add3A_1303 = arith.addi %mul3A_2, %add3A_1302 : i32
    %dma_start3A_1304 = arith.constant 0 : i32
    %dma_start3A_1305 = tpu.memref_slice %arg4[%add3A_1303, %dma_start3A_1304] : memref<32768x1280xf32, #tpu.memory_space<hbm>> -> memref<32x1280xf32, #tpu.memory_space<hbm>>
    %dma_start3A_1306 = arith.constant 0 : i32
    %dma_start3A_1307 = tpu.memref_slice %arg4[%add3A_1303, %dma_start3A_1306] : memref<32768x1280xf32, #tpu.memory_space<hbm>> -> memref<32x1280xf32, #tpu.memory_space<hbm>>
    tpu.enqueue_dma source(%arg7 : memref<32x1280xf32, #tpu.memory_space<vmem>>) target(%dma_start3A_1307 : memref<32x1280xf32, #tpu.memory_space<hbm>>) target_semaphore(%arg11 : memref<!tpu.dma_semaphore, #tpu.memory_space<semaphore_mem>>)
    %dma_wait3A_1308 = arith.constant 0 : i32
    %dma_wait3A_1309 = tpu.memref_slice %arg4[%add3A_1303, %dma_wait3A_1308] : memref<32768x1280xf32, #tpu.memory_space<hbm>> -> memref<32x1280xf32, #tpu.memory_space<hbm>>
    %dma_wait3A_1310 = arith.constant 0 : i32
    %dma_wait3A_1311 = tpu.memref_slice %arg4[%add3A_1303, %dma_wait3A_1310] : memref<32768x1280xf32, #tpu.memory_space<hbm>> -> memref<32x1280xf32, #tpu.memory_space<hbm>>
    tpu.wait_dma2 semaphore(%arg11 : memref<!tpu.dma_semaphore, #tpu.memory_space<semaphore_mem>>) src(%arg7 : memref<32x1280xf32, #tpu.memory_space<vmem>>) dst(%dma_wait3A_1311 : memref<32x1280xf32, #tpu.memory_space<hbm>>)
    %dma_start3A_1312 = arith.constant 26 : i32
    %dma_start3A_1313 = arith.constant 0 : i32
    %dma_start3A_1314 = tpu.memref_slice %arg6[%dma_start3A_1312, %dma_start3A_1313] : memref<32x32xi32, #tpu.memory_space<vmem>> -> memref<1x32xi32, #tpu.memory_space<vmem>>
    %dma_start3A_1315 = tpu.memref_squeeze %dma_start3A_1314 : memref<1x32xi32, #tpu.memory_space<vmem>> -> memref<32xi32, #tpu.memory_space<vmem>>
    %dma_start3A_1316 = arith.constant 0 : i32
    %dma_start3A_1317 = arith.constant 0 : i32
    %dma_start3A_1318 = tpu.memref_slice %arg3[%dma_start3A_1316, %dma_start3A_1317] : memref<2048x1280xf32, #tpu.memory_space<hbm>> -> memref<2048x1280xf32, #tpu.memory_space<hbm>>
    tpu.enqueue_indirect_dma source(%dma_start3A_1318 : memref<2048x1280xf32, #tpu.memory_space<hbm>>) target(%arg7 : memref<32x1280xf32, #tpu.memory_space<vmem>>) offsets(%dma_start3A_1315 : memref<32xi32, #tpu.memory_space<vmem>>) semaphore(%arg9 : memref<!tpu.dma_semaphore, #tpu.memory_space<semaphore_mem>>)
    %dma_wait3A_1319 = arith.constant 25 : i32
    %dma_wait3A_1320 = arith.constant 0 : i32
    %dma_wait3A_1321 = tpu.memref_slice %arg6[%dma_wait3A_1319, %dma_wait3A_1320] : memref<32x32xi32, #tpu.memory_space<vmem>> -> memref<1x32xi32, #tpu.memory_space<vmem>>
    %dma_wait3A_1322 = tpu.memref_squeeze %dma_wait3A_1321 : memref<1x32xi32, #tpu.memory_space<vmem>> -> memref<32xi32, #tpu.memory_space<vmem>>
    %dma_wait3A_1323 = arith.constant 0 : i32
    %dma_wait3A_1324 = arith.constant 0 : i32
    %dma_wait3A_1325 = tpu.memref_slice %arg3[%dma_wait3A_1323, %dma_wait3A_1324] : memref<2048x1280xf32, #tpu.memory_space<hbm>> -> memref<2048x1280xf32, #tpu.memory_space<hbm>>
    tpu.wait_indirect_dma semaphore(%arg10 : memref<!tpu.dma_semaphore, #tpu.memory_space<semaphore_mem>>) src(%dma_wait3A_1325 : memref<2048x1280xf32, #tpu.memory_space<hbm>>) dst(%arg8 : memref<32x1280xf32, #tpu.memory_space<vmem>>)
    %add3A_1326 = arith.constant 800 : i32
    %add3A_1327 = arith.addi %mul3A_2, %add3A_1326 : i32
    %dma_start3A_1328 = arith.constant 0 : i32
    %dma_start3A_1329 = tpu.memref_slice %arg4[%add3A_1327, %dma_start3A_1328] : memref<32768x1280xf32, #tpu.memory_space<hbm>> -> memref<32x1280xf32, #tpu.memory_space<hbm>>
    %dma_start3A_1330 = arith.constant 0 : i32
    %dma_start3A_1331 = tpu.memref_slice %arg4[%add3A_1327, %dma_start3A_1330] : memref<32768x1280xf32, #tpu.memory_space<hbm>> -> memref<32x1280xf32, #tpu.memory_space<hbm>>
    tpu.enqueue_dma source(%arg8 : memref<32x1280xf32, #tpu.memory_space<vmem>>) target(%dma_start3A_1331 : memref<32x1280xf32, #tpu.memory_space<hbm>>) target_semaphore(%arg12 : memref<!tpu.dma_semaphore, #tpu.memory_space<semaphore_mem>>)
    %dma_wait3A_1332 = arith.constant 0 : i32
    %dma_wait3A_1333 = tpu.memref_slice %arg4[%add3A_1327, %dma_wait3A_1332] : memref<32768x1280xf32, #tpu.memory_space<hbm>> -> memref<32x1280xf32, #tpu.memory_space<hbm>>
    %dma_wait3A_1334 = arith.constant 0 : i32
    %dma_wait3A_1335 = tpu.memref_slice %arg4[%add3A_1327, %dma_wait3A_1334] : memref<32768x1280xf32, #tpu.memory_space<hbm>> -> memref<32x1280xf32, #tpu.memory_space<hbm>>
    tpu.wait_dma2 semaphore(%arg12 : memref<!tpu.dma_semaphore, #tpu.memory_space<semaphore_mem>>) src(%arg8 : memref<32x1280xf32, #tpu.memory_space<vmem>>) dst(%dma_wait3A_1335 : memref<32x1280xf32, #tpu.memory_space<hbm>>)
    %dma_start3A_1336 = arith.constant 27 : i32
    %dma_start3A_1337 = arith.constant 0 : i32
    %dma_start3A_1338 = tpu.memref_slice %arg6[%dma_start3A_1336, %dma_start3A_1337] : memref<32x32xi32, #tpu.memory_space<vmem>> -> memref<1x32xi32, #tpu.memory_space<vmem>>
    %dma_start3A_1339 = tpu.memref_squeeze %dma_start3A_1338 : memref<1x32xi32, #tpu.memory_space<vmem>> -> memref<32xi32, #tpu.memory_space<vmem>>
    %dma_start3A_1340 = arith.constant 0 : i32
    %dma_start3A_1341 = arith.constant 0 : i32
    %dma_start3A_1342 = tpu.memref_slice %arg3[%dma_start3A_1340, %dma_start3A_1341] : memref<2048x1280xf32, #tpu.memory_space<hbm>> -> memref<2048x1280xf32, #tpu.memory_space<hbm>>
    tpu.enqueue_indirect_dma source(%dma_start3A_1342 : memref<2048x1280xf32, #tpu.memory_space<hbm>>) target(%arg8 : memref<32x1280xf32, #tpu.memory_space<vmem>>) offsets(%dma_start3A_1339 : memref<32xi32, #tpu.memory_space<vmem>>) semaphore(%arg10 : memref<!tpu.dma_semaphore, #tpu.memory_space<semaphore_mem>>)
    %dma_wait3A_1343 = arith.constant 26 : i32
    %dma_wait3A_1344 = arith.constant 0 : i32
    %dma_wait3A_1345 = tpu.memref_slice %arg6[%dma_wait3A_1343, %dma_wait3A_1344] : memref<32x32xi32, #tpu.memory_space<vmem>> -> memref<1x32xi32, #tpu.memory_space<vmem>>
    %dma_wait3A_1346 = tpu.memref_squeeze %dma_wait3A_1345 : memref<1x32xi32, #tpu.memory_space<vmem>> -> memref<32xi32, #tpu.memory_space<vmem>>
    %dma_wait3A_1347 = arith.constant 0 : i32
    %dma_wait3A_1348 = arith.constant 0 : i32
    %dma_wait3A_1349 = tpu.memref_slice %arg3[%dma_wait3A_1347, %dma_wait3A_1348] : memref<2048x1280xf32, #tpu.memory_space<hbm>> -> memref<2048x1280xf32, #tpu.memory_space<hbm>>
    tpu.wait_indirect_dma semaphore(%arg9 : memref<!tpu.dma_semaphore, #tpu.memory_space<semaphore_mem>>) src(%dma_wait3A_1349 : memref<2048x1280xf32, #tpu.memory_space<hbm>>) dst(%arg7 : memref<32x1280xf32, #tpu.memory_space<vmem>>)
    %add3A_1350 = arith.constant 832 : i32
    %add3A_1351 = arith.addi %mul3A_2, %add3A_1350 : i32
    %dma_start3A_1352 = arith.constant 0 : i32
    %dma_start3A_1353 = tpu.memref_slice %arg4[%add3A_1351, %dma_start3A_1352] : memref<32768x1280xf32, #tpu.memory_space<hbm>> -> memref<32x1280xf32, #tpu.memory_space<hbm>>
    %dma_start3A_1354 = arith.constant 0 : i32
    %dma_start3A_1355 = tpu.memref_slice %arg4[%add3A_1351, %dma_start3A_1354] : memref<32768x1280xf32, #tpu.memory_space<hbm>> -> memref<32x1280xf32, #tpu.memory_space<hbm>>
    tpu.enqueue_dma source(%arg7 : memref<32x1280xf32, #tpu.memory_space<vmem>>) target(%dma_start3A_1355 : memref<32x1280xf32, #tpu.memory_space<hbm>>) target_semaphore(%arg11 : memref<!tpu.dma_semaphore, #tpu.memory_space<semaphore_mem>>)
    %dma_wait3A_1356 = arith.constant 0 : i32
    %dma_wait3A_1357 = tpu.memref_slice %arg4[%add3A_1351, %dma_wait3A_1356] : memref<32768x1280xf32, #tpu.memory_space<hbm>> -> memref<32x1280xf32, #tpu.memory_space<hbm>>
    %dma_wait3A_1358 = arith.constant 0 : i32
    %dma_wait3A_1359 = tpu.memref_slice %arg4[%add3A_1351, %dma_wait3A_1358] : memref<32768x1280xf32, #tpu.memory_space<hbm>> -> memref<32x1280xf32, #tpu.memory_space<hbm>>
    tpu.wait_dma2 semaphore(%arg11 : memref<!tpu.dma_semaphore, #tpu.memory_space<semaphore_mem>>) src(%arg7 : memref<32x1280xf32, #tpu.memory_space<vmem>>) dst(%dma_wait3A_1359 : memref<32x1280xf32, #tpu.memory_space<hbm>>)
    %dma_start3A_1360 = arith.constant 28 : i32
    %dma_start3A_1361 = arith.constant 0 : i32
    %dma_start3A_1362 = tpu.memref_slice %arg6[%dma_start3A_1360, %dma_start3A_1361] : memref<32x32xi32, #tpu.memory_space<vmem>> -> memref<1x32xi32, #tpu.memory_space<vmem>>
    %dma_start3A_1363 = tpu.memref_squeeze %dma_start3A_1362 : memref<1x32xi32, #tpu.memory_space<vmem>> -> memref<32xi32, #tpu.memory_space<vmem>>
    %dma_start3A_1364 = arith.constant 0 : i32
    %dma_start3A_1365 = arith.constant 0 : i32
    %dma_start3A_1366 = tpu.memref_slice %arg3[%dma_start3A_1364, %dma_start3A_1365] : memref<2048x1280xf32, #tpu.memory_space<hbm>> -> memref<2048x1280xf32, #tpu.memory_space<hbm>>
    tpu.enqueue_indirect_dma source(%dma_start3A_1366 : memref<2048x1280xf32, #tpu.memory_space<hbm>>) target(%arg7 : memref<32x1280xf32, #tpu.memory_space<vmem>>) offsets(%dma_start3A_1363 : memref<32xi32, #tpu.memory_space<vmem>>) semaphore(%arg9 : memref<!tpu.dma_semaphore, #tpu.memory_space<semaphore_mem>>)
    %dma_wait3A_1367 = arith.constant 27 : i32
    %dma_wait3A_1368 = arith.constant 0 : i32
    %dma_wait3A_1369 = tpu.memref_slice %arg6[%dma_wait3A_1367, %dma_wait3A_1368] : memref<32x32xi32, #tpu.memory_space<vmem>> -> memref<1x32xi32, #tpu.memory_space<vmem>>
    %dma_wait3A_1370 = tpu.memref_squeeze %dma_wait3A_1369 : memref<1x32xi32, #tpu.memory_space<vmem>> -> memref<32xi32, #tpu.memory_space<vmem>>
    %dma_wait3A_1371 = arith.constant 0 : i32
    %dma_wait3A_1372 = arith.constant 0 : i32
    %dma_wait3A_1373 = tpu.memref_slice %arg3[%dma_wait3A_1371, %dma_wait3A_1372] : memref<2048x1280xf32, #tpu.memory_space<hbm>> -> memref<2048x1280xf32, #tpu.memory_space<hbm>>
    tpu.wait_indirect_dma semaphore(%arg10 : memref<!tpu.dma_semaphore, #tpu.memory_space<semaphore_mem>>) src(%dma_wait3A_1373 : memref<2048x1280xf32, #tpu.memory_space<hbm>>) dst(%arg8 : memref<32x1280xf32, #tpu.memory_space<vmem>>)
    %add3A_1374 = arith.constant 864 : i32
    %add3A_1375 = arith.addi %mul3A_2, %add3A_1374 : i32
    %dma_start3A_1376 = arith.constant 0 : i32
    %dma_start3A_1377 = tpu.memref_slice %arg4[%add3A_1375, %dma_start3A_1376] : memref<32768x1280xf32, #tpu.memory_space<hbm>> -> memref<32x1280xf32, #tpu.memory_space<hbm>>
    %dma_start3A_1378 = arith.constant 0 : i32
    %dma_start3A_1379 = tpu.memref_slice %arg4[%add3A_1375, %dma_start3A_1378] : memref<32768x1280xf32, #tpu.memory_space<hbm>> -> memref<32x1280xf32, #tpu.memory_space<hbm>>
    tpu.enqueue_dma source(%arg8 : memref<32x1280xf32, #tpu.memory_space<vmem>>) target(%dma_start3A_1379 : memref<32x1280xf32, #tpu.memory_space<hbm>>) target_semaphore(%arg12 : memref<!tpu.dma_semaphore, #tpu.memory_space<semaphore_mem>>)
    %dma_wait3A_1380 = arith.constant 0 : i32
    %dma_wait3A_1381 = tpu.memref_slice %arg4[%add3A_1375, %dma_wait3A_1380] : memref<32768x1280xf32, #tpu.memory_space<hbm>> -> memref<32x1280xf32, #tpu.memory_space<hbm>>
    %dma_wait3A_1382 = arith.constant 0 : i32
    %dma_wait3A_1383 = tpu.memref_slice %arg4[%add3A_1375, %dma_wait3A_1382] : memref<32768x1280xf32, #tpu.memory_space<hbm>> -> memref<32x1280xf32, #tpu.memory_space<hbm>>
    tpu.wait_dma2 semaphore(%arg12 : memref<!tpu.dma_semaphore, #tpu.memory_space<semaphore_mem>>) src(%arg8 : memref<32x1280xf32, #tpu.memory_space<vmem>>) dst(%dma_wait3A_1383 : memref<32x1280xf32, #tpu.memory_space<hbm>>)
    %dma_start3A_1384 = arith.constant 29 : i32
    %dma_start3A_1385 = arith.constant 0 : i32
    %dma_start3A_1386 = tpu.memref_slice %arg6[%dma_start3A_1384, %dma_start3A_1385] : memref<32x32xi32, #tpu.memory_space<vmem>> -> memref<1x32xi32, #tpu.memory_space<vmem>>
    %dma_start3A_1387 = tpu.memref_squeeze %dma_start3A_1386 : memref<1x32xi32, #tpu.memory_space<vmem>> -> memref<32xi32, #tpu.memory_space<vmem>>
    %dma_start3A_1388 = arith.constant 0 : i32
    %dma_start3A_1389 = arith.constant 0 : i32
    %dma_start3A_1390 = tpu.memref_slice %arg3[%dma_start3A_1388, %dma_start3A_1389] : memref<2048x1280xf32, #tpu.memory_space<hbm>> -> memref<2048x1280xf32, #tpu.memory_space<hbm>>
    tpu.enqueue_indirect_dma source(%dma_start3A_1390 : memref<2048x1280xf32, #tpu.memory_space<hbm>>) target(%arg8 : memref<32x1280xf32, #tpu.memory_space<vmem>>) offsets(%dma_start3A_1387 : memref<32xi32, #tpu.memory_space<vmem>>) semaphore(%arg10 : memref<!tpu.dma_semaphore, #tpu.memory_space<semaphore_mem>>)
    %dma_wait3A_1391 = arith.constant 28 : i32
    %dma_wait3A_1392 = arith.constant 0 : i32
    %dma_wait3A_1393 = tpu.memref_slice %arg6[%dma_wait3A_1391, %dma_wait3A_1392] : memref<32x32xi32, #tpu.memory_space<vmem>> -> memref<1x32xi32, #tpu.memory_space<vmem>>
    %dma_wait3A_1394 = tpu.memref_squeeze %dma_wait3A_1393 : memref<1x32xi32, #tpu.memory_space<vmem>> -> memref<32xi32, #tpu.memory_space<vmem>>
    %dma_wait3A_1395 = arith.constant 0 : i32
    %dma_wait3A_1396 = arith.constant 0 : i32
    %dma_wait3A_1397 = tpu.memref_slice %arg3[%dma_wait3A_1395, %dma_wait3A_1396] : memref<2048x1280xf32, #tpu.memory_space<hbm>> -> memref<2048x1280xf32, #tpu.memory_space<hbm>>
    tpu.wait_indirect_dma semaphore(%arg9 : memref<!tpu.dma_semaphore, #tpu.memory_space<semaphore_mem>>) src(%dma_wait3A_1397 : memref<2048x1280xf32, #tpu.memory_space<hbm>>) dst(%arg7 : memref<32x1280xf32, #tpu.memory_space<vmem>>)
    %add3A_1398 = arith.constant 896 : i32
    %add3A_1399 = arith.addi %mul3A_2, %add3A_1398 : i32
    %dma_start3A_1400 = arith.constant 0 : i32
    %dma_start3A_1401 = tpu.memref_slice %arg4[%add3A_1399, %dma_start3A_1400] : memref<32768x1280xf32, #tpu.memory_space<hbm>> -> memref<32x1280xf32, #tpu.memory_space<hbm>>
    %dma_start3A_1402 = arith.constant 0 : i32
    %dma_start3A_1403 = tpu.memref_slice %arg4[%add3A_1399, %dma_start3A_1402] : memref<32768x1280xf32, #tpu.memory_space<hbm>> -> memref<32x1280xf32, #tpu.memory_space<hbm>>
    tpu.enqueue_dma source(%arg7 : memref<32x1280xf32, #tpu.memory_space<vmem>>) target(%dma_start3A_1403 : memref<32x1280xf32, #tpu.memory_space<hbm>>) target_semaphore(%arg11 : memref<!tpu.dma_semaphore, #tpu.memory_space<semaphore_mem>>)
    %dma_wait3A_1404 = arith.constant 0 : i32
    %dma_wait3A_1405 = tpu.memref_slice %arg4[%add3A_1399, %dma_wait3A_1404] : memref<32768x1280xf32, #tpu.memory_space<hbm>> -> memref<32x1280xf32, #tpu.memory_space<hbm>>
    %dma_wait3A_1406 = arith.constant 0 : i32
    %dma_wait3A_1407 = tpu.memref_slice %arg4[%add3A_1399, %dma_wait3A_1406] : memref<32768x1280xf32, #tpu.memory_space<hbm>> -> memref<32x1280xf32, #tpu.memory_space<hbm>>
    tpu.wait_dma2 semaphore(%arg11 : memref<!tpu.dma_semaphore, #tpu.memory_space<semaphore_mem>>) src(%arg7 : memref<32x1280xf32, #tpu.memory_space<vmem>>) dst(%dma_wait3A_1407 : memref<32x1280xf32, #tpu.memory_space<hbm>>)
    %dma_start3A_1408 = arith.constant 30 : i32
    %dma_start3A_1409 = arith.constant 0 : i32
    %dma_start3A_1410 = tpu.memref_slice %arg6[%dma_start3A_1408, %dma_start3A_1409] : memref<32x32xi32, #tpu.memory_space<vmem>> -> memref<1x32xi32, #tpu.memory_space<vmem>>
    %dma_start3A_1411 = tpu.memref_squeeze %dma_start3A_1410 : memref<1x32xi32, #tpu.memory_space<vmem>> -> memref<32xi32, #tpu.memory_space<vmem>>
    %dma_start3A_1412 = arith.constant 0 : i32
    %dma_start3A_1413 = arith.constant 0 : i32
    %dma_start3A_1414 = tpu.memref_slice %arg3[%dma_start3A_1412, %dma_start3A_1413] : memref<2048x1280xf32, #tpu.memory_space<hbm>> -> memref<2048x1280xf32, #tpu.memory_space<hbm>>
    tpu.enqueue_indirect_dma source(%dma_start3A_1414 : memref<2048x1280xf32, #tpu.memory_space<hbm>>) target(%arg7 : memref<32x1280xf32, #tpu.memory_space<vmem>>) offsets(%dma_start3A_1411 : memref<32xi32, #tpu.memory_space<vmem>>) semaphore(%arg9 : memref<!tpu.dma_semaphore, #tpu.memory_space<semaphore_mem>>)
    %dma_wait3A_1415 = arith.constant 29 : i32
    %dma_wait3A_1416 = arith.constant 0 : i32
    %dma_wait3A_1417 = tpu.memref_slice %arg6[%dma_wait3A_1415, %dma_wait3A_1416] : memref<32x32xi32, #tpu.memory_space<vmem>> -> memref<1x32xi32, #tpu.memory_space<vmem>>
    %dma_wait3A_1418 = tpu.memref_squeeze %dma_wait3A_1417 : memref<1x32xi32, #tpu.memory_space<vmem>> -> memref<32xi32, #tpu.memory_space<vmem>>
    %dma_wait3A_1419 = arith.constant 0 : i32
    %dma_wait3A_1420 = arith.constant 0 : i32
    %dma_wait3A_1421 = tpu.memref_slice %arg3[%dma_wait3A_1419, %dma_wait3A_1420] : memref<2048x1280xf32, #tpu.memory_space<hbm>> -> memref<2048x1280xf32, #tpu.memory_space<hbm>>
    tpu.wait_indirect_dma semaphore(%arg10 : memref<!tpu.dma_semaphore, #tpu.memory_space<semaphore_mem>>) src(%dma_wait3A_1421 : memref<2048x1280xf32, #tpu.memory_space<hbm>>) dst(%arg8 : memref<32x1280xf32, #tpu.memory_space<vmem>>)
    %add3A_1422 = arith.constant 928 : i32
    %add3A_1423 = arith.addi %mul3A_2, %add3A_1422 : i32
    %dma_start3A_1424 = arith.constant 0 : i32
    %dma_start3A_1425 = tpu.memref_slice %arg4[%add3A_1423, %dma_start3A_1424] : memref<32768x1280xf32, #tpu.memory_space<hbm>> -> memref<32x1280xf32, #tpu.memory_space<hbm>>
    %dma_start3A_1426 = arith.constant 0 : i32
    %dma_start3A_1427 = tpu.memref_slice %arg4[%add3A_1423, %dma_start3A_1426] : memref<32768x1280xf32, #tpu.memory_space<hbm>> -> memref<32x1280xf32, #tpu.memory_space<hbm>>
    tpu.enqueue_dma source(%arg8 : memref<32x1280xf32, #tpu.memory_space<vmem>>) target(%dma_start3A_1427 : memref<32x1280xf32, #tpu.memory_space<hbm>>) target_semaphore(%arg12 : memref<!tpu.dma_semaphore, #tpu.memory_space<semaphore_mem>>)
    %dma_wait3A_1428 = arith.constant 0 : i32
    %dma_wait3A_1429 = tpu.memref_slice %arg4[%add3A_1423, %dma_wait3A_1428] : memref<32768x1280xf32, #tpu.memory_space<hbm>> -> memref<32x1280xf32, #tpu.memory_space<hbm>>
    %dma_wait3A_1430 = arith.constant 0 : i32
    %dma_wait3A_1431 = tpu.memref_slice %arg4[%add3A_1423, %dma_wait3A_1430] : memref<32768x1280xf32, #tpu.memory_space<hbm>> -> memref<32x1280xf32, #tpu.memory_space<hbm>>
    tpu.wait_dma2 semaphore(%arg12 : memref<!tpu.dma_semaphore, #tpu.memory_space<semaphore_mem>>) src(%arg8 : memref<32x1280xf32, #tpu.memory_space<vmem>>) dst(%dma_wait3A_1431 : memref<32x1280xf32, #tpu.memory_space<hbm>>)
    %dma_start3A_1432 = arith.constant 31 : i32
    %dma_start3A_1433 = arith.constant 0 : i32
    %dma_start3A_1434 = tpu.memref_slice %arg6[%dma_start3A_1432, %dma_start3A_1433] : memref<32x32xi32, #tpu.memory_space<vmem>> -> memref<1x32xi32, #tpu.memory_space<vmem>>
    %dma_start3A_1435 = tpu.memref_squeeze %dma_start3A_1434 : memref<1x32xi32, #tpu.memory_space<vmem>> -> memref<32xi32, #tpu.memory_space<vmem>>
    %dma_start3A_1436 = arith.constant 0 : i32
    %dma_start3A_1437 = arith.constant 0 : i32
    %dma_start3A_1438 = tpu.memref_slice %arg3[%dma_start3A_1436, %dma_start3A_1437] : memref<2048x1280xf32, #tpu.memory_space<hbm>> -> memref<2048x1280xf32, #tpu.memory_space<hbm>>
    tpu.enqueue_indirect_dma source(%dma_start3A_1438 : memref<2048x1280xf32, #tpu.memory_space<hbm>>) target(%arg8 : memref<32x1280xf32, #tpu.memory_space<vmem>>) offsets(%dma_start3A_1435 : memref<32xi32, #tpu.memory_space<vmem>>) semaphore(%arg10 : memref<!tpu.dma_semaphore, #tpu.memory_space<semaphore_mem>>)
    %dma_wait3A_1439 = arith.constant 30 : i32
    %dma_wait3A_1440 = arith.constant 0 : i32
    %dma_wait3A_1441 = tpu.memref_slice %arg6[%dma_wait3A_1439, %dma_wait3A_1440] : memref<32x32xi32, #tpu.memory_space<vmem>> -> memref<1x32xi32, #tpu.memory_space<vmem>>
    %dma_wait3A_1442 = tpu.memref_squeeze %dma_wait3A_1441 : memref<1x32xi32, #tpu.memory_space<vmem>> -> memref<32xi32, #tpu.memory_space<vmem>>
    %dma_wait3A_1443 = arith.constant 0 : i32
    %dma_wait3A_1444 = arith.constant 0 : i32
    %dma_wait3A_1445 = tpu.memref_slice %arg3[%dma_wait3A_1443, %dma_wait3A_1444] : memref<2048x1280xf32, #tpu.memory_space<hbm>> -> memref<2048x1280xf32, #tpu.memory_space<hbm>>
    tpu.wait_indirect_dma semaphore(%arg9 : memref<!tpu.dma_semaphore, #tpu.memory_space<semaphore_mem>>) src(%dma_wait3A_1445 : memref<2048x1280xf32, #tpu.memory_space<hbm>>) dst(%arg7 : memref<32x1280xf32, #tpu.memory_space<vmem>>)
    %add3A_1446 = arith.constant 960 : i32
    %add3A_1447 = arith.addi %mul3A_2, %add3A_1446 : i32
    %dma_start3A_1448 = arith.constant 0 : i32
    %dma_start3A_1449 = tpu.memref_slice %arg4[%add3A_1447, %dma_start3A_1448] : memref<32768x1280xf32, #tpu.memory_space<hbm>> -> memref<32x1280xf32, #tpu.memory_space<hbm>>
    %dma_start3A_1450 = arith.constant 0 : i32
    %dma_start3A_1451 = tpu.memref_slice %arg4[%add3A_1447, %dma_start3A_1450] : memref<32768x1280xf32, #tpu.memory_space<hbm>> -> memref<32x1280xf32, #tpu.memory_space<hbm>>
    tpu.enqueue_dma source(%arg7 : memref<32x1280xf32, #tpu.memory_space<vmem>>) target(%dma_start3A_1451 : memref<32x1280xf32, #tpu.memory_space<hbm>>) target_semaphore(%arg11 : memref<!tpu.dma_semaphore, #tpu.memory_space<semaphore_mem>>)
    %dma_wait3A_1452 = arith.constant 31 : i32
    %dma_wait3A_1453 = arith.constant 0 : i32
    %dma_wait3A_1454 = tpu.memref_slice %arg6[%dma_wait3A_1452, %dma_wait3A_1453] : memref<32x32xi32, #tpu.memory_space<vmem>> -> memref<1x32xi32, #tpu.memory_space<vmem>>
    %dma_wait3A_1455 = tpu.memref_squeeze %dma_wait3A_1454 : memref<1x32xi32, #tpu.memory_space<vmem>> -> memref<32xi32, #tpu.memory_space<vmem>>
    %dma_wait3A_1456 = arith.constant 0 : i32
    %dma_wait3A_1457 = arith.constant 0 : i32
    %dma_wait3A_1458 = tpu.memref_slice %arg3[%dma_wait3A_1456, %dma_wait3A_1457] : memref<2048x1280xf32, #tpu.memory_space<hbm>> -> memref<2048x1280xf32, #tpu.memory_space<hbm>>
    tpu.wait_indirect_dma semaphore(%arg10 : memref<!tpu.dma_semaphore, #tpu.memory_space<semaphore_mem>>) src(%dma_wait3A_1458 : memref<2048x1280xf32, #tpu.memory_space<hbm>>) dst(%arg8 : memref<32x1280xf32, #tpu.memory_space<vmem>>)
    %add3A_1459 = arith.constant 992 : i32
    %add3A_1460 = arith.addi %mul3A_2, %add3A_1459 : i32
    %dma_start3A_1461 = arith.constant 0 : i32
    %dma_start3A_1462 = tpu.memref_slice %arg4[%add3A_1460, %dma_start3A_1461] : memref<32768x1280xf32, #tpu.memory_space<hbm>> -> memref<32x1280xf32, #tpu.memory_space<hbm>>
    %dma_start3A_1463 = arith.constant 0 : i32
    %dma_start3A_1464 = tpu.memref_slice %arg4[%add3A_1460, %dma_start3A_1463] : memref<32768x1280xf32, #tpu.memory_space<hbm>> -> memref<32x1280xf32, #tpu.memory_space<hbm>>
    tpu.enqueue_dma source(%arg8 : memref<32x1280xf32, #tpu.memory_space<vmem>>) target(%dma_start3A_1464 : memref<32x1280xf32, #tpu.memory_space<hbm>>) target_semaphore(%arg12 : memref<!tpu.dma_semaphore, #tpu.memory_space<semaphore_mem>>)
    %dma_wait3A_1465 = arith.constant 0 : i32
    %dma_wait3A_1466 = tpu.memref_slice %arg4[%add3A_1447, %dma_wait3A_1465] : memref<32768x1280xf32, #tpu.memory_space<hbm>> -> memref<32x1280xf32, #tpu.memory_space<hbm>>
    %dma_wait3A_1467 = arith.constant 0 : i32
    %dma_wait3A_1468 = tpu.memref_slice %arg4[%add3A_1447, %dma_wait3A_1467] : memref<32768x1280xf32, #tpu.memory_space<hbm>> -> memref<32x1280xf32, #tpu.memory_space<hbm>>
    tpu.wait_dma2 semaphore(%arg11 : memref<!tpu.dma_semaphore, #tpu.memory_space<semaphore_mem>>) src(%arg7 : memref<32x1280xf32, #tpu.memory_space<vmem>>) dst(%dma_wait3A_1468 : memref<32x1280xf32, #tpu.memory_space<hbm>>)
    %dma_wait3A_1469 = arith.constant 0 : i32
    %dma_wait3A_1470 = tpu.memref_slice %arg4[%add3A_1460, %dma_wait3A_1469] : memref<32768x1280xf32, #tpu.memory_space<hbm>> -> memref<32x1280xf32, #tpu.memory_space<hbm>>
    %dma_wait3A_1471 = arith.constant 0 : i32
    %dma_wait3A_1472 = tpu.memref_slice %arg4[%add3A_1460, %dma_wait3A_1471] : memref<32768x1280xf32, #tpu.memory_space<hbm>> -> memref<32x1280xf32, #tpu.memory_space<hbm>>
    tpu.wait_dma2 semaphore(%arg12 : memref<!tpu.dma_semaphore, #tpu.memory_space<semaphore_mem>>) src(%arg8 : memref<32x1280xf32, #tpu.memory_space<vmem>>) dst(%dma_wait3A_1472 : memref<32x1280xf32, #tpu.memory_space<hbm>>)
    return
  }
}

module attributes {stable_mosaic.version = 14 : i64} {
  func.func @_stage_a_body(%arg0: i32, %arg1: memref<32x1024xi32, #tpu.memory_space<vmem>>, %arg2: memref<64x1280xf32, #tpu.memory_space<vmem>>, %arg3: memref<1x1280xf32, #tpu.memory_space<vmem>>, %arg4: memref<1x1280xf32, #tpu.memory_space<vmem>>, %arg5: memref<32x64x1280xf32, #tpu.memory_space<vmem>>) attributes {dimension_semantics = [#tpu.dimension_semantics<arbitrary>], iteration_bounds = array<i64: 1>, scalar_prefetch = 0 : i64, scratch_operands = 0 : i64, tpu.core_type = #tpu.core_type<tc>, window_params = [{pipeline_mode = #tpu.pipeline_mode<synchronous>, transform_indices = @transform_0, window_bounds = array<i64: 32, 1024>}, {pipeline_mode = #tpu.pipeline_mode<synchronous>, transform_indices = @transform_1, window_bounds = array<i64: 64, 1280>}, {pipeline_mode = #tpu.pipeline_mode<synchronous>, transform_indices = @transform_2, window_bounds = array<i64: 1, 1280>}, {pipeline_mode = #tpu.pipeline_mode<synchronous>, transform_indices = @transform_3, window_bounds = array<i64: 1, 1280>}, {pipeline_mode = #tpu.pipeline_mode<synchronous>, transform_indices = @transform_4, window_bounds = array<i64: 32, 64, 1280>}]} {
    %get3A = arith.constant 0 : index
    %get3A_0 = arith.constant 0 : index
    %get3A_1 = vector.load %arg1[%get3A, %get3A_0] : memref<32x1024xi32, #tpu.memory_space<vmem>>, vector<32x1024xi32>
    %ne3A = arith.constant 1 : i32
    %ne3A_2 = vector.broadcast %ne3A : i32 to vector<32x1024xi32>
    %ne3A_3 = arith.cmpi ne, %get3A_1, %ne3A_2 : vector<32x1024xi32>
    %convert_element_type3A = arith.extui %ne3A_3 : vector<32x1024xi1> to vector<32x1024xi32>
    %convert_element_type3A_4 = arith.sitofp %convert_element_type3A : vector<32x1024xi32> to vector<32x1024xf32>
    %reduce_sum3A = arith.constant dense<0.000000e+00> : vector<32xf32>
    %reduce_sum3A_5 = vector.multi_reduction <add>, %convert_element_type3A_4, %reduce_sum3A [1] : vector<32x1024xf32> to vector<32xf32>
    %broadcast_in_dim3A = vector.shape_cast %reduce_sum3A_5 : vector<32xf32> to vector<32x1xf32>
    %eq3A = arith.constant 32 : i32
    %eq3A_6 = vector.broadcast %eq3A : i32 to vector<32x1024xi32>
    %eq3A_7 = arith.cmpi eq, %get3A_1, %eq3A_6 : vector<32x1024xi32>
    %convert_element_type3A_8 = arith.extui %eq3A_7 : vector<32x1024xi1> to vector<32x1024xi32>
    %convert_element_type3A_9 = arith.sitofp %convert_element_type3A_8 : vector<32x1024xi32> to vector<32x1024xf32>
    %reduce_sum3A_10 = arith.constant dense<0.000000e+00> : vector<32xf32>
    %reduce_sum3A_11 = vector.multi_reduction <add>, %convert_element_type3A_9, %reduce_sum3A_10 [1] : vector<32x1024xf32> to vector<32xf32>
    %broadcast_in_dim3A_12 = vector.shape_cast %reduce_sum3A_11 : vector<32xf32> to vector<32x1xf32>
    %mul3A = arith.constant 0.879999995 : f32
    %mul3A_13 = vector.broadcast %mul3A : f32 to vector<32x1xf32>
    %mul3A_14 = arith.mulf %mul3A_13, %broadcast_in_dim3A : vector<32x1xf32>
    %sub3A = arith.subf %broadcast_in_dim3A, %broadcast_in_dim3A_12 : vector<32x1xf32>
    %div3A = arith.divf %mul3A_14, %sub3A : vector<32x1xf32>
    %get3A_15 = arith.constant 0 : index
    %get3A_16 = arith.constant 0 : index
    %get3A_17 = vector.load %arg2[%get3A_15, %get3A_16] : memref<64x1280xf32, #tpu.memory_space<vmem>>, vector<64x1280xf32>
    %iota3A = tpu.iota {dimensions = array<i32: 0>} : vector<64x1280xi32>
    %ne3A_18 = arith.constant 1 : i32
    %ne3A_19 = vector.broadcast %ne3A_18 : i32 to vector<64x1280xi32>
    %ne3A_20 = arith.cmpi ne, %iota3A, %ne3A_19 : vector<64x1280xi32>
    %ne3A_21 = arith.constant 32 : i32
    %ne3A_22 = vector.broadcast %ne3A_21 : i32 to vector<64x1280xi32>
    %ne3A_23 = arith.cmpi ne, %iota3A, %ne3A_22 : vector<64x1280xi32>
    %and3A = arith.andi %ne3A_20, %ne3A_23 : vector<64x1280xi1>
    %convert_element_type3A_24 = arith.extui %and3A : vector<64x1280xi1> to vector<64x1280xi32>
    %convert_element_type3A_25 = arith.sitofp %convert_element_type3A_24 : vector<64x1280xi32> to vector<64x1280xf32>
    %mul3A_26 = arith.mulf %get3A_17, %convert_element_type3A_25 : vector<64x1280xf32>
    %broadcast_in_dim3A_27 = vector.shape_cast %mul3A_26 : vector<64x1280xf32> to vector<1x64x1280xf32>
    %broadcast_in_dim3A_28 = vector.shape_cast %div3A : vector<32x1xf32> to vector<32x1x1xf32>
    %mul3A_29 = vector.broadcast %broadcast_in_dim3A_27 : vector<1x64x1280xf32> to vector<32x64x1280xf32>
    %mul3A_30 = vector.broadcast %broadcast_in_dim3A_28 : vector<32x1x1xf32> to vector<32x64x1280xf32>
    %mul3A_31 = arith.mulf %mul3A_29, %mul3A_30 : vector<32x64x1280xf32>
    %reduce_sum3A_32 = arith.constant dense<0.000000e+00> : vector<32x64xf32>
    %reduce_sum3A_33 = vector.multi_reduction <add>, %mul3A_31, %reduce_sum3A_32 [2] : vector<32x64x1280xf32> to vector<32x64xf32>
    %broadcast_in_dim3A_34 = vector.shape_cast %reduce_sum3A_33 : vector<32x64xf32> to vector<32x64x1xf32>
    %div3A_35 = arith.constant 1.280000e+03 : f32
    %div3A_36 = vector.broadcast %div3A_35 : f32 to vector<32x64x1xf32>
    %div3A_37 = arith.divf %broadcast_in_dim3A_34, %div3A_36 : vector<32x64x1xf32>
    %sub3A_38 = vector.broadcast %div3A_37 : vector<32x64x1xf32> to vector<32x64x1280xf32>
    %sub3A_39 = arith.subf %mul3A_31, %sub3A_38 : vector<32x64x1280xf32>
    %sub3A_40 = vector.broadcast %div3A_37 : vector<32x64x1xf32> to vector<32x64x1280xf32>
    %sub3A_41 = arith.subf %mul3A_31, %sub3A_40 : vector<32x64x1280xf32>
    %mul3A_42 = arith.mulf %sub3A_39, %sub3A_41 : vector<32x64x1280xf32>
    %reduce_sum3A_43 = arith.constant dense<0.000000e+00> : vector<32x64xf32>
    %reduce_sum3A_44 = vector.multi_reduction <add>, %mul3A_42, %reduce_sum3A_43 [2] : vector<32x64x1280xf32> to vector<32x64xf32>
    %broadcast_in_dim3A_45 = vector.shape_cast %reduce_sum3A_44 : vector<32x64xf32> to vector<32x64x1xf32>
    %div3A_46 = arith.constant 1.280000e+03 : f32
    %div3A_47 = vector.broadcast %div3A_46 : f32 to vector<32x64x1xf32>
    %div3A_48 = arith.divf %broadcast_in_dim3A_45, %div3A_47 : vector<32x64x1xf32>
    %add3A = arith.constant 9.99999974E-6 : f32
    %add3A_49 = vector.broadcast %add3A : f32 to vector<32x64x1xf32>
    %add3A_50 = arith.addf %div3A_48, %add3A_49 : vector<32x64x1xf32>
    %rsqrt3A = math.rsqrt %add3A_50 : vector<32x64x1xf32>
    %sub3A_51 = vector.broadcast %div3A_37 : vector<32x64x1xf32> to vector<32x64x1280xf32>
    %sub3A_52 = arith.subf %mul3A_31, %sub3A_51 : vector<32x64x1280xf32>
    %mul3A_53 = vector.broadcast %rsqrt3A : vector<32x64x1xf32> to vector<32x64x1280xf32>
    %mul3A_54 = arith.mulf %sub3A_52, %mul3A_53 : vector<32x64x1280xf32>
    %get3A_55 = arith.constant 0 : index
    %get3A_56 = arith.constant 0 : index
    %get3A_57 = vector.load %arg3[%get3A_55, %get3A_56] : memref<1x1280xf32, #tpu.memory_space<vmem>>, vector<1x1280xf32>
    %broadcast_in_dim3A_58 = vector.shape_cast %get3A_57 : vector<1x1280xf32> to vector<1x1x1280xf32>
    %mul3A_59 = vector.broadcast %broadcast_in_dim3A_58 : vector<1x1x1280xf32> to vector<32x64x1280xf32>
    %mul3A_60 = arith.mulf %mul3A_54, %mul3A_59 : vector<32x64x1280xf32>
    %get3A_61 = arith.constant 0 : index
    %get3A_62 = arith.constant 0 : index
    %get3A_63 = vector.load %arg4[%get3A_61, %get3A_62] : memref<1x1280xf32, #tpu.memory_space<vmem>>, vector<1x1280xf32>
    %broadcast_in_dim3A_64 = vector.shape_cast %get3A_63 : vector<1x1280xf32> to vector<1x1x1280xf32>
    %add3A_65 = vector.broadcast %broadcast_in_dim3A_64 : vector<1x1x1280xf32> to vector<32x64x1280xf32>
    %add3A_66 = arith.addf %mul3A_60, %add3A_65 : vector<32x64x1280xf32>
    %swap3A = arith.constant 0 : index
    %swap3A_67 = arith.constant 0 : index
    %swap3A_68 = arith.constant 0 : index
    %swap3A_69 = vector.load %arg5[%swap3A, %swap3A_67, %swap3A_68] : memref<32x64x1280xf32, #tpu.memory_space<vmem>>, vector<32x64x1280xf32>
    tpu.vector_store %arg5[%swap3A, %swap3A_67, %swap3A_68], %add3A_66 {strides = array<i32>} : memref<32x64x1280xf32, #tpu.memory_space<vmem>>, vector<32x64x1280xf32>,
    return
  }
  func.func @transform_0(%arg0: i32) -> (i32, i32) {
    %c0_i32 = arith.constant 0 : i32
    %c0_i32_0 = arith.constant 0 : i32
    %c0_i32_1 = arith.constant 0 : i32
    return %c0_i32, %c0_i32_0 : i32, i32
  }
  func.func @transform_1(%arg0: i32) -> (i32, i32) {
    %c0_i32 = arith.constant 0 : i32
    %c0_i32_0 = arith.constant 0 : i32
    %c0_i32_1 = arith.constant 0 : i32
    return %c0_i32, %c0_i32_0 : i32, i32
  }
  func.func @transform_2(%arg0: i32) -> (i32, i32) {
    %c0_i32 = arith.constant 0 : i32
    %c0_i32_0 = arith.constant 0 : i32
    %c0_i32_1 = arith.constant 0 : i32
    return %c0_i32, %c0_i32_0 : i32, i32
  }
  func.func @transform_3(%arg0: i32) -> (i32, i32) {
    %c0_i32 = arith.constant 0 : i32
    %c0_i32_0 = arith.constant 0 : i32
    %c0_i32_1 = arith.constant 0 : i32
    return %c0_i32, %c0_i32_0 : i32, i32
  }
  func.func @transform_4(%arg0: i32) -> (i32, i32, i32) {
    %c0_i32 = arith.constant 0 : i32
    %c0_i32_0 = arith.constant 0 : i32
    %c0_i32_1 = arith.constant 0 : i32
    %c0_i32_2 = arith.constant 0 : i32
    return %c0_i32, %c0_i32_0, %c0_i32_1 : i32, i32, i32
  }
}

</mosaic_0001>

<sc_bundles>
// kernel: kernel.4.cloned.1.call-start
scs
__scs_entry_jumppad:
0x0: {  	(pc) =	sbr.rel $0x88, $3  }
0x1: {  	(tag) =	ssettag $0x0;
	lr =	simm.s32 $0x1  }
0x2: {  	[smem:$0x3F9D] =	sst lr;
	_ =	strace $0xD0000000  }
0x3: {  	_ = 	snop  }
0x4: {  	_ = 	snop  }
0x5: {  	_ = 	snop  }
0x6: {  	_ = 	snop  }
0x7: {  	_ = 	snop  }
__scs_overlays_trampoline_lowered:
0x8: {  	[smem:$0x3FAC] =	sst s0  }
0x9: {  	[smem:$0x3FAD] =	sst s1  }
0xa: {  	[smem:$0x3FAE] =	sst s2  }
0xb: {  	[smem:$0x3FAF] =	sst s3  }
0xc: {  	[smem:$0x3FB0] =	sst s4  }
0xd: {  	[smem:$0x3FB1] =	sst s5  }
0xe: {  	[smem:$0x3FB2] =	sst s6  }
0xf: {  	[smem:$0x3FB3] =	sst s7  }
0x10: {  	[smem:$0x3FB4] =	sst s8  }
0x11: {  	[smem:$0x3FB5] =	sst s9;
	s0 =	simm.s32 @!p0 $0x0  }
0x12: {  	s1 =	sld [smem:$0x3F9B];
	s0 =	simm.s32 @p0 $0x1  }
0x13: {  	[smem:$0x3FB6] =	sst s0;
	s0 =	simm.s32 @!p1 $0x0  }
0x14: {  	s2 =	sld [smem:$0x3F9A];
	s0 =	simm.s32 @p1 $0x1  }
0x15: {  	[smem:$0x3FB7] =	sst s0;
	s0 =	simm.s32 @!p2 $0x0  }
0x16: {  	s3 =	sld [smem:$0x3FDB];
	s0 =	simm.s32 @p2 $0x1  }
0x17: {  	s4 =	simm.s32 $0x1BF5;
	[smem:$0x3FB9] =	sst s0  }
0x18: {  	s0 =	sld [smem:$0x3F9C];
	_ =	swait.ge [sflag:s4], $0x0  }
0x19: {  	s7 =	sld [smem:$0x3F9D]  }
0x1a: {  	s8 =	sadd.s32 $0xFFFFE003, lr  }
0x1b: {  	s9 =	sadd.s32 $0xFFFFFEF7, lr;
	s5 =	simm.s32 $0xFFFFFFFF;
	p2 =	slt.u32 s8, $0xFFFFF086  }
0x1c: {  	p1 =	slt.u32 s9, $0xF7A;
	s5 =	simm.s32 @!p2 $0x0  }
0x1d: {  	s5 =	simm.s32 @p1 $0x1;
	p0 =	seq.s32 s7, s2  }
0x1e: {  	s7 =	smul.u32 @!p0 $0xF7A, s2;
	p2 =	seq.s32 @!p0 s5, $0x0  }
0x1f: {  	s9 =	smul.u32 $0xF7A, s1;
	s8 =	simm.s32 @!p0 $0x1BF5;
	p2 =	por !p2, p0  }
0x20: {  	[sflag:s8] =	ssyncset.s32 @!p0 $0xFFFFF086;
	s6 =	sadd.s32 @!p0 s3, s7;
	s7 =	simm.s32 @!p0 $0x108  }
0x21: {  	s3 =	sadd.s32 s3, s9;
	s6 =	sadd.s32 @!p0 $0x88, s6;
	s7 =	simm.s32 @p2 $0x1082  }
0x22: {  	[simem:s7], [sflag:s8] =	dma.local @!p0 [hbm:s6], $0xF7A  }
0x23: {  	s9 =	sor.u32 $0xD0000000, s2;
	s6 =	simm.s32 $0x108;
	_ =	swait.ge @!p0 [sflag:s8], $0x0  }
0x24: {  	s3 =	sadd.s32 $0x88, s3;
	s6 =	simm.s32 @!p1 $0x1082;
	[sflag:s4] =	ssyncset.s32 $0xFFFFF086  }
0x25: {  	[simem:s6], [sflag:s4] =	dma.local [hbm:s3], $0xF7A  }
0x26: {  	[smem:$0x3F9D] =	sst s1;
	(tag) =	ssettag s2;
	_ =	strace s9  }
0x27: {  	s1 =	sld [smem:$0x3FAD]  }
0x28: {  	s2 =	sld [smem:$0x3FAE]  }
0x29: {  	s4 =	sld [smem:$0x3FB0]  }
0x2a: {  	p0 =	seq.s32 s5, $0x0;
	s5 =	sld [smem:$0x3FB1]  }
0x2b: {  	s6 =	sld [smem:$0x3FB2]  }
0x2c: {  	s7 =	sld [smem:$0x3FB3]  }
0x2d: {  	s3 =	simm.s32 $0x108;
	s8 =	sld [smem:$0x3FB4]  }
0x2e: {  	s3 =	simm.s32 @!p0 $0x1082;
	s9 =	sld [smem:$0x3FB5]  }
0x2f: {  	lr =	sadd.s32 s0, s3;
	s0 =	sld [smem:$0x3FAC]  }
0x30: {  	s3 =	sld [smem:$0x3FAF]  }
0x31: {  	[smem:$0x3FB8] =	sst s10  }
0x32: {  	s10 =	sld [smem:$0x3FB6];
	_ =	sdelay $0x3  }
0x33: {  	p0 =	seq.s32 s10, $0x1;
	s10 =	sld [smem:$0x3FB8];
	_ =	sdelay $0x3  }
0x34: {  	[smem:$0x3FB8] =	sst s10  }
0x35: {  	s10 =	sld [smem:$0x3FB7];
	_ =	sdelay $0x3  }
0x36: {  	p1 =	seq.s32 s10, $0x1;
	s10 =	sld [smem:$0x3FB8];
	_ =	sdelay $0x3  }
0x37: {  	[smem:$0x3FB8] =	sst s10  }
0x38: {  	s10 =	sld [smem:$0x3FB9]  }
0x39: {  	_ = 	snop;
	(pc) =	sbr.ind lr, $3  }
0x3a: {  	_ = 	snop  }
0x3b: {  	_ = 	snop  }
0x3c: {  	p2 =	seq.s32 s10, $0x1;
	s10 =	sld [smem:$0x3FB8]  }
0x3d: {  	_ =	shalt  }
0x3e: {  	_ =	shalt  }
0x3f: {  	_ =	shalt  }
0x40: {  	_ =	shalt  }
0x41: {  	_ =	shalt  }
0x42: {  	_ =	shalt  }
0x43: {  	_ =	shalt  }
0x44: {  	_ =	shalt  }
0x45: {  	_ =	shalt  }
0x46: {  	_ =	shalt  }
0x47: {  	_ =	shalt  }
0x48: {  	_ =	shalt  }
0x49: {  	_ =	shalt  }
0x4a: {  	_ =	shalt  }
0x4b: {  	_ =	shalt  }
0x4c: {  	_ =	shalt  }
0x4d: {  	_ =	shalt  }
0x4e: {  	_ =	shalt  }
0x4f: {  	_ =	shalt  }
0x50: {  	_ =	shalt  }
0x51: {  	_ =	shalt  }
0x52: {  	_ =	shalt  }
0x53: {  	_ =	shalt  }
0x54: {  	_ =	shalt  }
0x55: {  	_ =	shalt  }
0x56: {  	_ =	shalt  }
0x57: {  	_ =	shalt  }
0x58: {  	_ =	shalt  }
0x59: {  	_ =	shalt  }
0x5a: {  	_ =	shalt  }
0x5b: {  	_ =	shalt  }
0x5c: {  	_ =	shalt  }
0x5d: {  	_ =	shalt  }
0x5e: {  	_ =	shalt  }
0x5f: {  	_ =	shalt  }
0x60: {  	_ =	shalt  }
0x61: {  	_ =	shalt  }
0x62: {  	_ =	shalt  }
0x63: {  	_ =	shalt  }
0x64: {  	_ =	shalt  }
0x65: {  	_ =	shalt  }
0x66: {  	_ =	shalt  }
0x67: {  	_ =	shalt  }
0x68: {  	_ =	shalt  }
0x69: {  	_ =	shalt  }
0x6a: {  	_ =	shalt  }
0x6b: {  	_ =	shalt  }
0x6c: {  	_ =	shalt  }
0x6d: {  	_ =	shalt  }
0x6e: {  	_ =	shalt  }
0x6f: {  	_ =	shalt  }
0x70: {  	_ =	shalt  }
0x71: {  	_ =	shalt  }
0x72: {  	_ =	shalt  }
0x73: {  	_ =	shalt  }
0x74: {  	_ =	shalt  }
0x75: {  	_ =	shalt  }
0x76: {  	_ =	shalt  }
0x77: {  	_ =	shalt  }
0x78: {  	_ =	shalt  }
0x79: {  	_ =	shalt  }
0x7a: {  	_ =	shalt  }
0x7b: {  	_ =	shalt  }
0x7c: {  	_ =	shalt  }
0x7d: {  	_ =	shalt  }
0x7e: {  	_ =	shalt  }
0x7f: {  	_ =	shalt  }
0x80: {  	_ =	shalt  }
0x81: {  	_ =	shalt  }
0x82: {  	_ =	shalt  }
0x83: {  	_ =	shalt  }
0x84: {  	_ =	shalt  }
0x85: {  	_ =	shalt  }
0x86: {  	_ =	shalt  }
0x87: {  	_ =	shalt  }
.Lfunc_end0:
.L_simem_size_0:
called_computation_lowered:
.L_overlay_start_0:
0x88: {  	s2 =	sld [smem:$0x3FD9]  }
0x89: {  	s3 =	sld [smem:$0x3FFE];
	_ =	sdelay $0x1  }
0x8a: {  	s1 =	srdreg.scid  }
0x8b: {  	s0 =	sand.u32 $0x1, s1  }
0x8c: {  	s17 =	sshll.u32 s0, $0xA;
	s2 =	sadd.s32 s3, s2  }
0x8d: {  	s2 =	sadd.s32 s2, s17  }
0x8e: {  	[smem:$0x3FC4] =	sst s2  }
0x8f: {  	_ = 	snop  }
0x90: {  	s2 =	sld [smem:$0x3FD0];
	(tm) =	ssettm $0x1  }
0x91: {  	s18 =	sld [smem:$0x3FFB];
	_ =	sdelay $0x3  }
0x92: {  	_ =	strace s18  }
0x93: {  	s3 =	sld [smem:$0x3FFC];
	_ =	sdelay $0x3  }
0x94: {  	_ =	strace s3  }
0x95: {  	s3 =	sld [smem:$0x3FFD];
	_ =	sdelay $0x3  }
0x96: {  	_ =	strace s3  }
0x97: {  	_ =	strace $0x8FFFFFFF  }
0x98: {  	s19 =	sld [smem:$0x3FDB];
	_ =	sdelay $0x1  }
0x99: {  	s4 =	simm.s32 $_scs_section_size  }
0x9a: {  	s5 =	simm.s32 $_size__tile_overlayer_lowered;
	s6 =	simm.s32 $_tile_overlayer_lowered  }
0x9b: {  	s22 =	simm.s32 $0x1BFF;
	s21 =	sshll.u32 s6, $0x1;
	s3 =	sadd.s32 s4, s19  }
0x9c: {  	s7 =	simm.s32 $0x0;
	s20 =	sshll.u32 s5, $0x1;
	s5 =	sadd.s32 s21, s3  }
0x9d: {  	[timem:s7], [sflag:s22] =	dma.local [hbm:s5], s20  }
0x9e: {  	_ =	swait.ge [sflag:s22], s20  }
0x9f: {  	s4 =	ssub.s32 $0x0, s20;
	[sflag:s22] =	ssyncset.done $0x0  }
0xa0: {  	[sflag:s22] =	ssyncadd.s32 s4;
	_ =	sdelay $0x1  }
0xa1: {  	s23 =	simm.s32 $0x1B8B  }
0xa2: {  	_ =	swait.ge [sflag:s23], $0x1  }
0xa3: {  	[sflag:s23] =	ssyncset.done $0x0  }
0xa4: {  	s25 =	simm.s32 $0x1B8E;
	s24 =	sld [smem:$0x3FFE];
	[sflag:s23] =	ssyncadd.s32 $0xFFFFFFFF  }
0xa5: {  	s26 =	simm.s32 $execute0_lowered;
	[smem:$0x3FD2] =	sst s25  }
0xa6: {  	s5 =	sshll.u32 s26, $0x1;
	_ =	strace $0x80000046;
	[dreg:$0x1] =	wrdreg $0xFFFFFFFF  }
0xa7: {  	s28 =	simm.s32 $_size_execute0_lowered;
	s3 =	sadd.s32 s3, s5;
	[dreg:$0x0] =	wrdreg $0x0  }
0xa8: {  	s5 =	sshll.u32 s28, $0x1;
	[dreg:$0x2] =	wrdreg s3  }
0xa9: {  	[dreg:$0x3] =	wrdreg s5  }
0xaa: {  	[dreg:$0x4] =	wrdreg $0xC0  }
0xab: {  	_ =	task [dreg:s7], $0x5FFFF  }
0xac: {  	[dreg:$0x1] =	wrdreg $0xFFFFFFFF  }
0xad: {  	[dreg:$0x0] =	wrdreg $0x60  }
0xae: {  	[dreg:$0x2] =	wrdreg s24  }
0xaf: {  	[dreg:$0x3] =	wrdreg s2  }
0xb0: {  	[dreg:$0x4] =	wrdreg $0x9  }
0xb1: {  	_ =	task.clear_ibuf [dreg:s7], $0x5FFFF;
	_ =	strace $0x90000046  }
0xb2: {  	s29 =	simm.s32 $0x9;
	_ =	strace $0x80000048  }
0xb3: {  	_ =	swait.ge [sflag:s29], $0x1  }
0xb4: {  	[sflag:s29] =	ssyncadd.s32 $0xFFFFFFFF  }
0xb5: {  	_ =	strace $0x90000048  }
0xb6: {  	_ =	sfence  }
0xb7: {  	s30 =	sld [smem:$0x0];
	_ =	sdelay $0x2  }
0xb8: {  	s31 =	sshll.u32 s1, $0xD;
	s1 =	sshrl.u32 s1, $0x2  }
0xb9: {  	s3 =	sand.u32 $0x4000, s31;
	s1 =	sadd.s32 s1, s30  }
0xba: {  	s0 =	sor.u32 s3, s0;
	s1 =	sshll.u32 s1, $0x11  }
0xbb: {  	s0 =	sor.u32 s1, s0  }
0xbc: {  	s0 =	sadd.s32 $0x8F2B, s0  }
0xbd: {  	[sflag:s0] =	ssyncadd.remote.s32 $0x1  }
0xbe: {  	_ =	sfence.sel $0xFFFF  }
0xbf: {  	[dreg:$0x0] =	wrdreg $0xFFFFFFFF;
	(pc) =	sbr.abs _section_cstart, $3  }
0xc0: {  	[dreg:$0x1] =	wrdreg $0xFFFFFFFF  }
0xc1: {  	_ =	task.clear_ibuf [dreg:s7], $0x2FFFF;
	_ =	strace $0x9FFFFFFF  }
0xc2: {  	(tm) =	ssettm $0x7FFFFFFF  }
0xc3: {  	_ =	shalt  }
tec
execute0_lowered:
.L_overlay_start_1:
0x0: {  	(tag) =	ssettag $0x1  }
0x1: {  	s1 =	srdreg.scid;
	s2 =	stileid.u32  }
0x2: {  	s3 =	sand.u32 $0x1, s1;
	s15 =	sshll.u32 s2, $0x1  }
0x3: {  	s0 =	rddreg [dreg:$0x0];
	s1 =	sor.u32 s3, s15  }
0x4: {  	s4 =	rddreg [dreg:$0x1];
	s5 =	sshll.u32 s1, $0x7  }
0x5: {  	s2 =	simm.s32 $0x0;
	s6 =	smul.u32 $0x28000, s1;
	s5 =	sadd.s32 s5, s0  }
0x6: {  	[smem:$0x7FF] =	sst s2;
	s5 =	sadd.s32 $0x800, s5  }
0x7: {  	_ =	strace $0x80000047;
	s7 =	sadd.s32 s4, s6;
	[dreg:$0x3] =	wrdreg s5  }
0x8: {  	s16 =	sadd.s32 $0x1400, s7;
	[smem:$0x7FA] =	sst s7  }
0x9: {  	s17 =	sadd.s32 $0x2800, s7;
	[dreg:$0x4] =	wrdreg s16  }
0xa: {  	s19 =	smul.u32 $0x140000, s1;
	s18 =	sadd.s32 $0x3C00, s7;
	[dreg:$0x5] =	wrdreg s17  }
0xb: {  	s20 =	sadd.s32 $0x5000, s7;
	[dreg:$0x6] =	wrdreg s18  }
0xc: {  	s6 =	sshrl.u32 s19, $0x3;
	s21 =	sadd.s32 $0x6400, s7;
	[dreg:$0x7] =	wrdreg s20  }
0xd: {  	s22 =	sadd.s32 $0x7800, s7;
	s8 =	sadd.s32 s4, s6;
	[dreg:$0x8] =	wrdreg s21  }
0xe: {  	[dreg:$0x9] =	wrdreg s22;
	s4 =	sadd.s32 $0x8C00, s8  }
0xf: {  	s23 =	sadd.s32 $0xA000, s8;
	[dreg:$0xa] =	wrdreg s4  }
0x10: {  	s24 =	sadd.s32 $0xB400, s8;
	[dreg:$0xb] =	wrdreg s23  }
0x11: {  	s25 =	sadd.s32 $0xC800, s8;
	[dreg:$0xc] =	wrdreg s24  }
0x12: {  	s26 =	sadd.s32 $0xDC00, s8;
	[dreg:$0xd] =	wrdreg s25  }
0x13: {  	s5 =	sadd.s32 $0xF000, s8;
	[dreg:$0xe] =	wrdreg s26  }
0x14: {  	s6 =	sadd.s32 $0x10400, s8;
	[dreg:$0xf] =	wrdreg s5  }
0x15: {  	s7 =	sadd.s32 $0x11800, s8;
	[dreg:$0x10] =	wrdreg s6  }
0x16: {  	s9 =	sadd.s32 $0x12C00, s8;
	[dreg:$0x11] =	wrdreg s7  }
0x17: {  	s10 =	sadd.s32 $0x14000, s8;
	[dreg:$0x12] =	wrdreg s9  }
0x18: {  	s11 =	sadd.s32 $0x15400, s8;
	[dreg:$0x13] =	wrdreg s10  }
0x19: {  	s12 =	sadd.s32 $0x16800, s8;
	[dreg:$0x14] =	wrdreg s11  }
0x1a: {  	s13 =	sadd.s32 $0x17C00, s8;
	[dreg:$0x15] =	wrdreg s12  }
0x1b: {  	s14 =	sadd.s32 $0x19000, s8;
	[dreg:$0x16] =	wrdreg s13  }
0x1c: {  	s28 =	simm.s32 $0x1;
	s15 =	sadd.s32 $0x1A400, s8;
	[dreg:$0x17] =	wrdreg s14  }
0x1d: {  	s29 =	simm.s32 $0x3;
	s16 =	sadd.s32 $0x1B800, s8;
	[dreg:$0x18] =	wrdreg s15  }
0x1e: {  	s30 =	simm.s32 $0x2;
	s17 =	sadd.s32 $0x1CC00, s8;
	[dreg:$0x19] =	wrdreg s16  }
0x1f: {  	s31 =	simm.s32 $0x4;
	s18 =	sadd.s32 $0x1E000, s8;
	[dreg:$0x1a] =	wrdreg s17  }
0x20: {  	s3 =	ssub.s32 $0x2, s3;
	s19 =	sadd.s32 $0x1F400, s8;
	[dreg:$0x1b] =	wrdreg s18  }
0x21: {  	s20 =	sshrl.u32 s3, $0x1;
	s21 =	sadd.s32 $0x20800, s8;
	[dreg:$0x1c] =	wrdreg s19  }
0x22: {  	s22 =	sadd.s32 $0x21C00, s8;
	s4 =	sadd.s32 $0x1800, s0;
	[dreg:$0x1d] =	wrdreg s21  }
0x23: {  	s3 =	ssub.s32 s3, s20;
	s9 =	sshll.u32 s1, $0x6;
	[dreg:$0x1e] =	wrdreg s22  }
0x24: {  	s23 =	sadd.s32 $0x23000, s8;
	s5 =	sadd.s32 $0x1900, s0;
	s24 =	sadd.s32 $0x24400, s8  }
0x25: {  	s6 =	sadd.s32 $0x1A00, s0;
	s25 =	sadd.s32 $0x25800, s8;
	[dreg:$0x1f] =	wrdreg s23  }
0x26: {  	v3 =	vlaneseq.u32;
	s7 =	sadd.s32 $0x1B00, s0;
	s26 =	sadd.s32 $0x26C00, s8;
	[smem:$0x7FB] =	sst s24  }
0x27: {  	vm0 =	vmmov $0xffff;
	v1 =	vand.u32 $0x7, v3;
	v2 =	vshrl.u32 v3, $0x3;
	s8 =	sadd.s32 $0x1C00, s0;
	s1 =	simm.s32 $0xB400;
	[smem:$0x7FC] =	sst s25  }
0x28: {  	v3 =	vor.u32 $0x8, v3;
	v2 =	vmul.u32 $0x8, v2;
	[smem:$0x7FD] =	sst s26;
	s0 =	smax.u32 s3, $0x1;
	v0 =	vmov s9;
	s3 =	simm.s32 $0x1400  }
.LBB2_1:
0x29: {  	[smem:$0x7F9] =	sst s0  }
0x2a: {  	s17 =	rddreg [dreg:$0x3];
	s18 =	simm.s32 $0x5  }
0x2b: {  	[tilespmem:s2], [sflag:$0x5] =	stream.linear.gather [hbm4b:s17+s2], $0x400, $0x38;
	[tilespmem:$0x15400] =	vst v63  }
0x2c: {  	_ =	swait.ge [sflag:s18], $0x400  }
0x2d: {  	[sflag:s18] =	ssyncset.done $0x0  }
0x2e: {  	[sflag:s18] =	ssyncadd.s32 $0xFFFFFC00  }
0x2f: {  	v4 =	vld [tilespmem:$0x0]  }
0x30: {  	v6 =	vld [tilespmem:$0x10]  }
0x31: {  	v7 =	vld [tilespmem:$0x20]  }
0x32: {  	v8 =	vld [tilespmem:$0x30]  }
0x33: {  	v9 =	vld [tilespmem:$0x40]  }
0x34: {  	v10 =	vld [tilespmem:$0x50];
	v5 =	vadd.s32 v0, v4  }
0x35: {  	v11 =	vld [tilespmem:$0x60];
	v6 =	vadd.s32 v0, v6;
	[tilespmem:$0x400] =	vst v5  }
0x36: {  	v57 =	vld [tilespmem:$0x70];
	v56 =	vadd.s32 v0, v7;
	[tilespmem:$0x410] =	vst v6  }
0x37: {  	v59 =	vld [tilespmem:$0x80];
	v58 =	vadd.s32 v0, v8;
	[tilespmem:$0x480] =	vst v56  }
0x38: {  	v61 =	vld [tilespmem:$0x90];
	v60 =	vadd.s32 v0, v9;
	[tilespmem:$0x490] =	vst v58  }
0x39: {  	v63 =	vld [tilespmem:$0xA0];
	v62 =	vadd.s32 v0, v10;
	[tilespmem:$0x500] =	vst v60  }
0x3a: {  	v11 =	vadd.s32 v0, v11;
	[tilespmem:$0x510] =	vst v62  }
0x3b: {  	v12 =	vadd.s32 v0, v57;
	[tilespmem:$0x580] =	vst v11  }
0x3c: {  	v13 =	vadd.s32 v0, v59;
	[tilespmem:$0x590] =	vst v12  }
0x3d: {  	v14 =	vadd.s32 v0, v61;
	[tilespmem:$0x600] =	vst v13  }
0x3e: {  	v16 =	vld [tilespmem:$0xB0];
	v15 =	vadd.s32 v0, v63;
	[tilespmem:$0x610] =	vst v14  }
0x3f: {  	v17 =	vld [tilespmem:$0xC0];
	[tilespmem:$0x680] =	vst v15  }
0x40: {  	v18 =	vld [tilespmem:$0xD0]  }
0x41: {  	v19 =	vld [tilespmem:$0xE0]  }
0x42: {  	v20 =	vld [tilespmem:$0xF0]  }
0x43: {  	v6 =	vadd.s32 v0, v16;
	v21 =	vld [tilespmem:$0x100]  }
0x44: {  	v22 =	vadd.s32 v0, v17;
	[tilespmem:$0x690] =	vst v6;
	v23 =	vld [tilespmem:$0x110]  }
0x45: {  	[tilespmem:$0x700] =	vst v22;
	v25 =	vld [tilespmem:$0x120];
	v24 =	vadd.s32 v0, v18  }
0x46: {  	v27 =	vld [tilespmem:$0x130];
	v26 =	vadd.s32 v0, v19;
	[tilespmem:$0x710] =	vst v24  }
0x47: {  	v29 =	vld [tilespmem:$0x140];
	v28 =	vadd.s32 v0, v20;
	[tilespmem:$0x780] =	vst v26  }
0x48: {  	v31 =	vld [tilespmem:$0x150];
	v30 =	vadd.s32 v0, v21;
	[tilespmem:$0x790] =	vst v28  }
0x49: {  	v33 =	vld [tilespmem:$0x160];
	v32 =	vadd.s32 v0, v23;
	[tilespmem:$0x800] =	vst v30  }
0x4a: {  	v35 =	vld [tilespmem:$0x170];
	v34 =	vadd.s32 v0, v25;
	[tilespmem:$0x810] =	vst v32  }
0x4b: {  	v37 =	vld [tilespmem:$0x180];
	v36 =	vadd.s32 v0, v27;
	[tilespmem:$0x880] =	vst v34  }
0x4c: {  	v39 =	vld [tilespmem:$0x190];
	v38 =	vadd.s32 v0, v29;
	[tilespmem:$0x890] =	vst v36  }
0x4d: {  	v41 =	vld [tilespmem:$0x1A0];
	v40 =	vadd.s32 v0, v31;
	[tilespmem:$0x900] =	vst v38  }
0x4e: {  	v43 =	vld [tilespmem:$0x1B0];
	v42 =	vadd.s32 v0, v33;
	[tilespmem:$0x910] =	vst v40  }
0x4f: {  	v45 =	vld [tilespmem:$0x1C0];
	v44 =	vadd.s32 v0, v35;
	[tilespmem:$0x980] =	vst v42  }
0x50: {  	v47 =	vld [tilespmem:$0x1D0];
	v46 =	vadd.s32 v0, v37;
	[tilespmem:$0x990] =	vst v44  }
0x51: {  	v49 =	vld [tilespmem:$0x1E0];
	v48 =	vadd.s32 v0, v39;
	[tilespmem:$0xA00] =	vst v46  }
0x52: {  	v51 =	vld [tilespmem:$0x1F0];
	v50 =	vadd.s32 v0, v41;
	[tilespmem:$0xA10] =	vst v48  }
0x53: {  	v53 =	vld [tilespmem:$0x200];
	v52 =	vadd.s32 v0, v43;
	[tilespmem:$0xA80] =	vst v50  }
0x54: {  	v55 =	vld [tilespmem:$0x210];
	v54 =	vadd.s32 v0, v45;
	[tilespmem:$0xA90] =	vst v52  }
0x55: {  	v57 =	vld [tilespmem:$0x220];
	v56 =	vadd.s32 v0, v47;
	[tilespmem:$0xB00] =	vst v54  }
0x56: {  	v59 =	vld [tilespmem:$0x230];
	v58 =	vadd.s32 v0, v49;
	[tilespmem:$0xB10] =	vst v56  }
0x57: {  	v61 =	vld [tilespmem:$0x240];
	v60 =	vadd.s32 v0, v51;
	[tilespmem:$0xB80] =	vst v58  }
0x58: {  	v63 =	vld [tilespmem:$0x250];
	v62 =	vadd.s32 v0, v53;
	[tilespmem:$0xB90] =	vst v60  }
0x59: {  	v13 =	vld [tilespmem:$0x260];
	v12 =	vadd.s32 v0, v55;
	[tilespmem:$0xC00] =	vst v62  }
0x5a: {  	v15 =	vld [tilespmem:$0x270];
	v14 =	vadd.s32 v0, v57;
	[tilespmem:$0xC10] =	vst v12  }
0x5b: {  	v17 =	vld [tilespmem:$0x280];
	v16 =	vadd.s32 v0, v59;
	[tilespmem:$0xC80] =	vst v14  }
0x5c: {  	v18 =	vadd.s32 v0, v61;
	v19 =	vld [tilespmem:$0x290];
	[tilespmem:$0xC90] =	vst v16  }
0x5d: {  	v20 =	vadd.s32 v0, v63;
	v21 =	vld [tilespmem:$0x2A0];
	[tilespmem:$0xD00] =	vst v18  }
0x5e: {  	v22 =	vadd.s32 v0, v13;
	v23 =	vld [tilespmem:$0x2B0];
	[tilespmem:$0xD10] =	vst v20  }
0x5f: {  	v25 =	vld [tilespmem:$0x2C0];
	[tilespmem:$0xD80] =	vst v22;
	v24 =	vadd.s32 v0, v15  }
0x60: {  	v27 =	vld [tilespmem:$0x2D0];
	v26 =	vadd.s32 v0, v17;
	[tilespmem:$0xD90] =	vst v24  }
0x61: {  	v29 =	vld [tilespmem:$0x2E0];
	[tilespmem:$0xE00] =	vst v26;
	v28 =	vadd.s32 v0, v19  }
0x62: {  	v31 =	vld [tilespmem:$0x2F0];
	v30 =	vadd.s32 v0, v21;
	[tilespmem:$0xE10] =	vst v28  }
0x63: {  	v33 =	vld [tilespmem:$0x300];
	v32 =	vadd.s32 v0, v23;
	[tilespmem:$0xE80] =	vst v30  }
0x64: {  	v35 =	vld [tilespmem:$0x310];
	v34 =	vadd.s32 v0, v25;
	[tilespmem:$0xE90] =	vst v32  }
0x65: {  	v37 =	vld [tilespmem:$0x320];
	v36 =	vadd.s32 v0, v27;
	[tilespmem:$0xF00] =	vst v34  }
0x66: {  	v39 =	vld [tilespmem:$0x330];
	v38 =	vadd.s32 v0, v29;
	[tilespmem:$0xF10] =	vst v36  }
0x67: {  	v41 =	vld [tilespmem:$0x340];
	v40 =	vadd.s32 v0, v31;
	[tilespmem:$0xF80] =	vst v38  }
0x68: {  	v43 =	vld [tilespmem:$0x350];
	v42 =	vadd.s32 v0, v33;
	[tilespmem:$0xF90] =	vst v40  }
0x69: {  	v45 =	vld [tilespmem:$0x360];
	v44 =	vadd.s32 v0, v35;
	[tilespmem:$0x1000] =	vst v42  }
0x6a: {  	v47 =	vld [tilespmem:$0x370];
	v46 =	vadd.s32 v0, v37;
	[tilespmem:$0x1010] =	vst v44  }
0x6b: {  	v49 =	vld [tilespmem:$0x380];
	v48 =	vadd.s32 v0, v39;
	[tilespmem:$0x1080] =	vst v46  }
0x6c: {  	v51 =	vld [tilespmem:$0x390];
	v50 =	vadd.s32 v0, v41;
	[tilespmem:$0x1090] =	vst v48  }
0x6d: {  	v53 =	vld [tilespmem:$0x3A0];
	v52 =	vadd.s32 v0, v43;
	[tilespmem:$0x1100] =	vst v50  }
0x6e: {  	v5 =	vshrl.u32 v5, $0x3;
	v55 =	vld [tilespmem:$0x3B0];
	v54 =	vadd.s32 v0, v45;
	[tilespmem:$0x1110] =	vst v52  }
0x6f: {  	v5 =	vmul.u32 $0x50, v5;
	v57 =	vld [tilespmem:$0x3C0];
	v56 =	vadd.s32 v0, v47;
	[tilespmem:$0x1180] =	vst v54  }
0x70: {  	v4 =	vand.u32 $0x7, v4;
	v59 =	vld [tilespmem:$0x3D0];
	v58 =	vadd.s32 v0, v49;
	[tilespmem:$0x1190] =	vst v56  }
0x71: {  	v4 =	vor.u32 v4, v5;
	v61 =	vld [tilespmem:$0x3E0];
	v60 =	vadd.s32 v0, v51;
	[tilespmem:$0x1200] =	vst v58  }
0x72: {  	v63 =	vperm.xlane v4, v1;
	v62 =	vld [tilespmem:$0x3F0];
	v5 =	vadd.s32 v0, v53;
	[tilespmem:$0x1210] =	vst v60  }
0x73: {  	[tilespmem:$0x1280] =	vst v5;
	v5 =	vadd.s32 v0, v55  }
0x74: {  	v8 =	vadd.s32 v2, v63;
	[tilespmem:$0x1290] =	vst v5;
	v5 =	vadd.s32 v0, v57  }
0x75: {  	[tilespmem:$0x1300] =	vst v5;
	v5 =	vadd.s32 v0, v59  }
0x76: {  	[tilespmem:$0x1310] =	vst v5;
	v5 =	vadd.s32 v0, v61  }
0x77: {  	[tilespmem:$0x1380] =	vst v5;
	v5 =	vadd.s32 v0, v62  }
0x78: {  	[tilespmem:$0x1390] =	vst v5  }
0x79: {  	[tilespmem:s3], [sflag:$0x1] =	stream.indirect_vreg.gather [hbm4b:s4+s2], $0x80, v8, vm0, $0xb8;
	[tilespmem:$0x15400] =	vst v63  }
0x7a: {  	s19 =	simm.s32 $0x1C00  }
0x7b: {  	[tilespmem:s19], [sflag:$0x1] =	stream.indirect_vreg.gather [hbm4b:s5+s2], $0x80, v8, vm0, $0xb8;
	[tilespmem:$0x15400] =	vst v63  }
0x7c: {  	s20 =	simm.s32 $0x2400;
	v4 =	vperm.xlane v4, v3  }
0x7d: {  	[tilespmem:s20], [sflag:$0x1] =	stream.indirect_vreg.gather [hbm4b:s6+s2], $0x80, v8, vm0, $0xb8;
	[tilespmem:$0x15400] =	vst v63  }
0x7e: {  	s21 =	simm.s32 $0x2C00;
	v4 =	vadd.s32 v2, v4  }
0x7f: {  	[tilespmem:s21], [sflag:$0x1] =	stream.indirect_vreg.gather [hbm4b:s7+s2], $0x80, v8, vm0, $0xb8;
	[tilespmem:$0x15400] =	vst v63  }
0x80: {  	s22 =	simm.s32 $0x3400  }
0x81: {  	[tilespmem:s22], [sflag:$0x1] =	stream.indirect_vreg.gather [hbm4b:s8+s2], $0x80, v8, vm0, $0xb8;
	[tilespmem:$0x15400] =	vst v63  }
0x82: {  	s23 =	simm.s32 $0x3C00  }
0x83: {  	[tilespmem:s23], [sflag:$0x1] =	stream.indirect_vreg.gather [hbm4b:s4+s2], $0x80, v4, vm0, $0xb8;
	[tilespmem:$0x15400] =	vst v63  }
0x84: {  	s24 =	simm.s32 $0x4400  }
0x85: {  	[tilespmem:s24], [sflag:$0x1] =	stream.indirect_vreg.gather [hbm4b:s5+s2], $0x80, v4, vm0, $0xb8;
	[tilespmem:$0x15400] =	vst v63  }
0x86: {  	s25 =	simm.s32 $0x4C00  }
0x87: {  	[tilespmem:s25], [sflag:$0x1] =	stream.indirect_vreg.gather [hbm4b:s6+s2], $0x80, v4, vm0, $0xb8;
	[tilespmem:$0x15400] =	vst v63  }
0x88: {  	s26 =	simm.s32 $0x5400  }
0x89: {  	[tilespmem:s26], [sflag:$0x1] =	stream.indirect_vreg.gather [hbm4b:s7+s2], $0x80, v4, vm0, $0xb8;
	[tilespmem:$0x15400] =	vst v63  }
0x8a: {  	s10 =	simm.s32 $0x5C00  }
0x8b: {  	[tilespmem:s10], [sflag:$0x1] =	stream.indirect_vreg.gather [hbm4b:s8+s2], $0x80, v4, vm0, $0xb8;
	[tilespmem:$0x15400] =	vst v63  }
0x8c: {  	v4 =	vld [tilespmem:$0x410];
	_ =	sdelay $0x4  }
0x8d: {  	v5 =	vshrl.u32 v4, $0x3  }
0x8e: {  	v5 =	vmul.u32 $0x50, v5  }
0x8f: {  	v4 =	vand.u32 $0x7, v4  }
0x90: {  	v4 =	vor.u32 v4, v5  }
0x91: {  	v5 =	vperm.xlane v4, v1;
	_ =	sdelay $0x1  }
0x92: {  	v5 =	vadd.s32 v2, v5;
	_ =	sdelay $0x3  }
0x93: {  	s12 =	simm.s32 $0x6400  }
0x94: {  	[tilespmem:s12], [sflag:$0x1] =	stream.indirect_vreg.gather [hbm4b:s4+s2], $0x80, v5, vm0, $0xb8;
	[tilespmem:$0x15400] =	vst v63  }
0x95: {  	s13 =	simm.s32 $0x6C00  }
0x96: {  	[tilespmem:s13], [sflag:$0x1] =	stream.indirect_vreg.gather [hbm4b:s5+s2], $0x80, v5, vm0, $0xb8;
	[tilespmem:$0x15400] =	vst v63  }
0x97: {  	s14 =	simm.s32 $0x7400;
	v4 =	vperm.xlane v4, v3  }
0x98: {  	[tilespmem:s14], [sflag:$0x1] =	stream.indirect_vreg.gather [hbm4b:s6+s2], $0x80, v5, vm0, $0xb8;
	[tilespmem:$0x15400] =	vst v63  }
0x99: {  	s21 =	simm.s32 $0x7C00;
	v4 =	vadd.s32 v2, v4  }
0x9a: {  	[tilespmem:s21], [sflag:$0x1] =	stream.indirect_vreg.gather [hbm4b:s7+s2], $0x80, v5, vm0, $0xb8;
	[tilespmem:$0x15400] =	vst v63  }
0x9b: {  	s22 =	simm.s32 $0x8400  }
0x9c: {  	[tilespmem:s22], [sflag:$0x1] =	stream.indirect_vreg.gather [hbm4b:s8+s2], $0x80, v5, vm0, $0xb8;
	[tilespmem:$0x15400] =	vst v63  }
0x9d: {  	s23 =	simm.s32 $0x8C00  }
0x9e: {  	[tilespmem:s23], [sflag:$0x1] =	stream.indirect_vreg.gather [hbm4b:s4+s2], $0x80, v4, vm0, $0xb8;
	[tilespmem:$0x15400] =	vst v63  }
0x9f: {  	s24 =	simm.s32 $0x9400  }
0xa0: {  	[tilespmem:s24], [sflag:$0x1] =	stream.indirect_vreg.gather [hbm4b:s5+s2], $0x80, v4, vm0, $0xb8;
	[tilespmem:$0x15400] =	vst v63  }
0xa1: {  	s25 =	simm.s32 $0x9C00  }
0xa2: {  	[tilespmem:s25], [sflag:$0x1] =	stream.indirect_vreg.gather [hbm4b:s6+s2], $0x80, v4, vm0, $0xb8;
	[tilespmem:$0x15400] =	vst v63  }
0xa3: {  	s26 =	simm.s32 $0xA400  }
0xa4: {  	[tilespmem:s26], [sflag:$0x1] =	stream.indirect_vreg.gather [hbm4b:s7+s2], $0x80, v4, vm0, $0xb8;
	[tilespmem:$0x15400] =	vst v63  }
0xa5: {  	s14 =	simm.s32 $0xAC00  }
0xa6: {  	[tilespmem:s14], [sflag:$0x1] =	stream.indirect_vreg.gather [hbm4b:s8+s2], $0x80, v4, vm0, $0xb8;
	[tilespmem:$0x15400] =	vst v63  }
0xa7: {  	v4 =	vld [tilespmem:$0x480];
	_ =	sdelay $0x4  }
0xa8: {  	v5 =	vshrl.u32 v4, $0x3  }
0xa9: {  	v5 =	vmul.u32 $0x50, v5  }
0xaa: {  	v4 =	vand.u32 $0x7, v4  }
0xab: {  	v4 =	vor.u32 v4, v5  }
0xac: {  	v5 =	vperm.xlane v4, v1;
	_ =	sdelay $0x1  }
0xad: {  	v5 =	vadd.s32 v2, v5;
	_ =	sdelay $0x4  }
0xae: {  	[tilespmem:s1], [sflag:$0x2] =	stream.indirect_vreg.gather [hbm4b:s4+s2], $0x80, v5, vm0, $0xb8;
	[tilespmem:$0x15400] =	vst v63  }
0xaf: {  	s0 =	simm.s32 $0xBC00  }
0xb0: {  	[tilespmem:s0], [sflag:$0x2] =	stream.indirect_vreg.gather [hbm4b:s5+s2], $0x80, v5, vm0, $0xb8;
	[tilespmem:$0x15400] =	vst v63  }
0xb1: {  	v4 =	vperm.xlane v4, v3;
	s0 =	simm.s32 $0xC400  }
0xb2: {  	[tilespmem:s0], [sflag:$0x2] =	stream.indirect_vreg.gather [hbm4b:s6+s2], $0x80, v5, vm0, $0xb8;
	[tilespmem:$0x15400] =	vst v63  }
0xb3: {  	v4 =	vadd.s32 v2, v4;
	s0 =	simm.s32 $0xCC00  }
0xb4: {  	[tilespmem:s0], [sflag:$0x2] =	stream.indirect_vreg.gather [hbm4b:s7+s2], $0x80, v5, vm0, $0xb8;
	[tilespmem:$0x15400] =	vst v63  }
0xb5: {  	s0 =	simm.s32 $0xD400  }
0xb6: {  	[tilespmem:s0], [sflag:$0x2] =	stream.indirect_vreg.gather [hbm4b:s8+s2], $0x80, v5, vm0, $0xb8;
	[tilespmem:$0x15400] =	vst v63  }
0xb7: {  	s0 =	simm.s32 $0xDC00  }
0xb8: {  	[tilespmem:s0], [sflag:$0x2] =	stream.indirect_vreg.gather [hbm4b:s4+s2], $0x80, v4, vm0, $0xb8;
	[tilespmem:$0x15400] =	vst v63  }
0xb9: {  	s0 =	simm.s32 $0xE400  }
0xba: {  	[tilespmem:s0], [sflag:$0x2] =	stream.indirect_vreg.gather [hbm4b:s5+s2], $0x80, v4, vm0, $0xb8;
	[tilespmem:$0x15400] =	vst v63  }
0xbb: {  	s0 =	simm.s32 $0xEC00  }
0xbc: {  	[tilespmem:s0], [sflag:$0x2] =	stream.indirect_vreg.gather [hbm4b:s6+s2], $0x80, v4, vm0, $0xb8;
	[tilespmem:$0x15400] =	vst v63  }
0xbd: {  	s0 =	simm.s32 $0xF400  }
0xbe: {  	[tilespmem:s0], [sflag:$0x2] =	stream.indirect_vreg.gather [hbm4b:s7+s2], $0x80, v4, vm0, $0xb8;
	[tilespmem:$0x15400] =	vst v63  }
0xbf: {  	s0 =	simm.s32 $0xFC00  }
0xc0: {  	[tilespmem:s0], [sflag:$0x2] =	stream.indirect_vreg.gather [hbm4b:s8+s2], $0x80, v4, vm0, $0xb8;
	[tilespmem:$0x15400] =	vst v63  }
0xc1: {  	v4 =	vld [tilespmem:$0x490];
	_ =	sdelay $0x4  }
0xc2: {  	v5 =	vshrl.u32 v4, $0x3  }
0xc3: {  	v5 =	vmul.u32 $0x50, v5  }
0xc4: {  	v4 =	vand.u32 $0x7, v4  }
0xc5: {  	v4 =	vor.u32 v4, v5  }
0xc6: {  	v5 =	vperm.xlane v4, v1;
	_ =	sdelay $0x1  }
0xc7: {  	v5 =	vadd.s32 v2, v5;
	_ =	sdelay $0x3  }
0xc8: {  	s0 =	simm.s32 $0x10400  }
0xc9: {  	[tilespmem:s0], [sflag:$0x2] =	stream.indirect_vreg.gather [hbm4b:s4+s2], $0x80, v5, vm0, $0xb8;
	[tilespmem:$0x15400] =	vst v63  }
0xca: {  	s0 =	simm.s32 $0x10C00  }
0xcb: {  	[tilespmem:s0], [sflag:$0x2] =	stream.indirect_vreg.gather [hbm4b:s5+s2], $0x80, v5, vm0, $0xb8;
	[tilespmem:$0x15400] =	vst v63  }
0xcc: {  	v4 =	vperm.xlane v4, v3;
	s0 =	simm.s32 $0x11400  }
0xcd: {  	[tilespmem:s0], [sflag:$0x2] =	stream.indirect_vreg.gather [hbm4b:s6+s2], $0x80, v5, vm0, $0xb8;
	[tilespmem:$0x15400] =	vst v63  }
0xce: {  	v4 =	vadd.s32 v2, v4;
	s0 =	simm.s32 $0x11C00  }
0xcf: {  	[tilespmem:s0], [sflag:$0x2] =	stream.indirect_vreg.gather [hbm4b:s7+s2], $0x80, v5, vm0, $0xb8;
	[tilespmem:$0x15400] =	vst v63  }
0xd0: {  	s0 =	simm.s32 $0x12400  }
0xd1: {  	[tilespmem:s0], [sflag:$0x2] =	stream.indirect_vreg.gather [hbm4b:s8+s2], $0x80, v5, vm0, $0xb8;
	[tilespmem:$0x15400] =	vst v63  }
0xd2: {  	s0 =	simm.s32 $0x12C00  }
0xd3: {  	[tilespmem:s0], [sflag:$0x2] =	stream.indirect_vreg.gather [hbm4b:s4+s2], $0x80, v4, vm0, $0xb8;
	[tilespmem:$0x15400] =	vst v63  }
0xd4: {  	s0 =	simm.s32 $0x13400  }
0xd5: {  	[tilespmem:s0], [sflag:$0x2] =	stream.indirect_vreg.gather [hbm4b:s5+s2], $0x80, v4, vm0, $0xb8;
	[tilespmem:$0x15400] =	vst v63  }
0xd6: {  	s0 =	simm.s32 $0x13C00  }
0xd7: {  	[tilespmem:s0], [sflag:$0x2] =	stream.indirect_vreg.gather [hbm4b:s6+s2], $0x80, v4, vm0, $0xb8;
	[tilespmem:$0x15400] =	vst v63  }
0xd8: {  	s0 =	simm.s32 $0x14400  }
0xd9: {  	[tilespmem:s0], [sflag:$0x2] =	stream.indirect_vreg.gather [hbm4b:s7+s2], $0x80, v4, vm0, $0xb8;
	[tilespmem:$0x15400] =	vst v63  }
0xda: {  	s0 =	simm.s32 $0x14C00  }
0xdb: {  	[tilespmem:s0], [sflag:$0x2] =	stream.indirect_vreg.gather [hbm4b:s8+s2], $0x80, v4, vm0, $0xb8;
	[tilespmem:$0x15400] =	vst v63  }
0xdc: {  	_ =	swait.ge [sflag:s28], $0xA000  }
0xdd: {  	s0 =	sld [smem:$0x7FA]  }
0xde: {  	[sflag:s28] =	ssyncset.done $0x0  }
0xdf: {  	[sflag:s28] =	ssyncadd.s32 $0xFFFF6000  }
0xe0: {  	[hbm4b:s0+s2] =	stream.linear.scatter [tilespmem:s3], [sflag:$0x3], $0xA000, $0x38;
	[tilespmem:$0x15400] =	vst v63  }
0xe1: {  	_ =	swait.ge [sflag:s29], $0xA000  }
0xe2: {  	[sflag:s29] =	ssyncset.done $0x0  }
0xe3: {  	[sflag:s29] =	ssyncadd.s32 $0xFFFF6000  }
0xe4: {  	v4 =	vld [tilespmem:$0x500];
	_ =	sdelay $0x4  }
0xe5: {  	v5 =	vshrl.u32 v4, $0x3  }
0xe6: {  	v5 =	vmul.u32 $0x50, v5  }
0xe7: {  	v4 =	vand.u32 $0x7, v4  }
0xe8: {  	v4 =	vor.u32 v4, v5  }
0xe9: {  	v5 =	vperm.xlane v4, v1;
	_ =	sdelay $0x1  }
0xea: {  	v5 =	vadd.s32 v2, v5;
	_ =	sdelay $0x4  }
0xeb: {  	[tilespmem:s3], [sflag:$0x1] =	stream.indirect_vreg.gather [hbm4b:s4+s2], $0x80, v5, vm0, $0xb8;
	[tilespmem:$0x15400] =	vst v63  }
0xec: {  	s11 =	simm.s32 $0x1C00  }
0xed: {  	[tilespmem:s11], [sflag:$0x1] =	stream.indirect_vreg.gather [hbm4b:s5+s2], $0x80, v5, vm0, $0xb8;
	[tilespmem:$0x15400] =	vst v63  }
0xee: {  	s9 =	simm.s32 $0x2400;
	v4 =	vperm.xlane v4, v3  }
0xef: {  	[tilespmem:s9], [sflag:$0x1] =	stream.indirect_vreg.gather [hbm4b:s6+s2], $0x80, v5, vm0, $0xb8;
	[tilespmem:$0x15400] =	vst v63  }
0xf0: {  	v4 =	vadd.s32 v2, v4;
	s11 =	simm.s32 $0x2C00  }
0xf1: {  	[tilespmem:s11], [sflag:$0x1] =	stream.indirect_vreg.gather [hbm4b:s7+s2], $0x80, v5, vm0, $0xb8;
	[tilespmem:$0x15400] =	vst v63  }
0xf2: {  	s15 =	simm.s32 $0x3400  }
0xf3: {  	[tilespmem:s15], [sflag:$0x1] =	stream.indirect_vreg.gather [hbm4b:s8+s2], $0x80, v5, vm0, $0xb8;
	[tilespmem:$0x15400] =	vst v63  }
0xf4: {  	s16 =	simm.s32 $0x3C00  }
0xf5: {  	[tilespmem:s16], [sflag:$0x1] =	stream.indirect_vreg.gather [hbm4b:s4+s2], $0x80, v4, vm0, $0xb8;
	[tilespmem:$0x15400] =	vst v63  }
0xf6: {  	s17 =	simm.s32 $0x4400  }
0xf7: {  	[tilespmem:s17], [sflag:$0x1] =	stream.indirect_vreg.gather [hbm4b:s5+s2], $0x80, v4, vm0, $0xb8;
	[tilespmem:$0x15400] =	vst v63  }
0xf8: {  	s18 =	simm.s32 $0x4C00  }
0xf9: {  	[tilespmem:s18], [sflag:$0x1] =	stream.indirect_vreg.gather [hbm4b:s6+s2], $0x80, v4, vm0, $0xb8;
	[tilespmem:$0x15400] =	vst v63  }
0xfa: {  	s19 =	simm.s32 $0x5400  }
0xfb: {  	[tilespmem:s19], [sflag:$0x1] =	stream.indirect_vreg.gather [hbm4b:s7+s2], $0x80, v4, vm0, $0xb8;
	[tilespmem:$0x15400] =	vst v63  }
0xfc: {  	s10 =	simm.s32 $0x5C00  }
0xfd: {  	[tilespmem:s10], [sflag:$0x1] =	stream.indirect_vreg.gather [hbm4b:s8+s2], $0x80, v4, vm0, $0xb8;
	[tilespmem:$0x15400] =	vst v63  }
0xfe: {  	v4 =	vld [tilespmem:$0x510];
	_ =	sdelay $0x4  }
0xff: {  	v5 =	vshrl.u32 v4, $0x3  }
0x100: {  	v5 =	vmul.u32 $0x50, v5  }
0x101: {  	v4 =	vand.u32 $0x7, v4  }
0x102: {  	v4 =	vor.u32 v4, v5  }
0x103: {  	v5 =	vperm.xlane v4, v1;
	_ =	sdelay $0x1  }
0x104: {  	v5 =	vadd.s32 v2, v5;
	_ =	sdelay $0x3  }
0x105: {  	s20 =	simm.s32 $0x6400  }
0x106: {  	[tilespmem:s20], [sflag:$0x1] =	stream.indirect_vreg.gather [hbm4b:s4+s2], $0x80, v5, vm0, $0xb8;
	[tilespmem:$0x15400] =	vst v63  }
0x107: {  	s12 =	simm.s32 $0x6C00  }
0x108: {  	[tilespmem:s12], [sflag:$0x1] =	stream.indirect_vreg.gather [hbm4b:s5+s2], $0x80, v5, vm0, $0xb8;
	[tilespmem:$0x15400] =	vst v63  }
0x109: {  	s13 =	simm.s32 $0x7400;
	v4 =	vperm.xlane v4, v3  }
0x10a: {  	[tilespmem:s13], [sflag:$0x1] =	stream.indirect_vreg.gather [hbm4b:s6+s2], $0x80, v5, vm0, $0xb8;
	[tilespmem:$0x15400] =	vst v63  }
0x10b: {  	s21 =	simm.s32 $0x7C00;
	v4 =	vadd.s32 v2, v4  }
0x10c: {  	[tilespmem:s21], [sflag:$0x1] =	stream.indirect_vreg.gather [hbm4b:s7+s2], $0x80, v5, vm0, $0xb8;
	[tilespmem:$0x15400] =	vst v63  }
0x10d: {  	s22 =	simm.s32 $0x8400  }
0x10e: {  	[tilespmem:s22], [sflag:$0x1] =	stream.indirect_vreg.gather [hbm4b:s8+s2], $0x80, v5, vm0, $0xb8;
	[tilespmem:$0x15400] =	vst v63  }
0x10f: {  	s23 =	simm.s32 $0x8C00  }
0x110: {  	[tilespmem:s23], [sflag:$0x1] =	stream.indirect_vreg.gather [hbm4b:s4+s2], $0x80, v4, vm0, $0xb8;
	[tilespmem:$0x15400] =	vst v63  }
0x111: {  	s24 =	simm.s32 $0x9400  }
0x112: {  	[tilespmem:s24], [sflag:$0x1] =	stream.indirect_vreg.gather [hbm4b:s5+s2], $0x80, v4, vm0, $0xb8;
	[tilespmem:$0x15400] =	vst v63  }
0x113: {  	s25 =	simm.s32 $0x9C00  }
0x114: {  	[tilespmem:s25], [sflag:$0x1] =	stream.indirect_vreg.gather [hbm4b:s6+s2], $0x80, v4, vm0, $0xb8;
	[tilespmem:$0x15400] =	vst v63  }
0x115: {  	s26 =	simm.s32 $0xA400  }
0x116: {  	[tilespmem:s26], [sflag:$0x1] =	stream.indirect_vreg.gather [hbm4b:s7+s2], $0x80, v4, vm0, $0xb8;
	[tilespmem:$0x15400] =	vst v63  }
0x117: {  	s14 =	simm.s32 $0xAC00  }
0x118: {  	[tilespmem:s14], [sflag:$0x1] =	stream.indirect_vreg.gather [hbm4b:s8+s2], $0x80, v4, vm0, $0xb8;
	[tilespmem:$0x15400] =	vst v63  }
0x119: {  	_ =	swait.ge [sflag:s30], $0xA000  }
0x11a: {  	[sflag:s30] =	ssyncset.done $0x0  }
0x11b: {  	s24 =	rddreg [dreg:$0x4];
	[sflag:s30] =	ssyncadd.s32 $0xFFFF6000  }
0x11c: {  	[hbm4b:s24+s2] =	stream.linear.scatter [tilespmem:s1], [sflag:$0x4], $0xA000, $0x38;
	[tilespmem:$0x15400] =	vst v63  }
0x11d: {  	_ =	swait.ge [sflag:s31], $0xA000  }
0x11e: {  	[sflag:s31] =	ssyncset.done $0x0  }
0x11f: {  	[sflag:s31] =	ssyncadd.s32 $0xFFFF6000  }
0x120: {  	v4 =	vld [tilespmem:$0x580];
	_ =	sdelay $0x4  }
0x121: {  	v5 =	vshrl.u32 v4, $0x3  }
0x122: {  	v5 =	vmul.u32 $0x50, v5  }
0x123: {  	v4 =	vand.u32 $0x7, v4  }
0x124: {  	v4 =	vor.u32 v4, v5  }
0x125: {  	v5 =	vperm.xlane v4, v1;
	_ =	sdelay $0x1  }
0x126: {  	v5 =	vadd.s32 v2, v5;
	_ =	sdelay $0x4  }
0x127: {  	[tilespmem:s1], [sflag:$0x2] =	stream.indirect_vreg.gather [hbm4b:s4+s2], $0x80, v5, vm0, $0xb8;
	[tilespmem:$0x15400] =	vst v63  }
0x128: {  	s25 =	simm.s32 $0xBC00  }
0x129: {  	[tilespmem:s25], [sflag:$0x2] =	stream.indirect_vreg.gather [hbm4b:s5+s2], $0x80, v5, vm0, $0xb8;
	[tilespmem:$0x15400] =	vst v63  }
0x12a: {  	s26 =	simm.s32 $0xC400;
	v4 =	vperm.xlane v4, v3  }
0x12b: {  	[tilespmem:s26], [sflag:$0x2] =	stream.indirect_vreg.gather [hbm4b:s6+s2], $0x80, v5, vm0, $0xb8;
	[tilespmem:$0x15400] =	vst v63  }
0x12c: {  	s9 =	simm.s32 $0xCC00;
	v4 =	vadd.s32 v2, v4  }
0x12d: {  	[tilespmem:s9], [sflag:$0x2] =	stream.indirect_vreg.gather [hbm4b:s7+s2], $0x80, v5, vm0, $0xb8;
	[tilespmem:$0x15400] =	vst v63  }
0x12e: {  	s12 =	simm.s32 $0xD400  }
0x12f: {  	[tilespmem:s12], [sflag:$0x2] =	stream.indirect_vreg.gather [hbm4b:s8+s2], $0x80, v5, vm0, $0xb8;
	[tilespmem:$0x15400] =	vst v63  }
0x130: {  	s13 =	simm.s32 $0xDC00  }
0x131: {  	[tilespmem:s13], [sflag:$0x2] =	stream.indirect_vreg.gather [hbm4b:s4+s2], $0x80, v4, vm0, $0xb8;
	[tilespmem:$0x15400] =	vst v63  }
0x132: {  	s14 =	simm.s32 $0xE400  }
0x133: {  	[tilespmem:s14], [sflag:$0x2] =	stream.indirect_vreg.gather [hbm4b:s5+s2], $0x80, v4, vm0, $0xb8;
	[tilespmem:$0x15400] =	vst v63  }
0x134: {  	s16 =	simm.s32 $0xEC00  }
0x135: {  	[tilespmem:s16], [sflag:$0x2] =	stream.indirect_vreg.gather [hbm4b:s6+s2], $0x80, v4, vm0, $0xb8;
	[tilespmem:$0x15400] =	vst v63  }
0x136: {  	s17 =	simm.s32 $0xF400  }
0x137: {  	[tilespmem:s17], [sflag:$0x2] =	stream.indirect_vreg.gather [hbm4b:s7+s2], $0x80, v4, vm0, $0xb8;
	[tilespmem:$0x15400] =	vst v63  }
0x138: {  	s18 =	simm.s32 $0xFC00  }
0x139: {  	[tilespmem:s18], [sflag:$0x2] =	stream.indirect_vreg.gather [hbm4b:s8+s2], $0x80, v4, vm0, $0xb8;
	[tilespmem:$0x15400] =	vst v63  }
0x13a: {  	v4 =	vld [tilespmem:$0x590];
	_ =	sdelay $0x4  }
0x13b: {  	v5 =	vshrl.u32 v4, $0x3  }
0x13c: {  	v5 =	vmul.u32 $0x50, v5  }
0x13d: {  	v4 =	vand.u32 $0x7, v4  }
0x13e: {  	v4 =	vor.u32 v4, v5  }
0x13f: {  	v5 =	vperm.xlane v4, v1;
	_ =	sdelay $0x1  }
0x140: {  	v5 =	vadd.s32 v2, v5;
	_ =	sdelay $0x3  }
0x141: {  	s19 =	simm.s32 $0x10400  }
0x142: {  	[tilespmem:s19], [sflag:$0x2] =	stream.indirect_vreg.gather [hbm4b:s4+s2], $0x80, v5, vm0, $0xb8;
	[tilespmem:$0x15400] =	vst v63  }
0x143: {  	s20 =	simm.s32 $0x10C00  }
0x144: {  	[tilespmem:s20], [sflag:$0x2] =	stream.indirect_vreg.gather [hbm4b:s5+s2], $0x80, v5, vm0, $0xb8;
	[tilespmem:$0x15400] =	vst v63  }
0x145: {  	s21 =	simm.s32 $0x11400;
	v4 =	vperm.xlane v4, v3  }
0x146: {  	[tilespmem:s21], [sflag:$0x2] =	stream.indirect_vreg.gather [hbm4b:s6+s2], $0x80, v5, vm0, $0xb8;
	[tilespmem:$0x15400] =	vst v63  }
0x147: {  	s12 =	simm.s32 $0x11C00;
	v4 =	vadd.s32 v2, v4  }
0x148: {  	[tilespmem:s12], [sflag:$0x2] =	stream.indirect_vreg.gather [hbm4b:s7+s2], $0x80, v5, vm0, $0xb8;
	[tilespmem:$0x15400] =	vst v63  }
0x149: {  	s16 =	simm.s32 $0x12400  }
0x14a: {  	[tilespmem:s16], [sflag:$0x2] =	stream.indirect_vreg.gather [hbm4b:s8+s2], $0x80, v5, vm0, $0xb8;
	[tilespmem:$0x15400] =	vst v63  }
0x14b: {  	s17 =	simm.s32 $0x12C00  }
0x14c: {  	[tilespmem:s17], [sflag:$0x2] =	stream.indirect_vreg.gather [hbm4b:s4+s2], $0x80, v4, vm0, $0xb8;
	[tilespmem:$0x15400] =	vst v63  }
0x14d: {  	s18 =	simm.s32 $0x13400  }
0x14e: {  	[tilespmem:s18], [sflag:$0x2] =	stream.indirect_vreg.gather [hbm4b:s5+s2], $0x80, v4, vm0, $0xb8;
	[tilespmem:$0x15400] =	vst v63  }
0x14f: {  	s19 =	simm.s32 $0x13C00  }
0x150: {  	[tilespmem:s19], [sflag:$0x2] =	stream.indirect_vreg.gather [hbm4b:s6+s2], $0x80, v4, vm0, $0xb8;
	[tilespmem:$0x15400] =	vst v63  }
0x151: {  	s20 =	simm.s32 $0x14400  }
0x152: {  	[tilespmem:s20], [sflag:$0x2] =	stream.indirect_vreg.gather [hbm4b:s7+s2], $0x80, v4, vm0, $0xb8;
	[tilespmem:$0x15400] =	vst v63  }
0x153: {  	s21 =	simm.s32 $0x14C00  }
0x154: {  	[tilespmem:s21], [sflag:$0x2] =	stream.indirect_vreg.gather [hbm4b:s8+s2], $0x80, v4, vm0, $0xb8;
	[tilespmem:$0x15400] =	vst v63  }
0x155: {  	_ =	swait.ge [sflag:s28], $0xA000  }
0x156: {  	[sflag:s28] =	ssyncset.done $0x0  }
0x157: {  	s0 =	rddreg [dreg:$0x5];
	[sflag:s28] =	ssyncadd.s32 $0xFFFF6000  }
0x158: {  	[hbm4b:s0+s2] =	stream.linear.scatter [tilespmem:s3], [sflag:$0x3], $0xA000, $0x38;
	[tilespmem:$0x15400] =	vst v63  }
0x159: {  	_ =	swait.ge [sflag:s29], $0xA000  }
0x15a: {  	[sflag:s29] =	ssyncset.done $0x0  }
0x15b: {  	[sflag:s29] =	ssyncadd.s32 $0xFFFF6000  }
0x15c: {  	v4 =	vld [tilespmem:$0x600];
	_ =	sdelay $0x4  }
0x15d: {  	v5 =	vshrl.u32 v4, $0x3  }
0x15e: {  	v5 =	vmul.u32 $0x50, v5  }
0x15f: {  	v4 =	vand.u32 $0x7, v4  }
0x160: {  	v4 =	vor.u32 v4, v5  }
0x161: {  	v5 =	vperm.xlane v4, v1;
	_ =	sdelay $0x1  }
0x162: {  	v5 =	vadd.s32 v2, v5;
	_ =	sdelay $0x4  }
0x163: {  	[tilespmem:s3], [sflag:$0x1] =	stream.indirect_vreg.gather [hbm4b:s4+s2], $0x80, v5, vm0, $0xb8;
	[tilespmem:$0x15400] =	vst v63  }
0x164: {  	s0 =	simm.s32 $0x1C00  }
0x165: {  	[tilespmem:s0], [sflag:$0x1] =	stream.indirect_vreg.gather [hbm4b:s5+s2], $0x80, v5, vm0, $0xb8;
	[tilespmem:$0x15400] =	vst v63  }
0x166: {  	v4 =	vperm.xlane v4, v3;
	s0 =	simm.s32 $0x2400  }
0x167: {  	[tilespmem:s0], [sflag:$0x1] =	stream.indirect_vreg.gather [hbm4b:s6+s2], $0x80, v5, vm0, $0xb8;
	[tilespmem:$0x15400] =	vst v63  }
0x168: {  	v4 =	vadd.s32 v2, v4;
	s0 =	simm.s32 $0x2C00  }
0x169: {  	[tilespmem:s0], [sflag:$0x1] =	stream.indirect_vreg.gather [hbm4b:s7+s2], $0x80, v5, vm0, $0xb8;
	[tilespmem:$0x15400] =	vst v63  }
0x16a: {  	s0 =	simm.s32 $0x3400  }
0x16b: {  	[tilespmem:s0], [sflag:$0x1] =	stream.indirect_vreg.gather [hbm4b:s8+s2], $0x80, v5, vm0, $0xb8;
	[tilespmem:$0x15400] =	vst v63  }
0x16c: {  	s0 =	simm.s32 $0x3C00  }
0x16d: {  	[tilespmem:s0], [sflag:$0x1] =	stream.indirect_vreg.gather [hbm4b:s4+s2], $0x80, v4, vm0, $0xb8;
	[tilespmem:$0x15400] =	vst v63  }
0x16e: {  	s0 =	simm.s32 $0x4400  }
0x16f: {  	[tilespmem:s0], [sflag:$0x1] =	stream.indirect_vreg.gather [hbm4b:s5+s2], $0x80, v4, vm0, $0xb8;
	[tilespmem:$0x15400] =	vst v63  }
0x170: {  	s0 =	simm.s32 $0x4C00  }
0x171: {  	[tilespmem:s0], [sflag:$0x1] =	stream.indirect_vreg.gather [hbm4b:s6+s2], $0x80, v4, vm0, $0xb8;
	[tilespmem:$0x15400] =	vst v63  }
0x172: {  	s0 =	simm.s32 $0x5400  }
0x173: {  	[tilespmem:s0], [sflag:$0x1] =	stream.indirect_vreg.gather [hbm4b:s7+s2], $0x80, v4, vm0, $0xb8;
	[tilespmem:$0x15400] =	vst v63  }
0x174: {  	s0 =	simm.s32 $0x5C00  }
0x175: {  	[tilespmem:s0], [sflag:$0x1] =	stream.indirect_vreg.gather [hbm4b:s8+s2], $0x80, v4, vm0, $0xb8;
	[tilespmem:$0x15400] =	vst v63  }
0x176: {  	v4 =	vld [tilespmem:$0x610];
	_ =	sdelay $0x4  }
0x177: {  	v5 =	vshrl.u32 v4, $0x3  }
0x178: {  	v5 =	vmul.u32 $0x50, v5  }
0x179: {  	v4 =	vand.u32 $0x7, v4  }
0x17a: {  	v4 =	vor.u32 v4, v5  }
0x17b: {  	v5 =	vperm.xlane v4, v1;
	_ =	sdelay $0x1  }
0x17c: {  	v5 =	vadd.s32 v2, v5;
	_ =	sdelay $0x3  }
0x17d: {  	s0 =	simm.s32 $0x6400  }
0x17e: {  	[tilespmem:s0], [sflag:$0x1] =	stream.indirect_vreg.gather [hbm4b:s4+s2], $0x80, v5, vm0, $0xb8;
	[tilespmem:$0x15400] =	vst v63  }
0x17f: {  	s0 =	simm.s32 $0x6C00  }
0x180: {  	[tilespmem:s0], [sflag:$0x1] =	stream.indirect_vreg.gather [hbm4b:s5+s2], $0x80, v5, vm0, $0xb8;
	[tilespmem:$0x15400] =	vst v63  }
0x181: {  	v4 =	vperm.xlane v4, v3;
	s0 =	simm.s32 $0x7400  }
0x182: {  	[tilespmem:s0], [sflag:$0x1] =	stream.indirect_vreg.gather [hbm4b:s6+s2], $0x80, v5, vm0, $0xb8;
	[tilespmem:$0x15400] =	vst v63  }
0x183: {  	v4 =	vadd.s32 v2, v4;
	s0 =	simm.s32 $0x7C00  }
0x184: {  	[tilespmem:s0], [sflag:$0x1] =	stream.indirect_vreg.gather [hbm4b:s7+s2], $0x80, v5, vm0, $0xb8;
	[tilespmem:$0x15400] =	vst v63  }
0x185: {  	s0 =	simm.s32 $0x8400  }
0x186: {  	[tilespmem:s0], [sflag:$0x1] =	stream.indirect_vreg.gather [hbm4b:s8+s2], $0x80, v5, vm0, $0xb8;
	[tilespmem:$0x15400] =	vst v63  }
0x187: {  	s0 =	simm.s32 $0x8C00  }
0x188: {  	[tilespmem:s0], [sflag:$0x1] =	stream.indirect_vreg.gather [hbm4b:s4+s2], $0x80, v4, vm0, $0xb8;
	[tilespmem:$0x15400] =	vst v63  }
0x189: {  	s0 =	simm.s32 $0x9400  }
0x18a: {  	[tilespmem:s0], [sflag:$0x1] =	stream.indirect_vreg.gather [hbm4b:s5+s2], $0x80, v4, vm0, $0xb8;
	[tilespmem:$0x15400] =	vst v63  }
0x18b: {  	s0 =	simm.s32 $0x9C00  }
0x18c: {  	[tilespmem:s0], [sflag:$0x1] =	stream.indirect_vreg.gather [hbm4b:s6+s2], $0x80, v4, vm0, $0xb8;
	[tilespmem:$0x15400] =	vst v63  }
0x18d: {  	s0 =	simm.s32 $0xA400  }
0x18e: {  	[tilespmem:s0], [sflag:$0x1] =	stream.indirect_vreg.gather [hbm4b:s7+s2], $0x80, v4, vm0, $0xb8;
	[tilespmem:$0x15400] =	vst v63  }
0x18f: {  	s0 =	simm.s32 $0xAC00  }
0x190: {  	[tilespmem:s0], [sflag:$0x1] =	stream.indirect_vreg.gather [hbm4b:s8+s2], $0x80, v4, vm0, $0xb8;
	[tilespmem:$0x15400] =	vst v63  }
0x191: {  	_ =	swait.ge [sflag:s30], $0xA000  }
0x192: {  	[sflag:s30] =	ssyncset.done $0x0  }
0x193: {  	s0 =	rddreg [dreg:$0x6];
	[sflag:s30] =	ssyncadd.s32 $0xFFFF6000  }
0x194: {  	[hbm4b:s0+s2] =	stream.linear.scatter [tilespmem:s1], [sflag:$0x4], $0xA000, $0x38;
	[tilespmem:$0x15400] =	vst v63  }
0x195: {  	_ =	swait.ge [sflag:s31], $0xA000  }
0x196: {  	[sflag:s31] =	ssyncset.done $0x0  }
0x197: {  	[sflag:s31] =	ssyncadd.s32 $0xFFFF6000  }
0x198: {  	v4 =	vld [tilespmem:$0x680];
	_ =	sdelay $0x4  }
0x199: {  	v5 =	vshrl.u32 v4, $0x3  }
0x19a: {  	v5 =	vmul.u32 $0x50, v5  }
0x19b: {  	v4 =	vand.u32 $0x7, v4  }
0x19c: {  	v4 =	vor.u32 v4, v5  }
0x19d: {  	v5 =	vperm.xlane v4, v1;
	_ =	sdelay $0x1  }
0x19e: {  	v5 =	vadd.s32 v2, v5;
	_ =	sdelay $0x4  }
0x19f: {  	[tilespmem:s1], [sflag:$0x2] =	stream.indirect_vreg.gather [hbm4b:s4+s2], $0x80, v5, vm0, $0xb8;
	[tilespmem:$0x15400] =	vst v63  }
0x1a0: {  	s10 =	simm.s32 $0xBC00  }
0x1a1: {  	[tilespmem:s10], [sflag:$0x2] =	stream.indirect_vreg.gather [hbm4b:s5+s2], $0x80, v5, vm0, $0xb8;
	[tilespmem:$0x15400] =	vst v63  }
0x1a2: {  	s11 =	simm.s32 $0xC400;
	v4 =	vperm.xlane v4, v3  }
0x1a3: {  	[tilespmem:s11], [sflag:$0x2] =	stream.indirect_vreg.gather [hbm4b:s6+s2], $0x80, v5, vm0, $0xb8;
	[tilespmem:$0x15400] =	vst v63  }
0x1a4: {  	s9 =	simm.s32 $0xCC00;
	v4 =	vadd.s32 v2, v4  }
0x1a5: {  	[tilespmem:s9], [sflag:$0x2] =	stream.indirect_vreg.gather [hbm4b:s7+s2], $0x80, v5, vm0, $0xb8;
	[tilespmem:$0x15400] =	vst v63  }
0x1a6: {  	s9 =	simm.s32 $0xD400  }
0x1a7: {  	[tilespmem:s9], [sflag:$0x2] =	stream.indirect_vreg.gather [hbm4b:s8+s2], $0x80, v5, vm0, $0xb8;
	[tilespmem:$0x15400] =	vst v63  }
0x1a8: {  	s15 =	simm.s32 $0xDC00  }
0x1a9: {  	[tilespmem:s15], [sflag:$0x2] =	stream.indirect_vreg.gather [hbm4b:s4+s2], $0x80, v4, vm0, $0xb8;
	[tilespmem:$0x15400] =	vst v63  }
0x1aa: {  	s23 =	simm.s32 $0xE400  }
0x1ab: {  	[tilespmem:s23], [sflag:$0x2] =	stream.indirect_vreg.gather [hbm4b:s5+s2], $0x80, v4, vm0, $0xb8;
	[tilespmem:$0x15400] =	vst v63  }
0x1ac: {  	s24 =	simm.s32 $0xEC00  }
0x1ad: {  	[tilespmem:s24], [sflag:$0x2] =	stream.indirect_vreg.gather [hbm4b:s6+s2], $0x80, v4, vm0, $0xb8;
	[tilespmem:$0x15400] =	vst v63  }
0x1ae: {  	s25 =	simm.s32 $0xF400  }
0x1af: {  	[tilespmem:s25], [sflag:$0x2] =	stream.indirect_vreg.gather [hbm4b:s7+s2], $0x80, v4, vm0, $0xb8;
	[tilespmem:$0x15400] =	vst v63  }
0x1b0: {  	s22 =	simm.s32 $0xFC00  }
0x1b1: {  	[tilespmem:s22], [sflag:$0x2] =	stream.indirect_vreg.gather [hbm4b:s8+s2], $0x80, v4, vm0, $0xb8;
	[tilespmem:$0x15400] =	vst v63  }
0x1b2: {  	v4 =	vld [tilespmem:$0x690];
	_ =	sdelay $0x4  }
0x1b3: {  	v5 =	vshrl.u32 v4, $0x3  }
0x1b4: {  	v5 =	vmul.u32 $0x50, v5  }
0x1b5: {  	v4 =	vand.u32 $0x7, v4  }
0x1b6: {  	v4 =	vor.u32 v4, v5  }
0x1b7: {  	v5 =	vperm.xlane v4, v1;
	_ =	sdelay $0x1  }
0x1b8: {  	v5 =	vadd.s32 v2, v5;
	_ =	sdelay $0x3  }
0x1b9: {  	s26 =	simm.s32 $0x10400  }
0x1ba: {  	[tilespmem:s26], [sflag:$0x2] =	stream.indirect_vreg.gather [hbm4b:s4+s2], $0x80, v5, vm0, $0xb8;
	[tilespmem:$0x15400] =	vst v63  }
0x1bb: {  	s13 =	simm.s32 $0x10C00  }
0x1bc: {  	[tilespmem:s13], [sflag:$0x2] =	stream.indirect_vreg.gather [hbm4b:s5+s2], $0x80, v5, vm0, $0xb8;
	[tilespmem:$0x15400] =	vst v63  }
0x1bd: {  	s14 =	simm.s32 $0x11400;
	v4 =	vperm.xlane v4, v3  }
0x1be: {  	[tilespmem:s14], [sflag:$0x2] =	stream.indirect_vreg.gather [hbm4b:s6+s2], $0x80, v5, vm0, $0xb8;
	[tilespmem:$0x15400] =	vst v63  }
0x1bf: {  	s12 =	simm.s32 $0x11C00;
	v4 =	vadd.s32 v2, v4  }
0x1c0: {  	[tilespmem:s12], [sflag:$0x2] =	stream.indirect_vreg.gather [hbm4b:s7+s2], $0x80, v5, vm0, $0xb8;
	[tilespmem:$0x15400] =	vst v63  }
0x1c1: {  	s16 =	simm.s32 $0x12400  }
0x1c2: {  	[tilespmem:s16], [sflag:$0x2] =	stream.indirect_vreg.gather [hbm4b:s8+s2], $0x80, v5, vm0, $0xb8;
	[tilespmem:$0x15400] =	vst v63  }
0x1c3: {  	s17 =	simm.s32 $0x12C00  }
0x1c4: {  	[tilespmem:s17], [sflag:$0x2] =	stream.indirect_vreg.gather [hbm4b:s4+s2], $0x80, v4, vm0, $0xb8;
	[tilespmem:$0x15400] =	vst v63  }
0x1c5: {  	s18 =	simm.s32 $0x13400  }
0x1c6: {  	[tilespmem:s18], [sflag:$0x2] =	stream.indirect_vreg.gather [hbm4b:s5+s2], $0x80, v4, vm0, $0xb8;
	[tilespmem:$0x15400] =	vst v63  }
0x1c7: {  	s19 =	simm.s32 $0x13C00  }
0x1c8: {  	[tilespmem:s19], [sflag:$0x2] =	stream.indirect_vreg.gather [hbm4b:s6+s2], $0x80, v4, vm0, $0xb8;
	[tilespmem:$0x15400] =	vst v63  }
0x1c9: {  	s20 =	simm.s32 $0x14400  }
0x1ca: {  	[tilespmem:s20], [sflag:$0x2] =	stream.indirect_vreg.gather [hbm4b:s7+s2], $0x80, v4, vm0, $0xb8;
	[tilespmem:$0x15400] =	vst v63  }
0x1cb: {  	s21 =	simm.s32 $0x14C00  }
0x1cc: {  	[tilespmem:s21], [sflag:$0x2] =	stream.indirect_vreg.gather [hbm4b:s8+s2], $0x80, v4, vm0, $0xb8;
	[tilespmem:$0x15400] =	vst v63  }
0x1cd: {  	_ =	swait.ge [sflag:s28], $0xA000  }
0x1ce: {  	[sflag:s28] =	ssyncset.done $0x0  }
0x1cf: {  	s21 =	rddreg [dreg:$0x7];
	[sflag:s28] =	ssyncadd.s32 $0xFFFF6000  }
0x1d0: {  	[hbm4b:s21+s2] =	stream.linear.scatter [tilespmem:s3], [sflag:$0x3], $0xA000, $0x38;
	[tilespmem:$0x15400] =	vst v63  }
0x1d1: {  	_ =	swait.ge [sflag:s29], $0xA000  }
0x1d2: {  	[sflag:s29] =	ssyncset.done $0x0  }
0x1d3: {  	[sflag:s29] =	ssyncadd.s32 $0xFFFF6000  }
0x1d4: {  	v4 =	vld [tilespmem:$0x700];
	_ =	sdelay $0x4  }
0x1d5: {  	v5 =	vshrl.u32 v4, $0x3  }
0x1d6: {  	v5 =	vmul.u32 $0x50, v5  }
0x1d7: {  	v4 =	vand.u32 $0x7, v4  }
0x1d8: {  	v4 =	vor.u32 v4, v5  }
0x1d9: {  	v5 =	vperm.xlane v4, v1;
	_ =	sdelay $0x1  }
0x1da: {  	v5 =	vadd.s32 v2, v5;
	_ =	sdelay $0x4  }
0x1db: {  	[tilespmem:s3], [sflag:$0x1] =	stream.indirect_vreg.gather [hbm4b:s4+s2], $0x80, v5, vm0, $0xb8;
	[tilespmem:$0x15400] =	vst v63  }
0x1dc: {  	s26 =	simm.s32 $0x1C00  }
0x1dd: {  	[tilespmem:s26], [sflag:$0x1] =	stream.indirect_vreg.gather [hbm4b:s5+s2], $0x80, v5, vm0, $0xb8;
	[tilespmem:$0x15400] =	vst v63  }
0x1de: {  	s21 =	simm.s32 $0x2400;
	v4 =	vperm.xlane v4, v3  }
0x1df: {  	[tilespmem:s21], [sflag:$0x1] =	stream.indirect_vreg.gather [hbm4b:s6+s2], $0x80, v5, vm0, $0xb8;
	[tilespmem:$0x15400] =	vst v63  }
0x1e0: {  	v4 =	vadd.s32 v2, v4;
	s26 =	simm.s32 $0x2C00  }
0x1e1: {  	[tilespmem:s26], [sflag:$0x1] =	stream.indirect_vreg.gather [hbm4b:s7+s2], $0x80, v5, vm0, $0xb8;
	[tilespmem:$0x15400] =	vst v63  }
0x1e2: {  	s21 =	simm.s32 $0x3400  }
0x1e3: {  	[tilespmem:s21], [sflag:$0x1] =	stream.indirect_vreg.gather [hbm4b:s8+s2], $0x80, v5, vm0, $0xb8;
	[tilespmem:$0x15400] =	vst v63  }
0x1e4: {  	s26 =	simm.s32 $0x3C00  }
0x1e5: {  	[tilespmem:s26], [sflag:$0x1] =	stream.indirect_vreg.gather [hbm4b:s4+s2], $0x80, v4, vm0, $0xb8;
	[tilespmem:$0x15400] =	vst v63  }
0x1e6: {  	s21 =	simm.s32 $0x4400  }
0x1e7: {  	[tilespmem:s21], [sflag:$0x1] =	stream.indirect_vreg.gather [hbm4b:s5+s2], $0x80, v4, vm0, $0xb8;
	[tilespmem:$0x15400] =	vst v63  }
0x1e8: {  	s26 =	simm.s32 $0x4C00  }
0x1e9: {  	[tilespmem:s26], [sflag:$0x1] =	stream.indirect_vreg.gather [hbm4b:s6+s2], $0x80, v4, vm0, $0xb8;
	[tilespmem:$0x15400] =	vst v63  }
0x1ea: {  	s21 =	simm.s32 $0x5400  }
0x1eb: {  	[tilespmem:s21], [sflag:$0x1] =	stream.indirect_vreg.gather [hbm4b:s7+s2], $0x80, v4, vm0, $0xb8;
	[tilespmem:$0x15400] =	vst v63  }
0x1ec: {  	s26 =	simm.s32 $0x5C00  }
0x1ed: {  	[tilespmem:s26], [sflag:$0x1] =	stream.indirect_vreg.gather [hbm4b:s8+s2], $0x80, v4, vm0, $0xb8;
	[tilespmem:$0x15400] =	vst v63  }
0x1ee: {  	v4 =	vld [tilespmem:$0x710];
	_ =	sdelay $0x4  }
0x1ef: {  	v5 =	vshrl.u32 v4, $0x3  }
0x1f0: {  	v5 =	vmul.u32 $0x50, v5  }
0x1f1: {  	v4 =	vand.u32 $0x7, v4  }
0x1f2: {  	v4 =	vor.u32 v4, v5  }
0x1f3: {  	v5 =	vperm.xlane v4, v1;
	_ =	sdelay $0x1  }
0x1f4: {  	v5 =	vadd.s32 v2, v5;
	_ =	sdelay $0x3  }
0x1f5: {  	s21 =	simm.s32 $0x6400  }
0x1f6: {  	[tilespmem:s21], [sflag:$0x1] =	stream.indirect_vreg.gather [hbm4b:s4+s2], $0x80, v5, vm0, $0xb8;
	[tilespmem:$0x15400] =	vst v63  }
0x1f7: {  	s26 =	simm.s32 $0x6C00  }
0x1f8: {  	[tilespmem:s26], [sflag:$0x1] =	stream.indirect_vreg.gather [hbm4b:s5+s2], $0x80, v5, vm0, $0xb8;
	[tilespmem:$0x15400] =	vst v63  }
0x1f9: {  	v4 =	vperm.xlane v4, v3;
	s21 =	simm.s32 $0x7400  }
0x1fa: {  	[tilespmem:s21], [sflag:$0x1] =	stream.indirect_vreg.gather [hbm4b:s6+s2], $0x80, v5, vm0, $0xb8;
	[tilespmem:$0x15400] =	vst v63  }
0x1fb: {  	v4 =	vadd.s32 v2, v4;
	s26 =	simm.s32 $0x7C00  }
0x1fc: {  	[tilespmem:s26], [sflag:$0x1] =	stream.indirect_vreg.gather [hbm4b:s7+s2], $0x80, v5, vm0, $0xb8;
	[tilespmem:$0x15400] =	vst v63  }
0x1fd: {  	s21 =	simm.s32 $0x8400  }
0x1fe: {  	[tilespmem:s21], [sflag:$0x1] =	stream.indirect_vreg.gather [hbm4b:s8+s2], $0x80, v5, vm0, $0xb8;
	[tilespmem:$0x15400] =	vst v63  }
0x1ff: {  	s26 =	simm.s32 $0x8C00  }
0x200: {  	[tilespmem:s26], [sflag:$0x1] =	stream.indirect_vreg.gather [hbm4b:s4+s2], $0x80, v4, vm0, $0xb8;
	[tilespmem:$0x15400] =	vst v63  }
0x201: {  	s21 =	simm.s32 $0x9400  }
0x202: {  	[tilespmem:s21], [sflag:$0x1] =	stream.indirect_vreg.gather [hbm4b:s5+s2], $0x80, v4, vm0, $0xb8;
	[tilespmem:$0x15400] =	vst v63  }
0x203: {  	s26 =	simm.s32 $0x9C00  }
0x204: {  	[tilespmem:s26], [sflag:$0x1] =	stream.indirect_vreg.gather [hbm4b:s6+s2], $0x80, v4, vm0, $0xb8;
	[tilespmem:$0x15400] =	vst v63  }
0x205: {  	s21 =	simm.s32 $0xA400  }
0x206: {  	[tilespmem:s21], [sflag:$0x1] =	stream.indirect_vreg.gather [hbm4b:s7+s2], $0x80, v4, vm0, $0xb8;
	[tilespmem:$0x15400] =	vst v63  }
0x207: {  	s26 =	simm.s32 $0xAC00  }
0x208: {  	[tilespmem:s26], [sflag:$0x1] =	stream.indirect_vreg.gather [hbm4b:s8+s2], $0x80, v4, vm0, $0xb8;
	[tilespmem:$0x15400] =	vst v63  }
0x209: {  	_ =	swait.ge [sflag:s30], $0xA000  }
0x20a: {  	[sflag:s30] =	ssyncset.done $0x0  }
0x20b: {  	s21 =	rddreg [dreg:$0x8];
	[sflag:s30] =	ssyncadd.s32 $0xFFFF6000  }
0x20c: {  	[hbm4b:s21+s2] =	stream.linear.scatter [tilespmem:s1], [sflag:$0x4], $0xA000, $0x38;
	[tilespmem:$0x15400] =	vst v63  }
0x20d: {  	_ =	swait.ge [sflag:s31], $0xA000  }
0x20e: {  	[sflag:s31] =	ssyncset.done $0x0  }
0x20f: {  	[sflag:s31] =	ssyncadd.s32 $0xFFFF6000  }
0x210: {  	v4 =	vld [tilespmem:$0x780];
	_ =	sdelay $0x4  }
0x211: {  	v5 =	vshrl.u32 v4, $0x3  }
0x212: {  	v5 =	vmul.u32 $0x50, v5  }
0x213: {  	v4 =	vand.u32 $0x7, v4  }
0x214: {  	v4 =	vor.u32 v4, v5  }
0x215: {  	v5 =	vperm.xlane v4, v1;
	_ =	sdelay $0x1  }
0x216: {  	v5 =	vadd.s32 v2, v5;
	_ =	sdelay $0x4  }
0x217: {  	[tilespmem:s1], [sflag:$0x2] =	stream.indirect_vreg.gather [hbm4b:s4+s2], $0x80, v5, vm0, $0xb8;
	[tilespmem:$0x15400] =	vst v63  }
0x218: {  	s26 =	simm.s32 $0xBC00  }
0x219: {  	[tilespmem:s26], [sflag:$0x2] =	stream.indirect_vreg.gather [hbm4b:s5+s2], $0x80, v5, vm0, $0xb8;
	[tilespmem:$0x15400] =	vst v63  }
0x21a: {  	s11 =	simm.s32 $0xC400;
	v4 =	vperm.xlane v4, v3  }
0x21b: {  	[tilespmem:s11], [sflag:$0x2] =	stream.indirect_vreg.gather [hbm4b:s6+s2], $0x80, v5, vm0, $0xb8;
	[tilespmem:$0x15400] =	vst v63  }
0x21c: {  	s10 =	simm.s32 $0xCC00;
	v4 =	vadd.s32 v2, v4  }
0x21d: {  	[tilespmem:s10], [sflag:$0x2] =	stream.indirect_vreg.gather [hbm4b:s7+s2], $0x80, v5, vm0, $0xb8;
	[tilespmem:$0x15400] =	vst v63  }
0x21e: {  	s9 =	simm.s32 $0xD400  }
0x21f: {  	[tilespmem:s9], [sflag:$0x2] =	stream.indirect_vreg.gather [hbm4b:s8+s2], $0x80, v5, vm0, $0xb8;
	[tilespmem:$0x15400] =	vst v63  }
0x220: {  	s9 =	simm.s32 $0xDC00  }
0x221: {  	[tilespmem:s9], [sflag:$0x2] =	stream.indirect_vreg.gather [hbm4b:s4+s2], $0x80, v4, vm0, $0xb8;
	[tilespmem:$0x15400] =	vst v63  }
0x222: {  	s23 =	simm.s32 $0xE400  }
0x223: {  	[tilespmem:s23], [sflag:$0x2] =	stream.indirect_vreg.gather [hbm4b:s5+s2], $0x80, v4, vm0, $0xb8;
	[tilespmem:$0x15400] =	vst v63  }
0x224: {  	s0 =	simm.s32 $0xEC00  }
0x225: {  	[tilespmem:s0], [sflag:$0x2] =	stream.indirect_vreg.gather [hbm4b:s6+s2], $0x80, v4, vm0, $0xb8;
	[tilespmem:$0x15400] =	vst v63  }
0x226: {  	s25 =	simm.s32 $0xF400  }
0x227: {  	[tilespmem:s25], [sflag:$0x2] =	stream.indirect_vreg.gather [hbm4b:s7+s2], $0x80, v4, vm0, $0xb8;
	[tilespmem:$0x15400] =	vst v63  }
0x228: {  	s24 =	simm.s32 $0xFC00  }
0x229: {  	[tilespmem:s24], [sflag:$0x2] =	stream.indirect_vreg.gather [hbm4b:s8+s2], $0x80, v4, vm0, $0xb8;
	[tilespmem:$0x15400] =	vst v63  }
0x22a: {  	v4 =	vld [tilespmem:$0x790];
	_ =	sdelay $0x4  }
0x22b: {  	v5 =	vshrl.u32 v4, $0x3  }
0x22c: {  	v5 =	vmul.u32 $0x50, v5  }
0x22d: {  	v4 =	vand.u32 $0x7, v4  }
0x22e: {  	v4 =	vor.u32 v4, v5  }
0x22f: {  	v5 =	vperm.xlane v4, v1;
	_ =	sdelay $0x1  }
0x230: {  	v5 =	vadd.s32 v2, v5;
	_ =	sdelay $0x3  }
0x231: {  	s22 =	simm.s32 $0x10400  }
0x232: {  	[tilespmem:s22], [sflag:$0x2] =	stream.indirect_vreg.gather [hbm4b:s4+s2], $0x80, v5, vm0, $0xb8;
	[tilespmem:$0x15400] =	vst v63  }
0x233: {  	s15 =	simm.s32 $0x10C00  }
0x234: {  	[tilespmem:s15], [sflag:$0x2] =	stream.indirect_vreg.gather [hbm4b:s5+s2], $0x80, v5, vm0, $0xb8;
	[tilespmem:$0x15400] =	vst v63  }
0x235: {  	s13 =	simm.s32 $0x11400;
	v4 =	vperm.xlane v4, v3  }
0x236: {  	[tilespmem:s13], [sflag:$0x2] =	stream.indirect_vreg.gather [hbm4b:s6+s2], $0x80, v5, vm0, $0xb8;
	[tilespmem:$0x15400] =	vst v63  }
0x237: {  	s12 =	simm.s32 $0x11C00;
	v4 =	vadd.s32 v2, v4  }
0x238: {  	[tilespmem:s12], [sflag:$0x2] =	stream.indirect_vreg.gather [hbm4b:s7+s2], $0x80, v5, vm0, $0xb8;
	[tilespmem:$0x15400] =	vst v63  }
0x239: {  	s14 =	simm.s32 $0x12400  }
0x23a: {  	[tilespmem:s14], [sflag:$0x2] =	stream.indirect_vreg.gather [hbm4b:s8+s2], $0x80, v5, vm0, $0xb8;
	[tilespmem:$0x15400] =	vst v63  }
0x23b: {  	s16 =	simm.s32 $0x12C00  }
0x23c: {  	[tilespmem:s16], [sflag:$0x2] =	stream.indirect_vreg.gather [hbm4b:s4+s2], $0x80, v4, vm0, $0xb8;
	[tilespmem:$0x15400] =	vst v63  }
0x23d: {  	s17 =	simm.s32 $0x13400  }
0x23e: {  	[tilespmem:s17], [sflag:$0x2] =	stream.indirect_vreg.gather [hbm4b:s5+s2], $0x80, v4, vm0, $0xb8;
	[tilespmem:$0x15400] =	vst v63  }
0x23f: {  	s18 =	simm.s32 $0x13C00  }
0x240: {  	[tilespmem:s18], [sflag:$0x2] =	stream.indirect_vreg.gather [hbm4b:s6+s2], $0x80, v4, vm0, $0xb8;
	[tilespmem:$0x15400] =	vst v63  }
0x241: {  	s19 =	simm.s32 $0x14400  }
0x242: {  	[tilespmem:s19], [sflag:$0x2] =	stream.indirect_vreg.gather [hbm4b:s7+s2], $0x80, v4, vm0, $0xb8;
	[tilespmem:$0x15400] =	vst v63  }
0x243: {  	s20 =	simm.s32 $0x14C00  }
0x244: {  	[tilespmem:s20], [sflag:$0x2] =	stream.indirect_vreg.gather [hbm4b:s8+s2], $0x80, v4, vm0, $0xb8;
	[tilespmem:$0x15400] =	vst v63  }
0x245: {  	_ =	swait.ge [sflag:s28], $0xA000  }
0x246: {  	[sflag:s28] =	ssyncset.done $0x0  }
0x247: {  	s20 =	rddreg [dreg:$0x9];
	[sflag:s28] =	ssyncadd.s32 $0xFFFF6000  }
0x248: {  	[hbm4b:s20+s2] =	stream.linear.scatter [tilespmem:s3], [sflag:$0x3], $0xA000, $0x38;
	[tilespmem:$0x15400] =	vst v63  }
0x249: {  	_ =	swait.ge [sflag:s29], $0xA000  }
0x24a: {  	[sflag:s29] =	ssyncset.done $0x0  }
0x24b: {  	[sflag:s29] =	ssyncadd.s32 $0xFFFF6000  }
0x24c: {  	v4 =	vld [tilespmem:$0x800];
	_ =	sdelay $0x4  }
0x24d: {  	v5 =	vshrl.u32 v4, $0x3  }
0x24e: {  	v5 =	vmul.u32 $0x50, v5  }
0x24f: {  	v4 =	vand.u32 $0x7, v4  }
0x250: {  	v4 =	vor.u32 v4, v5  }
0x251: {  	v5 =	vperm.xlane v4, v1;
	_ =	sdelay $0x1  }
0x252: {  	v5 =	vadd.s32 v2, v5;
	_ =	sdelay $0x4  }
0x253: {  	[tilespmem:s3], [sflag:$0x1] =	stream.indirect_vreg.gather [hbm4b:s4+s2], $0x80, v5, vm0, $0xb8;
	[tilespmem:$0x15400] =	vst v63  }
0x254: {  	s19 =	simm.s32 $0x1C00  }
0x255: {  	[tilespmem:s19], [sflag:$0x1] =	stream.indirect_vreg.gather [hbm4b:s5+s2], $0x80, v5, vm0, $0xb8;
	[tilespmem:$0x15400] =	vst v63  }
0x256: {  	s20 =	simm.s32 $0x2400;
	v4 =	vperm.xlane v4, v3  }
0x257: {  	[tilespmem:s20], [sflag:$0x1] =	stream.indirect_vreg.gather [hbm4b:s6+s2], $0x80, v5, vm0, $0xb8;
	[tilespmem:$0x15400] =	vst v63  }
0x258: {  	v4 =	vadd.s32 v2, v4;
	s19 =	simm.s32 $0x2C00  }
0x259: {  	[tilespmem:s19], [sflag:$0x1] =	stream.indirect_vreg.gather [hbm4b:s7+s2], $0x80, v5, vm0, $0xb8;
	[tilespmem:$0x15400] =	vst v63  }
0x25a: {  	s20 =	simm.s32 $0x3400  }
0x25b: {  	[tilespmem:s20], [sflag:$0x1] =	stream.indirect_vreg.gather [hbm4b:s8+s2], $0x80, v5, vm0, $0xb8;
	[tilespmem:$0x15400] =	vst v63  }
0x25c: {  	s19 =	simm.s32 $0x3C00  }
0x25d: {  	[tilespmem:s19], [sflag:$0x1] =	stream.indirect_vreg.gather [hbm4b:s4+s2], $0x80, v4, vm0, $0xb8;
	[tilespmem:$0x15400] =	vst v63  }
0x25e: {  	s20 =	simm.s32 $0x4400  }
0x25f: {  	[tilespmem:s20], [sflag:$0x1] =	stream.indirect_vreg.gather [hbm4b:s5+s2], $0x80, v4, vm0, $0xb8;
	[tilespmem:$0x15400] =	vst v63  }
0x260: {  	s19 =	simm.s32 $0x4C00  }
0x261: {  	[tilespmem:s19], [sflag:$0x1] =	stream.indirect_vreg.gather [hbm4b:s6+s2], $0x80, v4, vm0, $0xb8;
	[tilespmem:$0x15400] =	vst v63  }
0x262: {  	s20 =	simm.s32 $0x5400  }
0x263: {  	[tilespmem:s20], [sflag:$0x1] =	stream.indirect_vreg.gather [hbm4b:s7+s2], $0x80, v4, vm0, $0xb8;
	[tilespmem:$0x15400] =	vst v63  }
0x264: {  	s19 =	simm.s32 $0x5C00  }
0x265: {  	[tilespmem:s19], [sflag:$0x1] =	stream.indirect_vreg.gather [hbm4b:s8+s2], $0x80, v4, vm0, $0xb8;
	[tilespmem:$0x15400] =	vst v63  }
0x266: {  	v4 =	vld [tilespmem:$0x810];
	_ =	sdelay $0x4  }
0x267: {  	v5 =	vshrl.u32 v4, $0x3  }
0x268: {  	v5 =	vmul.u32 $0x50, v5  }
0x269: {  	v4 =	vand.u32 $0x7, v4  }
0x26a: {  	v4 =	vor.u32 v4, v5  }
0x26b: {  	v5 =	vperm.xlane v4, v1;
	_ =	sdelay $0x1  }
0x26c: {  	v5 =	vadd.s32 v2, v5;
	_ =	sdelay $0x3  }
0x26d: {  	s20 =	simm.s32 $0x6400  }
0x26e: {  	[tilespmem:s20], [sflag:$0x1] =	stream.indirect_vreg.gather [hbm4b:s4+s2], $0x80, v5, vm0, $0xb8;
	[tilespmem:$0x15400] =	vst v63  }
0x26f: {  	s19 =	simm.s32 $0x6C00  }
0x270: {  	[tilespmem:s19], [sflag:$0x1] =	stream.indirect_vreg.gather [hbm4b:s5+s2], $0x80, v5, vm0, $0xb8;
	[tilespmem:$0x15400] =	vst v63  }
0x271: {  	v4 =	vperm.xlane v4, v3;
	s20 =	simm.s32 $0x7400  }
0x272: {  	[tilespmem:s20], [sflag:$0x1] =	stream.indirect_vreg.gather [hbm4b:s6+s2], $0x80, v5, vm0, $0xb8;
	[tilespmem:$0x15400] =	vst v63  }
0x273: {  	v4 =	vadd.s32 v2, v4;
	s19 =	simm.s32 $0x7C00  }
0x274: {  	[tilespmem:s19], [sflag:$0x1] =	stream.indirect_vreg.gather [hbm4b:s7+s2], $0x80, v5, vm0, $0xb8;
	[tilespmem:$0x15400] =	vst v63  }
0x275: {  	s20 =	simm.s32 $0x8400  }
0x276: {  	[tilespmem:s20], [sflag:$0x1] =	stream.indirect_vreg.gather [hbm4b:s8+s2], $0x80, v5, vm0, $0xb8;
	[tilespmem:$0x15400] =	vst v63  }
0x277: {  	s19 =	simm.s32 $0x8C00  }
0x278: {  	[tilespmem:s19], [sflag:$0x1] =	stream.indirect_vreg.gather [hbm4b:s4+s2], $0x80, v4, vm0, $0xb8;
	[tilespmem:$0x15400] =	vst v63  }
0x279: {  	s20 =	simm.s32 $0x9400  }
0x27a: {  	[tilespmem:s20], [sflag:$0x1] =	stream.indirect_vreg.gather [hbm4b:s5+s2], $0x80, v4, vm0, $0xb8;
	[tilespmem:$0x15400] =	vst v63  }
0x27b: {  	s19 =	simm.s32 $0x9C00  }
0x27c: {  	[tilespmem:s19], [sflag:$0x1] =	stream.indirect_vreg.gather [hbm4b:s6+s2], $0x80, v4, vm0, $0xb8;
	[tilespmem:$0x15400] =	vst v63  }
0x27d: {  	s20 =	simm.s32 $0xA400  }
0x27e: {  	[tilespmem:s20], [sflag:$0x1] =	stream.indirect_vreg.gather [hbm4b:s7+s2], $0x80, v4, vm0, $0xb8;
	[tilespmem:$0x15400] =	vst v63  }
0x27f: {  	s19 =	simm.s32 $0xAC00  }
0x280: {  	[tilespmem:s19], [sflag:$0x1] =	stream.indirect_vreg.gather [hbm4b:s8+s2], $0x80, v4, vm0, $0xb8;
	[tilespmem:$0x15400] =	vst v63  }
0x281: {  	_ =	swait.ge [sflag:s30], $0xA000  }
0x282: {  	[sflag:s30] =	ssyncset.done $0x0  }
0x283: {  	s20 =	rddreg [dreg:$0xa];
	[sflag:s30] =	ssyncadd.s32 $0xFFFF6000  }
0x284: {  	[hbm4b:s20+s2] =	stream.linear.scatter [tilespmem:s1], [sflag:$0x4], $0xA000, $0x38;
	[tilespmem:$0x15400] =	vst v63  }
0x285: {  	_ =	swait.ge [sflag:s31], $0xA000  }
0x286: {  	[sflag:s31] =	ssyncset.done $0x0  }
0x287: {  	[sflag:s31] =	ssyncadd.s32 $0xFFFF6000  }
0x288: {  	v4 =	vld [tilespmem:$0x880];
	_ =	sdelay $0x4  }
0x289: {  	v5 =	vshrl.u32 v4, $0x3  }
0x28a: {  	v5 =	vmul.u32 $0x50, v5  }
0x28b: {  	v4 =	vand.u32 $0x7, v4  }
0x28c: {  	v4 =	vor.u32 v4, v5  }
0x28d: {  	v5 =	vperm.xlane v4, v1;
	_ =	sdelay $0x1  }
0x28e: {  	v5 =	vadd.s32 v2, v5;
	_ =	sdelay $0x4  }
0x28f: {  	[tilespmem:s1], [sflag:$0x2] =	stream.indirect_vreg.gather [hbm4b:s4+s2], $0x80, v5, vm0, $0xb8;
	[tilespmem:$0x15400] =	vst v63  }
0x290: {  	s26 =	simm.s32 $0xBC00  }
0x291: {  	[tilespmem:s26], [sflag:$0x2] =	stream.indirect_vreg.gather [hbm4b:s5+s2], $0x80, v5, vm0, $0xb8;
	[tilespmem:$0x15400] =	vst v63  }
0x292: {  	s11 =	simm.s32 $0xC400;
	v4 =	vperm.xlane v4, v3  }
0x293: {  	[tilespmem:s11], [sflag:$0x2] =	stream.indirect_vreg.gather [hbm4b:s6+s2], $0x80, v5, vm0, $0xb8;
	[tilespmem:$0x15400] =	vst v63  }
0x294: {  	s21 =	simm.s32 $0xCC00;
	v4 =	vadd.s32 v2, v4  }
0x295: {  	[tilespmem:s21], [sflag:$0x2] =	stream.indirect_vreg.gather [hbm4b:s7+s2], $0x80, v5, vm0, $0xb8;
	[tilespmem:$0x15400] =	vst v63  }
0x296: {  	s10 =	simm.s32 $0xD400  }
0x297: {  	[tilespmem:s10], [sflag:$0x2] =	stream.indirect_vreg.gather [hbm4b:s8+s2], $0x80, v5, vm0, $0xb8;
	[tilespmem:$0x15400] =	vst v63  }
0x298: {  	s9 =	simm.s32 $0xDC00  }
0x299: {  	[tilespmem:s9], [sflag:$0x2] =	stream.indirect_vreg.gather [hbm4b:s4+s2], $0x80, v4, vm0, $0xb8;
	[tilespmem:$0x15400] =	vst v63  }
0x29a: {  	s23 =	simm.s32 $0xE400  }
0x29b: {  	[tilespmem:s23], [sflag:$0x2] =	stream.indirect_vreg.gather [hbm4b:s5+s2], $0x80, v4, vm0, $0xb8;
	[tilespmem:$0x15400] =	vst v63  }
0x29c: {  	s9 =	simm.s32 $0xEC00  }
0x29d: {  	[tilespmem:s9], [sflag:$0x2] =	stream.indirect_vreg.gather [hbm4b:s6+s2], $0x80, v4, vm0, $0xb8;
	[tilespmem:$0x15400] =	vst v63  }
0x29e: {  	s10 =	simm.s32 $0xF400  }
0x29f: {  	[tilespmem:s10], [sflag:$0x2] =	stream.indirect_vreg.gather [hbm4b:s7+s2], $0x80, v4, vm0, $0xb8;
	[tilespmem:$0x15400] =	vst v63  }
0x2a0: {  	s11 =	simm.s32 $0xFC00  }
0x2a1: {  	[tilespmem:s11], [sflag:$0x2] =	stream.indirect_vreg.gather [hbm4b:s8+s2], $0x80, v4, vm0, $0xb8;
	[tilespmem:$0x15400] =	vst v63  }
0x2a2: {  	v4 =	vld [tilespmem:$0x890];
	_ =	sdelay $0x4  }
0x2a3: {  	v5 =	vshrl.u32 v4, $0x3  }
0x2a4: {  	v5 =	vmul.u32 $0x50, v5  }
0x2a5: {  	v4 =	vand.u32 $0x7, v4  }
0x2a6: {  	v4 =	vor.u32 v4, v5  }
0x2a7: {  	v5 =	vperm.xlane v4, v1;
	_ =	sdelay $0x1  }
0x2a8: {  	v5 =	vadd.s32 v2, v5;
	_ =	sdelay $0x3  }
0x2a9: {  	s22 =	simm.s32 $0x10400  }
0x2aa: {  	[tilespmem:s22], [sflag:$0x2] =	stream.indirect_vreg.gather [hbm4b:s4+s2], $0x80, v5, vm0, $0xb8;
	[tilespmem:$0x15400] =	vst v63  }
0x2ab: {  	s15 =	simm.s32 $0x10C00  }
0x2ac: {  	[tilespmem:s15], [sflag:$0x2] =	stream.indirect_vreg.gather [hbm4b:s5+s2], $0x80, v5, vm0, $0xb8;
	[tilespmem:$0x15400] =	vst v63  }
0x2ad: {  	s25 =	simm.s32 $0x11400;
	v4 =	vperm.xlane v4, v3  }
0x2ae: {  	[tilespmem:s25], [sflag:$0x2] =	stream.indirect_vreg.gather [hbm4b:s6+s2], $0x80, v5, vm0, $0xb8;
	[tilespmem:$0x15400] =	vst v63  }
0x2af: {  	s24 =	simm.s32 $0x11C00;
	v4 =	vadd.s32 v2, v4  }
0x2b0: {  	[tilespmem:s24], [sflag:$0x2] =	stream.indirect_vreg.gather [hbm4b:s7+s2], $0x80, v5, vm0, $0xb8;
	[tilespmem:$0x15400] =	vst v63  }
0x2b1: {  	s12 =	simm.s32 $0x12400  }
0x2b2: {  	[tilespmem:s12], [sflag:$0x2] =	stream.indirect_vreg.gather [hbm4b:s8+s2], $0x80, v5, vm0, $0xb8;
	[tilespmem:$0x15400] =	vst v63  }
0x2b3: {  	s13 =	simm.s32 $0x12C00  }
0x2b4: {  	[tilespmem:s13], [sflag:$0x2] =	stream.indirect_vreg.gather [hbm4b:s4+s2], $0x80, v4, vm0, $0xb8;
	[tilespmem:$0x15400] =	vst v63  }
0x2b5: {  	s14 =	simm.s32 $0x13400  }
0x2b6: {  	[tilespmem:s14], [sflag:$0x2] =	stream.indirect_vreg.gather [hbm4b:s5+s2], $0x80, v4, vm0, $0xb8;
	[tilespmem:$0x15400] =	vst v63  }
0x2b7: {  	s16 =	simm.s32 $0x13C00  }
0x2b8: {  	[tilespmem:s16], [sflag:$0x2] =	stream.indirect_vreg.gather [hbm4b:s6+s2], $0x80, v4, vm0, $0xb8;
	[tilespmem:$0x15400] =	vst v63  }
0x2b9: {  	s17 =	simm.s32 $0x14400  }
0x2ba: {  	[tilespmem:s17], [sflag:$0x2] =	stream.indirect_vreg.gather [hbm4b:s7+s2], $0x80, v4, vm0, $0xb8;
	[tilespmem:$0x15400] =	vst v63  }
0x2bb: {  	s18 =	simm.s32 $0x14C00  }
0x2bc: {  	[tilespmem:s18], [sflag:$0x2] =	stream.indirect_vreg.gather [hbm4b:s8+s2], $0x80, v4, vm0, $0xb8;
	[tilespmem:$0x15400] =	vst v63  }
0x2bd: {  	_ =	swait.ge [sflag:s28], $0xA000  }
0x2be: {  	[sflag:s28] =	ssyncset.done $0x0  }
0x2bf: {  	s17 =	rddreg [dreg:$0xb];
	[sflag:s28] =	ssyncadd.s32 $0xFFFF6000  }
0x2c0: {  	[hbm4b:s17+s2] =	stream.linear.scatter [tilespmem:s3], [sflag:$0x3], $0xA000, $0x38;
	[tilespmem:$0x15400] =	vst v63  }
0x2c1: {  	_ =	swait.ge [sflag:s29], $0xA000  }
0x2c2: {  	[sflag:s29] =	ssyncset.done $0x0  }
0x2c3: {  	[sflag:s29] =	ssyncadd.s32 $0xFFFF6000  }
0x2c4: {  	v4 =	vld [tilespmem:$0x900];
	_ =	sdelay $0x4  }
0x2c5: {  	v5 =	vshrl.u32 v4, $0x3  }
0x2c6: {  	v5 =	vmul.u32 $0x50, v5  }
0x2c7: {  	v4 =	vand.u32 $0x7, v4  }
0x2c8: {  	v4 =	vor.u32 v4, v5  }
0x2c9: {  	v5 =	vperm.xlane v4, v1;
	_ =	sdelay $0x1  }
0x2ca: {  	v5 =	vadd.s32 v2, v5;
	_ =	sdelay $0x4  }
0x2cb: {  	[tilespmem:s3], [sflag:$0x1] =	stream.indirect_vreg.gather [hbm4b:s4+s2], $0x80, v5, vm0, $0xb8;
	[tilespmem:$0x15400] =	vst v63  }
0x2cc: {  	s18 =	simm.s32 $0x1C00  }
0x2cd: {  	[tilespmem:s18], [sflag:$0x1] =	stream.indirect_vreg.gather [hbm4b:s5+s2], $0x80, v5, vm0, $0xb8;
	[tilespmem:$0x15400] =	vst v63  }
0x2ce: {  	s17 =	simm.s32 $0x2400;
	v4 =	vperm.xlane v4, v3  }
0x2cf: {  	[tilespmem:s17], [sflag:$0x1] =	stream.indirect_vreg.gather [hbm4b:s6+s2], $0x80, v5, vm0, $0xb8;
	[tilespmem:$0x15400] =	vst v63  }
0x2d0: {  	v4 =	vadd.s32 v2, v4;
	s18 =	simm.s32 $0x2C00  }
0x2d1: {  	[tilespmem:s18], [sflag:$0x1] =	stream.indirect_vreg.gather [hbm4b:s7+s2], $0x80, v5, vm0, $0xb8;
	[tilespmem:$0x15400] =	vst v63  }
0x2d2: {  	s17 =	simm.s32 $0x3400  }
0x2d3: {  	[tilespmem:s17], [sflag:$0x1] =	stream.indirect_vreg.gather [hbm4b:s8+s2], $0x80, v5, vm0, $0xb8;
	[tilespmem:$0x15400] =	vst v63  }
0x2d4: {  	s18 =	simm.s32 $0x3C00  }
0x2d5: {  	[tilespmem:s18], [sflag:$0x1] =	stream.indirect_vreg.gather [hbm4b:s4+s2], $0x80, v4, vm0, $0xb8;
	[tilespmem:$0x15400] =	vst v63  }
0x2d6: {  	s17 =	simm.s32 $0x4400  }
0x2d7: {  	[tilespmem:s17], [sflag:$0x1] =	stream.indirect_vreg.gather [hbm4b:s5+s2], $0x80, v4, vm0, $0xb8;
	[tilespmem:$0x15400] =	vst v63  }
0x2d8: {  	s18 =	simm.s32 $0x4C00  }
0x2d9: {  	[tilespmem:s18], [sflag:$0x1] =	stream.indirect_vreg.gather [hbm4b:s6+s2], $0x80, v4, vm0, $0xb8;
	[tilespmem:$0x15400] =	vst v63  }
0x2da: {  	s17 =	simm.s32 $0x5400  }
0x2db: {  	[tilespmem:s17], [sflag:$0x1] =	stream.indirect_vreg.gather [hbm4b:s7+s2], $0x80, v4, vm0, $0xb8;
	[tilespmem:$0x15400] =	vst v63  }
0x2dc: {  	s18 =	simm.s32 $0x5C00  }
0x2dd: {  	[tilespmem:s18], [sflag:$0x1] =	stream.indirect_vreg.gather [hbm4b:s8+s2], $0x80, v4, vm0, $0xb8;
	[tilespmem:$0x15400] =	vst v63  }
0x2de: {  	v4 =	vld [tilespmem:$0x910];
	_ =	sdelay $0x4  }
0x2df: {  	v5 =	vshrl.u32 v4, $0x3  }
0x2e0: {  	v5 =	vmul.u32 $0x50, v5  }
0x2e1: {  	v4 =	vand.u32 $0x7, v4  }
0x2e2: {  	v4 =	vor.u32 v4, v5  }
0x2e3: {  	v5 =	vperm.xlane v4, v1;
	_ =	sdelay $0x1  }
0x2e4: {  	v5 =	vadd.s32 v2, v5;
	_ =	sdelay $0x3  }
0x2e5: {  	s17 =	simm.s32 $0x6400  }
0x2e6: {  	[tilespmem:s17], [sflag:$0x1] =	stream.indirect_vreg.gather [hbm4b:s4+s2], $0x80, v5, vm0, $0xb8;
	[tilespmem:$0x15400] =	vst v63  }
0x2e7: {  	s18 =	simm.s32 $0x6C00  }
0x2e8: {  	[tilespmem:s18], [sflag:$0x1] =	stream.indirect_vreg.gather [hbm4b:s5+s2], $0x80, v5, vm0, $0xb8;
	[tilespmem:$0x15400] =	vst v63  }
0x2e9: {  	v4 =	vperm.xlane v4, v3;
	s17 =	simm.s32 $0x7400  }
0x2ea: {  	[tilespmem:s17], [sflag:$0x1] =	stream.indirect_vreg.gather [hbm4b:s6+s2], $0x80, v5, vm0, $0xb8;
	[tilespmem:$0x15400] =	vst v63  }
0x2eb: {  	v4 =	vadd.s32 v2, v4;
	s18 =	simm.s32 $0x7C00  }
0x2ec: {  	[tilespmem:s18], [sflag:$0x1] =	stream.indirect_vreg.gather [hbm4b:s7+s2], $0x80, v5, vm0, $0xb8;
	[tilespmem:$0x15400] =	vst v63  }
0x2ed: {  	s17 =	simm.s32 $0x8400  }
0x2ee: {  	[tilespmem:s17], [sflag:$0x1] =	stream.indirect_vreg.gather [hbm4b:s8+s2], $0x80, v5, vm0, $0xb8;
	[tilespmem:$0x15400] =	vst v63  }
0x2ef: {  	s18 =	simm.s32 $0x8C00  }
0x2f0: {  	[tilespmem:s18], [sflag:$0x1] =	stream.indirect_vreg.gather [hbm4b:s4+s2], $0x80, v4, vm0, $0xb8;
	[tilespmem:$0x15400] =	vst v63  }
0x2f1: {  	s17 =	simm.s32 $0x9400  }
0x2f2: {  	[tilespmem:s17], [sflag:$0x1] =	stream.indirect_vreg.gather [hbm4b:s5+s2], $0x80, v4, vm0, $0xb8;
	[tilespmem:$0x15400] =	vst v63  }
0x2f3: {  	s18 =	simm.s32 $0x9C00  }
0x2f4: {  	[tilespmem:s18], [sflag:$0x1] =	stream.indirect_vreg.gather [hbm4b:s6+s2], $0x80, v4, vm0, $0xb8;
	[tilespmem:$0x15400] =	vst v63  }
0x2f5: {  	s17 =	simm.s32 $0xA400  }
0x2f6: {  	[tilespmem:s17], [sflag:$0x1] =	stream.indirect_vreg.gather [hbm4b:s7+s2], $0x80, v4, vm0, $0xb8;
	[tilespmem:$0x15400] =	vst v63  }
0x2f7: {  	s18 =	simm.s32 $0xAC00  }
0x2f8: {  	[tilespmem:s18], [sflag:$0x1] =	stream.indirect_vreg.gather [hbm4b:s8+s2], $0x80, v4, vm0, $0xb8;
	[tilespmem:$0x15400] =	vst v63  }
0x2f9: {  	_ =	swait.ge [sflag:s30], $0xA000  }
0x2fa: {  	[sflag:s30] =	ssyncset.done $0x0  }
0x2fb: {  	s17 =	rddreg [dreg:$0xc];
	[sflag:s30] =	ssyncadd.s32 $0xFFFF6000  }
0x2fc: {  	[hbm4b:s17+s2] =	stream.linear.scatter [tilespmem:s1], [sflag:$0x4], $0xA000, $0x38;
	[tilespmem:$0x15400] =	vst v63  }
0x2fd: {  	_ =	swait.ge [sflag:s31], $0xA000  }
0x2fe: {  	[sflag:s31] =	ssyncset.done $0x0  }
0x2ff: {  	[sflag:s31] =	ssyncadd.s32 $0xFFFF6000  }
0x300: {  	v4 =	vld [tilespmem:$0x980];
	_ =	sdelay $0x4  }
0x301: {  	v5 =	vshrl.u32 v4, $0x3  }
0x302: {  	v5 =	vmul.u32 $0x50, v5  }
0x303: {  	v4 =	vand.u32 $0x7, v4  }
0x304: {  	v4 =	vor.u32 v4, v5  }
0x305: {  	v5 =	vperm.xlane v4, v1;
	_ =	sdelay $0x1  }
0x306: {  	v5 =	vadd.s32 v2, v5;
	_ =	sdelay $0x4  }
0x307: {  	[tilespmem:s1], [sflag:$0x2] =	stream.indirect_vreg.gather [hbm4b:s4+s2], $0x80, v5, vm0, $0xb8;
	[tilespmem:$0x15400] =	vst v63  }
0x308: {  	s18 =	simm.s32 $0xBC00  }
0x309: {  	[tilespmem:s18], [sflag:$0x2] =	stream.indirect_vreg.gather [hbm4b:s5+s2], $0x80, v5, vm0, $0xb8;
	[tilespmem:$0x15400] =	vst v63  }
0x30a: {  	s20 =	simm.s32 $0xC400;
	v4 =	vperm.xlane v4, v3  }
0x30b: {  	[tilespmem:s20], [sflag:$0x2] =	stream.indirect_vreg.gather [hbm4b:s6+s2], $0x80, v5, vm0, $0xb8;
	[tilespmem:$0x15400] =	vst v63  }
0x30c: {  	s26 =	simm.s32 $0xCC00;
	v4 =	vadd.s32 v2, v4  }
0x30d: {  	[tilespmem:s26], [sflag:$0x2] =	stream.indirect_vreg.gather [hbm4b:s7+s2], $0x80, v5, vm0, $0xb8;
	[tilespmem:$0x15400] =	vst v63  }
0x30e: {  	s21 =	simm.s32 $0xD400  }
0x30f: {  	[tilespmem:s21], [sflag:$0x2] =	stream.indirect_vreg.gather [hbm4b:s8+s2], $0x80, v5, vm0, $0xb8;
	[tilespmem:$0x15400] =	vst v63  }
0x310: {  	s19 =	simm.s32 $0xDC00  }
0x311: {  	[tilespmem:s19], [sflag:$0x2] =	stream.indirect_vreg.gather [hbm4b:s4+s2], $0x80, v4, vm0, $0xb8;
	[tilespmem:$0x15400] =	vst v63  }
0x312: {  	s23 =	simm.s32 $0xE400  }
0x313: {  	[tilespmem:s23], [sflag:$0x2] =	stream.indirect_vreg.gather [hbm4b:s5+s2], $0x80, v4, vm0, $0xb8;
	[tilespmem:$0x15400] =	vst v63  }
0x314: {  	s9 =	simm.s32 $0xEC00  }
0x315: {  	[tilespmem:s9], [sflag:$0x2] =	stream.indirect_vreg.gather [hbm4b:s6+s2], $0x80, v4, vm0, $0xb8;
	[tilespmem:$0x15400] =	vst v63  }
0x316: {  	s26 =	simm.s32 $0xF400  }
0x317: {  	[tilespmem:s26], [sflag:$0x2] =	stream.indirect_vreg.gather [hbm4b:s7+s2], $0x80, v4, vm0, $0xb8;
	[tilespmem:$0x15400] =	vst v63  }
0x318: {  	s10 =	simm.s32 $0xFC00  }
0x319: {  	[tilespmem:s10], [sflag:$0x2] =	stream.indirect_vreg.gather [hbm4b:s8+s2], $0x80, v4, vm0, $0xb8;
	[tilespmem:$0x15400] =	vst v63  }
0x31a: {  	v4 =	vld [tilespmem:$0x990];
	_ =	sdelay $0x4  }
0x31b: {  	v5 =	vshrl.u32 v4, $0x3  }
0x31c: {  	v5 =	vmul.u32 $0x50, v5  }
0x31d: {  	v4 =	vand.u32 $0x7, v4  }
0x31e: {  	v4 =	vor.u32 v4, v5  }
0x31f: {  	v5 =	vperm.xlane v4, v1;
	_ =	sdelay $0x1  }
0x320: {  	v5 =	vadd.s32 v2, v5;
	_ =	sdelay $0x3  }
0x321: {  	s20 =	simm.s32 $0x10400  }
0x322: {  	[tilespmem:s20], [sflag:$0x2] =	stream.indirect_vreg.gather [hbm4b:s4+s2], $0x80, v5, vm0, $0xb8;
	[tilespmem:$0x15400] =	vst v63  }
0x323: {  	s15 =	simm.s32 $0x10C00  }
0x324: {  	[tilespmem:s15], [sflag:$0x2] =	stream.indirect_vreg.gather [hbm4b:s5+s2], $0x80, v5, vm0, $0xb8;
	[tilespmem:$0x15400] =	vst v63  }
0x325: {  	s25 =	simm.s32 $0x11400;
	v4 =	vperm.xlane v4, v3  }
0x326: {  	[tilespmem:s25], [sflag:$0x2] =	stream.indirect_vreg.gather [hbm4b:s6+s2], $0x80, v5, vm0, $0xb8;
	[tilespmem:$0x15400] =	vst v63  }
0x327: {  	s24 =	simm.s32 $0x11C00;
	v4 =	vadd.s32 v2, v4  }
0x328: {  	[tilespmem:s24], [sflag:$0x2] =	stream.indirect_vreg.gather [hbm4b:s7+s2], $0x80, v5, vm0, $0xb8;
	[tilespmem:$0x15400] =	vst v63  }
0x329: {  	s22 =	simm.s32 $0x12400  }
0x32a: {  	[tilespmem:s22], [sflag:$0x2] =	stream.indirect_vreg.gather [hbm4b:s8+s2], $0x80, v5, vm0, $0xb8;
	[tilespmem:$0x15400] =	vst v63  }
0x32b: {  	s11 =	simm.s32 $0x12C00  }
0x32c: {  	[tilespmem:s11], [sflag:$0x2] =	stream.indirect_vreg.gather [hbm4b:s4+s2], $0x80, v4, vm0, $0xb8;
	[tilespmem:$0x15400] =	vst v63  }
0x32d: {  	s12 =	simm.s32 $0x13400  }
0x32e: {  	[tilespmem:s12], [sflag:$0x2] =	stream.indirect_vreg.gather [hbm4b:s5+s2], $0x80, v4, vm0, $0xb8;
	[tilespmem:$0x15400] =	vst v63  }
0x32f: {  	s13 =	simm.s32 $0x13C00  }
0x330: {  	[tilespmem:s13], [sflag:$0x2] =	stream.indirect_vreg.gather [hbm4b:s6+s2], $0x80, v4, vm0, $0xb8;
	[tilespmem:$0x15400] =	vst v63  }
0x331: {  	s14 =	simm.s32 $0x14400  }
0x332: {  	[tilespmem:s14], [sflag:$0x2] =	stream.indirect_vreg.gather [hbm4b:s7+s2], $0x80, v4, vm0, $0xb8;
	[tilespmem:$0x15400] =	vst v63  }
0x333: {  	s16 =	simm.s32 $0x14C00  }
0x334: {  	[tilespmem:s16], [sflag:$0x2] =	stream.indirect_vreg.gather [hbm4b:s8+s2], $0x80, v4, vm0, $0xb8;
	[tilespmem:$0x15400] =	vst v63  }
0x335: {  	_ =	swait.ge [sflag:s28], $0xA000  }
0x336: {  	[sflag:s28] =	ssyncset.done $0x0  }
0x337: {  	s25 =	rddreg [dreg:$0xd];
	[sflag:s28] =	ssyncadd.s32 $0xFFFF6000  }
0x338: {  	[hbm4b:s25+s2] =	stream.linear.scatter [tilespmem:s3], [sflag:$0x3], $0xA000, $0x38;
	[tilespmem:$0x15400] =	vst v63  }
0x339: {  	_ =	swait.ge [sflag:s29], $0xA000  }
0x33a: {  	[sflag:s29] =	ssyncset.done $0x0  }
0x33b: {  	[sflag:s29] =	ssyncadd.s32 $0xFFFF6000  }
0x33c: {  	v4 =	vld [tilespmem:$0xA00];
	_ =	sdelay $0x4  }
0x33d: {  	v5 =	vshrl.u32 v4, $0x3  }
0x33e: {  	v5 =	vmul.u32 $0x50, v5  }
0x33f: {  	v4 =	vand.u32 $0x7, v4  }
0x340: {  	v4 =	vor.u32 v4, v5  }
0x341: {  	v5 =	vperm.xlane v4, v1;
	_ =	sdelay $0x1  }
0x342: {  	v5 =	vadd.s32 v2, v5;
	_ =	sdelay $0x4  }
0x343: {  	[tilespmem:s3], [sflag:$0x1] =	stream.indirect_vreg.gather [hbm4b:s4+s2], $0x80, v5, vm0, $0xb8;
	[tilespmem:$0x15400] =	vst v63  }
0x344: {  	s16 =	simm.s32 $0x1C00  }
0x345: {  	[tilespmem:s16], [sflag:$0x1] =	stream.indirect_vreg.gather [hbm4b:s5+s2], $0x80, v5, vm0, $0xb8;
	[tilespmem:$0x15400] =	vst v63  }
0x346: {  	s25 =	simm.s32 $0x2400;
	v4 =	vperm.xlane v4, v3  }
0x347: {  	[tilespmem:s25], [sflag:$0x1] =	stream.indirect_vreg.gather [hbm4b:s6+s2], $0x80, v5, vm0, $0xb8;
	[tilespmem:$0x15400] =	vst v63  }
0x348: {  	v4 =	vadd.s32 v2, v4;
	s16 =	simm.s32 $0x2C00  }
0x349: {  	[tilespmem:s16], [sflag:$0x1] =	stream.indirect_vreg.gather [hbm4b:s7+s2], $0x80, v5, vm0, $0xb8;
	[tilespmem:$0x15400] =	vst v63  }
0x34a: {  	s25 =	simm.s32 $0x3400  }
0x34b: {  	[tilespmem:s25], [sflag:$0x1] =	stream.indirect_vreg.gather [hbm4b:s8+s2], $0x80, v5, vm0, $0xb8;
	[tilespmem:$0x15400] =	vst v63  }
0x34c: {  	s16 =	simm.s32 $0x3C00  }
0x34d: {  	[tilespmem:s16], [sflag:$0x1] =	stream.indirect_vreg.gather [hbm4b:s4+s2], $0x80, v4, vm0, $0xb8;
	[tilespmem:$0x15400] =	vst v63  }
0x34e: {  	s25 =	simm.s32 $0x4400  }
0x34f: {  	[tilespmem:s25], [sflag:$0x1] =	stream.indirect_vreg.gather [hbm4b:s5+s2], $0x80, v4, vm0, $0xb8;
	[tilespmem:$0x15400] =	vst v63  }
0x350: {  	s16 =	simm.s32 $0x4C00  }
0x351: {  	[tilespmem:s16], [sflag:$0x1] =	stream.indirect_vreg.gather [hbm4b:s6+s2], $0x80, v4, vm0, $0xb8;
	[tilespmem:$0x15400] =	vst v63  }
0x352: {  	s25 =	simm.s32 $0x5400  }
0x353: {  	[tilespmem:s25], [sflag:$0x1] =	stream.indirect_vreg.gather [hbm4b:s7+s2], $0x80, v4, vm0, $0xb8;
	[tilespmem:$0x15400] =	vst v63  }
0x354: {  	s16 =	simm.s32 $0x5C00  }
0x355: {  	[tilespmem:s16], [sflag:$0x1] =	stream.indirect_vreg.gather [hbm4b:s8+s2], $0x80, v4, vm0, $0xb8;
	[tilespmem:$0x15400] =	vst v63  }
0x356: {  	v4 =	vld [tilespmem:$0xA10];
	_ =	sdelay $0x4  }
0x357: {  	v5 =	vshrl.u32 v4, $0x3  }
0x358: {  	v5 =	vmul.u32 $0x50, v5  }
0x359: {  	v4 =	vand.u32 $0x7, v4  }
0x35a: {  	v4 =	vor.u32 v4, v5  }
0x35b: {  	v5 =	vperm.xlane v4, v1;
	_ =	sdelay $0x1  }
0x35c: {  	v5 =	vadd.s32 v2, v5;
	_ =	sdelay $0x3  }
0x35d: {  	s25 =	simm.s32 $0x6400  }
0x35e: {  	[tilespmem:s25], [sflag:$0x1] =	stream.indirect_vreg.gather [hbm4b:s4+s2], $0x80, v5, vm0, $0xb8;
	[tilespmem:$0x15400] =	vst v63  }
0x35f: {  	s16 =	simm.s32 $0x6C00  }
0x360: {  	[tilespmem:s16], [sflag:$0x1] =	stream.indirect_vreg.gather [hbm4b:s5+s2], $0x80, v5, vm0, $0xb8;
	[tilespmem:$0x15400] =	vst v63  }
0x361: {  	v4 =	vperm.xlane v4, v3;
	s25 =	simm.s32 $0x7400  }
0x362: {  	[tilespmem:s25], [sflag:$0x1] =	stream.indirect_vreg.gather [hbm4b:s6+s2], $0x80, v5, vm0, $0xb8;
	[tilespmem:$0x15400] =	vst v63  }
0x363: {  	v4 =	vadd.s32 v2, v4;
	s16 =	simm.s32 $0x7C00  }
0x364: {  	[tilespmem:s16], [sflag:$0x1] =	stream.indirect_vreg.gather [hbm4b:s7+s2], $0x80, v5, vm0, $0xb8;
	[tilespmem:$0x15400] =	vst v63  }
0x365: {  	s25 =	simm.s32 $0x8400  }
0x366: {  	[tilespmem:s25], [sflag:$0x1] =	stream.indirect_vreg.gather [hbm4b:s8+s2], $0x80, v5, vm0, $0xb8;
	[tilespmem:$0x15400] =	vst v63  }
0x367: {  	s16 =	simm.s32 $0x8C00  }
0x368: {  	[tilespmem:s16], [sflag:$0x1] =	stream.indirect_vreg.gather [hbm4b:s4+s2], $0x80, v4, vm0, $0xb8;
	[tilespmem:$0x15400] =	vst v63  }
0x369: {  	s25 =	simm.s32 $0x9400  }
0x36a: {  	[tilespmem:s25], [sflag:$0x1] =	stream.indirect_vreg.gather [hbm4b:s5+s2], $0x80, v4, vm0, $0xb8;
	[tilespmem:$0x15400] =	vst v63  }
0x36b: {  	s16 =	simm.s32 $0x9C00  }
0x36c: {  	[tilespmem:s16], [sflag:$0x1] =	stream.indirect_vreg.gather [hbm4b:s6+s2], $0x80, v4, vm0, $0xb8;
	[tilespmem:$0x15400] =	vst v63  }
0x36d: {  	s25 =	simm.s32 $0xA400  }
0x36e: {  	[tilespmem:s25], [sflag:$0x1] =	stream.indirect_vreg.gather [hbm4b:s7+s2], $0x80, v4, vm0, $0xb8;
	[tilespmem:$0x15400] =	vst v63  }
0x36f: {  	s16 =	simm.s32 $0xAC00  }
0x370: {  	[tilespmem:s16], [sflag:$0x1] =	stream.indirect_vreg.gather [hbm4b:s8+s2], $0x80, v4, vm0, $0xb8;
	[tilespmem:$0x15400] =	vst v63  }
0x371: {  	_ =	swait.ge [sflag:s30], $0xA000  }
0x372: {  	[sflag:s30] =	ssyncset.done $0x0  }
0x373: {  	s25 =	rddreg [dreg:$0xe];
	[sflag:s30] =	ssyncadd.s32 $0xFFFF6000  }
0x374: {  	[hbm4b:s25+s2] =	stream.linear.scatter [tilespmem:s1], [sflag:$0x4], $0xA000, $0x38;
	[tilespmem:$0x15400] =	vst v63  }
0x375: {  	_ =	swait.ge [sflag:s31], $0xA000  }
0x376: {  	[sflag:s31] =	ssyncset.done $0x0  }
0x377: {  	[sflag:s31] =	ssyncadd.s32 $0xFFFF6000  }
0x378: {  	v4 =	vld [tilespmem:$0xA80];
	_ =	sdelay $0x4  }
0x379: {  	v5 =	vshrl.u32 v4, $0x3  }
0x37a: {  	v5 =	vmul.u32 $0x50, v5  }
0x37b: {  	v4 =	vand.u32 $0x7, v4  }
0x37c: {  	v4 =	vor.u32 v4, v5  }
0x37d: {  	v5 =	vperm.xlane v4, v1;
	_ =	sdelay $0x1  }
0x37e: {  	v5 =	vadd.s32 v2, v5;
	_ =	sdelay $0x4  }
0x37f: {  	[tilespmem:s1], [sflag:$0x2] =	stream.indirect_vreg.gather [hbm4b:s4+s2], $0x80, v5, vm0, $0xb8;
	[tilespmem:$0x15400] =	vst v63  }
0x380: {  	s18 =	simm.s32 $0xBC00  }
0x381: {  	[tilespmem:s18], [sflag:$0x2] =	stream.indirect_vreg.gather [hbm4b:s5+s2], $0x80, v5, vm0, $0xb8;
	[tilespmem:$0x15400] =	vst v63  }
0x382: {  	s17 =	simm.s32 $0xC400;
	v4 =	vperm.xlane v4, v3  }
0x383: {  	[tilespmem:s17], [sflag:$0x2] =	stream.indirect_vreg.gather [hbm4b:s6+s2], $0x80, v5, vm0, $0xb8;
	[tilespmem:$0x15400] =	vst v63  }
0x384: {  	s16 =	simm.s32 $0xCC00;
	v4 =	vadd.s32 v2, v4  }
0x385: {  	[tilespmem:s16], [sflag:$0x2] =	stream.indirect_vreg.gather [hbm4b:s7+s2], $0x80, v5, vm0, $0xb8;
	[tilespmem:$0x15400] =	vst v63  }
0x386: {  	s21 =	simm.s32 $0xD400  }
0x387: {  	[tilespmem:s21], [sflag:$0x2] =	stream.indirect_vreg.gather [hbm4b:s8+s2], $0x80, v5, vm0, $0xb8;
	[tilespmem:$0x15400] =	vst v63  }
0x388: {  	s19 =	simm.s32 $0xDC00  }
0x389: {  	[tilespmem:s19], [sflag:$0x2] =	stream.indirect_vreg.gather [hbm4b:s4+s2], $0x80, v4, vm0, $0xb8;
	[tilespmem:$0x15400] =	vst v63  }
0x38a: {  	s23 =	simm.s32 $0xE400  }
0x38b: {  	[tilespmem:s23], [sflag:$0x2] =	stream.indirect_vreg.gather [hbm4b:s5+s2], $0x80, v4, vm0, $0xb8;
	[tilespmem:$0x15400] =	vst v63  }
0x38c: {  	s9 =	simm.s32 $0xEC00  }
0x38d: {  	[tilespmem:s9], [sflag:$0x2] =	stream.indirect_vreg.gather [hbm4b:s6+s2], $0x80, v4, vm0, $0xb8;
	[tilespmem:$0x15400] =	vst v63  }
0x38e: {  	s18 =	simm.s32 $0xF400  }
0x38f: {  	[tilespmem:s18], [sflag:$0x2] =	stream.indirect_vreg.gather [hbm4b:s7+s2], $0x80, v4, vm0, $0xb8;
	[tilespmem:$0x15400] =	vst v63  }
0x390: {  	s10 =	simm.s32 $0xFC00  }
0x391: {  	[tilespmem:s10], [sflag:$0x2] =	stream.indirect_vreg.gather [hbm4b:s8+s2], $0x80, v4, vm0, $0xb8;
	[tilespmem:$0x15400] =	vst v63  }
0x392: {  	v4 =	vld [tilespmem:$0xA90];
	_ =	sdelay $0x4  }
0x393: {  	v5 =	vshrl.u32 v4, $0x3  }
0x394: {  	v5 =	vmul.u32 $0x50, v5  }
0x395: {  	v4 =	vand.u32 $0x7, v4  }
0x396: {  	v4 =	vor.u32 v4, v5  }
0x397: {  	v5 =	vperm.xlane v4, v1;
	_ =	sdelay $0x1  }
0x398: {  	v5 =	vadd.s32 v2, v5;
	_ =	sdelay $0x3  }
0x399: {  	s18 =	simm.s32 $0x10400  }
0x39a: {  	[tilespmem:s18], [sflag:$0x2] =	stream.indirect_vreg.gather [hbm4b:s4+s2], $0x80, v5, vm0, $0xb8;
	[tilespmem:$0x15400] =	vst v63  }
0x39b: {  	s15 =	simm.s32 $0x10C00  }
0x39c: {  	[tilespmem:s15], [sflag:$0x2] =	stream.indirect_vreg.gather [hbm4b:s5+s2], $0x80, v5, vm0, $0xb8;
	[tilespmem:$0x15400] =	vst v63  }
0x39d: {  	s20 =	simm.s32 $0x11400;
	v4 =	vperm.xlane v4, v3  }
0x39e: {  	[tilespmem:s20], [sflag:$0x2] =	stream.indirect_vreg.gather [hbm4b:s6+s2], $0x80, v5, vm0, $0xb8;
	[tilespmem:$0x15400] =	vst v63  }
0x39f: {  	s24 =	simm.s32 $0x11C00;
	v4 =	vadd.s32 v2, v4  }
0x3a0: {  	[tilespmem:s24], [sflag:$0x2] =	stream.indirect_vreg.gather [hbm4b:s7+s2], $0x80, v5, vm0, $0xb8;
	[tilespmem:$0x15400] =	vst v63  }
0x3a1: {  	s26 =	simm.s32 $0x12400  }
0x3a2: {  	[tilespmem:s26], [sflag:$0x2] =	stream.indirect_vreg.gather [hbm4b:s8+s2], $0x80, v5, vm0, $0xb8;
	[tilespmem:$0x15400] =	vst v63  }
0x3a3: {  	s22 =	simm.s32 $0x12C00  }
0x3a4: {  	[tilespmem:s22], [sflag:$0x2] =	stream.indirect_vreg.gather [hbm4b:s4+s2], $0x80, v4, vm0, $0xb8;
	[tilespmem:$0x15400] =	vst v63  }
0x3a5: {  	s11 =	simm.s32 $0x13400  }
0x3a6: {  	[tilespmem:s11], [sflag:$0x2] =	stream.indirect_vreg.gather [hbm4b:s5+s2], $0x80, v4, vm0, $0xb8;
	[tilespmem:$0x15400] =	vst v63  }
0x3a7: {  	s12 =	simm.s32 $0x13C00  }
0x3a8: {  	[tilespmem:s12], [sflag:$0x2] =	stream.indirect_vreg.gather [hbm4b:s6+s2], $0x80, v4, vm0, $0xb8;
	[tilespmem:$0x15400] =	vst v63  }
0x3a9: {  	s13 =	simm.s32 $0x14400  }
0x3aa: {  	[tilespmem:s13], [sflag:$0x2] =	stream.indirect_vreg.gather [hbm4b:s7+s2], $0x80, v4, vm0, $0xb8;
	[tilespmem:$0x15400] =	vst v63  }
0x3ab: {  	s14 =	simm.s32 $0x14C00  }
0x3ac: {  	[tilespmem:s14], [sflag:$0x2] =	stream.indirect_vreg.gather [hbm4b:s8+s2], $0x80, v4, vm0, $0xb8;
	[tilespmem:$0x15400] =	vst v63  }
0x3ad: {  	_ =	swait.ge [sflag:s28], $0xA000  }
0x3ae: {  	[sflag:s28] =	ssyncset.done $0x0  }
0x3af: {  	s26 =	rddreg [dreg:$0xf];
	[sflag:s28] =	ssyncadd.s32 $0xFFFF6000  }
0x3b0: {  	[hbm4b:s26+s2] =	stream.linear.scatter [tilespmem:s3], [sflag:$0x3], $0xA000, $0x38;
	[tilespmem:$0x15400] =	vst v63  }
0x3b1: {  	_ =	swait.ge [sflag:s29], $0xA000  }
0x3b2: {  	[sflag:s29] =	ssyncset.done $0x0  }
0x3b3: {  	[sflag:s29] =	ssyncadd.s32 $0xFFFF6000  }
0x3b4: {  	v4 =	vld [tilespmem:$0xB00];
	_ =	sdelay $0x4  }
0x3b5: {  	v5 =	vshrl.u32 v4, $0x3  }
0x3b6: {  	v5 =	vmul.u32 $0x50, v5  }
0x3b7: {  	v4 =	vand.u32 $0x7, v4  }
0x3b8: {  	v4 =	vor.u32 v4, v5  }
0x3b9: {  	v5 =	vperm.xlane v4, v1;
	_ =	sdelay $0x1  }
0x3ba: {  	v5 =	vadd.s32 v2, v5;
	_ =	sdelay $0x4  }
0x3bb: {  	[tilespmem:s3], [sflag:$0x1] =	stream.indirect_vreg.gather [hbm4b:s4+s2], $0x80, v5, vm0, $0xb8;
	[tilespmem:$0x15400] =	vst v63  }
0x3bc: {  	s26 =	simm.s32 $0x1C00  }
0x3bd: {  	[tilespmem:s26], [sflag:$0x1] =	stream.indirect_vreg.gather [hbm4b:s5+s2], $0x80, v5, vm0, $0xb8;
	[tilespmem:$0x15400] =	vst v63  }
0x3be: {  	v4 =	vperm.xlane v4, v3;
	s26 =	simm.s32 $0x2400  }
0x3bf: {  	[tilespmem:s26], [sflag:$0x1] =	stream.indirect_vreg.gather [hbm4b:s6+s2], $0x80, v5, vm0, $0xb8;
	[tilespmem:$0x15400] =	vst v63  }
0x3c0: {  	v4 =	vadd.s32 v2, v4;
	s26 =	simm.s32 $0x2C00  }
0x3c1: {  	[tilespmem:s26], [sflag:$0x1] =	stream.indirect_vreg.gather [hbm4b:s7+s2], $0x80, v5, vm0, $0xb8;
	[tilespmem:$0x15400] =	vst v63  }
0x3c2: {  	s26 =	simm.s32 $0x3400  }
0x3c3: {  	[tilespmem:s26], [sflag:$0x1] =	stream.indirect_vreg.gather [hbm4b:s8+s2], $0x80, v5, vm0, $0xb8;
	[tilespmem:$0x15400] =	vst v63  }
0x3c4: {  	s26 =	simm.s32 $0x3C00  }
0x3c5: {  	[tilespmem:s26], [sflag:$0x1] =	stream.indirect_vreg.gather [hbm4b:s4+s2], $0x80, v4, vm0, $0xb8;
	[tilespmem:$0x15400] =	vst v63  }
0x3c6: {  	s26 =	simm.s32 $0x4400  }
0x3c7: {  	[tilespmem:s26], [sflag:$0x1] =	stream.indirect_vreg.gather [hbm4b:s5+s2], $0x80, v4, vm0, $0xb8;
	[tilespmem:$0x15400] =	vst v63  }
0x3c8: {  	s26 =	simm.s32 $0x4C00  }
0x3c9: {  	[tilespmem:s26], [sflag:$0x1] =	stream.indirect_vreg.gather [hbm4b:s6+s2], $0x80, v4, vm0, $0xb8;
	[tilespmem:$0x15400] =	vst v63  }
0x3ca: {  	s26 =	simm.s32 $0x5400  }
0x3cb: {  	[tilespmem:s26], [sflag:$0x1] =	stream.indirect_vreg.gather [hbm4b:s7+s2], $0x80, v4, vm0, $0xb8;
	[tilespmem:$0x15400] =	vst v63  }
0x3cc: {  	s26 =	simm.s32 $0x5C00  }
0x3cd: {  	[tilespmem:s26], [sflag:$0x1] =	stream.indirect_vreg.gather [hbm4b:s8+s2], $0x80, v4, vm0, $0xb8;
	[tilespmem:$0x15400] =	vst v63  }
0x3ce: {  	v4 =	vld [tilespmem:$0xB10];
	_ =	sdelay $0x4  }
0x3cf: {  	v5 =	vshrl.u32 v4, $0x3  }
0x3d0: {  	v5 =	vmul.u32 $0x50, v5  }
0x3d1: {  	v4 =	vand.u32 $0x7, v4  }
0x3d2: {  	v4 =	vor.u32 v4, v5  }
0x3d3: {  	v5 =	vperm.xlane v4, v1;
	_ =	sdelay $0x1  }
0x3d4: {  	v5 =	vadd.s32 v2, v5;
	_ =	sdelay $0x3  }
0x3d5: {  	s26 =	simm.s32 $0x6400  }
0x3d6: {  	[tilespmem:s26], [sflag:$0x1] =	stream.indirect_vreg.gather [hbm4b:s4+s2], $0x80, v5, vm0, $0xb8;
	[tilespmem:$0x15400] =	vst v63  }
0x3d7: {  	s26 =	simm.s32 $0x6C00  }
0x3d8: {  	[tilespmem:s26], [sflag:$0x1] =	stream.indirect_vreg.gather [hbm4b:s5+s2], $0x80, v5, vm0, $0xb8;
	[tilespmem:$0x15400] =	vst v63  }
0x3d9: {  	v4 =	vperm.xlane v4, v3;
	s26 =	simm.s32 $0x7400  }
0x3da: {  	[tilespmem:s26], [sflag:$0x1] =	stream.indirect_vreg.gather [hbm4b:s6+s2], $0x80, v5, vm0, $0xb8;
	[tilespmem:$0x15400] =	vst v63  }
0x3db: {  	v4 =	vadd.s32 v2, v4;
	s26 =	simm.s32 $0x7C00  }
0x3dc: {  	[tilespmem:s26], [sflag:$0x1] =	stream.indirect_vreg.gather [hbm4b:s7+s2], $0x80, v5, vm0, $0xb8;
	[tilespmem:$0x15400] =	vst v63  }
0x3dd: {  	s26 =	simm.s32 $0x8400  }
0x3de: {  	[tilespmem:s26], [sflag:$0x1] =	stream.indirect_vreg.gather [hbm4b:s8+s2], $0x80, v5, vm0, $0xb8;
	[tilespmem:$0x15400] =	vst v63  }
0x3df: {  	s26 =	simm.s32 $0x8C00  }
0x3e0: {  	[tilespmem:s26], [sflag:$0x1] =	stream.indirect_vreg.gather [hbm4b:s4+s2], $0x80, v4, vm0, $0xb8;
	[tilespmem:$0x15400] =	vst v63  }
0x3e1: {  	s26 =	simm.s32 $0x9400  }
0x3e2: {  	[tilespmem:s26], [sflag:$0x1] =	stream.indirect_vreg.gather [hbm4b:s5+s2], $0x80, v4, vm0, $0xb8;
	[tilespmem:$0x15400] =	vst v63  }
0x3e3: {  	s26 =	simm.s32 $0x9C00  }
0x3e4: {  	[tilespmem:s26], [sflag:$0x1] =	stream.indirect_vreg.gather [hbm4b:s6+s2], $0x80, v4, vm0, $0xb8;
	[tilespmem:$0x15400] =	vst v63  }
0x3e5: {  	s26 =	simm.s32 $0xA400  }
0x3e6: {  	[tilespmem:s26], [sflag:$0x1] =	stream.indirect_vreg.gather [hbm4b:s7+s2], $0x80, v4, vm0, $0xb8;
	[tilespmem:$0x15400] =	vst v63  }
0x3e7: {  	s26 =	simm.s32 $0xAC00  }
0x3e8: {  	[tilespmem:s26], [sflag:$0x1] =	stream.indirect_vreg.gather [hbm4b:s8+s2], $0x80, v4, vm0, $0xb8;
	[tilespmem:$0x15400] =	vst v63  }
0x3e9: {  	_ =	swait.ge [sflag:s30], $0xA000  }
0x3ea: {  	[sflag:s30] =	ssyncset.done $0x0  }
0x3eb: {  	s26 =	rddreg [dreg:$0x10];
	[sflag:s30] =	ssyncadd.s32 $0xFFFF6000  }
0x3ec: {  	[hbm4b:s26+s2] =	stream.linear.scatter [tilespmem:s1], [sflag:$0x4], $0xA000, $0x38;
	[tilespmem:$0x15400] =	vst v63  }
0x3ed: {  	_ =	swait.ge [sflag:s31], $0xA000  }
0x3ee: {  	[sflag:s31] =	ssyncset.done $0x0  }
0x3ef: {  	[sflag:s31] =	ssyncadd.s32 $0xFFFF6000  }
0x3f0: {  	v4 =	vld [tilespmem:$0xB80];
	_ =	sdelay $0x4  }
0x3f1: {  	v5 =	vshrl.u32 v4, $0x3  }
0x3f2: {  	v5 =	vmul.u32 $0x50, v5  }
0x3f3: {  	v4 =	vand.u32 $0x7, v4  }
0x3f4: {  	v4 =	vor.u32 v4, v5  }
0x3f5: {  	v5 =	vperm.xlane v4, v1;
	_ =	sdelay $0x1  }
0x3f6: {  	v5 =	vadd.s32 v2, v5;
	_ =	sdelay $0x4  }
0x3f7: {  	[tilespmem:s1], [sflag:$0x2] =	stream.indirect_vreg.gather [hbm4b:s4+s2], $0x80, v5, vm0, $0xb8;
	[tilespmem:$0x15400] =	vst v63  }
0x3f8: {  	s25 =	simm.s32 $0xBC00  }
0x3f9: {  	[tilespmem:s25], [sflag:$0x2] =	stream.indirect_vreg.gather [hbm4b:s5+s2], $0x80, v5, vm0, $0xb8;
	[tilespmem:$0x15400] =	vst v63  }
0x3fa: {  	s17 =	simm.s32 $0xC400;
	v4 =	vperm.xlane v4, v3  }
0x3fb: {  	[tilespmem:s17], [sflag:$0x2] =	stream.indirect_vreg.gather [hbm4b:s6+s2], $0x80, v5, vm0, $0xb8;
	[tilespmem:$0x15400] =	vst v63  }
0x3fc: {  	s16 =	simm.s32 $0xCC00;
	v4 =	vadd.s32 v2, v4  }
0x3fd: {  	[tilespmem:s16], [sflag:$0x2] =	stream.indirect_vreg.gather [hbm4b:s7+s2], $0x80, v5, vm0, $0xb8;
	[tilespmem:$0x15400] =	vst v63  }
0x3fe: {  	s21 =	simm.s32 $0xD400  }
0x3ff: {  	[tilespmem:s21], [sflag:$0x2] =	stream.indirect_vreg.gather [hbm4b:s8+s2], $0x80, v5, vm0, $0xb8;
	[tilespmem:$0x15400] =	vst v63  }
0x400: {  	s19 =	simm.s32 $0xDC00  }
0x401: {  	[tilespmem:s19], [sflag:$0x2] =	stream.indirect_vreg.gather [hbm4b:s4+s2], $0x80, v4, vm0, $0xb8;
	[tilespmem:$0x15400] =	vst v63  }
0x402: {  	s23 =	simm.s32 $0xE400  }
0x403: {  	[tilespmem:s23], [sflag:$0x2] =	stream.indirect_vreg.gather [hbm4b:s5+s2], $0x80, v4, vm0, $0xb8;
	[tilespmem:$0x15400] =	vst v63  }
0x404: {  	s9 =	simm.s32 $0xEC00  }
0x405: {  	[tilespmem:s9], [sflag:$0x2] =	stream.indirect_vreg.gather [hbm4b:s6+s2], $0x80, v4, vm0, $0xb8;
	[tilespmem:$0x15400] =	vst v63  }
0x406: {  	s21 =	simm.s32 $0xF400  }
0x407: {  	[tilespmem:s21], [sflag:$0x2] =	stream.indirect_vreg.gather [hbm4b:s7+s2], $0x80, v4, vm0, $0xb8;
	[tilespmem:$0x15400] =	vst v63  }
0x408: {  	s10 =	simm.s32 $0xFC00  }
0x409: {  	[tilespmem:s10], [sflag:$0x2] =	stream.indirect_vreg.gather [hbm4b:s8+s2], $0x80, v4, vm0, $0xb8;
	[tilespmem:$0x15400] =	vst v63  }
0x40a: {  	v4 =	vld [tilespmem:$0xB90];
	_ =	sdelay $0x4  }
0x40b: {  	v5 =	vshrl.u32 v4, $0x3  }
0x40c: {  	v5 =	vmul.u32 $0x50, v5  }
0x40d: {  	v4 =	vand.u32 $0x7, v4  }
0x40e: {  	v4 =	vor.u32 v4, v5  }
0x40f: {  	v5 =	vperm.xlane v4, v1;
	_ =	sdelay $0x1  }
0x410: {  	v5 =	vadd.s32 v2, v5;
	_ =	sdelay $0x3  }
0x411: {  	s21 =	simm.s32 $0x10400  }
0x412: {  	[tilespmem:s21], [sflag:$0x2] =	stream.indirect_vreg.gather [hbm4b:s4+s2], $0x80, v5, vm0, $0xb8;
	[tilespmem:$0x15400] =	vst v63  }
0x413: {  	s15 =	simm.s32 $0x10C00  }
0x414: {  	[tilespmem:s15], [sflag:$0x2] =	stream.indirect_vreg.gather [hbm4b:s5+s2], $0x80, v5, vm0, $0xb8;
	[tilespmem:$0x15400] =	vst v63  }
0x415: {  	s18 =	simm.s32 $0x11400;
	v4 =	vperm.xlane v4, v3  }
0x416: {  	[tilespmem:s18], [sflag:$0x2] =	stream.indirect_vreg.gather [hbm4b:s6+s2], $0x80, v5, vm0, $0xb8;
	[tilespmem:$0x15400] =	vst v63  }
0x417: {  	s20 =	simm.s32 $0x11C00;
	v4 =	vadd.s32 v2, v4  }
0x418: {  	[tilespmem:s20], [sflag:$0x2] =	stream.indirect_vreg.gather [hbm4b:s7+s2], $0x80, v5, vm0, $0xb8;
	[tilespmem:$0x15400] =	vst v63  }
0x419: {  	s24 =	simm.s32 $0x12400  }
0x41a: {  	[tilespmem:s24], [sflag:$0x2] =	stream.indirect_vreg.gather [hbm4b:s8+s2], $0x80, v5, vm0, $0xb8;
	[tilespmem:$0x15400] =	vst v63  }
0x41b: {  	s22 =	simm.s32 $0x12C00  }
0x41c: {  	[tilespmem:s22], [sflag:$0x2] =	stream.indirect_vreg.gather [hbm4b:s4+s2], $0x80, v4, vm0, $0xb8;
	[tilespmem:$0x15400] =	vst v63  }
0x41d: {  	s11 =	simm.s32 $0x13400  }
0x41e: {  	[tilespmem:s11], [sflag:$0x2] =	stream.indirect_vreg.gather [hbm4b:s5+s2], $0x80, v4, vm0, $0xb8;
	[tilespmem:$0x15400] =	vst v63  }
0x41f: {  	s12 =	simm.s32 $0x13C00  }
0x420: {  	[tilespmem:s12], [sflag:$0x2] =	stream.indirect_vreg.gather [hbm4b:s6+s2], $0x80, v4, vm0, $0xb8;
	[tilespmem:$0x15400] =	vst v63  }
0x421: {  	s13 =	simm.s32 $0x14400  }
0x422: {  	[tilespmem:s13], [sflag:$0x2] =	stream.indirect_vreg.gather [hbm4b:s7+s2], $0x80, v4, vm0, $0xb8;
	[tilespmem:$0x15400] =	vst v63  }
0x423: {  	s14 =	simm.s32 $0x14C00  }
0x424: {  	[tilespmem:s14], [sflag:$0x2] =	stream.indirect_vreg.gather [hbm4b:s8+s2], $0x80, v4, vm0, $0xb8;
	[tilespmem:$0x15400] =	vst v63  }
0x425: {  	_ =	swait.ge [sflag:s28], $0xA000  }
0x426: {  	[sflag:s28] =	ssyncset.done $0x0  }
0x427: {  	s14 =	rddreg [dreg:$0x11];
	[sflag:s28] =	ssyncadd.s32 $0xFFFF6000  }
0x428: {  	[hbm4b:s14+s2] =	stream.linear.scatter [tilespmem:s3], [sflag:$0x3], $0xA000, $0x38;
	[tilespmem:$0x15400] =	vst v63  }
0x429: {  	_ =	swait.ge [sflag:s29], $0xA000  }
0x42a: {  	[sflag:s29] =	ssyncset.done $0x0  }
0x42b: {  	[sflag:s29] =	ssyncadd.s32 $0xFFFF6000  }
0x42c: {  	v4 =	vld [tilespmem:$0xC00];
	_ =	sdelay $0x4  }
0x42d: {  	v5 =	vshrl.u32 v4, $0x3  }
0x42e: {  	v5 =	vmul.u32 $0x50, v5  }
0x42f: {  	v4 =	vand.u32 $0x7, v4  }
0x430: {  	v4 =	vor.u32 v4, v5  }
0x431: {  	v5 =	vperm.xlane v4, v1;
	_ =	sdelay $0x1  }
0x432: {  	v5 =	vadd.s32 v2, v5;
	_ =	sdelay $0x4  }
0x433: {  	[tilespmem:s3], [sflag:$0x1] =	stream.indirect_vreg.gather [hbm4b:s4+s2], $0x80, v5, vm0, $0xb8;
	[tilespmem:$0x15400] =	vst v63  }
0x434: {  	s14 =	simm.s32 $0x1C00  }
0x435: {  	[tilespmem:s14], [sflag:$0x1] =	stream.indirect_vreg.gather [hbm4b:s5+s2], $0x80, v5, vm0, $0xb8;
	[tilespmem:$0x15400] =	vst v63  }
0x436: {  	v4 =	vperm.xlane v4, v3;
	s14 =	simm.s32 $0x2400  }
0x437: {  	[tilespmem:s14], [sflag:$0x1] =	stream.indirect_vreg.gather [hbm4b:s6+s2], $0x80, v5, vm0, $0xb8;
	[tilespmem:$0x15400] =	vst v63  }
0x438: {  	v4 =	vadd.s32 v2, v4;
	s14 =	simm.s32 $0x2C00  }
0x439: {  	[tilespmem:s14], [sflag:$0x1] =	stream.indirect_vreg.gather [hbm4b:s7+s2], $0x80, v5, vm0, $0xb8;
	[tilespmem:$0x15400] =	vst v63  }
0x43a: {  	s14 =	simm.s32 $0x3400  }
0x43b: {  	[tilespmem:s14], [sflag:$0x1] =	stream.indirect_vreg.gather [hbm4b:s8+s2], $0x80, v5, vm0, $0xb8;
	[tilespmem:$0x15400] =	vst v63  }
0x43c: {  	s14 =	simm.s32 $0x3C00  }
0x43d: {  	[tilespmem:s14], [sflag:$0x1] =	stream.indirect_vreg.gather [hbm4b:s4+s2], $0x80, v4, vm0, $0xb8;
	[tilespmem:$0x15400] =	vst v63  }
0x43e: {  	s14 =	simm.s32 $0x4400  }
0x43f: {  	[tilespmem:s14], [sflag:$0x1] =	stream.indirect_vreg.gather [hbm4b:s5+s2], $0x80, v4, vm0, $0xb8;
	[tilespmem:$0x15400] =	vst v63  }
0x440: {  	s14 =	simm.s32 $0x4C00  }
0x441: {  	[tilespmem:s14], [sflag:$0x1] =	stream.indirect_vreg.gather [hbm4b:s6+s2], $0x80, v4, vm0, $0xb8;
	[tilespmem:$0x15400] =	vst v63  }
0x442: {  	s14 =	simm.s32 $0x5400  }
0x443: {  	[tilespmem:s14], [sflag:$0x1] =	stream.indirect_vreg.gather [hbm4b:s7+s2], $0x80, v4, vm0, $0xb8;
	[tilespmem:$0x15400] =	vst v63  }
0x444: {  	s14 =	simm.s32 $0x5C00  }
0x445: {  	[tilespmem:s14], [sflag:$0x1] =	stream.indirect_vreg.gather [hbm4b:s8+s2], $0x80, v4, vm0, $0xb8;
	[tilespmem:$0x15400] =	vst v63  }
0x446: {  	v4 =	vld [tilespmem:$0xC10];
	_ =	sdelay $0x4  }
0x447: {  	v5 =	vshrl.u32 v4, $0x3  }
0x448: {  	v5 =	vmul.u32 $0x50, v5  }
0x449: {  	v4 =	vand.u32 $0x7, v4  }
0x44a: {  	v4 =	vor.u32 v4, v5  }
0x44b: {  	v5 =	vperm.xlane v4, v1;
	_ =	sdelay $0x1  }
0x44c: {  	v5 =	vadd.s32 v2, v5;
	_ =	sdelay $0x3  }
0x44d: {  	s14 =	simm.s32 $0x6400  }
0x44e: {  	[tilespmem:s14], [sflag:$0x1] =	stream.indirect_vreg.gather [hbm4b:s4+s2], $0x80, v5, vm0, $0xb8;
	[tilespmem:$0x15400] =	vst v63  }
0x44f: {  	s14 =	simm.s32 $0x6C00  }
0x450: {  	[tilespmem:s14], [sflag:$0x1] =	stream.indirect_vreg.gather [hbm4b:s5+s2], $0x80, v5, vm0, $0xb8;
	[tilespmem:$0x15400] =	vst v63  }
0x451: {  	v4 =	vperm.xlane v4, v3;
	s14 =	simm.s32 $0x7400  }
0x452: {  	[tilespmem:s14], [sflag:$0x1] =	stream.indirect_vreg.gather [hbm4b:s6+s2], $0x80, v5, vm0, $0xb8;
	[tilespmem:$0x15400] =	vst v63  }
0x453: {  	v4 =	vadd.s32 v2, v4;
	s14 =	simm.s32 $0x7C00  }
0x454: {  	[tilespmem:s14], [sflag:$0x1] =	stream.indirect_vreg.gather [hbm4b:s7+s2], $0x80, v5, vm0, $0xb8;
	[tilespmem:$0x15400] =	vst v63  }
0x455: {  	s14 =	simm.s32 $0x8400  }
0x456: {  	[tilespmem:s14], [sflag:$0x1] =	stream.indirect_vreg.gather [hbm4b:s8+s2], $0x80, v5, vm0, $0xb8;
	[tilespmem:$0x15400] =	vst v63  }
0x457: {  	s14 =	simm.s32 $0x8C00  }
0x458: {  	[tilespmem:s14], [sflag:$0x1] =	stream.indirect_vreg.gather [hbm4b:s4+s2], $0x80, v4, vm0, $0xb8;
	[tilespmem:$0x15400] =	vst v63  }
0x459: {  	s14 =	simm.s32 $0x9400  }
0x45a: {  	[tilespmem:s14], [sflag:$0x1] =	stream.indirect_vreg.gather [hbm4b:s5+s2], $0x80, v4, vm0, $0xb8;
	[tilespmem:$0x15400] =	vst v63  }
0x45b: {  	s14 =	simm.s32 $0x9C00  }
0x45c: {  	[tilespmem:s14], [sflag:$0x1] =	stream.indirect_vreg.gather [hbm4b:s6+s2], $0x80, v4, vm0, $0xb8;
	[tilespmem:$0x15400] =	vst v63  }
0x45d: {  	s14 =	simm.s32 $0xA400  }
0x45e: {  	[tilespmem:s14], [sflag:$0x1] =	stream.indirect_vreg.gather [hbm4b:s7+s2], $0x80, v4, vm0, $0xb8;
	[tilespmem:$0x15400] =	vst v63  }
0x45f: {  	s14 =	simm.s32 $0xAC00  }
0x460: {  	[tilespmem:s14], [sflag:$0x1] =	stream.indirect_vreg.gather [hbm4b:s8+s2], $0x80, v4, vm0, $0xb8;
	[tilespmem:$0x15400] =	vst v63  }
0x461: {  	_ =	swait.ge [sflag:s30], $0xA000  }
0x462: {  	[sflag:s30] =	ssyncset.done $0x0  }
0x463: {  	s14 =	rddreg [dreg:$0x12];
	[sflag:s30] =	ssyncadd.s32 $0xFFFF6000  }
0x464: {  	[hbm4b:s14+s2] =	stream.linear.scatter [tilespmem:s1], [sflag:$0x4], $0xA000, $0x38;
	[tilespmem:$0x15400] =	vst v63  }
0x465: {  	_ =	swait.ge [sflag:s31], $0xA000  }
0x466: {  	[sflag:s31] =	ssyncset.done $0x0  }
0x467: {  	[sflag:s31] =	ssyncadd.s32 $0xFFFF6000  }
0x468: {  	v4 =	vld [tilespmem:$0xC80];
	_ =	sdelay $0x4  }
0x469: {  	v5 =	vshrl.u32 v4, $0x3  }
0x46a: {  	v5 =	vmul.u32 $0x50, v5  }
0x46b: {  	v4 =	vand.u32 $0x7, v4  }
0x46c: {  	v4 =	vor.u32 v4, v5  }
0x46d: {  	v5 =	vperm.xlane v4, v1;
	_ =	sdelay $0x1  }
0x46e: {  	v5 =	vadd.s32 v2, v5;
	_ =	sdelay $0x4  }
0x46f: {  	[tilespmem:s1], [sflag:$0x2] =	stream.indirect_vreg.gather [hbm4b:s4+s2], $0x80, v5, vm0, $0xb8;
	[tilespmem:$0x15400] =	vst v63  }
0x470: {  	s25 =	simm.s32 $0xBC00  }
0x471: {  	[tilespmem:s25], [sflag:$0x2] =	stream.indirect_vreg.gather [hbm4b:s5+s2], $0x80, v5, vm0, $0xb8;
	[tilespmem:$0x15400] =	vst v63  }
0x472: {  	s17 =	simm.s32 $0xC400;
	v4 =	vperm.xlane v4, v3  }
0x473: {  	[tilespmem:s17], [sflag:$0x2] =	stream.indirect_vreg.gather [hbm4b:s6+s2], $0x80, v5, vm0, $0xb8;
	[tilespmem:$0x15400] =	vst v63  }
0x474: {  	s16 =	simm.s32 $0xCC00;
	v4 =	vadd.s32 v2, v4  }
0x475: {  	[tilespmem:s16], [sflag:$0x2] =	stream.indirect_vreg.gather [hbm4b:s7+s2], $0x80, v5, vm0, $0xb8;
	[tilespmem:$0x15400] =	vst v63  }
0x476: {  	s26 =	simm.s32 $0xD400  }
0x477: {  	[tilespmem:s26], [sflag:$0x2] =	stream.indirect_vreg.gather [hbm4b:s8+s2], $0x80, v5, vm0, $0xb8;
	[tilespmem:$0x15400] =	vst v63  }
0x478: {  	s19 =	simm.s32 $0xDC00  }
0x479: {  	[tilespmem:s19], [sflag:$0x2] =	stream.indirect_vreg.gather [hbm4b:s4+s2], $0x80, v4, vm0, $0xb8;
	[tilespmem:$0x15400] =	vst v63  }
0x47a: {  	s23 =	simm.s32 $0xE400  }
0x47b: {  	[tilespmem:s23], [sflag:$0x2] =	stream.indirect_vreg.gather [hbm4b:s5+s2], $0x80, v4, vm0, $0xb8;
	[tilespmem:$0x15400] =	vst v63  }
0x47c: {  	s9 =	simm.s32 $0xEC00  }
0x47d: {  	[tilespmem:s9], [sflag:$0x2] =	stream.indirect_vreg.gather [hbm4b:s6+s2], $0x80, v4, vm0, $0xb8;
	[tilespmem:$0x15400] =	vst v63  }
0x47e: {  	s17 =	simm.s32 $0xF400  }
0x47f: {  	[tilespmem:s17], [sflag:$0x2] =	stream.indirect_vreg.gather [hbm4b:s7+s2], $0x80, v4, vm0, $0xb8;
	[tilespmem:$0x15400] =	vst v63  }
0x480: {  	s10 =	simm.s32 $0xFC00  }
0x481: {  	[tilespmem:s10], [sflag:$0x2] =	stream.indirect_vreg.gather [hbm4b:s8+s2], $0x80, v4, vm0, $0xb8;
	[tilespmem:$0x15400] =	vst v63  }
0x482: {  	v4 =	vld [tilespmem:$0xC90];
	_ =	sdelay $0x4  }
0x483: {  	v5 =	vshrl.u32 v4, $0x3  }
0x484: {  	v5 =	vmul.u32 $0x50, v5  }
0x485: {  	v4 =	vand.u32 $0x7, v4  }
0x486: {  	v4 =	vor.u32 v4, v5  }
0x487: {  	v5 =	vperm.xlane v4, v1;
	_ =	sdelay $0x1  }
0x488: {  	v5 =	vadd.s32 v2, v5;
	_ =	sdelay $0x3  }
0x489: {  	s17 =	simm.s32 $0x10400  }
0x48a: {  	[tilespmem:s17], [sflag:$0x2] =	stream.indirect_vreg.gather [hbm4b:s4+s2], $0x80, v5, vm0, $0xb8;
	[tilespmem:$0x15400] =	vst v63  }
0x48b: {  	s15 =	simm.s32 $0x10C00  }
0x48c: {  	[tilespmem:s15], [sflag:$0x2] =	stream.indirect_vreg.gather [hbm4b:s5+s2], $0x80, v5, vm0, $0xb8;
	[tilespmem:$0x15400] =	vst v63  }
0x48d: {  	s18 =	simm.s32 $0x11400;
	v4 =	vperm.xlane v4, v3  }
0x48e: {  	[tilespmem:s18], [sflag:$0x2] =	stream.indirect_vreg.gather [hbm4b:s6+s2], $0x80, v5, vm0, $0xb8;
	[tilespmem:$0x15400] =	vst v63  }
0x48f: {  	s20 =	simm.s32 $0x11C00;
	v4 =	vadd.s32 v2, v4  }
0x490: {  	[tilespmem:s20], [sflag:$0x2] =	stream.indirect_vreg.gather [hbm4b:s7+s2], $0x80, v5, vm0, $0xb8;
	[tilespmem:$0x15400] =	vst v63  }
0x491: {  	s24 =	simm.s32 $0x12400  }
0x492: {  	[tilespmem:s24], [sflag:$0x2] =	stream.indirect_vreg.gather [hbm4b:s8+s2], $0x80, v5, vm0, $0xb8;
	[tilespmem:$0x15400] =	vst v63  }
0x493: {  	s21 =	simm.s32 $0x12C00  }
0x494: {  	[tilespmem:s21], [sflag:$0x2] =	stream.indirect_vreg.gather [hbm4b:s4+s2], $0x80, v4, vm0, $0xb8;
	[tilespmem:$0x15400] =	vst v63  }
0x495: {  	s22 =	simm.s32 $0x13400  }
0x496: {  	[tilespmem:s22], [sflag:$0x2] =	stream.indirect_vreg.gather [hbm4b:s5+s2], $0x80, v4, vm0, $0xb8;
	[tilespmem:$0x15400] =	vst v63  }
0x497: {  	s11 =	simm.s32 $0x13C00  }
0x498: {  	[tilespmem:s11], [sflag:$0x2] =	stream.indirect_vreg.gather [hbm4b:s6+s2], $0x80, v4, vm0, $0xb8;
	[tilespmem:$0x15400] =	vst v63  }
0x499: {  	s12 =	simm.s32 $0x14400  }
0x49a: {  	[tilespmem:s12], [sflag:$0x2] =	stream.indirect_vreg.gather [hbm4b:s7+s2], $0x80, v4, vm0, $0xb8;
	[tilespmem:$0x15400] =	vst v63  }
0x49b: {  	s13 =	simm.s32 $0x14C00  }
0x49c: {  	[tilespmem:s13], [sflag:$0x2] =	stream.indirect_vreg.gather [hbm4b:s8+s2], $0x80, v4, vm0, $0xb8;
	[tilespmem:$0x15400] =	vst v63  }
0x49d: {  	_ =	swait.ge [sflag:s28], $0xA000  }
0x49e: {  	[sflag:s28] =	ssyncset.done $0x0  }
0x49f: {  	s22 =	rddreg [dreg:$0x13];
	[sflag:s28] =	ssyncadd.s32 $0xFFFF6000  }
0x4a0: {  	[hbm4b:s22+s2] =	stream.linear.scatter [tilespmem:s3], [sflag:$0x3], $0xA000, $0x38;
	[tilespmem:$0x15400] =	vst v63  }
0x4a1: {  	_ =	swait.ge [sflag:s29], $0xA000  }
0x4a2: {  	[sflag:s29] =	ssyncset.done $0x0  }
0x4a3: {  	[sflag:s29] =	ssyncadd.s32 $0xFFFF6000  }
0x4a4: {  	v4 =	vld [tilespmem:$0xD00];
	_ =	sdelay $0x4  }
0x4a5: {  	v5 =	vshrl.u32 v4, $0x3  }
0x4a6: {  	v5 =	vmul.u32 $0x50, v5  }
0x4a7: {  	v4 =	vand.u32 $0x7, v4  }
0x4a8: {  	v4 =	vor.u32 v4, v5  }
0x4a9: {  	v5 =	vperm.xlane v4, v1;
	_ =	sdelay $0x1  }
0x4aa: {  	v5 =	vadd.s32 v2, v5;
	_ =	sdelay $0x4  }
0x4ab: {  	[tilespmem:s3], [sflag:$0x1] =	stream.indirect_vreg.gather [hbm4b:s4+s2], $0x80, v5, vm0, $0xb8;
	[tilespmem:$0x15400] =	vst v63  }
0x4ac: {  	s22 =	simm.s32 $0x1C00  }
0x4ad: {  	[tilespmem:s22], [sflag:$0x1] =	stream.indirect_vreg.gather [hbm4b:s5+s2], $0x80, v5, vm0, $0xb8;
	[tilespmem:$0x15400] =	vst v63  }
0x4ae: {  	v4 =	vperm.xlane v4, v3;
	s22 =	simm.s32 $0x2400  }
0x4af: {  	[tilespmem:s22], [sflag:$0x1] =	stream.indirect_vreg.gather [hbm4b:s6+s2], $0x80, v5, vm0, $0xb8;
	[tilespmem:$0x15400] =	vst v63  }
0x4b0: {  	v4 =	vadd.s32 v2, v4;
	s22 =	simm.s32 $0x2C00  }
0x4b1: {  	[tilespmem:s22], [sflag:$0x1] =	stream.indirect_vreg.gather [hbm4b:s7+s2], $0x80, v5, vm0, $0xb8;
	[tilespmem:$0x15400] =	vst v63  }
0x4b2: {  	s22 =	simm.s32 $0x3400  }
0x4b3: {  	[tilespmem:s22], [sflag:$0x1] =	stream.indirect_vreg.gather [hbm4b:s8+s2], $0x80, v5, vm0, $0xb8;
	[tilespmem:$0x15400] =	vst v63  }
0x4b4: {  	s22 =	simm.s32 $0x3C00  }
0x4b5: {  	[tilespmem:s22], [sflag:$0x1] =	stream.indirect_vreg.gather [hbm4b:s4+s2], $0x80, v4, vm0, $0xb8;
	[tilespmem:$0x15400] =	vst v63  }
0x4b6: {  	s22 =	simm.s32 $0x4400  }
0x4b7: {  	[tilespmem:s22], [sflag:$0x1] =	stream.indirect_vreg.gather [hbm4b:s5+s2], $0x80, v4, vm0, $0xb8;
	[tilespmem:$0x15400] =	vst v63  }
0x4b8: {  	s22 =	simm.s32 $0x4C00  }
0x4b9: {  	[tilespmem:s22], [sflag:$0x1] =	stream.indirect_vreg.gather [hbm4b:s6+s2], $0x80, v4, vm0, $0xb8;
	[tilespmem:$0x15400] =	vst v63  }
0x4ba: {  	s22 =	simm.s32 $0x5400  }
0x4bb: {  	[tilespmem:s22], [sflag:$0x1] =	stream.indirect_vreg.gather [hbm4b:s7+s2], $0x80, v4, vm0, $0xb8;
	[tilespmem:$0x15400] =	vst v63  }
0x4bc: {  	s22 =	simm.s32 $0x5C00  }
0x4bd: {  	[tilespmem:s22], [sflag:$0x1] =	stream.indirect_vreg.gather [hbm4b:s8+s2], $0x80, v4, vm0, $0xb8;
	[tilespmem:$0x15400] =	vst v63  }
0x4be: {  	v4 =	vld [tilespmem:$0xD10];
	_ =	sdelay $0x4  }
0x4bf: {  	v5 =	vshrl.u32 v4, $0x3  }
0x4c0: {  	v5 =	vmul.u32 $0x50, v5  }
0x4c1: {  	v4 =	vand.u32 $0x7, v4  }
0x4c2: {  	v4 =	vor.u32 v4, v5  }
0x4c3: {  	v5 =	vperm.xlane v4, v1;
	_ =	sdelay $0x1  }
0x4c4: {  	v5 =	vadd.s32 v2, v5;
	_ =	sdelay $0x3  }
0x4c5: {  	s22 =	simm.s32 $0x6400  }
0x4c6: {  	[tilespmem:s22], [sflag:$0x1] =	stream.indirect_vreg.gather [hbm4b:s4+s2], $0x80, v5, vm0, $0xb8;
	[tilespmem:$0x15400] =	vst v63  }
0x4c7: {  	s22 =	simm.s32 $0x6C00  }
0x4c8: {  	[tilespmem:s22], [sflag:$0x1] =	stream.indirect_vreg.gather [hbm4b:s5+s2], $0x80, v5, vm0, $0xb8;
	[tilespmem:$0x15400] =	vst v63  }
0x4c9: {  	v4 =	vperm.xlane v4, v3;
	s22 =	simm.s32 $0x7400  }
0x4ca: {  	[tilespmem:s22], [sflag:$0x1] =	stream.indirect_vreg.gather [hbm4b:s6+s2], $0x80, v5, vm0, $0xb8;
	[tilespmem:$0x15400] =	vst v63  }
0x4cb: {  	v4 =	vadd.s32 v2, v4;
	s22 =	simm.s32 $0x7C00  }
0x4cc: {  	[tilespmem:s22], [sflag:$0x1] =	stream.indirect_vreg.gather [hbm4b:s7+s2], $0x80, v5, vm0, $0xb8;
	[tilespmem:$0x15400] =	vst v63  }
0x4cd: {  	s22 =	simm.s32 $0x8400  }
0x4ce: {  	[tilespmem:s22], [sflag:$0x1] =	stream.indirect_vreg.gather [hbm4b:s8+s2], $0x80, v5, vm0, $0xb8;
	[tilespmem:$0x15400] =	vst v63  }
0x4cf: {  	s22 =	simm.s32 $0x8C00  }
0x4d0: {  	[tilespmem:s22], [sflag:$0x1] =	stream.indirect_vreg.gather [hbm4b:s4+s2], $0x80, v4, vm0, $0xb8;
	[tilespmem:$0x15400] =	vst v63  }
0x4d1: {  	s22 =	simm.s32 $0x9400  }
0x4d2: {  	[tilespmem:s22], [sflag:$0x1] =	stream.indirect_vreg.gather [hbm4b:s5+s2], $0x80, v4, vm0, $0xb8;
	[tilespmem:$0x15400] =	vst v63  }
0x4d3: {  	s22 =	simm.s32 $0x9C00  }
0x4d4: {  	[tilespmem:s22], [sflag:$0x1] =	stream.indirect_vreg.gather [hbm4b:s6+s2], $0x80, v4, vm0, $0xb8;
	[tilespmem:$0x15400] =	vst v63  }
0x4d5: {  	s22 =	simm.s32 $0xA400  }
0x4d6: {  	[tilespmem:s22], [sflag:$0x1] =	stream.indirect_vreg.gather [hbm4b:s7+s2], $0x80, v4, vm0, $0xb8;
	[tilespmem:$0x15400] =	vst v63  }
0x4d7: {  	s22 =	simm.s32 $0xAC00  }
0x4d8: {  	[tilespmem:s22], [sflag:$0x1] =	stream.indirect_vreg.gather [hbm4b:s8+s2], $0x80, v4, vm0, $0xb8;
	[tilespmem:$0x15400] =	vst v63  }
0x4d9: {  	_ =	swait.ge [sflag:s30], $0xA000  }
0x4da: {  	[sflag:s30] =	ssyncset.done $0x0  }
0x4db: {  	s22 =	rddreg [dreg:$0x14];
	[sflag:s30] =	ssyncadd.s32 $0xFFFF6000  }
0x4dc: {  	[hbm4b:s22+s2] =	stream.linear.scatter [tilespmem:s1], [sflag:$0x4], $0xA000, $0x38;
	[tilespmem:$0x15400] =	vst v63  }
0x4dd: {  	_ =	swait.ge [sflag:s31], $0xA000  }
0x4de: {  	[sflag:s31] =	ssyncset.done $0x0  }
0x4df: {  	[sflag:s31] =	ssyncadd.s32 $0xFFFF6000  }
0x4e0: {  	v4 =	vld [tilespmem:$0xD80];
	_ =	sdelay $0x4  }
0x4e1: {  	v5 =	vshrl.u32 v4, $0x3  }
0x4e2: {  	v5 =	vmul.u32 $0x50, v5  }
0x4e3: {  	v4 =	vand.u32 $0x7, v4  }
0x4e4: {  	v4 =	vor.u32 v4, v5  }
0x4e5: {  	v5 =	vperm.xlane v4, v1;
	_ =	sdelay $0x1  }
0x4e6: {  	v5 =	vadd.s32 v2, v5;
	_ =	sdelay $0x4  }
0x4e7: {  	[tilespmem:s1], [sflag:$0x2] =	stream.indirect_vreg.gather [hbm4b:s4+s2], $0x80, v5, vm0, $0xb8;
	[tilespmem:$0x15400] =	vst v63  }
0x4e8: {  	s14 =	simm.s32 $0xBC00  }
0x4e9: {  	[tilespmem:s14], [sflag:$0x2] =	stream.indirect_vreg.gather [hbm4b:s5+s2], $0x80, v5, vm0, $0xb8;
	[tilespmem:$0x15400] =	vst v63  }
0x4ea: {  	s25 =	simm.s32 $0xC400;
	v4 =	vperm.xlane v4, v3  }
0x4eb: {  	[tilespmem:s25], [sflag:$0x2] =	stream.indirect_vreg.gather [hbm4b:s6+s2], $0x80, v5, vm0, $0xb8;
	[tilespmem:$0x15400] =	vst v63  }
0x4ec: {  	s16 =	simm.s32 $0xCC00;
	v4 =	vadd.s32 v2, v4  }
0x4ed: {  	[tilespmem:s16], [sflag:$0x2] =	stream.indirect_vreg.gather [hbm4b:s7+s2], $0x80, v5, vm0, $0xb8;
	[tilespmem:$0x15400] =	vst v63  }
0x4ee: {  	s26 =	simm.s32 $0xD400  }
0x4ef: {  	[tilespmem:s26], [sflag:$0x2] =	stream.indirect_vreg.gather [hbm4b:s8+s2], $0x80, v5, vm0, $0xb8;
	[tilespmem:$0x15400] =	vst v63  }
0x4f0: {  	s19 =	simm.s32 $0xDC00  }
0x4f1: {  	[tilespmem:s19], [sflag:$0x2] =	stream.indirect_vreg.gather [hbm4b:s4+s2], $0x80, v4, vm0, $0xb8;
	[tilespmem:$0x15400] =	vst v63  }
0x4f2: {  	s23 =	simm.s32 $0xE400  }
0x4f3: {  	[tilespmem:s23], [sflag:$0x2] =	stream.indirect_vreg.gather [hbm4b:s5+s2], $0x80, v4, vm0, $0xb8;
	[tilespmem:$0x15400] =	vst v63  }
0x4f4: {  	s9 =	simm.s32 $0xEC00  }
0x4f5: {  	[tilespmem:s9], [sflag:$0x2] =	stream.indirect_vreg.gather [hbm4b:s6+s2], $0x80, v4, vm0, $0xb8;
	[tilespmem:$0x15400] =	vst v63  }
0x4f6: {  	s23 =	simm.s32 $0xF400  }
0x4f7: {  	[tilespmem:s23], [sflag:$0x2] =	stream.indirect_vreg.gather [hbm4b:s7+s2], $0x80, v4, vm0, $0xb8;
	[tilespmem:$0x15400] =	vst v63  }
0x4f8: {  	s10 =	simm.s32 $0xFC00  }
0x4f9: {  	[tilespmem:s10], [sflag:$0x2] =	stream.indirect_vreg.gather [hbm4b:s8+s2], $0x80, v4, vm0, $0xb8;
	[tilespmem:$0x15400] =	vst v63  }
0x4fa: {  	v4 =	vld [tilespmem:$0xD90];
	_ =	sdelay $0x4  }
0x4fb: {  	v5 =	vshrl.u32 v4, $0x3  }
0x4fc: {  	v5 =	vmul.u32 $0x50, v5  }
0x4fd: {  	v4 =	vand.u32 $0x7, v4  }
0x4fe: {  	v4 =	vor.u32 v4, v5  }
0x4ff: {  	v5 =	vperm.xlane v4, v1;
	_ =	sdelay $0x1  }
0x500: {  	v5 =	vadd.s32 v2, v5;
	_ =	sdelay $0x3  }
0x501: {  	s23 =	simm.s32 $0x10400  }
0x502: {  	[tilespmem:s23], [sflag:$0x2] =	stream.indirect_vreg.gather [hbm4b:s4+s2], $0x80, v5, vm0, $0xb8;
	[tilespmem:$0x15400] =	vst v63  }
0x503: {  	s15 =	simm.s32 $0x10C00  }
0x504: {  	[tilespmem:s15], [sflag:$0x2] =	stream.indirect_vreg.gather [hbm4b:s5+s2], $0x80, v5, vm0, $0xb8;
	[tilespmem:$0x15400] =	vst v63  }
0x505: {  	s17 =	simm.s32 $0x11400;
	v4 =	vperm.xlane v4, v3  }
0x506: {  	[tilespmem:s17], [sflag:$0x2] =	stream.indirect_vreg.gather [hbm4b:s6+s2], $0x80, v5, vm0, $0xb8;
	[tilespmem:$0x15400] =	vst v63  }
0x507: {  	s20 =	simm.s32 $0x11C00;
	v4 =	vadd.s32 v2, v4  }
0x508: {  	[tilespmem:s20], [sflag:$0x2] =	stream.indirect_vreg.gather [hbm4b:s7+s2], $0x80, v5, vm0, $0xb8;
	[tilespmem:$0x15400] =	vst v63  }
0x509: {  	s24 =	simm.s32 $0x12400  }
0x50a: {  	[tilespmem:s24], [sflag:$0x2] =	stream.indirect_vreg.gather [hbm4b:s8+s2], $0x80, v5, vm0, $0xb8;
	[tilespmem:$0x15400] =	vst v63  }
0x50b: {  	s18 =	simm.s32 $0x12C00  }
0x50c: {  	[tilespmem:s18], [sflag:$0x2] =	stream.indirect_vreg.gather [hbm4b:s4+s2], $0x80, v4, vm0, $0xb8;
	[tilespmem:$0x15400] =	vst v63  }
0x50d: {  	s21 =	simm.s32 $0x13400  }
0x50e: {  	[tilespmem:s21], [sflag:$0x2] =	stream.indirect_vreg.gather [hbm4b:s5+s2], $0x80, v4, vm0, $0xb8;
	[tilespmem:$0x15400] =	vst v63  }
0x50f: {  	s11 =	simm.s32 $0x13C00  }
0x510: {  	[tilespmem:s11], [sflag:$0x2] =	stream.indirect_vreg.gather [hbm4b:s6+s2], $0x80, v4, vm0, $0xb8;
	[tilespmem:$0x15400] =	vst v63  }
0x511: {  	s12 =	simm.s32 $0x14400  }
0x512: {  	[tilespmem:s12], [sflag:$0x2] =	stream.indirect_vreg.gather [hbm4b:s7+s2], $0x80, v4, vm0, $0xb8;
	[tilespmem:$0x15400] =	vst v63  }
0x513: {  	s13 =	simm.s32 $0x14C00  }
0x514: {  	[tilespmem:s13], [sflag:$0x2] =	stream.indirect_vreg.gather [hbm4b:s8+s2], $0x80, v4, vm0, $0xb8;
	[tilespmem:$0x15400] =	vst v63  }
0x515: {  	_ =	swait.ge [sflag:s28], $0xA000  }
0x516: {  	[sflag:s28] =	ssyncset.done $0x0  }
0x517: {  	s21 =	rddreg [dreg:$0x15];
	[sflag:s28] =	ssyncadd.s32 $0xFFFF6000  }
0x518: {  	[hbm4b:s21+s2] =	stream.linear.scatter [tilespmem:s3], [sflag:$0x3], $0xA000, $0x38;
	[tilespmem:$0x15400] =	vst v63  }
0x519: {  	_ =	swait.ge [sflag:s29], $0xA000  }
0x51a: {  	[sflag:s29] =	ssyncset.done $0x0  }
0x51b: {  	[sflag:s29] =	ssyncadd.s32 $0xFFFF6000  }
0x51c: {  	v4 =	vld [tilespmem:$0xE00];
	_ =	sdelay $0x4  }
0x51d: {  	v5 =	vshrl.u32 v4, $0x3  }
0x51e: {  	v5 =	vmul.u32 $0x50, v5  }
0x51f: {  	v4 =	vand.u32 $0x7, v4  }
0x520: {  	v4 =	vor.u32 v4, v5  }
0x521: {  	v5 =	vperm.xlane v4, v1;
	_ =	sdelay $0x1  }
0x522: {  	v5 =	vadd.s32 v2, v5;
	_ =	sdelay $0x4  }
0x523: {  	[tilespmem:s3], [sflag:$0x1] =	stream.indirect_vreg.gather [hbm4b:s4+s2], $0x80, v5, vm0, $0xb8;
	[tilespmem:$0x15400] =	vst v63  }
0x524: {  	s21 =	simm.s32 $0x1C00  }
0x525: {  	[tilespmem:s21], [sflag:$0x1] =	stream.indirect_vreg.gather [hbm4b:s5+s2], $0x80, v5, vm0, $0xb8;
	[tilespmem:$0x15400] =	vst v63  }
0x526: {  	v4 =	vperm.xlane v4, v3;
	s21 =	simm.s32 $0x2400  }
0x527: {  	[tilespmem:s21], [sflag:$0x1] =	stream.indirect_vreg.gather [hbm4b:s6+s2], $0x80, v5, vm0, $0xb8;
	[tilespmem:$0x15400] =	vst v63  }
0x528: {  	v4 =	vadd.s32 v2, v4;
	s21 =	simm.s32 $0x2C00  }
0x529: {  	[tilespmem:s21], [sflag:$0x1] =	stream.indirect_vreg.gather [hbm4b:s7+s2], $0x80, v5, vm0, $0xb8;
	[tilespmem:$0x15400] =	vst v63  }
0x52a: {  	s21 =	simm.s32 $0x3400  }
0x52b: {  	[tilespmem:s21], [sflag:$0x1] =	stream.indirect_vreg.gather [hbm4b:s8+s2], $0x80, v5, vm0, $0xb8;
	[tilespmem:$0x15400] =	vst v63  }
0x52c: {  	s21 =	simm.s32 $0x3C00  }
0x52d: {  	[tilespmem:s21], [sflag:$0x1] =	stream.indirect_vreg.gather [hbm4b:s4+s2], $0x80, v4, vm0, $0xb8;
	[tilespmem:$0x15400] =	vst v63  }
0x52e: {  	s21 =	simm.s32 $0x4400  }
0x52f: {  	[tilespmem:s21], [sflag:$0x1] =	stream.indirect_vreg.gather [hbm4b:s5+s2], $0x80, v4, vm0, $0xb8;
	[tilespmem:$0x15400] =	vst v63  }
0x530: {  	s21 =	simm.s32 $0x4C00  }
0x531: {  	[tilespmem:s21], [sflag:$0x1] =	stream.indirect_vreg.gather [hbm4b:s6+s2], $0x80, v4, vm0, $0xb8;
	[tilespmem:$0x15400] =	vst v63  }
0x532: {  	s21 =	simm.s32 $0x5400  }
0x533: {  	[tilespmem:s21], [sflag:$0x1] =	stream.indirect_vreg.gather [hbm4b:s7+s2], $0x80, v4, vm0, $0xb8;
	[tilespmem:$0x15400] =	vst v63  }
0x534: {  	s21 =	simm.s32 $0x5C00  }
0x535: {  	[tilespmem:s21], [sflag:$0x1] =	stream.indirect_vreg.gather [hbm4b:s8+s2], $0x80, v4, vm0, $0xb8;
	[tilespmem:$0x15400] =	vst v63  }
0x536: {  	v4 =	vld [tilespmem:$0xE10];
	_ =	sdelay $0x4  }
0x537: {  	v5 =	vshrl.u32 v4, $0x3  }
0x538: {  	v5 =	vmul.u32 $0x50, v5  }
0x539: {  	v4 =	vand.u32 $0x7, v4  }
0x53a: {  	v4 =	vor.u32 v4, v5  }
0x53b: {  	v5 =	vperm.xlane v4, v1;
	_ =	sdelay $0x1  }
0x53c: {  	v5 =	vadd.s32 v2, v5;
	_ =	sdelay $0x3  }
0x53d: {  	s21 =	simm.s32 $0x6400  }
0x53e: {  	[tilespmem:s21], [sflag:$0x1] =	stream.indirect_vreg.gather [hbm4b:s4+s2], $0x80, v5, vm0, $0xb8;
	[tilespmem:$0x15400] =	vst v63  }
0x53f: {  	s21 =	simm.s32 $0x6C00  }
0x540: {  	[tilespmem:s21], [sflag:$0x1] =	stream.indirect_vreg.gather [hbm4b:s5+s2], $0x80, v5, vm0, $0xb8;
	[tilespmem:$0x15400] =	vst v63  }
0x541: {  	v4 =	vperm.xlane v4, v3;
	s21 =	simm.s32 $0x7400  }
0x542: {  	[tilespmem:s21], [sflag:$0x1] =	stream.indirect_vreg.gather [hbm4b:s6+s2], $0x80, v5, vm0, $0xb8;
	[tilespmem:$0x15400] =	vst v63  }
0x543: {  	v4 =	vadd.s32 v2, v4;
	s21 =	simm.s32 $0x7C00  }
0x544: {  	[tilespmem:s21], [sflag:$0x1] =	stream.indirect_vreg.gather [hbm4b:s7+s2], $0x80, v5, vm0, $0xb8;
	[tilespmem:$0x15400] =	vst v63  }
0x545: {  	s21 =	simm.s32 $0x8400  }
0x546: {  	[tilespmem:s21], [sflag:$0x1] =	stream.indirect_vreg.gather [hbm4b:s8+s2], $0x80, v5, vm0, $0xb8;
	[tilespmem:$0x15400] =	vst v63  }
0x547: {  	s21 =	simm.s32 $0x8C00  }
0x548: {  	[tilespmem:s21], [sflag:$0x1] =	stream.indirect_vreg.gather [hbm4b:s4+s2], $0x80, v4, vm0, $0xb8;
	[tilespmem:$0x15400] =	vst v63  }
0x549: {  	s21 =	simm.s32 $0x9400  }
0x54a: {  	[tilespmem:s21], [sflag:$0x1] =	stream.indirect_vreg.gather [hbm4b:s5+s2], $0x80, v4, vm0, $0xb8;
	[tilespmem:$0x15400] =	vst v63  }
0x54b: {  	s21 =	simm.s32 $0x9C00  }
0x54c: {  	[tilespmem:s21], [sflag:$0x1] =	stream.indirect_vreg.gather [hbm4b:s6+s2], $0x80, v4, vm0, $0xb8;
	[tilespmem:$0x15400] =	vst v63  }
0x54d: {  	s21 =	simm.s32 $0xA400  }
0x54e: {  	[tilespmem:s21], [sflag:$0x1] =	stream.indirect_vreg.gather [hbm4b:s7+s2], $0x80, v4, vm0, $0xb8;
	[tilespmem:$0x15400] =	vst v63  }
0x54f: {  	s21 =	simm.s32 $0xAC00  }
0x550: {  	[tilespmem:s21], [sflag:$0x1] =	stream.indirect_vreg.gather [hbm4b:s8+s2], $0x80, v4, vm0, $0xb8;
	[tilespmem:$0x15400] =	vst v63  }
0x551: {  	_ =	swait.ge [sflag:s30], $0xA000  }
0x552: {  	[sflag:s30] =	ssyncset.done $0x0  }
0x553: {  	s21 =	rddreg [dreg:$0x16];
	[sflag:s30] =	ssyncadd.s32 $0xFFFF6000  }
0x554: {  	[hbm4b:s21+s2] =	stream.linear.scatter [tilespmem:s1], [sflag:$0x4], $0xA000, $0x38;
	[tilespmem:$0x15400] =	vst v63  }
0x555: {  	_ =	swait.ge [sflag:s31], $0xA000  }
0x556: {  	[sflag:s31] =	ssyncset.done $0x0  }
0x557: {  	[sflag:s31] =	ssyncadd.s32 $0xFFFF6000  }
0x558: {  	v4 =	vld [tilespmem:$0xE80];
	_ =	sdelay $0x4  }
0x559: {  	v5 =	vshrl.u32 v4, $0x3  }
0x55a: {  	v5 =	vmul.u32 $0x50, v5  }
0x55b: {  	v4 =	vand.u32 $0x7, v4  }
0x55c: {  	v4 =	vor.u32 v4, v5  }
0x55d: {  	v5 =	vperm.xlane v4, v1;
	_ =	sdelay $0x1  }
0x55e: {  	v5 =	vadd.s32 v2, v5;
	_ =	sdelay $0x4  }
0x55f: {  	[tilespmem:s1], [sflag:$0x2] =	stream.indirect_vreg.gather [hbm4b:s4+s2], $0x80, v5, vm0, $0xb8;
	[tilespmem:$0x15400] =	vst v63  }
0x560: {  	s14 =	simm.s32 $0xBC00  }
0x561: {  	[tilespmem:s14], [sflag:$0x2] =	stream.indirect_vreg.gather [hbm4b:s5+s2], $0x80, v5, vm0, $0xb8;
	[tilespmem:$0x15400] =	vst v63  }
0x562: {  	s22 =	simm.s32 $0xC400;
	v4 =	vperm.xlane v4, v3  }
0x563: {  	[tilespmem:s22], [sflag:$0x2] =	stream.indirect_vreg.gather [hbm4b:s6+s2], $0x80, v5, vm0, $0xb8;
	[tilespmem:$0x15400] =	vst v63  }
0x564: {  	s16 =	simm.s32 $0xCC00;
	v4 =	vadd.s32 v2, v4  }
0x565: {  	[tilespmem:s16], [sflag:$0x2] =	stream.indirect_vreg.gather [hbm4b:s7+s2], $0x80, v5, vm0, $0xb8;
	[tilespmem:$0x15400] =	vst v63  }
0x566: {  	s25 =	simm.s32 $0xD400  }
0x567: {  	[tilespmem:s25], [sflag:$0x2] =	stream.indirect_vreg.gather [hbm4b:s8+s2], $0x80, v5, vm0, $0xb8;
	[tilespmem:$0x15400] =	vst v63  }
0x568: {  	s19 =	simm.s32 $0xDC00  }
0x569: {  	[tilespmem:s19], [sflag:$0x2] =	stream.indirect_vreg.gather [hbm4b:s4+s2], $0x80, v4, vm0, $0xb8;
	[tilespmem:$0x15400] =	vst v63  }
0x56a: {  	s26 =	simm.s32 $0xE400  }
0x56b: {  	[tilespmem:s26], [sflag:$0x2] =	stream.indirect_vreg.gather [hbm4b:s5+s2], $0x80, v4, vm0, $0xb8;
	[tilespmem:$0x15400] =	vst v63  }
0x56c: {  	s9 =	simm.s32 $0xEC00  }
0x56d: {  	[tilespmem:s9], [sflag:$0x2] =	stream.indirect_vreg.gather [hbm4b:s6+s2], $0x80, v4, vm0, $0xb8;
	[tilespmem:$0x15400] =	vst v63  }
0x56e: {  	s26 =	simm.s32 $0xF400  }
0x56f: {  	[tilespmem:s26], [sflag:$0x2] =	stream.indirect_vreg.gather [hbm4b:s7+s2], $0x80, v4, vm0, $0xb8;
	[tilespmem:$0x15400] =	vst v63  }
0x570: {  	s10 =	simm.s32 $0xFC00  }
0x571: {  	[tilespmem:s10], [sflag:$0x2] =	stream.indirect_vreg.gather [hbm4b:s8+s2], $0x80, v4, vm0, $0xb8;
	[tilespmem:$0x15400] =	vst v63  }
0x572: {  	v4 =	vld [tilespmem:$0xE90];
	_ =	sdelay $0x4  }
0x573: {  	v5 =	vshrl.u32 v4, $0x3  }
0x574: {  	v5 =	vmul.u32 $0x50, v5  }
0x575: {  	v4 =	vand.u32 $0x7, v4  }
0x576: {  	v4 =	vor.u32 v4, v5  }
0x577: {  	v5 =	vperm.xlane v4, v1;
	_ =	sdelay $0x1  }
0x578: {  	v5 =	vadd.s32 v2, v5;
	_ =	sdelay $0x3  }
0x579: {  	s19 =	simm.s32 $0x10400  }
0x57a: {  	[tilespmem:s19], [sflag:$0x2] =	stream.indirect_vreg.gather [hbm4b:s4+s2], $0x80, v5, vm0, $0xb8;
	[tilespmem:$0x15400] =	vst v63  }
0x57b: {  	s15 =	simm.s32 $0x10C00  }
0x57c: {  	[tilespmem:s15], [sflag:$0x2] =	stream.indirect_vreg.gather [hbm4b:s5+s2], $0x80, v5, vm0, $0xb8;
	[tilespmem:$0x15400] =	vst v63  }
0x57d: {  	s17 =	simm.s32 $0x11400;
	v4 =	vperm.xlane v4, v3  }
0x57e: {  	[tilespmem:s17], [sflag:$0x2] =	stream.indirect_vreg.gather [hbm4b:s6+s2], $0x80, v5, vm0, $0xb8;
	[tilespmem:$0x15400] =	vst v63  }
0x57f: {  	s20 =	simm.s32 $0x11C00;
	v4 =	vadd.s32 v2, v4  }
0x580: {  	[tilespmem:s20], [sflag:$0x2] =	stream.indirect_vreg.gather [hbm4b:s7+s2], $0x80, v5, vm0, $0xb8;
	[tilespmem:$0x15400] =	vst v63  }
0x581: {  	s23 =	simm.s32 $0x12400  }
0x582: {  	[tilespmem:s23], [sflag:$0x2] =	stream.indirect_vreg.gather [hbm4b:s8+s2], $0x80, v5, vm0, $0xb8;
	[tilespmem:$0x15400] =	vst v63  }
0x583: {  	s24 =	simm.s32 $0x12C00  }
0x584: {  	[tilespmem:s24], [sflag:$0x2] =	stream.indirect_vreg.gather [hbm4b:s4+s2], $0x80, v4, vm0, $0xb8;
	[tilespmem:$0x15400] =	vst v63  }
0x585: {  	s18 =	simm.s32 $0x13400  }
0x586: {  	[tilespmem:s18], [sflag:$0x2] =	stream.indirect_vreg.gather [hbm4b:s5+s2], $0x80, v4, vm0, $0xb8;
	[tilespmem:$0x15400] =	vst v63  }
0x587: {  	s11 =	simm.s32 $0x13C00  }
0x588: {  	[tilespmem:s11], [sflag:$0x2] =	stream.indirect_vreg.gather [hbm4b:s6+s2], $0x80, v4, vm0, $0xb8;
	[tilespmem:$0x15400] =	vst v63  }
0x589: {  	s12 =	simm.s32 $0x14400  }
0x58a: {  	[tilespmem:s12], [sflag:$0x2] =	stream.indirect_vreg.gather [hbm4b:s7+s2], $0x80, v4, vm0, $0xb8;
	[tilespmem:$0x15400] =	vst v63  }
0x58b: {  	s13 =	simm.s32 $0x14C00  }
0x58c: {  	[tilespmem:s13], [sflag:$0x2] =	stream.indirect_vreg.gather [hbm4b:s8+s2], $0x80, v4, vm0, $0xb8;
	[tilespmem:$0x15400] =	vst v63  }
0x58d: {  	_ =	swait.ge [sflag:s28], $0xA000  }
0x58e: {  	[sflag:s28] =	ssyncset.done $0x0  }
0x58f: {  	s20 =	rddreg [dreg:$0x17];
	[sflag:s28] =	ssyncadd.s32 $0xFFFF6000  }
0x590: {  	[hbm4b:s20+s2] =	stream.linear.scatter [tilespmem:s3], [sflag:$0x3], $0xA000, $0x38;
	[tilespmem:$0x15400] =	vst v63  }
0x591: {  	_ =	swait.ge [sflag:s29], $0xA000  }
0x592: {  	[sflag:s29] =	ssyncset.done $0x0  }
0x593: {  	[sflag:s29] =	ssyncadd.s32 $0xFFFF6000  }
0x594: {  	v4 =	vld [tilespmem:$0xF00];
	_ =	sdelay $0x4  }
0x595: {  	v5 =	vshrl.u32 v4, $0x3  }
0x596: {  	v5 =	vmul.u32 $0x50, v5  }
0x597: {  	v4 =	vand.u32 $0x7, v4  }
0x598: {  	v4 =	vor.u32 v4, v5  }
0x599: {  	v5 =	vperm.xlane v4, v1;
	_ =	sdelay $0x1  }
0x59a: {  	v5 =	vadd.s32 v2, v5;
	_ =	sdelay $0x4  }
0x59b: {  	[tilespmem:s3], [sflag:$0x1] =	stream.indirect_vreg.gather [hbm4b:s4+s2], $0x80, v5, vm0, $0xb8;
	[tilespmem:$0x15400] =	vst v63  }
0x59c: {  	s13 =	simm.s32 $0x1C00  }
0x59d: {  	[tilespmem:s13], [sflag:$0x1] =	stream.indirect_vreg.gather [hbm4b:s5+s2], $0x80, v5, vm0, $0xb8;
	[tilespmem:$0x15400] =	vst v63  }
0x59e: {  	s20 =	simm.s32 $0x2400;
	v4 =	vperm.xlane v4, v3  }
0x59f: {  	[tilespmem:s20], [sflag:$0x1] =	stream.indirect_vreg.gather [hbm4b:s6+s2], $0x80, v5, vm0, $0xb8;
	[tilespmem:$0x15400] =	vst v63  }
0x5a0: {  	v4 =	vadd.s32 v2, v4;
	s13 =	simm.s32 $0x2C00  }
0x5a1: {  	[tilespmem:s13], [sflag:$0x1] =	stream.indirect_vreg.gather [hbm4b:s7+s2], $0x80, v5, vm0, $0xb8;
	[tilespmem:$0x15400] =	vst v63  }
0x5a2: {  	s20 =	simm.s32 $0x3400  }
0x5a3: {  	[tilespmem:s20], [sflag:$0x1] =	stream.indirect_vreg.gather [hbm4b:s8+s2], $0x80, v5, vm0, $0xb8;
	[tilespmem:$0x15400] =	vst v63  }
0x5a4: {  	s13 =	simm.s32 $0x3C00  }
0x5a5: {  	[tilespmem:s13], [sflag:$0x1] =	stream.indirect_vreg.gather [hbm4b:s4+s2], $0x80, v4, vm0, $0xb8;
	[tilespmem:$0x15400] =	vst v63  }
0x5a6: {  	s20 =	simm.s32 $0x4400  }
0x5a7: {  	[tilespmem:s20], [sflag:$0x1] =	stream.indirect_vreg.gather [hbm4b:s5+s2], $0x80, v4, vm0, $0xb8;
	[tilespmem:$0x15400] =	vst v63  }
0x5a8: {  	s13 =	simm.s32 $0x4C00  }
0x5a9: {  	[tilespmem:s13], [sflag:$0x1] =	stream.indirect_vreg.gather [hbm4b:s6+s2], $0x80, v4, vm0, $0xb8;
	[tilespmem:$0x15400] =	vst v63  }
0x5aa: {  	s20 =	simm.s32 $0x5400  }
0x5ab: {  	[tilespmem:s20], [sflag:$0x1] =	stream.indirect_vreg.gather [hbm4b:s7+s2], $0x80, v4, vm0, $0xb8;
	[tilespmem:$0x15400] =	vst v63  }
0x5ac: {  	s13 =	simm.s32 $0x5C00  }
0x5ad: {  	[tilespmem:s13], [sflag:$0x1] =	stream.indirect_vreg.gather [hbm4b:s8+s2], $0x80, v4, vm0, $0xb8;
	[tilespmem:$0x15400] =	vst v63  }
0x5ae: {  	v4 =	vld [tilespmem:$0xF10];
	_ =	sdelay $0x4  }
0x5af: {  	v5 =	vshrl.u32 v4, $0x3  }
0x5b0: {  	v5 =	vmul.u32 $0x50, v5  }
0x5b1: {  	v4 =	vand.u32 $0x7, v4  }
0x5b2: {  	v4 =	vor.u32 v4, v5  }
0x5b3: {  	v5 =	vperm.xlane v4, v1;
	_ =	sdelay $0x1  }
0x5b4: {  	v5 =	vadd.s32 v2, v5;
	_ =	sdelay $0x3  }
0x5b5: {  	s20 =	simm.s32 $0x6400  }
0x5b6: {  	[tilespmem:s20], [sflag:$0x1] =	stream.indirect_vreg.gather [hbm4b:s4+s2], $0x80, v5, vm0, $0xb8;
	[tilespmem:$0x15400] =	vst v63  }
0x5b7: {  	s13 =	simm.s32 $0x6C00  }
0x5b8: {  	[tilespmem:s13], [sflag:$0x1] =	stream.indirect_vreg.gather [hbm4b:s5+s2], $0x80, v5, vm0, $0xb8;
	[tilespmem:$0x15400] =	vst v63  }
0x5b9: {  	v4 =	vperm.xlane v4, v3;
	s20 =	simm.s32 $0x7400  }
0x5ba: {  	[tilespmem:s20], [sflag:$0x1] =	stream.indirect_vreg.gather [hbm4b:s6+s2], $0x80, v5, vm0, $0xb8;
	[tilespmem:$0x15400] =	vst v63  }
0x5bb: {  	v4 =	vadd.s32 v2, v4;
	s13 =	simm.s32 $0x7C00  }
0x5bc: {  	[tilespmem:s13], [sflag:$0x1] =	stream.indirect_vreg.gather [hbm4b:s7+s2], $0x80, v5, vm0, $0xb8;
	[tilespmem:$0x15400] =	vst v63  }
0x5bd: {  	s20 =	simm.s32 $0x8400  }
0x5be: {  	[tilespmem:s20], [sflag:$0x1] =	stream.indirect_vreg.gather [hbm4b:s8+s2], $0x80, v5, vm0, $0xb8;
	[tilespmem:$0x15400] =	vst v63  }
0x5bf: {  	s13 =	simm.s32 $0x8C00  }
0x5c0: {  	[tilespmem:s13], [sflag:$0x1] =	stream.indirect_vreg.gather [hbm4b:s4+s2], $0x80, v4, vm0, $0xb8;
	[tilespmem:$0x15400] =	vst v63  }
0x5c1: {  	s20 =	simm.s32 $0x9400  }
0x5c2: {  	[tilespmem:s20], [sflag:$0x1] =	stream.indirect_vreg.gather [hbm4b:s5+s2], $0x80, v4, vm0, $0xb8;
	[tilespmem:$0x15400] =	vst v63  }
0x5c3: {  	s13 =	simm.s32 $0x9C00  }
0x5c4: {  	[tilespmem:s13], [sflag:$0x1] =	stream.indirect_vreg.gather [hbm4b:s6+s2], $0x80, v4, vm0, $0xb8;
	[tilespmem:$0x15400] =	vst v63  }
0x5c5: {  	s20 =	simm.s32 $0xA400  }
0x5c6: {  	[tilespmem:s20], [sflag:$0x1] =	stream.indirect_vreg.gather [hbm4b:s7+s2], $0x80, v4, vm0, $0xb8;
	[tilespmem:$0x15400] =	vst v63  }
0x5c7: {  	s13 =	simm.s32 $0xAC00  }
0x5c8: {  	[tilespmem:s13], [sflag:$0x1] =	stream.indirect_vreg.gather [hbm4b:s8+s2], $0x80, v4, vm0, $0xb8;
	[tilespmem:$0x15400] =	vst v63  }
0x5c9: {  	_ =	swait.ge [sflag:s30], $0xA000  }
0x5ca: {  	[sflag:s30] =	ssyncset.done $0x0  }
0x5cb: {  	s20 =	rddreg [dreg:$0x18];
	[sflag:s30] =	ssyncadd.s32 $0xFFFF6000  }
0x5cc: {  	[hbm4b:s20+s2] =	stream.linear.scatter [tilespmem:s1], [sflag:$0x4], $0xA000, $0x38;
	[tilespmem:$0x15400] =	vst v63  }
0x5cd: {  	_ =	swait.ge [sflag:s31], $0xA000  }
0x5ce: {  	[sflag:s31] =	ssyncset.done $0x0  }
0x5cf: {  	[sflag:s31] =	ssyncadd.s32 $0xFFFF6000  }
0x5d0: {  	v4 =	vld [tilespmem:$0xF80];
	_ =	sdelay $0x4  }
0x5d1: {  	v5 =	vshrl.u32 v4, $0x3  }
0x5d2: {  	v5 =	vmul.u32 $0x50, v5  }
0x5d3: {  	v4 =	vand.u32 $0x7, v4  }
0x5d4: {  	v4 =	vor.u32 v4, v5  }
0x5d5: {  	v5 =	vperm.xlane v4, v1;
	_ =	sdelay $0x1  }
0x5d6: {  	v5 =	vadd.s32 v2, v5;
	_ =	sdelay $0x4  }
0x5d7: {  	[tilespmem:s1], [sflag:$0x2] =	stream.indirect_vreg.gather [hbm4b:s4+s2], $0x80, v5, vm0, $0xb8;
	[tilespmem:$0x15400] =	vst v63  }
0x5d8: {  	s14 =	simm.s32 $0xBC00  }
0x5d9: {  	[tilespmem:s14], [sflag:$0x2] =	stream.indirect_vreg.gather [hbm4b:s5+s2], $0x80, v5, vm0, $0xb8;
	[tilespmem:$0x15400] =	vst v63  }
0x5da: {  	s22 =	simm.s32 $0xC400;
	v4 =	vperm.xlane v4, v3  }
0x5db: {  	[tilespmem:s22], [sflag:$0x2] =	stream.indirect_vreg.gather [hbm4b:s6+s2], $0x80, v5, vm0, $0xb8;
	[tilespmem:$0x15400] =	vst v63  }
0x5dc: {  	s16 =	simm.s32 $0xCC00;
	v4 =	vadd.s32 v2, v4  }
0x5dd: {  	[tilespmem:s16], [sflag:$0x2] =	stream.indirect_vreg.gather [hbm4b:s7+s2], $0x80, v5, vm0, $0xb8;
	[tilespmem:$0x15400] =	vst v63  }
0x5de: {  	s21 =	simm.s32 $0xD400  }
0x5df: {  	[tilespmem:s21], [sflag:$0x2] =	stream.indirect_vreg.gather [hbm4b:s8+s2], $0x80, v5, vm0, $0xb8;
	[tilespmem:$0x15400] =	vst v63  }
0x5e0: {  	s25 =	simm.s32 $0xDC00  }
0x5e1: {  	[tilespmem:s25], [sflag:$0x2] =	stream.indirect_vreg.gather [hbm4b:s4+s2], $0x80, v4, vm0, $0xb8;
	[tilespmem:$0x15400] =	vst v63  }
0x5e2: {  	s13 =	simm.s32 $0xE400  }
0x5e3: {  	[tilespmem:s13], [sflag:$0x2] =	stream.indirect_vreg.gather [hbm4b:s5+s2], $0x80, v4, vm0, $0xb8;
	[tilespmem:$0x15400] =	vst v63  }
0x5e4: {  	s9 =	simm.s32 $0xEC00  }
0x5e5: {  	[tilespmem:s9], [sflag:$0x2] =	stream.indirect_vreg.gather [hbm4b:s6+s2], $0x80, v4, vm0, $0xb8;
	[tilespmem:$0x15400] =	vst v63  }
0x5e6: {  	s25 =	simm.s32 $0xF400  }
0x5e7: {  	[tilespmem:s25], [sflag:$0x2] =	stream.indirect_vreg.gather [hbm4b:s7+s2], $0x80, v4, vm0, $0xb8;
	[tilespmem:$0x15400] =	vst v63  }
0x5e8: {  	s10 =	simm.s32 $0xFC00  }
0x5e9: {  	[tilespmem:s10], [sflag:$0x2] =	stream.indirect_vreg.gather [hbm4b:s8+s2], $0x80, v4, vm0, $0xb8;
	[tilespmem:$0x15400] =	vst v63  }
0x5ea: {  	v4 =	vld [tilespmem:$0xF90];
	_ =	sdelay $0x4  }
0x5eb: {  	v5 =	vshrl.u32 v4, $0x3  }
0x5ec: {  	v5 =	vmul.u32 $0x50, v5  }
0x5ed: {  	v4 =	vand.u32 $0x7, v4  }
0x5ee: {  	v4 =	vor.u32 v4, v5  }
0x5ef: {  	v5 =	vperm.xlane v4, v1;
	_ =	sdelay $0x1  }
0x5f0: {  	v5 =	vadd.s32 v2, v5;
	_ =	sdelay $0x3  }
0x5f1: {  	s25 =	simm.s32 $0x10400  }
0x5f2: {  	[tilespmem:s25], [sflag:$0x2] =	stream.indirect_vreg.gather [hbm4b:s4+s2], $0x80, v5, vm0, $0xb8;
	[tilespmem:$0x15400] =	vst v63  }
0x5f3: {  	s15 =	simm.s32 $0x10C00  }
0x5f4: {  	[tilespmem:s15], [sflag:$0x2] =	stream.indirect_vreg.gather [hbm4b:s5+s2], $0x80, v5, vm0, $0xb8;
	[tilespmem:$0x15400] =	vst v63  }
0x5f5: {  	s17 =	simm.s32 $0x11400;
	v4 =	vperm.xlane v4, v3  }
0x5f6: {  	[tilespmem:s17], [sflag:$0x2] =	stream.indirect_vreg.gather [hbm4b:s6+s2], $0x80, v5, vm0, $0xb8;
	[tilespmem:$0x15400] =	vst v63  }
0x5f7: {  	s19 =	simm.s32 $0x11C00;
	v4 =	vadd.s32 v2, v4  }
0x5f8: {  	[tilespmem:s19], [sflag:$0x2] =	stream.indirect_vreg.gather [hbm4b:s7+s2], $0x80, v5, vm0, $0xb8;
	[tilespmem:$0x15400] =	vst v63  }
0x5f9: {  	s23 =	simm.s32 $0x12400  }
0x5fa: {  	[tilespmem:s23], [sflag:$0x2] =	stream.indirect_vreg.gather [hbm4b:s8+s2], $0x80, v5, vm0, $0xb8;
	[tilespmem:$0x15400] =	vst v63  }
0x5fb: {  	s24 =	simm.s32 $0x12C00  }
0x5fc: {  	[tilespmem:s24], [sflag:$0x2] =	stream.indirect_vreg.gather [hbm4b:s4+s2], $0x80, v4, vm0, $0xb8;
	[tilespmem:$0x15400] =	vst v63  }
0x5fd: {  	s26 =	simm.s32 $0x13400  }
0x5fe: {  	[tilespmem:s26], [sflag:$0x2] =	stream.indirect_vreg.gather [hbm4b:s5+s2], $0x80, v4, vm0, $0xb8;
	[tilespmem:$0x15400] =	vst v63  }
0x5ff: {  	s18 =	simm.s32 $0x13C00  }
0x600: {  	[tilespmem:s18], [sflag:$0x2] =	stream.indirect_vreg.gather [hbm4b:s6+s2], $0x80, v4, vm0, $0xb8;
	[tilespmem:$0x15400] =	vst v63  }
0x601: {  	s11 =	simm.s32 $0x14400  }
0x602: {  	[tilespmem:s11], [sflag:$0x2] =	stream.indirect_vreg.gather [hbm4b:s7+s2], $0x80, v4, vm0, $0xb8;
	[tilespmem:$0x15400] =	vst v63  }
0x603: {  	s12 =	simm.s32 $0x14C00  }
0x604: {  	[tilespmem:s12], [sflag:$0x2] =	stream.indirect_vreg.gather [hbm4b:s8+s2], $0x80, v4, vm0, $0xb8;
	[tilespmem:$0x15400] =	vst v63  }
0x605: {  	_ =	swait.ge [sflag:s28], $0xA000  }
0x606: {  	[sflag:s28] =	ssyncset.done $0x0  }
0x607: {  	s26 =	rddreg [dreg:$0x19];
	[sflag:s28] =	ssyncadd.s32 $0xFFFF6000  }
0x608: {  	[hbm4b:s26+s2] =	stream.linear.scatter [tilespmem:s3], [sflag:$0x3], $0xA000, $0x38;
	[tilespmem:$0x15400] =	vst v63  }
0x609: {  	_ =	swait.ge [sflag:s29], $0xA000  }
0x60a: {  	[sflag:s29] =	ssyncset.done $0x0  }
0x60b: {  	[sflag:s29] =	ssyncadd.s32 $0xFFFF6000  }
0x60c: {  	v4 =	vld [tilespmem:$0x1000];
	_ =	sdelay $0x4  }
0x60d: {  	v5 =	vshrl.u32 v4, $0x3  }
0x60e: {  	v5 =	vmul.u32 $0x50, v5  }
0x60f: {  	v4 =	vand.u32 $0x7, v4  }
0x610: {  	v4 =	vor.u32 v4, v5  }
0x611: {  	v5 =	vperm.xlane v4, v1;
	_ =	sdelay $0x1  }
0x612: {  	v5 =	vadd.s32 v2, v5;
	_ =	sdelay $0x4  }
0x613: {  	[tilespmem:s3], [sflag:$0x1] =	stream.indirect_vreg.gather [hbm4b:s4+s2], $0x80, v5, vm0, $0xb8;
	[tilespmem:$0x15400] =	vst v63  }
0x614: {  	s26 =	simm.s32 $0x1C00  }
0x615: {  	[tilespmem:s26], [sflag:$0x1] =	stream.indirect_vreg.gather [hbm4b:s5+s2], $0x80, v5, vm0, $0xb8;
	[tilespmem:$0x15400] =	vst v63  }
0x616: {  	v4 =	vperm.xlane v4, v3;
	s26 =	simm.s32 $0x2400  }
0x617: {  	[tilespmem:s26], [sflag:$0x1] =	stream.indirect_vreg.gather [hbm4b:s6+s2], $0x80, v5, vm0, $0xb8;
	[tilespmem:$0x15400] =	vst v63  }
0x618: {  	v4 =	vadd.s32 v2, v4;
	s26 =	simm.s32 $0x2C00  }
0x619: {  	[tilespmem:s26], [sflag:$0x1] =	stream.indirect_vreg.gather [hbm4b:s7+s2], $0x80, v5, vm0, $0xb8;
	[tilespmem:$0x15400] =	vst v63  }
0x61a: {  	s26 =	simm.s32 $0x3400  }
0x61b: {  	[tilespmem:s26], [sflag:$0x1] =	stream.indirect_vreg.gather [hbm4b:s8+s2], $0x80, v5, vm0, $0xb8;
	[tilespmem:$0x15400] =	vst v63  }
0x61c: {  	s26 =	simm.s32 $0x3C00  }
0x61d: {  	[tilespmem:s26], [sflag:$0x1] =	stream.indirect_vreg.gather [hbm4b:s4+s2], $0x80, v4, vm0, $0xb8;
	[tilespmem:$0x15400] =	vst v63  }
0x61e: {  	s26 =	simm.s32 $0x4400  }
0x61f: {  	[tilespmem:s26], [sflag:$0x1] =	stream.indirect_vreg.gather [hbm4b:s5+s2], $0x80, v4, vm0, $0xb8;
	[tilespmem:$0x15400] =	vst v63  }
0x620: {  	s26 =	simm.s32 $0x4C00  }
0x621: {  	[tilespmem:s26], [sflag:$0x1] =	stream.indirect_vreg.gather [hbm4b:s6+s2], $0x80, v4, vm0, $0xb8;
	[tilespmem:$0x15400] =	vst v63  }
0x622: {  	s26 =	simm.s32 $0x5400  }
0x623: {  	[tilespmem:s26], [sflag:$0x1] =	stream.indirect_vreg.gather [hbm4b:s7+s2], $0x80, v4, vm0, $0xb8;
	[tilespmem:$0x15400] =	vst v63  }
0x624: {  	s26 =	simm.s32 $0x5C00  }
0x625: {  	[tilespmem:s26], [sflag:$0x1] =	stream.indirect_vreg.gather [hbm4b:s8+s2], $0x80, v4, vm0, $0xb8;
	[tilespmem:$0x15400] =	vst v63  }
0x626: {  	v4 =	vld [tilespmem:$0x1010];
	_ =	sdelay $0x4  }
0x627: {  	v5 =	vshrl.u32 v4, $0x3  }
0x628: {  	v5 =	vmul.u32 $0x50, v5  }
0x629: {  	v4 =	vand.u32 $0x7, v4  }
0x62a: {  	v4 =	vor.u32 v4, v5  }
0x62b: {  	v5 =	vperm.xlane v4, v1;
	_ =	sdelay $0x1  }
0x62c: {  	v5 =	vadd.s32 v2, v5;
	_ =	sdelay $0x3  }
0x62d: {  	s26 =	simm.s32 $0x6400  }
0x62e: {  	[tilespmem:s26], [sflag:$0x1] =	stream.indirect_vreg.gather [hbm4b:s4+s2], $0x80, v5, vm0, $0xb8;
	[tilespmem:$0x15400] =	vst v63  }
0x62f: {  	s26 =	simm.s32 $0x6C00  }
0x630: {  	[tilespmem:s26], [sflag:$0x1] =	stream.indirect_vreg.gather [hbm4b:s5+s2], $0x80, v5, vm0, $0xb8;
	[tilespmem:$0x15400] =	vst v63  }
0x631: {  	v4 =	vperm.xlane v4, v3;
	s26 =	simm.s32 $0x7400  }
0x632: {  	[tilespmem:s26], [sflag:$0x1] =	stream.indirect_vreg.gather [hbm4b:s6+s2], $0x80, v5, vm0, $0xb8;
	[tilespmem:$0x15400] =	vst v63  }
0x633: {  	v4 =	vadd.s32 v2, v4;
	s26 =	simm.s32 $0x7C00  }
0x634: {  	[tilespmem:s26], [sflag:$0x1] =	stream.indirect_vreg.gather [hbm4b:s7+s2], $0x80, v5, vm0, $0xb8;
	[tilespmem:$0x15400] =	vst v63  }
0x635: {  	s26 =	simm.s32 $0x8400  }
0x636: {  	[tilespmem:s26], [sflag:$0x1] =	stream.indirect_vreg.gather [hbm4b:s8+s2], $0x80, v5, vm0, $0xb8;
	[tilespmem:$0x15400] =	vst v63  }
0x637: {  	s26 =	simm.s32 $0x8C00  }
0x638: {  	[tilespmem:s26], [sflag:$0x1] =	stream.indirect_vreg.gather [hbm4b:s4+s2], $0x80, v4, vm0, $0xb8;
	[tilespmem:$0x15400] =	vst v63  }
0x639: {  	s26 =	simm.s32 $0x9400  }
0x63a: {  	[tilespmem:s26], [sflag:$0x1] =	stream.indirect_vreg.gather [hbm4b:s5+s2], $0x80, v4, vm0, $0xb8;
	[tilespmem:$0x15400] =	vst v63  }
0x63b: {  	s26 =	simm.s32 $0x9C00  }
0x63c: {  	[tilespmem:s26], [sflag:$0x1] =	stream.indirect_vreg.gather [hbm4b:s6+s2], $0x80, v4, vm0, $0xb8;
	[tilespmem:$0x15400] =	vst v63  }
0x63d: {  	s26 =	simm.s32 $0xA400  }
0x63e: {  	[tilespmem:s26], [sflag:$0x1] =	stream.indirect_vreg.gather [hbm4b:s7+s2], $0x80, v4, vm0, $0xb8;
	[tilespmem:$0x15400] =	vst v63  }
0x63f: {  	s26 =	simm.s32 $0xAC00  }
0x640: {  	[tilespmem:s26], [sflag:$0x1] =	stream.indirect_vreg.gather [hbm4b:s8+s2], $0x80, v4, vm0, $0xb8;
	[tilespmem:$0x15400] =	vst v63  }
0x641: {  	_ =	swait.ge [sflag:s30], $0xA000  }
0x642: {  	[sflag:s30] =	ssyncset.done $0x0  }
0x643: {  	s26 =	rddreg [dreg:$0x1a];
	[sflag:s30] =	ssyncadd.s32 $0xFFFF6000  }
0x644: {  	[hbm4b:s26+s2] =	stream.linear.scatter [tilespmem:s1], [sflag:$0x4], $0xA000, $0x38;
	[tilespmem:$0x15400] =	vst v63  }
0x645: {  	_ =	swait.ge [sflag:s31], $0xA000  }
0x646: {  	[sflag:s31] =	ssyncset.done $0x0  }
0x647: {  	[sflag:s31] =	ssyncadd.s32 $0xFFFF6000  }
0x648: {  	v4 =	vld [tilespmem:$0x1080];
	_ =	sdelay $0x4  }
0x649: {  	v5 =	vshrl.u32 v4, $0x3  }
0x64a: {  	v5 =	vmul.u32 $0x50, v5  }
0x64b: {  	v4 =	vand.u32 $0x7, v4  }
0x64c: {  	v4 =	vor.u32 v4, v5  }
0x64d: {  	v5 =	vperm.xlane v4, v1;
	_ =	sdelay $0x1  }
0x64e: {  	v5 =	vadd.s32 v2, v5;
	_ =	sdelay $0x4  }
0x64f: {  	[tilespmem:s1], [sflag:$0x2] =	stream.indirect_vreg.gather [hbm4b:s4+s2], $0x80, v5, vm0, $0xb8;
	[tilespmem:$0x15400] =	vst v63  }
0x650: {  	s14 =	simm.s32 $0xBC00  }
0x651: {  	[tilespmem:s14], [sflag:$0x2] =	stream.indirect_vreg.gather [hbm4b:s5+s2], $0x80, v5, vm0, $0xb8;
	[tilespmem:$0x15400] =	vst v63  }
0x652: {  	s20 =	simm.s32 $0xC400;
	v4 =	vperm.xlane v4, v3  }
0x653: {  	[tilespmem:s20], [sflag:$0x2] =	stream.indirect_vreg.gather [hbm4b:s6+s2], $0x80, v5, vm0, $0xb8;
	[tilespmem:$0x15400] =	vst v63  }
0x654: {  	s16 =	simm.s32 $0xCC00;
	v4 =	vadd.s32 v2, v4  }
0x655: {  	[tilespmem:s16], [sflag:$0x2] =	stream.indirect_vreg.gather [hbm4b:s7+s2], $0x80, v5, vm0, $0xb8;
	[tilespmem:$0x15400] =	vst v63  }
0x656: {  	s21 =	simm.s32 $0xD400  }
0x657: {  	[tilespmem:s21], [sflag:$0x2] =	stream.indirect_vreg.gather [hbm4b:s8+s2], $0x80, v5, vm0, $0xb8;
	[tilespmem:$0x15400] =	vst v63  }
0x658: {  	s22 =	simm.s32 $0xDC00  }
0x659: {  	[tilespmem:s22], [sflag:$0x2] =	stream.indirect_vreg.gather [hbm4b:s4+s2], $0x80, v4, vm0, $0xb8;
	[tilespmem:$0x15400] =	vst v63  }
0x65a: {  	s13 =	simm.s32 $0xE400  }
0x65b: {  	[tilespmem:s13], [sflag:$0x2] =	stream.indirect_vreg.gather [hbm4b:s5+s2], $0x80, v4, vm0, $0xb8;
	[tilespmem:$0x15400] =	vst v63  }
0x65c: {  	s9 =	simm.s32 $0xEC00  }
0x65d: {  	[tilespmem:s9], [sflag:$0x2] =	stream.indirect_vreg.gather [hbm4b:s6+s2], $0x80, v4, vm0, $0xb8;
	[tilespmem:$0x15400] =	vst v63  }
0x65e: {  	s13 =	simm.s32 $0xF400  }
0x65f: {  	[tilespmem:s13], [sflag:$0x2] =	stream.indirect_vreg.gather [hbm4b:s7+s2], $0x80, v4, vm0, $0xb8;
	[tilespmem:$0x15400] =	vst v63  }
0x660: {  	s10 =	simm.s32 $0xFC00  }
0x661: {  	[tilespmem:s10], [sflag:$0x2] =	stream.indirect_vreg.gather [hbm4b:s8+s2], $0x80, v4, vm0, $0xb8;
	[tilespmem:$0x15400] =	vst v63  }
0x662: {  	v4 =	vld [tilespmem:$0x1090];
	_ =	sdelay $0x4  }
0x663: {  	v5 =	vshrl.u32 v4, $0x3  }
0x664: {  	v5 =	vmul.u32 $0x50, v5  }
0x665: {  	v4 =	vand.u32 $0x7, v4  }
0x666: {  	v4 =	vor.u32 v4, v5  }
0x667: {  	v5 =	vperm.xlane v4, v1;
	_ =	sdelay $0x1  }
0x668: {  	v5 =	vadd.s32 v2, v5;
	_ =	sdelay $0x3  }
0x669: {  	s9 =	simm.s32 $0x10400  }
0x66a: {  	[tilespmem:s9], [sflag:$0x2] =	stream.indirect_vreg.gather [hbm4b:s4+s2], $0x80, v5, vm0, $0xb8;
	[tilespmem:$0x15400] =	vst v63  }
0x66b: {  	s15 =	simm.s32 $0x10C00  }
0x66c: {  	[tilespmem:s15], [sflag:$0x2] =	stream.indirect_vreg.gather [hbm4b:s5+s2], $0x80, v5, vm0, $0xb8;
	[tilespmem:$0x15400] =	vst v63  }
0x66d: {  	s17 =	simm.s32 $0x11400;
	v4 =	vperm.xlane v4, v3  }
0x66e: {  	[tilespmem:s17], [sflag:$0x2] =	stream.indirect_vreg.gather [hbm4b:s6+s2], $0x80, v5, vm0, $0xb8;
	[tilespmem:$0x15400] =	vst v63  }
0x66f: {  	s19 =	simm.s32 $0x11C00;
	v4 =	vadd.s32 v2, v4  }
0x670: {  	[tilespmem:s19], [sflag:$0x2] =	stream.indirect_vreg.gather [hbm4b:s7+s2], $0x80, v5, vm0, $0xb8;
	[tilespmem:$0x15400] =	vst v63  }
0x671: {  	s23 =	simm.s32 $0x12400  }
0x672: {  	[tilespmem:s23], [sflag:$0x2] =	stream.indirect_vreg.gather [hbm4b:s8+s2], $0x80, v5, vm0, $0xb8;
	[tilespmem:$0x15400] =	vst v63  }
0x673: {  	s24 =	simm.s32 $0x12C00  }
0x674: {  	[tilespmem:s24], [sflag:$0x2] =	stream.indirect_vreg.gather [hbm4b:s4+s2], $0x80, v4, vm0, $0xb8;
	[tilespmem:$0x15400] =	vst v63  }
0x675: {  	s25 =	simm.s32 $0x13400  }
0x676: {  	[tilespmem:s25], [sflag:$0x2] =	stream.indirect_vreg.gather [hbm4b:s5+s2], $0x80, v4, vm0, $0xb8;
	[tilespmem:$0x15400] =	vst v63  }
0x677: {  	s18 =	simm.s32 $0x13C00  }
0x678: {  	[tilespmem:s18], [sflag:$0x2] =	stream.indirect_vreg.gather [hbm4b:s6+s2], $0x80, v4, vm0, $0xb8;
	[tilespmem:$0x15400] =	vst v63  }
0x679: {  	s11 =	simm.s32 $0x14400  }
0x67a: {  	[tilespmem:s11], [sflag:$0x2] =	stream.indirect_vreg.gather [hbm4b:s7+s2], $0x80, v4, vm0, $0xb8;
	[tilespmem:$0x15400] =	vst v63  }
0x67b: {  	s12 =	simm.s32 $0x14C00  }
0x67c: {  	[tilespmem:s12], [sflag:$0x2] =	stream.indirect_vreg.gather [hbm4b:s8+s2], $0x80, v4, vm0, $0xb8;
	[tilespmem:$0x15400] =	vst v63  }
0x67d: {  	_ =	swait.ge [sflag:s28], $0xA000  }
0x67e: {  	[sflag:s28] =	ssyncset.done $0x0  }
0x67f: {  	s12 =	rddreg [dreg:$0x1b];
	[sflag:s28] =	ssyncadd.s32 $0xFFFF6000  }
0x680: {  	[hbm4b:s12+s2] =	stream.linear.scatter [tilespmem:s3], [sflag:$0x3], $0xA000, $0x38;
	[tilespmem:$0x15400] =	vst v63  }
0x681: {  	_ =	swait.ge [sflag:s29], $0xA000  }
0x682: {  	[sflag:s29] =	ssyncset.done $0x0  }
0x683: {  	[sflag:s29] =	ssyncadd.s32 $0xFFFF6000  }
0x684: {  	v4 =	vld [tilespmem:$0x1100];
	_ =	sdelay $0x4  }
0x685: {  	v5 =	vshrl.u32 v4, $0x3  }
0x686: {  	v5 =	vmul.u32 $0x50, v5  }
0x687: {  	v4 =	vand.u32 $0x7, v4  }
0x688: {  	v4 =	vor.u32 v4, v5  }
0x689: {  	v5 =	vperm.xlane v4, v1;
	_ =	sdelay $0x1  }
0x68a: {  	v5 =	vadd.s32 v2, v5;
	_ =	sdelay $0x4  }
0x68b: {  	[tilespmem:s3], [sflag:$0x1] =	stream.indirect_vreg.gather [hbm4b:s4+s2], $0x80, v5, vm0, $0xb8;
	[tilespmem:$0x15400] =	vst v63  }
0x68c: {  	s25 =	simm.s32 $0x1C00  }
0x68d: {  	[tilespmem:s25], [sflag:$0x1] =	stream.indirect_vreg.gather [hbm4b:s5+s2], $0x80, v5, vm0, $0xb8;
	[tilespmem:$0x15400] =	vst v63  }
0x68e: {  	s12 =	simm.s32 $0x2400;
	v4 =	vperm.xlane v4, v3  }
0x68f: {  	[tilespmem:s12], [sflag:$0x1] =	stream.indirect_vreg.gather [hbm4b:s6+s2], $0x80, v5, vm0, $0xb8;
	[tilespmem:$0x15400] =	vst v63  }
0x690: {  	v4 =	vadd.s32 v2, v4;
	s25 =	simm.s32 $0x2C00  }
0x691: {  	[tilespmem:s25], [sflag:$0x1] =	stream.indirect_vreg.gather [hbm4b:s7+s2], $0x80, v5, vm0, $0xb8;
	[tilespmem:$0x15400] =	vst v63  }
0x692: {  	s12 =	simm.s32 $0x3400  }
0x693: {  	[tilespmem:s12], [sflag:$0x1] =	stream.indirect_vreg.gather [hbm4b:s8+s2], $0x80, v5, vm0, $0xb8;
	[tilespmem:$0x15400] =	vst v63  }
0x694: {  	s25 =	simm.s32 $0x3C00  }
0x695: {  	[tilespmem:s25], [sflag:$0x1] =	stream.indirect_vreg.gather [hbm4b:s4+s2], $0x80, v4, vm0, $0xb8;
	[tilespmem:$0x15400] =	vst v63  }
0x696: {  	s12 =	simm.s32 $0x4400  }
0x697: {  	[tilespmem:s12], [sflag:$0x1] =	stream.indirect_vreg.gather [hbm4b:s5+s2], $0x80, v4, vm0, $0xb8;
	[tilespmem:$0x15400] =	vst v63  }
0x698: {  	s25 =	simm.s32 $0x4C00  }
0x699: {  	[tilespmem:s25], [sflag:$0x1] =	stream.indirect_vreg.gather [hbm4b:s6+s2], $0x80, v4, vm0, $0xb8;
	[tilespmem:$0x15400] =	vst v63  }
0x69a: {  	s12 =	simm.s32 $0x5400  }
0x69b: {  	[tilespmem:s12], [sflag:$0x1] =	stream.indirect_vreg.gather [hbm4b:s7+s2], $0x80, v4, vm0, $0xb8;
	[tilespmem:$0x15400] =	vst v63  }
0x69c: {  	s25 =	simm.s32 $0x5C00  }
0x69d: {  	[tilespmem:s25], [sflag:$0x1] =	stream.indirect_vreg.gather [hbm4b:s8+s2], $0x80, v4, vm0, $0xb8;
	[tilespmem:$0x15400] =	vst v63  }
0x69e: {  	v4 =	vld [tilespmem:$0x1110];
	_ =	sdelay $0x4  }
0x69f: {  	v5 =	vshrl.u32 v4, $0x3  }
0x6a0: {  	v5 =	vmul.u32 $0x50, v5  }
0x6a1: {  	v4 =	vand.u32 $0x7, v4  }
0x6a2: {  	v4 =	vor.u32 v4, v5  }
0x6a3: {  	v5 =	vperm.xlane v4, v1;
	_ =	sdelay $0x1  }
0x6a4: {  	v5 =	vadd.s32 v2, v5;
	_ =	sdelay $0x3  }
0x6a5: {  	s12 =	simm.s32 $0x6400  }
0x6a6: {  	[tilespmem:s12], [sflag:$0x1] =	stream.indirect_vreg.gather [hbm4b:s4+s2], $0x80, v5, vm0, $0xb8;
	[tilespmem:$0x15400] =	vst v63  }
0x6a7: {  	s25 =	simm.s32 $0x6C00  }
0x6a8: {  	[tilespmem:s25], [sflag:$0x1] =	stream.indirect_vreg.gather [hbm4b:s5+s2], $0x80, v5, vm0, $0xb8;
	[tilespmem:$0x15400] =	vst v63  }
0x6a9: {  	v4 =	vperm.xlane v4, v3;
	s12 =	simm.s32 $0x7400  }
0x6aa: {  	[tilespmem:s12], [sflag:$0x1] =	stream.indirect_vreg.gather [hbm4b:s6+s2], $0x80, v5, vm0, $0xb8;
	[tilespmem:$0x15400] =	vst v63  }
0x6ab: {  	v4 =	vadd.s32 v2, v4;
	s25 =	simm.s32 $0x7C00  }
0x6ac: {  	[tilespmem:s25], [sflag:$0x1] =	stream.indirect_vreg.gather [hbm4b:s7+s2], $0x80, v5, vm0, $0xb8;
	[tilespmem:$0x15400] =	vst v63  }
0x6ad: {  	s12 =	simm.s32 $0x8400  }
0x6ae: {  	[tilespmem:s12], [sflag:$0x1] =	stream.indirect_vreg.gather [hbm4b:s8+s2], $0x80, v5, vm0, $0xb8;
	[tilespmem:$0x15400] =	vst v63  }
0x6af: {  	s25 =	simm.s32 $0x8C00  }
0x6b0: {  	[tilespmem:s25], [sflag:$0x1] =	stream.indirect_vreg.gather [hbm4b:s4+s2], $0x80, v4, vm0, $0xb8;
	[tilespmem:$0x15400] =	vst v63  }
0x6b1: {  	s12 =	simm.s32 $0x9400  }
0x6b2: {  	[tilespmem:s12], [sflag:$0x1] =	stream.indirect_vreg.gather [hbm4b:s5+s2], $0x80, v4, vm0, $0xb8;
	[tilespmem:$0x15400] =	vst v63  }
0x6b3: {  	s25 =	simm.s32 $0x9C00  }
0x6b4: {  	[tilespmem:s25], [sflag:$0x1] =	stream.indirect_vreg.gather [hbm4b:s6+s2], $0x80, v4, vm0, $0xb8;
	[tilespmem:$0x15400] =	vst v63  }
0x6b5: {  	s12 =	simm.s32 $0xA400  }
0x6b6: {  	[tilespmem:s12], [sflag:$0x1] =	stream.indirect_vreg.gather [hbm4b:s7+s2], $0x80, v4, vm0, $0xb8;
	[tilespmem:$0x15400] =	vst v63  }
0x6b7: {  	s25 =	simm.s32 $0xAC00  }
0x6b8: {  	[tilespmem:s25], [sflag:$0x1] =	stream.indirect_vreg.gather [hbm4b:s8+s2], $0x80, v4, vm0, $0xb8;
	[tilespmem:$0x15400] =	vst v63  }
0x6b9: {  	_ =	swait.ge [sflag:s30], $0xA000  }
0x6ba: {  	[sflag:s30] =	ssyncset.done $0x0  }
0x6bb: {  	s12 =	rddreg [dreg:$0x1c];
	[sflag:s30] =	ssyncadd.s32 $0xFFFF6000  }
0x6bc: {  	[hbm4b:s12+s2] =	stream.linear.scatter [tilespmem:s1], [sflag:$0x4], $0xA000, $0x38;
	[tilespmem:$0x15400] =	vst v63  }
0x6bd: {  	_ =	swait.ge [sflag:s31], $0xA000  }
0x6be: {  	[sflag:s31] =	ssyncset.done $0x0  }
0x6bf: {  	[sflag:s31] =	ssyncadd.s32 $0xFFFF6000  }
0x6c0: {  	v4 =	vld [tilespmem:$0x1180];
	_ =	sdelay $0x4  }
0x6c1: {  	v5 =	vshrl.u32 v4, $0x3  }
0x6c2: {  	v5 =	vmul.u32 $0x50, v5  }
0x6c3: {  	v4 =	vand.u32 $0x7, v4  }
0x6c4: {  	v4 =	vor.u32 v4, v5  }
0x6c5: {  	v5 =	vperm.xlane v4, v1;
	_ =	sdelay $0x1  }
0x6c6: {  	v5 =	vadd.s32 v2, v5;
	_ =	sdelay $0x4  }
0x6c7: {  	[tilespmem:s1], [sflag:$0x2] =	stream.indirect_vreg.gather [hbm4b:s4+s2], $0x80, v5, vm0, $0xb8;
	[tilespmem:$0x15400] =	vst v63  }
0x6c8: {  	s25 =	simm.s32 $0xBC00  }
0x6c9: {  	[tilespmem:s25], [sflag:$0x2] =	stream.indirect_vreg.gather [hbm4b:s5+s2], $0x80, v5, vm0, $0xb8;
	[tilespmem:$0x15400] =	vst v63  }
0x6ca: {  	s14 =	simm.s32 $0xC400;
	v4 =	vperm.xlane v4, v3  }
0x6cb: {  	[tilespmem:s14], [sflag:$0x2] =	stream.indirect_vreg.gather [hbm4b:s6+s2], $0x80, v5, vm0, $0xb8;
	[tilespmem:$0x15400] =	vst v63  }
0x6cc: {  	s16 =	simm.s32 $0xCC00;
	v4 =	vadd.s32 v2, v4  }
0x6cd: {  	[tilespmem:s16], [sflag:$0x2] =	stream.indirect_vreg.gather [hbm4b:s7+s2], $0x80, v5, vm0, $0xb8;
	[tilespmem:$0x15400] =	vst v63  }
0x6ce: {  	s26 =	simm.s32 $0xD400  }
0x6cf: {  	[tilespmem:s26], [sflag:$0x2] =	stream.indirect_vreg.gather [hbm4b:s8+s2], $0x80, v5, vm0, $0xb8;
	[tilespmem:$0x15400] =	vst v63  }
0x6d0: {  	s22 =	simm.s32 $0xDC00  }
0x6d1: {  	[tilespmem:s22], [sflag:$0x2] =	stream.indirect_vreg.gather [hbm4b:s4+s2], $0x80, v4, vm0, $0xb8;
	[tilespmem:$0x15400] =	vst v63  }
0x6d2: {  	s21 =	simm.s32 $0xE400  }
0x6d3: {  	[tilespmem:s21], [sflag:$0x2] =	stream.indirect_vreg.gather [hbm4b:s5+s2], $0x80, v4, vm0, $0xb8;
	[tilespmem:$0x15400] =	vst v63  }
0x6d4: {  	s20 =	simm.s32 $0xEC00  }
0x6d5: {  	[tilespmem:s20], [sflag:$0x2] =	stream.indirect_vreg.gather [hbm4b:s6+s2], $0x80, v4, vm0, $0xb8;
	[tilespmem:$0x15400] =	vst v63  }
0x6d6: {  	s12 =	simm.s32 $0xF400  }
0x6d7: {  	[tilespmem:s12], [sflag:$0x2] =	stream.indirect_vreg.gather [hbm4b:s7+s2], $0x80, v4, vm0, $0xb8;
	[tilespmem:$0x15400] =	vst v63  }
0x6d8: {  	s10 =	simm.s32 $0xFC00  }
0x6d9: {  	[tilespmem:s10], [sflag:$0x2] =	stream.indirect_vreg.gather [hbm4b:s8+s2], $0x80, v4, vm0, $0xb8;
	[tilespmem:$0x15400] =	vst v63  }
0x6da: {  	v4 =	vld [tilespmem:$0x1190];
	_ =	sdelay $0x4  }
0x6db: {  	v5 =	vshrl.u32 v4, $0x3  }
0x6dc: {  	v5 =	vmul.u32 $0x50, v5  }
0x6dd: {  	v4 =	vand.u32 $0x7, v4  }
0x6de: {  	v4 =	vor.u32 v4, v5  }
0x6df: {  	v5 =	vperm.xlane v4, v1;
	_ =	sdelay $0x1  }
0x6e0: {  	v5 =	vadd.s32 v2, v5;
	_ =	sdelay $0x3  }
0x6e1: {  	s21 =	simm.s32 $0x10400  }
0x6e2: {  	[tilespmem:s21], [sflag:$0x2] =	stream.indirect_vreg.gather [hbm4b:s4+s2], $0x80, v5, vm0, $0xb8;
	[tilespmem:$0x15400] =	vst v63  }
0x6e3: {  	s13 =	simm.s32 $0x10C00  }
0x6e4: {  	[tilespmem:s13], [sflag:$0x2] =	stream.indirect_vreg.gather [hbm4b:s5+s2], $0x80, v5, vm0, $0xb8;
	[tilespmem:$0x15400] =	vst v63  }
0x6e5: {  	s15 =	simm.s32 $0x11400;
	v4 =	vperm.xlane v4, v3  }
0x6e6: {  	[tilespmem:s15], [sflag:$0x2] =	stream.indirect_vreg.gather [hbm4b:s6+s2], $0x80, v5, vm0, $0xb8;
	[tilespmem:$0x15400] =	vst v63  }
0x6e7: {  	s9 =	simm.s32 $0x11C00;
	v4 =	vadd.s32 v2, v4  }
0x6e8: {  	[tilespmem:s9], [sflag:$0x2] =	stream.indirect_vreg.gather [hbm4b:s7+s2], $0x80, v5, vm0, $0xb8;
	[tilespmem:$0x15400] =	vst v63  }
0x6e9: {  	s19 =	simm.s32 $0x12400  }
0x6ea: {  	[tilespmem:s19], [sflag:$0x2] =	stream.indirect_vreg.gather [hbm4b:s8+s2], $0x80, v5, vm0, $0xb8;
	[tilespmem:$0x15400] =	vst v63  }
0x6eb: {  	s23 =	simm.s32 $0x12C00  }
0x6ec: {  	[tilespmem:s23], [sflag:$0x2] =	stream.indirect_vreg.gather [hbm4b:s4+s2], $0x80, v4, vm0, $0xb8;
	[tilespmem:$0x15400] =	vst v63  }
0x6ed: {  	s24 =	simm.s32 $0x13400  }
0x6ee: {  	[tilespmem:s24], [sflag:$0x2] =	stream.indirect_vreg.gather [hbm4b:s5+s2], $0x80, v4, vm0, $0xb8;
	[tilespmem:$0x15400] =	vst v63  }
0x6ef: {  	s18 =	simm.s32 $0x13C00  }
0x6f0: {  	[tilespmem:s18], [sflag:$0x2] =	stream.indirect_vreg.gather [hbm4b:s6+s2], $0x80, v4, vm0, $0xb8;
	[tilespmem:$0x15400] =	vst v63  }
0x6f1: {  	s17 =	simm.s32 $0x14400  }
0x6f2: {  	[tilespmem:s17], [sflag:$0x2] =	stream.indirect_vreg.gather [hbm4b:s7+s2], $0x80, v4, vm0, $0xb8;
	[tilespmem:$0x15400] =	vst v63  }
0x6f3: {  	s11 =	simm.s32 $0x14C00  }
0x6f4: {  	[tilespmem:s11], [sflag:$0x2] =	stream.indirect_vreg.gather [hbm4b:s8+s2], $0x80, v4, vm0, $0xb8;
	[tilespmem:$0x15400] =	vst v63  }
0x6f5: {  	_ =	swait.ge [sflag:s28], $0xA000  }
0x6f6: {  	[sflag:s28] =	ssyncset.done $0x0  }
0x6f7: {  	s24 =	rddreg [dreg:$0x1d];
	[sflag:s28] =	ssyncadd.s32 $0xFFFF6000  }
0x6f8: {  	[hbm4b:s24+s2] =	stream.linear.scatter [tilespmem:s3], [sflag:$0x3], $0xA000, $0x38;
	[tilespmem:$0x15400] =	vst v63  }
0x6f9: {  	_ =	swait.ge [sflag:s29], $0xA000  }
0x6fa: {  	[sflag:s29] =	ssyncset.done $0x0  }
0x6fb: {  	[sflag:s29] =	ssyncadd.s32 $0xFFFF6000  }
0x6fc: {  	v4 =	vld [tilespmem:$0x1200];
	_ =	sdelay $0x4  }
0x6fd: {  	v5 =	vshrl.u32 v4, $0x3  }
0x6fe: {  	v5 =	vmul.u32 $0x50, v5  }
0x6ff: {  	v4 =	vand.u32 $0x7, v4  }
0x700: {  	v4 =	vor.u32 v4, v5  }
0x701: {  	v5 =	vperm.xlane v4, v1;
	_ =	sdelay $0x1  }
0x702: {  	v5 =	vadd.s32 v2, v5;
	_ =	sdelay $0x4  }
0x703: {  	[tilespmem:s3], [sflag:$0x1] =	stream.indirect_vreg.gather [hbm4b:s4+s2], $0x80, v5, vm0, $0xb8;
	[tilespmem:$0x15400] =	vst v63  }
0x704: {  	s11 =	simm.s32 $0x1C00  }
0x705: {  	[tilespmem:s11], [sflag:$0x1] =	stream.indirect_vreg.gather [hbm4b:s5+s2], $0x80, v5, vm0, $0xb8;
	[tilespmem:$0x15400] =	vst v63  }
0x706: {  	s17 =	simm.s32 $0x2400;
	v4 =	vperm.xlane v4, v3  }
0x707: {  	[tilespmem:s17], [sflag:$0x1] =	stream.indirect_vreg.gather [hbm4b:s6+s2], $0x80, v5, vm0, $0xb8;
	[tilespmem:$0x15400] =	vst v63  }
0x708: {  	s23 =	simm.s32 $0x2C00;
	v4 =	vadd.s32 v2, v4  }
0x709: {  	[tilespmem:s23], [sflag:$0x1] =	stream.indirect_vreg.gather [hbm4b:s7+s2], $0x80, v5, vm0, $0xb8;
	[tilespmem:$0x15400] =	vst v63  }
0x70a: {  	s24 =	simm.s32 $0x3400  }
0x70b: {  	[tilespmem:s24], [sflag:$0x1] =	stream.indirect_vreg.gather [hbm4b:s8+s2], $0x80, v5, vm0, $0xb8;
	[tilespmem:$0x15400] =	vst v63  }
0x70c: {  	s11 =	simm.s32 $0x3C00  }
0x70d: {  	[tilespmem:s11], [sflag:$0x1] =	stream.indirect_vreg.gather [hbm4b:s4+s2], $0x80, v4, vm0, $0xb8;
	[tilespmem:$0x15400] =	vst v63  }
0x70e: {  	s17 =	simm.s32 $0x4400  }
0x70f: {  	[tilespmem:s17], [sflag:$0x1] =	stream.indirect_vreg.gather [hbm4b:s5+s2], $0x80, v4, vm0, $0xb8;
	[tilespmem:$0x15400] =	vst v63  }
0x710: {  	s23 =	simm.s32 $0x4C00  }
0x711: {  	[tilespmem:s23], [sflag:$0x1] =	stream.indirect_vreg.gather [hbm4b:s6+s2], $0x80, v4, vm0, $0xb8;
	[tilespmem:$0x15400] =	vst v63  }
0x712: {  	s24 =	simm.s32 $0x5400  }
0x713: {  	[tilespmem:s24], [sflag:$0x1] =	stream.indirect_vreg.gather [hbm4b:s7+s2], $0x80, v4, vm0, $0xb8;
	[tilespmem:$0x15400] =	vst v63  }
0x714: {  	s11 =	simm.s32 $0x5C00  }
0x715: {  	[tilespmem:s11], [sflag:$0x1] =	stream.indirect_vreg.gather [hbm4b:s8+s2], $0x80, v4, vm0, $0xb8;
	[tilespmem:$0x15400] =	vst v63  }
0x716: {  	v4 =	vld [tilespmem:$0x1210];
	_ =	sdelay $0x4  }
0x717: {  	v5 =	vshrl.u32 v4, $0x3  }
0x718: {  	v5 =	vmul.u32 $0x50, v5  }
0x719: {  	v4 =	vand.u32 $0x7, v4  }
0x71a: {  	v4 =	vor.u32 v4, v5  }
0x71b: {  	v5 =	vperm.xlane v4, v1;
	_ =	sdelay $0x1  }
0x71c: {  	v5 =	vadd.s32 v2, v5;
	_ =	sdelay $0x3  }
0x71d: {  	s17 =	simm.s32 $0x6400  }
0x71e: {  	[tilespmem:s17], [sflag:$0x1] =	stream.indirect_vreg.gather [hbm4b:s4+s2], $0x80, v5, vm0, $0xb8;
	[tilespmem:$0x15400] =	vst v63  }
0x71f: {  	s23 =	simm.s32 $0x6C00  }
0x720: {  	[tilespmem:s23], [sflag:$0x1] =	stream.indirect_vreg.gather [hbm4b:s5+s2], $0x80, v5, vm0, $0xb8;
	[tilespmem:$0x15400] =	vst v63  }
0x721: {  	s24 =	simm.s32 $0x7400;
	v4 =	vperm.xlane v4, v3  }
0x722: {  	[tilespmem:s24], [sflag:$0x1] =	stream.indirect_vreg.gather [hbm4b:s6+s2], $0x80, v5, vm0, $0xb8;
	[tilespmem:$0x15400] =	vst v63  }
0x723: {  	s11 =	simm.s32 $0x7C00;
	v4 =	vadd.s32 v2, v4  }
0x724: {  	[tilespmem:s11], [sflag:$0x1] =	stream.indirect_vreg.gather [hbm4b:s7+s2], $0x80, v5, vm0, $0xb8;
	[tilespmem:$0x15400] =	vst v63  }
0x725: {  	s17 =	simm.s32 $0x8400  }
0x726: {  	[tilespmem:s17], [sflag:$0x1] =	stream.indirect_vreg.gather [hbm4b:s8+s2], $0x80, v5, vm0, $0xb8;
	[tilespmem:$0x15400] =	vst v63  }
0x727: {  	s23 =	simm.s32 $0x8C00  }
0x728: {  	[tilespmem:s23], [sflag:$0x1] =	stream.indirect_vreg.gather [hbm4b:s4+s2], $0x80, v4, vm0, $0xb8;
	[tilespmem:$0x15400] =	vst v63  }
0x729: {  	s24 =	simm.s32 $0x9400  }
0x72a: {  	[tilespmem:s24], [sflag:$0x1] =	stream.indirect_vreg.gather [hbm4b:s5+s2], $0x80, v4, vm0, $0xb8;
	[tilespmem:$0x15400] =	vst v63  }
0x72b: {  	s11 =	simm.s32 $0x9C00  }
0x72c: {  	[tilespmem:s11], [sflag:$0x1] =	stream.indirect_vreg.gather [hbm4b:s6+s2], $0x80, v4, vm0, $0xb8;
	[tilespmem:$0x15400] =	vst v63  }
0x72d: {  	s17 =	simm.s32 $0xA400  }
0x72e: {  	[tilespmem:s17], [sflag:$0x1] =	stream.indirect_vreg.gather [hbm4b:s7+s2], $0x80, v4, vm0, $0xb8;
	[tilespmem:$0x15400] =	vst v63  }
0x72f: {  	s23 =	simm.s32 $0xAC00  }
0x730: {  	[tilespmem:s23], [sflag:$0x1] =	stream.indirect_vreg.gather [hbm4b:s8+s2], $0x80, v4, vm0, $0xb8;
	[tilespmem:$0x15400] =	vst v63  }
0x731: {  	_ =	swait.ge [sflag:s30], $0xA000  }
0x732: {  	[sflag:s30] =	ssyncset.done $0x0  }
0x733: {  	s24 =	rddreg [dreg:$0x1e];
	[sflag:s30] =	ssyncadd.s32 $0xFFFF6000  }
0x734: {  	[hbm4b:s24+s2] =	stream.linear.scatter [tilespmem:s1], [sflag:$0x4], $0xA000, $0x38;
	[tilespmem:$0x15400] =	vst v63  }
0x735: {  	_ =	swait.ge [sflag:s31], $0xA000  }
0x736: {  	[sflag:s31] =	ssyncset.done $0x0  }
0x737: {  	[sflag:s31] =	ssyncadd.s32 $0xFFFF6000  }
0x738: {  	v4 =	vld [tilespmem:$0x1280];
	_ =	sdelay $0x4  }
0x739: {  	v5 =	vshrl.u32 v4, $0x3  }
0x73a: {  	v5 =	vmul.u32 $0x50, v5  }
0x73b: {  	v4 =	vand.u32 $0x7, v4  }
0x73c: {  	v4 =	vor.u32 v4, v5  }
0x73d: {  	v5 =	vperm.xlane v4, v1;
	_ =	sdelay $0x1  }
0x73e: {  	v5 =	vadd.s32 v2, v5;
	_ =	sdelay $0x4  }
0x73f: {  	[tilespmem:s1], [sflag:$0x2] =	stream.indirect_vreg.gather [hbm4b:s4+s2], $0x80, v5, vm0, $0xb8;
	[tilespmem:$0x15400] =	vst v63  }
0x740: {  	s25 =	simm.s32 $0xBC00  }
0x741: {  	[tilespmem:s25], [sflag:$0x2] =	stream.indirect_vreg.gather [hbm4b:s5+s2], $0x80, v5, vm0, $0xb8;
	[tilespmem:$0x15400] =	vst v63  }
0x742: {  	s14 =	simm.s32 $0xC400;
	v4 =	vperm.xlane v4, v3  }
0x743: {  	[tilespmem:s14], [sflag:$0x2] =	stream.indirect_vreg.gather [hbm4b:s6+s2], $0x80, v5, vm0, $0xb8;
	[tilespmem:$0x15400] =	vst v63  }
0x744: {  	s16 =	simm.s32 $0xCC00;
	v4 =	vadd.s32 v2, v4  }
0x745: {  	[tilespmem:s16], [sflag:$0x2] =	stream.indirect_vreg.gather [hbm4b:s7+s2], $0x80, v5, vm0, $0xb8;
	[tilespmem:$0x15400] =	vst v63  }
0x746: {  	s25 =	simm.s32 $0xD400  }
0x747: {  	[tilespmem:s25], [sflag:$0x2] =	stream.indirect_vreg.gather [hbm4b:s8+s2], $0x80, v5, vm0, $0xb8;
	[tilespmem:$0x15400] =	vst v63  }
0x748: {  	s26 =	simm.s32 $0xDC00  }
0x749: {  	[tilespmem:s26], [sflag:$0x2] =	stream.indirect_vreg.gather [hbm4b:s4+s2], $0x80, v4, vm0, $0xb8;
	[tilespmem:$0x15400] =	vst v63  }
0x74a: {  	s22 =	simm.s32 $0xE400  }
0x74b: {  	[tilespmem:s22], [sflag:$0x2] =	stream.indirect_vreg.gather [hbm4b:s5+s2], $0x80, v4, vm0, $0xb8;
	[tilespmem:$0x15400] =	vst v63  }
0x74c: {  	s20 =	simm.s32 $0xEC00  }
0x74d: {  	[tilespmem:s20], [sflag:$0x2] =	stream.indirect_vreg.gather [hbm4b:s6+s2], $0x80, v4, vm0, $0xb8;
	[tilespmem:$0x15400] =	vst v63  }
0x74e: {  	s26 =	simm.s32 $0xF400  }
0x74f: {  	[tilespmem:s26], [sflag:$0x2] =	stream.indirect_vreg.gather [hbm4b:s7+s2], $0x80, v4, vm0, $0xb8;
	[tilespmem:$0x15400] =	vst v63  }
0x750: {  	s10 =	simm.s32 $0xFC00  }
0x751: {  	[tilespmem:s10], [sflag:$0x2] =	stream.indirect_vreg.gather [hbm4b:s8+s2], $0x80, v4, vm0, $0xb8;
	[tilespmem:$0x15400] =	vst v63  }
0x752: {  	v4 =	vld [tilespmem:$0x1290];
	_ =	sdelay $0x4  }
0x753: {  	v5 =	vshrl.u32 v4, $0x3  }
0x754: {  	v5 =	vmul.u32 $0x50, v5  }
0x755: {  	v4 =	vand.u32 $0x7, v4  }
0x756: {  	v4 =	vor.u32 v4, v5  }
0x757: {  	v5 =	vperm.xlane v4, v1;
	_ =	sdelay $0x1  }
0x758: {  	v5 =	vadd.s32 v2, v5;
	_ =	sdelay $0x3  }
0x759: {  	s10 =	simm.s32 $0x10400  }
0x75a: {  	[tilespmem:s10], [sflag:$0x2] =	stream.indirect_vreg.gather [hbm4b:s4+s2], $0x80, v5, vm0, $0xb8;
	[tilespmem:$0x15400] =	vst v63  }
0x75b: {  	s12 =	simm.s32 $0x10C00  }
0x75c: {  	[tilespmem:s12], [sflag:$0x2] =	stream.indirect_vreg.gather [hbm4b:s5+s2], $0x80, v5, vm0, $0xb8;
	[tilespmem:$0x15400] =	vst v63  }
0x75d: {  	s15 =	simm.s32 $0x11400;
	v4 =	vperm.xlane v4, v3  }
0x75e: {  	[tilespmem:s15], [sflag:$0x2] =	stream.indirect_vreg.gather [hbm4b:s6+s2], $0x80, v5, vm0, $0xb8;
	[tilespmem:$0x15400] =	vst v63  }
0x75f: {  	s9 =	simm.s32 $0x11C00;
	v4 =	vadd.s32 v2, v4  }
0x760: {  	[tilespmem:s9], [sflag:$0x2] =	stream.indirect_vreg.gather [hbm4b:s7+s2], $0x80, v5, vm0, $0xb8;
	[tilespmem:$0x15400] =	vst v63  }
0x761: {  	s13 =	simm.s32 $0x12400  }
0x762: {  	[tilespmem:s13], [sflag:$0x2] =	stream.indirect_vreg.gather [hbm4b:s8+s2], $0x80, v5, vm0, $0xb8;
	[tilespmem:$0x15400] =	vst v63  }
0x763: {  	s21 =	simm.s32 $0x12C00  }
0x764: {  	[tilespmem:s21], [sflag:$0x2] =	stream.indirect_vreg.gather [hbm4b:s4+s2], $0x80, v4, vm0, $0xb8;
	[tilespmem:$0x15400] =	vst v63  }
0x765: {  	s13 =	simm.s32 $0x13400  }
0x766: {  	[tilespmem:s13], [sflag:$0x2] =	stream.indirect_vreg.gather [hbm4b:s5+s2], $0x80, v4, vm0, $0xb8;
	[tilespmem:$0x15400] =	vst v63  }
0x767: {  	s15 =	simm.s32 $0x13C00  }
0x768: {  	[tilespmem:s15], [sflag:$0x2] =	stream.indirect_vreg.gather [hbm4b:s6+s2], $0x80, v4, vm0, $0xb8;
	[tilespmem:$0x15400] =	vst v63  }
0x769: {  	s18 =	simm.s32 $0x14400  }
0x76a: {  	[tilespmem:s18], [sflag:$0x2] =	stream.indirect_vreg.gather [hbm4b:s7+s2], $0x80, v4, vm0, $0xb8;
	[tilespmem:$0x15400] =	vst v63  }
0x76b: {  	s19 =	simm.s32 $0x14C00  }
0x76c: {  	[tilespmem:s19], [sflag:$0x2] =	stream.indirect_vreg.gather [hbm4b:s8+s2], $0x80, v4, vm0, $0xb8;
	[tilespmem:$0x15400] =	vst v63  }
0x76d: {  	_ =	swait.ge [sflag:s28], $0xA000  }
0x76e: {  	[sflag:s28] =	ssyncset.done $0x0  }
0x76f: {  	s18 =	rddreg [dreg:$0x1f];
	[sflag:s28] =	ssyncadd.s32 $0xFFFF6000  }
0x770: {  	[hbm4b:s18+s2] =	stream.linear.scatter [tilespmem:s3], [sflag:$0x3], $0xA000, $0x38;
	[tilespmem:$0x15400] =	vst v63  }
0x771: {  	_ =	swait.ge [sflag:s29], $0xA000  }
0x772: {  	[sflag:s29] =	ssyncset.done $0x0  }
0x773: {  	[sflag:s29] =	ssyncadd.s32 $0xFFFF6000  }
0x774: {  	v4 =	vld [tilespmem:$0x1300];
	_ =	sdelay $0x4  }
0x775: {  	v5 =	vshrl.u32 v4, $0x3  }
0x776: {  	v5 =	vmul.u32 $0x50, v5  }
0x777: {  	v4 =	vand.u32 $0x7, v4  }
0x778: {  	v4 =	vor.u32 v4, v5  }
0x779: {  	v5 =	vperm.xlane v4, v1;
	_ =	sdelay $0x1  }
0x77a: {  	v5 =	vadd.s32 v2, v5;
	_ =	sdelay $0x4  }
0x77b: {  	[tilespmem:s3], [sflag:$0x1] =	stream.indirect_vreg.gather [hbm4b:s4+s2], $0x80, v5, vm0, $0xb8;
	[tilespmem:$0x15400] =	vst v63  }
0x77c: {  	s19 =	simm.s32 $0x1C00  }
0x77d: {  	[tilespmem:s19], [sflag:$0x1] =	stream.indirect_vreg.gather [hbm4b:s5+s2], $0x80, v5, vm0, $0xb8;
	[tilespmem:$0x15400] =	vst v63  }
0x77e: {  	s18 =	simm.s32 $0x2400;
	v4 =	vperm.xlane v4, v3  }
0x77f: {  	[tilespmem:s18], [sflag:$0x1] =	stream.indirect_vreg.gather [hbm4b:s6+s2], $0x80, v5, vm0, $0xb8;
	[tilespmem:$0x15400] =	vst v63  }
0x780: {  	v4 =	vadd.s32 v2, v4;
	s19 =	simm.s32 $0x2C00  }
0x781: {  	[tilespmem:s19], [sflag:$0x1] =	stream.indirect_vreg.gather [hbm4b:s7+s2], $0x80, v5, vm0, $0xb8;
	[tilespmem:$0x15400] =	vst v63  }
0x782: {  	s18 =	simm.s32 $0x3400  }
0x783: {  	[tilespmem:s18], [sflag:$0x1] =	stream.indirect_vreg.gather [hbm4b:s8+s2], $0x80, v5, vm0, $0xb8;
	[tilespmem:$0x15400] =	vst v63  }
0x784: {  	s19 =	simm.s32 $0x3C00  }
0x785: {  	[tilespmem:s19], [sflag:$0x1] =	stream.indirect_vreg.gather [hbm4b:s4+s2], $0x80, v4, vm0, $0xb8;
	[tilespmem:$0x15400] =	vst v63  }
0x786: {  	s18 =	simm.s32 $0x4400  }
0x787: {  	[tilespmem:s18], [sflag:$0x1] =	stream.indirect_vreg.gather [hbm4b:s5+s2], $0x80, v4, vm0, $0xb8;
	[tilespmem:$0x15400] =	vst v63  }
0x788: {  	s19 =	simm.s32 $0x4C00  }
0x789: {  	[tilespmem:s19], [sflag:$0x1] =	stream.indirect_vreg.gather [hbm4b:s6+s2], $0x80, v4, vm0, $0xb8;
	[tilespmem:$0x15400] =	vst v63  }
0x78a: {  	s18 =	simm.s32 $0x5400  }
0x78b: {  	[tilespmem:s18], [sflag:$0x1] =	stream.indirect_vreg.gather [hbm4b:s7+s2], $0x80, v4, vm0, $0xb8;
	[tilespmem:$0x15400] =	vst v63  }
0x78c: {  	s19 =	simm.s32 $0x5C00  }
0x78d: {  	[tilespmem:s19], [sflag:$0x1] =	stream.indirect_vreg.gather [hbm4b:s8+s2], $0x80, v4, vm0, $0xb8;
	[tilespmem:$0x15400] =	vst v63  }
0x78e: {  	v4 =	vld [tilespmem:$0x1310];
	_ =	sdelay $0x4  }
0x78f: {  	v5 =	vshrl.u32 v4, $0x3  }
0x790: {  	v5 =	vmul.u32 $0x50, v5  }
0x791: {  	v4 =	vand.u32 $0x7, v4  }
0x792: {  	v4 =	vor.u32 v4, v5  }
0x793: {  	v5 =	vperm.xlane v4, v1;
	_ =	sdelay $0x1  }
0x794: {  	v5 =	vadd.s32 v2, v5;
	_ =	sdelay $0x3  }
0x795: {  	s18 =	simm.s32 $0x6400  }
0x796: {  	[tilespmem:s18], [sflag:$0x1] =	stream.indirect_vreg.gather [hbm4b:s4+s2], $0x80, v5, vm0, $0xb8;
	[tilespmem:$0x15400] =	vst v63  }
0x797: {  	s19 =	simm.s32 $0x6C00  }
0x798: {  	[tilespmem:s19], [sflag:$0x1] =	stream.indirect_vreg.gather [hbm4b:s5+s2], $0x80, v5, vm0, $0xb8;
	[tilespmem:$0x15400] =	vst v63  }
0x799: {  	v4 =	vperm.xlane v4, v3;
	s18 =	simm.s32 $0x7400  }
0x79a: {  	[tilespmem:s18], [sflag:$0x1] =	stream.indirect_vreg.gather [hbm4b:s6+s2], $0x80, v5, vm0, $0xb8;
	[tilespmem:$0x15400] =	vst v63  }
0x79b: {  	v4 =	vadd.s32 v2, v4;
	s19 =	simm.s32 $0x7C00  }
0x79c: {  	[tilespmem:s19], [sflag:$0x1] =	stream.indirect_vreg.gather [hbm4b:s7+s2], $0x80, v5, vm0, $0xb8;
	[tilespmem:$0x15400] =	vst v63  }
0x79d: {  	s18 =	simm.s32 $0x8400  }
0x79e: {  	[tilespmem:s18], [sflag:$0x1] =	stream.indirect_vreg.gather [hbm4b:s8+s2], $0x80, v5, vm0, $0xb8;
	[tilespmem:$0x15400] =	vst v63  }
0x79f: {  	s19 =	simm.s32 $0x8C00  }
0x7a0: {  	[tilespmem:s19], [sflag:$0x1] =	stream.indirect_vreg.gather [hbm4b:s4+s2], $0x80, v4, vm0, $0xb8;
	[tilespmem:$0x15400] =	vst v63  }
0x7a1: {  	s18 =	simm.s32 $0x9400  }
0x7a2: {  	[tilespmem:s18], [sflag:$0x1] =	stream.indirect_vreg.gather [hbm4b:s5+s2], $0x80, v4, vm0, $0xb8;
	[tilespmem:$0x15400] =	vst v63  }
0x7a3: {  	s19 =	simm.s32 $0x9C00  }
0x7a4: {  	[tilespmem:s19], [sflag:$0x1] =	stream.indirect_vreg.gather [hbm4b:s6+s2], $0x80, v4, vm0, $0xb8;
	[tilespmem:$0x15400] =	vst v63  }
0x7a5: {  	s18 =	simm.s32 $0xA400  }
0x7a6: {  	[tilespmem:s18], [sflag:$0x1] =	stream.indirect_vreg.gather [hbm4b:s7+s2], $0x80, v4, vm0, $0xb8;
	[tilespmem:$0x15400] =	vst v63  }
0x7a7: {  	s19 =	simm.s32 $0xAC00  }
0x7a8: {  	[tilespmem:s19], [sflag:$0x1] =	stream.indirect_vreg.gather [hbm4b:s8+s2], $0x80, v4, vm0, $0xb8;
	[tilespmem:$0x15400] =	vst v63  }
0x7a9: {  	_ =	swait.ge [sflag:s30], $0xA000  }
0x7aa: {  	s18 =	sld [smem:$0x7FB]  }
0x7ab: {  	[sflag:s30] =	ssyncset.done $0x0  }
0x7ac: {  	[sflag:s30] =	ssyncadd.s32 $0xFFFF6000  }
0x7ad: {  	[hbm4b:s18+s2] =	stream.linear.scatter [tilespmem:s1], [sflag:$0x4], $0xA000, $0x38;
	[tilespmem:$0x15400] =	vst v63  }
0x7ae: {  	_ =	swait.ge [sflag:s31], $0xA000  }
0x7af: {  	[sflag:s31] =	ssyncset.done $0x0  }
0x7b0: {  	[sflag:s31] =	ssyncadd.s32 $0xFFFF6000  }
0x7b1: {  	v4 =	vld [tilespmem:$0x1380];
	_ =	sdelay $0x4  }
0x7b2: {  	v5 =	vshrl.u32 v4, $0x3  }
0x7b3: {  	v5 =	vmul.u32 $0x50, v5  }
0x7b4: {  	v4 =	vand.u32 $0x7, v4  }
0x7b5: {  	v4 =	vor.u32 v4, v5  }
0x7b6: {  	v5 =	vperm.xlane v4, v1;
	_ =	sdelay $0x1  }
0x7b7: {  	v5 =	vadd.s32 v2, v5;
	_ =	sdelay $0x4  }
0x7b8: {  	[tilespmem:s1], [sflag:$0x2] =	stream.indirect_vreg.gather [hbm4b:s4+s2], $0x80, v5, vm0, $0xb8;
	[tilespmem:$0x15400] =	vst v63  }
0x7b9: {  	s24 =	simm.s32 $0xBC00  }
0x7ba: {  	[tilespmem:s24], [sflag:$0x2] =	stream.indirect_vreg.gather [hbm4b:s5+s2], $0x80, v5, vm0, $0xb8;
	[tilespmem:$0x15400] =	vst v63  }
0x7bb: {  	s17 =	simm.s32 $0xC400;
	v4 =	vperm.xlane v4, v3  }
0x7bc: {  	[tilespmem:s17], [sflag:$0x2] =	stream.indirect_vreg.gather [hbm4b:s6+s2], $0x80, v5, vm0, $0xb8;
	[tilespmem:$0x15400] =	vst v63  }
0x7bd: {  	s14 =	simm.s32 $0xCC00;
	v4 =	vadd.s32 v2, v4  }
0x7be: {  	[tilespmem:s14], [sflag:$0x2] =	stream.indirect_vreg.gather [hbm4b:s7+s2], $0x80, v5, vm0, $0xb8;
	[tilespmem:$0x15400] =	vst v63  }
0x7bf: {  	s19 =	simm.s32 $0xD400  }
0x7c0: {  	[tilespmem:s19], [sflag:$0x2] =	stream.indirect_vreg.gather [hbm4b:s8+s2], $0x80, v5, vm0, $0xb8;
	[tilespmem:$0x15400] =	vst v63  }
0x7c1: {  	s23 =	simm.s32 $0xDC00  }
0x7c2: {  	[tilespmem:s23], [sflag:$0x2] =	stream.indirect_vreg.gather [hbm4b:s4+s2], $0x80, v4, vm0, $0xb8;
	[tilespmem:$0x15400] =	vst v63  }
0x7c3: {  	s22 =	simm.s32 $0xE400  }
0x7c4: {  	[tilespmem:s22], [sflag:$0x2] =	stream.indirect_vreg.gather [hbm4b:s5+s2], $0x80, v4, vm0, $0xb8;
	[tilespmem:$0x15400] =	vst v63  }
0x7c5: {  	s16 =	simm.s32 $0xEC00  }
0x7c6: {  	[tilespmem:s16], [sflag:$0x2] =	stream.indirect_vreg.gather [hbm4b:s6+s2], $0x80, v4, vm0, $0xb8;
	[tilespmem:$0x15400] =	vst v63  }
0x7c7: {  	s26 =	simm.s32 $0xF400  }
0x7c8: {  	[tilespmem:s26], [sflag:$0x2] =	stream.indirect_vreg.gather [hbm4b:s7+s2], $0x80, v4, vm0, $0xb8;
	[tilespmem:$0x15400] =	vst v63  }
0x7c9: {  	s11 =	simm.s32 $0xFC00  }
0x7ca: {  	[tilespmem:s11], [sflag:$0x2] =	stream.indirect_vreg.gather [hbm4b:s8+s2], $0x80, v4, vm0, $0xb8;
	[tilespmem:$0x15400] =	vst v63  }
0x7cb: {  	v4 =	vld [tilespmem:$0x1390];
	_ =	sdelay $0x4  }
0x7cc: {  	v5 =	vshrl.u32 v4, $0x3  }
0x7cd: {  	v5 =	vmul.u32 $0x50, v5  }
0x7ce: {  	v4 =	vand.u32 $0x7, v4  }
0x7cf: {  	v4 =	vor.u32 v4, v5  }
0x7d0: {  	v5 =	vperm.xlane v4, v1;
	_ =	sdelay $0x1  }
0x7d1: {  	v5 =	vadd.s32 v2, v5;
	_ =	sdelay $0x3  }
0x7d2: {  	s22 =	simm.s32 $0x10400  }
0x7d3: {  	[tilespmem:s22], [sflag:$0x2] =	stream.indirect_vreg.gather [hbm4b:s4+s2], $0x80, v5, vm0, $0xb8;
	[tilespmem:$0x15400] =	vst v63  }
0x7d4: {  	s10 =	simm.s32 $0x10C00  }
0x7d5: {  	[tilespmem:s10], [sflag:$0x2] =	stream.indirect_vreg.gather [hbm4b:s5+s2], $0x80, v5, vm0, $0xb8;
	[tilespmem:$0x15400] =	vst v63  }
0x7d6: {  	s20 =	simm.s32 $0x11400;
	v4 =	vperm.xlane v4, v3  }
0x7d7: {  	[tilespmem:s20], [sflag:$0x2] =	stream.indirect_vreg.gather [hbm4b:s6+s2], $0x80, v5, vm0, $0xb8;
	[tilespmem:$0x15400] =	vst v63  }
0x7d8: {  	s12 =	simm.s32 $0x11C00;
	v4 =	vadd.s32 v2, v4  }
0x7d9: {  	[tilespmem:s12], [sflag:$0x2] =	stream.indirect_vreg.gather [hbm4b:s7+s2], $0x80, v5, vm0, $0xb8;
	[tilespmem:$0x15400] =	vst v63  }
0x7da: {  	s9 =	simm.s32 $0x12400  }
0x7db: {  	[tilespmem:s9], [sflag:$0x2] =	stream.indirect_vreg.gather [hbm4b:s8+s2], $0x80, v5, vm0, $0xb8;
	[tilespmem:$0x15400] =	vst v63  }
0x7dc: {  	s25 =	simm.s32 $0x12C00  }
0x7dd: {  	[tilespmem:s25], [sflag:$0x2] =	stream.indirect_vreg.gather [hbm4b:s4+s2], $0x80, v4, vm0, $0xb8;
	[tilespmem:$0x15400] =	vst v63  }
0x7de: {  	s23 =	simm.s32 $0x13400  }
0x7df: {  	[tilespmem:s23], [sflag:$0x2] =	stream.indirect_vreg.gather [hbm4b:s5+s2], $0x80, v4, vm0, $0xb8;
	[tilespmem:$0x15400] =	vst v63  }
0x7e0: {  	s21 =	simm.s32 $0x13C00  }
0x7e1: {  	[tilespmem:s21], [sflag:$0x2] =	stream.indirect_vreg.gather [hbm4b:s6+s2], $0x80, v4, vm0, $0xb8;
	[tilespmem:$0x15400] =	vst v63  }
0x7e2: {  	s13 =	simm.s32 $0x14400  }
0x7e3: {  	[tilespmem:s13], [sflag:$0x2] =	stream.indirect_vreg.gather [hbm4b:s7+s2], $0x80, v4, vm0, $0xb8;
	[tilespmem:$0x15400] =	vst v63  }
0x7e4: {  	s15 =	simm.s32 $0x14C00  }
0x7e5: {  	[tilespmem:s15], [sflag:$0x2] =	stream.indirect_vreg.gather [hbm4b:s8+s2], $0x80, v4, vm0, $0xb8;
	[tilespmem:$0x15400] =	vst v63  }
0x7e6: {  	_ =	swait.ge [sflag:s28], $0xA000  }
0x7e7: {  	s24 =	sld [smem:$0x7FC]  }
0x7e8: {  	[sflag:s28] =	ssyncset.done $0x0  }
0x7e9: {  	[sflag:s28] =	ssyncadd.s32 $0xFFFF6000  }
0x7ea: {  	[hbm4b:s24+s2] =	stream.linear.scatter [tilespmem:s3], [sflag:$0x3], $0xA000, $0x38;
	[tilespmem:$0x15400] =	vst v63  }
0x7eb: {  	_ =	swait.ge [sflag:s30], $0xA000  }
0x7ec: {  	s25 =	sld [smem:$0x7FD]  }
0x7ed: {  	[sflag:s30] =	ssyncset.done $0x0;
	s26 =	sld [smem:$0x7F9]  }
0x7ee: {  	[sflag:s30] =	ssyncadd.s32 $0xFFFF6000  }
0x7ef: {  	[hbm4b:s25+s2] =	stream.linear.scatter [tilespmem:s1], [sflag:$0x4], $0xA000, $0x38;
	[tilespmem:$0x15400] =	vst v63  }
0x7f0: {  	p0 =	sne.s32 s26, $0x1;
	_ =	swait.ge [sflag:s29], $0xA000  }
.Ltmp0:
0x7f1: {  	[sflag:s29] =	ssyncset.done $0x0;
	(pc) =	sbr.rel @p0 .LBB2_1-.Ltmp0, $4  }
0x7f2: {  	[sflag:s29] =	ssyncadd.s32 $0xFFFF6000  }
0x7f3: {  	_ =	swait.ge [sflag:s31], $0xA000  }
0x7f4: {  	[sflag:s31] =	ssyncset.done $0x0  }
0x7f5: {  	s0 =	sadd.s32 $0xFFFFFFFF, s26;
	[sflag:s31] =	ssyncadd.s32 $0xFFFF6000  }
0x7f6: {  	_ =	sfence.sel $0x180000  }
0x7f7: {  	[bflag:$0x0] =	sbarrier.arrive $0xFFFF  }
0x7f8: {  	_ =	strace $0x90000047  }
0x7f9: {  	s0 =	stileid.u32;
	[bflag:$0x2] =	sbarrier.arrive $0xFFFF  }
0x7fa: {  	p0 =	sne.s32 s0, $0x0;
	s0 =	rddreg [dreg:$0x2]  }
0x7fb: {  	s0 =	sadd.s32 @!p0 $0x100000, s0  }
0x7fc: {  	[sflag:s0] =	ssyncadd.tile.s32 @!p0 $0x1;
	_ =	shalt  }
.Lfunc_end2:
_tile_overlayer_lowered:
.L_overlay_start_2:
0x7fd: {  	(tag) =	ssettag $0x2  }
0x7fe: {  	s0 =	rddreg [dreg:$0x0];
	s2 =	stileid.u32  }
0x7ff: {  	s1 =	rddreg [dreg:$0x1];
	p0 =	sne.s32 s2, $0x0  }
0x800: {  	s3 =	rddreg [dreg:$0x2];
	[bflag:$0x3] =	sbarrier.arrive $0xFFFF;
	s2 =	simm.s32 @!p0 $0x1C05  }
0x801: {  	[timem:s3], [sflag:s2] =	dma.local @!p0 [hbm:s0], s1  }
0x802: {  	s0 =	simm.s32 @!p0 $0x5  }
0x803: {  	_ =	swait.ge @!p0 [sflag:s0], s1  }
0x804: {  	s1 =	ssub.s32 @!p0 $0x0, s1;
	[sflag:s0] =	ssyncset.done @!p0 $0x0  }
0x805: {  	[sflag:s0] =	ssyncadd.s32 @!p0 s1  }
0x806: {  	[bflag:$0x3] =	sbarrier.arrive $0xFFFF  }
0x807: {  	_ =	shalt  }

</sc_bundles>
